<compile_context>
chip_gen: v7x
topology: tpu7x:2x2x1
jax: 0.10.2.dev20260603
libtpu: 0.0.44.dev20260713+nightly
codegen_flags: <defaults>
</compile_context>

<pallas_src>
import functools
import jax
import jax.numpy as jnp
from jax import lax
from jax.experimental import pallas as pl
from jax.experimental.pallas import tpu as pltpu
from jax.experimental.pallas import tpu_sc as plsc

_N = 1000
_E = 100
_NP = 1024
_EP = 128

_NC = 2
_NS = 16
_NW = _NC * _NS
_ROWS = _NP // _NW


def _sc_build_operators(edge_hbm, ops_hbm, ev, slab):
    wid = lax.axis_index("s") * _NC + lax.axis_index("c")
    base = wid * _ROWS
    pltpu.sync_copy(edge_hbm, ev)

    one = jnp.ones((16,), jnp.float32)
    zero = jnp.zeros((16,), jnp.float32)

    svec = [ev[pl.ds(j * 16, 16)] for j in range(_EP // 16)]
    dvec = [ev[pl.ds(_EP + j * 16, 16)] for j in range(_EP // 16)]
    for r in range(_ROWS):
        node = base + r
        row = r * 2 * _EP
        for j in range(_EP // 16):
            slab[pl.ds(row + j * 16, 16)] = jnp.where(svec[j] == node, one, zero)
            slab[pl.ds(row + _EP + j * 16, 16)] = jnp.where(dvec[j] == node, one, zero)
    pltpu.sync_copy(slab, ops_hbm.at[pl.ds(base * 2 * _EP, _ROWS * 2 * _EP)])


_sc_prep = functools.partial(
    pl.kernel,
    out_type=jax.ShapeDtypeStruct((_NP * 2 * _EP,), jnp.float32),
    mesh=plsc.VectorSubcoreMesh(core_axis_name="c", subcore_axis_name="s"),
    scratch_types=[
        pltpu.VMEM((2 * _EP,), jnp.int32),
        pltpu.VMEM((_ROWS * 2 * _EP,), jnp.float32),
    ],
)(_sc_build_operators)


def _fused_body(ops_ref, x_ref,
                wl0, bl0, wr0, wl1, bl1, wr1, wl2, bl2, wr2,
                wl3, bl3, wr3, wl4, bl4, wr4, out_ref):
    ops = ops_ref[...]
    p_src_t = ops[:, :_EP]
    p_dst = ops[:, _EP:]
    count = jnp.sum(p_dst, axis=1, keepdims=True)
    p_dst = p_dst / jnp.maximum(count, 1.0)

    weights = ((wl0, bl0, wr0), (wl1, bl1, wr1), (wl2, bl2, wr2),
               (wl3, bl3, wr3), (wl4, bl4, wr4))

    h = jnp.concatenate(
        [x_ref[...], jnp.zeros((_NP - _N, 128), jnp.float32)], axis=0)
    for i, (wl, bl, wr) in enumerate(weights):
        if i > 0:
            h = jnp.maximum(h, 0.0)
        xj = lax.dot_general(p_src_t, h, (((0,), (0,)), ((), ())),
                             preferred_element_type=jnp.float32)
        m = lax.dot_general(xj, wl[...], (((1,), (1,)), ((), ())),
                            preferred_element_type=jnp.float32)
        aggl = lax.dot_general(p_dst, m, (((1,), (0,)), ((), ())),
                               preferred_element_type=jnp.float32)
        dense = lax.dot_general(h, wr[...], (((1,), (1,)), ((), ())),
                                preferred_element_type=jnp.float32)
        h = aggl + dense + bl[...]
    out_ref[...] = h[:_N]


def kernel(L_x_, L_edge_index_, L_self_modules_convs_modules_0_modules_lin_l_parameters_weight_, L_self_modules_convs_modules_0_modules_lin_l_parameters_bias_, L_self_modules_convs_modules_0_modules_lin_r_parameters_weight_, L_self_modules_convs_modules_1_modules_lin_l_parameters_weight_, L_self_modules_convs_modules_1_modules_lin_l_parameters_bias_, L_self_modules_convs_modules_1_modules_lin_r_parameters_weight_, L_self_modules_convs_modules_2_modules_lin_l_parameters_weight_, L_self_modules_convs_modules_2_modules_lin_l_parameters_bias_, L_self_modules_convs_modules_2_modules_lin_r_parameters_weight_, L_self_modules_convs_modules_3_modules_lin_l_parameters_weight_, L_self_modules_convs_modules_3_modules_lin_l_parameters_bias_, L_self_modules_convs_modules_3_modules_lin_r_parameters_weight_, L_self_modules_convs_modules_4_modules_lin_l_parameters_weight_, L_self_modules_convs_modules_4_modules_lin_l_parameters_bias_, L_self_modules_convs_modules_4_modules_lin_r_parameters_weight_):
    x = L_x_
    edge_p = jnp.pad(L_edge_index_, ((0, 0), (0, _EP - _E)),
                     constant_values=-1)
    ops_flat = _sc_prep(edge_p.reshape(-1))
    ops = ops_flat.reshape(_NP, 2 * _EP)

    ws = [
        L_self_modules_convs_modules_0_modules_lin_l_parameters_weight_,
        L_self_modules_convs_modules_0_modules_lin_l_parameters_bias_.reshape(1, -1),
        L_self_modules_convs_modules_0_modules_lin_r_parameters_weight_,
        L_self_modules_convs_modules_1_modules_lin_l_parameters_weight_,
        L_self_modules_convs_modules_1_modules_lin_l_parameters_bias_.reshape(1, -1),
        L_self_modules_convs_modules_1_modules_lin_r_parameters_weight_,
        L_self_modules_convs_modules_2_modules_lin_l_parameters_weight_,
        L_self_modules_convs_modules_2_modules_lin_l_parameters_bias_.reshape(1, -1),
        L_self_modules_convs_modules_2_modules_lin_r_parameters_weight_,
        L_self_modules_convs_modules_3_modules_lin_l_parameters_weight_,
        L_self_modules_convs_modules_3_modules_lin_l_parameters_bias_.reshape(1, -1),
        L_self_modules_convs_modules_3_modules_lin_r_parameters_weight_,
        L_self_modules_convs_modules_4_modules_lin_l_parameters_weight_,
        L_self_modules_convs_modules_4_modules_lin_l_parameters_bias_.reshape(1, -1),
        L_self_modules_convs_modules_4_modules_lin_r_parameters_weight_,
    ]

    return pl.pallas_call(
        _fused_body,
        out_shape=jax.ShapeDtypeStruct((_N, 256), jnp.float32),
    )(ops, x, *ws)

# --- scband reference (transcript-rebuilt; emitter-appended) ---
"""Pipeline reference for scband-graph-module-59012850647683 (READ-ONLY COPY).

The authoritative reference and input builder live on the scoring server;
editing this copy changes nothing except your own understanding.
"""

import jax, jax.numpy as jnp
import numpy as np

N = 1000
E = 100


def setup_inputs(seed: int = 0) -> dict:
    key = jax.random.key(seed)
    inp = {}
    inp['L_x_'] = jax.random.normal(jax.random.fold_in(key, 0), (N, 128), dtype=jnp.float32)
    inp['L_edge_index_'] = jax.random.randint(jax.random.fold_in(key, 1), (2, E), 0, N, dtype=jnp.int32)
    dims = [(256, 128), (256, 256), (256, 256), (256, 256), (256, 256)]
    for i, (o, c) in enumerate(dims):
        inp[f'L_self_modules_convs_modules_{i}_modules_lin_l_parameters_weight_'] = jax.random.normal(jax.random.fold_in(key, 10 + 3 * i), (o, c), dtype=jnp.float32) * 0.05
        inp[f'L_self_modules_convs_modules_{i}_modules_lin_l_parameters_bias_'] = jax.random.normal(jax.random.fold_in(key, 11 + 3 * i), (o,), dtype=jnp.float32) * 0.05
        inp[f'L_self_modules_convs_modules_{i}_modules_lin_r_parameters_weight_'] = jax.random.normal(jax.random.fold_in(key, 12 + 3 * i), (o, c), dtype=jnp.float32) * 0.05
    return inp


def _sage_conv(x, edge_index, Wl, bl, Wr):
    src = edge_index[0]
    dst = edge_index[1]
    x_j = jnp.take(x, src, axis=0)
    count = jnp.zeros((N,), dtype=x.dtype).at[dst].add(jnp.ones((E,), dtype=x.dtype))
    count = jnp.clip(count, 1.0, None)
    agg = jnp.zeros((N, x.shape[1]), dtype=x.dtype).at[dst].add(x_j)
    out = agg / count[:, None]
    return out @ Wl.T + bl + x @ Wr.T


def reference(
    L_x_,
    L_edge_index_,
    L_self_modules_convs_modules_0_modules_lin_l_parameters_weight_,
    L_self_modules_convs_modules_0_modules_lin_l_parameters_bias_,
    L_self_modules_convs_modules_0_modules_lin_r_parameters_weight_,
    L_self_modules_convs_modules_1_modules_lin_l_parameters_weight_,
    L_self_modules_convs_modules_1_modules_lin_l_parameters_bias_,
    L_self_modules_convs_modules_1_modules_lin_r_parameters_weight_,
    L_self_modules_convs_modules_2_modules_lin_l_parameters_weight_,
    L_self_modules_convs_modules_2_modules_lin_l_parameters_bias_,
    L_self_modules_convs_modules_2_modules_lin_r_parameters_weight_,
    L_self_modules_convs_modules_3_modules_lin_l_parameters_weight_,
    L_self_modules_convs_modules_3_modules_lin_l_parameters_bias_,
    L_self_modules_convs_modules_3_modules_lin_r_parameters_weight_,
    L_self_modules_convs_modules_4_modules_lin_l_parameters_weight_,
    L_self_modules_convs_modules_4_modules_lin_l_parameters_bias_,
    L_self_modules_convs_modules_4_modules_lin_r_parameters_weight_,
):
    kw = {
        'L_x_': L_x_,
        'L_edge_index_': L_edge_index_,
        'L_self_modules_convs_modules_0_modules_lin_l_parameters_weight_': L_self_modules_convs_modules_0_modules_lin_l_parameters_weight_,
        'L_self_modules_convs_modules_0_modules_lin_l_parameters_bias_': L_self_modules_convs_modules_0_modules_lin_l_parameters_bias_,
        'L_self_modules_convs_modules_0_modules_lin_r_parameters_weight_': L_self_modules_convs_modules_0_modules_lin_r_parameters_weight_,
        'L_self_modules_convs_modules_1_modules_lin_l_parameters_weight_': L_self_modules_convs_modules_1_modules_lin_l_parameters_weight_,
        'L_self_modules_convs_modules_1_modules_lin_l_parameters_bias_': L_self_modules_convs_modules_1_modules_lin_l_parameters_bias_,
        'L_self_modules_convs_modules_1_modules_lin_r_parameters_weight_': L_self_modules_convs_modules_1_modules_lin_r_parameters_weight_,
        'L_self_modules_convs_modules_2_modules_lin_l_parameters_weight_': L_self_modules_convs_modules_2_modules_lin_l_parameters_weight_,
        'L_self_modules_convs_modules_2_modules_lin_l_parameters_bias_': L_self_modules_convs_modules_2_modules_lin_l_parameters_bias_,
        'L_self_modules_convs_modules_2_modules_lin_r_parameters_weight_': L_self_modules_convs_modules_2_modules_lin_r_parameters_weight_,
        'L_self_modules_convs_modules_3_modules_lin_l_parameters_weight_': L_self_modules_convs_modules_3_modules_lin_l_parameters_weight_,
        'L_self_modules_convs_modules_3_modules_lin_l_parameters_bias_': L_self_modules_convs_modules_3_modules_lin_l_parameters_bias_,
        'L_self_modules_convs_modules_3_modules_lin_r_parameters_weight_': L_self_modules_convs_modules_3_modules_lin_r_parameters_weight_,
        'L_self_modules_convs_modules_4_modules_lin_l_parameters_weight_': L_self_modules_convs_modules_4_modules_lin_l_parameters_weight_,
        'L_self_modules_convs_modules_4_modules_lin_l_parameters_bias_': L_self_modules_convs_modules_4_modules_lin_l_parameters_bias_,
        'L_self_modules_convs_modules_4_modules_lin_r_parameters_weight_': L_self_modules_convs_modules_4_modules_lin_r_parameters_weight_,
    }
    x = kw['L_x_']
    edge_index = kw['L_edge_index_']
    h = x
    for i in range(5):
        Wl = kw[f'L_self_modules_convs_modules_{i}_modules_lin_l_parameters_weight_']
        bl = kw[f'L_self_modules_convs_modules_{i}_modules_lin_l_parameters_bias_']
        Wr = kw[f'L_self_modules_convs_modules_{i}_modules_lin_r_parameters_weight_']
        h = _sage_conv(h, edge_index, Wl, bl, Wr)
        if i < 4:
            h = jax.nn.relu(h)
            # dropout p=0.0, eval mode -> identity
    return h

if __name__ == "__main__":
    import jax
    _d = setup_inputs()
    print(jax.jit(kernel)(*tuple(_d.values())))

</pallas_src>

<mosaic_0001>
#map = affine_map<(d0, d1) -> (0)>
module attributes {stable_mosaic.version = 14 : i64} {
  func.func @_sc_build_operators(%arg0: i32, %arg1: i32, %arg2: memref<256xi32, #tpu.memory_space<hbm>>, %arg3: memref<262144xf32, #tpu.memory_space<hbm>>, %arg4: memref<256xi32, #tpu.memory_space<vmem>>, %arg5: memref<8192xf32, #tpu.memory_space<vmem>>) attributes {dimension_semantics = [#tpu.dimension_semantics<core_parallel>, #tpu.dimension_semantics<subcore_parallel>], iteration_bounds = array<i64: 2, 16>, scalar_prefetch = 0 : i64, scratch_operands = 2 : i64, tpu.core_type = #tpu.core_type<sc_vector_subcore>, window_params = [{transform_indices = #map}, {transform_indices = #map}]} {
    %mul3A = arith.constant 2 : i32
    %mul3A_0 = arith.muli %arg1, %mul3A : i32
    %add3A = arith.addi %mul3A_0, %arg0 : i32
    %mul3A_1 = arith.constant 32 : i32
    %mul3A_2 = arith.muli %add3A, %mul3A_1 : i32
    "tpu.region"() ({
      %run_scoped3A = tpu.sem_alloc : memref<!tpu.dma_semaphore, #tpu.memory_space<semaphore_mem>>
      tpu.enqueue_dma source(%arg2 : memref<256xi32, #tpu.memory_space<hbm>>) target(%arg4 : memref<256xi32, #tpu.memory_space<vmem>>) target_semaphore(%run_scoped3A : memref<!tpu.dma_semaphore, #tpu.memory_space<semaphore_mem>>)
      tpu.wait_dma2 semaphore(%run_scoped3A : memref<!tpu.dma_semaphore, #tpu.memory_space<semaphore_mem>>) src(%arg2 : memref<256xi32, #tpu.memory_space<hbm>>) dst(%arg4 : memref<256xi32, #tpu.memory_space<vmem>>)
      tpu.yield
    }) : () -> ()
    %broadcast_in_dim3A = arith.constant 1.000000e+00 : f32
    %broadcast_in_dim3A_3 = vector.broadcast %broadcast_in_dim3A : f32 to vector<16xf32>
    %broadcast_in_dim3A_4 = arith.constant 0.000000e+00 : f32
    %broadcast_in_dim3A_5 = vector.broadcast %broadcast_in_dim3A_4 : f32 to vector<16xf32>
    %get3A = arith.constant 0 : index
    %get3A_6 = tpu.vector_load %arg4[%get3A] {strides = array<i32>} : memref<256xi32, #tpu.memory_space<vmem>>, vector<16xi32>,
    %get3A_7 = vector.shape_cast %get3A_6 : vector<16xi32> to vector<16xi32>
    %get3A_8 = arith.constant 16 : index
    %get3A_9 = tpu.vector_load %arg4[%get3A_8] {strides = array<i32>} : memref<256xi32, #tpu.memory_space<vmem>>, vector<16xi32>,
    %get3A_10 = vector.shape_cast %get3A_9 : vector<16xi32> to vector<16xi32>
    %get3A_11 = arith.constant 32 : index
    %get3A_12 = tpu.vector_load %arg4[%get3A_11] {strides = array<i32>} : memref<256xi32, #tpu.memory_space<vmem>>, vector<16xi32>,
    %get3A_13 = vector.shape_cast %get3A_12 : vector<16xi32> to vector<16xi32>
    %get3A_14 = arith.constant 48 : index
    %get3A_15 = tpu.vector_load %arg4[%get3A_14] {strides = array<i32>} : memref<256xi32, #tpu.memory_space<vmem>>, vector<16xi32>,
    %get3A_16 = vector.shape_cast %get3A_15 : vector<16xi32> to vector<16xi32>
    %get3A_17 = arith.constant 64 : index
    %get3A_18 = tpu.vector_load %arg4[%get3A_17] {strides = array<i32>} : memref<256xi32, #tpu.memory_space<vmem>>, vector<16xi32>,
    %get3A_19 = vector.shape_cast %get3A_18 : vector<16xi32> to vector<16xi32>
    %get3A_20 = arith.constant 80 : index
    %get3A_21 = tpu.vector_load %arg4[%get3A_20] {strides = array<i32>} : memref<256xi32, #tpu.memory_space<vmem>>, vector<16xi32>,
    %get3A_22 = vector.shape_cast %get3A_21 : vector<16xi32> to vector<16xi32>
    %get3A_23 = arith.constant 96 : index
    %get3A_24 = tpu.vector_load %arg4[%get3A_23] {strides = array<i32>} : memref<256xi32, #tpu.memory_space<vmem>>, vector<16xi32>,
    %get3A_25 = vector.shape_cast %get3A_24 : vector<16xi32> to vector<16xi32>
    %get3A_26 = arith.constant 112 : index
    %get3A_27 = tpu.vector_load %arg4[%get3A_26] {strides = array<i32>} : memref<256xi32, #tpu.memory_space<vmem>>, vector<16xi32>,
    %get3A_28 = vector.shape_cast %get3A_27 : vector<16xi32> to vector<16xi32>
    %get3A_29 = arith.constant 128 : index
    %get3A_30 = tpu.vector_load %arg4[%get3A_29] {strides = array<i32>} : memref<256xi32, #tpu.memory_space<vmem>>, vector<16xi32>,
    %get3A_31 = vector.shape_cast %get3A_30 : vector<16xi32> to vector<16xi32>
    %get3A_32 = arith.constant 144 : index
    %get3A_33 = tpu.vector_load %arg4[%get3A_32] {strides = array<i32>} : memref<256xi32, #tpu.memory_space<vmem>>, vector<16xi32>,
    %get3A_34 = vector.shape_cast %get3A_33 : vector<16xi32> to vector<16xi32>
    %get3A_35 = arith.constant 160 : index
    %get3A_36 = tpu.vector_load %arg4[%get3A_35] {strides = array<i32>} : memref<256xi32, #tpu.memory_space<vmem>>, vector<16xi32>,
    %get3A_37 = vector.shape_cast %get3A_36 : vector<16xi32> to vector<16xi32>
    %get3A_38 = arith.constant 176 : index
    %get3A_39 = tpu.vector_load %arg4[%get3A_38] {strides = array<i32>} : memref<256xi32, #tpu.memory_space<vmem>>, vector<16xi32>,
    %get3A_40 = vector.shape_cast %get3A_39 : vector<16xi32> to vector<16xi32>
    %get3A_41 = arith.constant 192 : index
    %get3A_42 = tpu.vector_load %arg4[%get3A_41] {strides = array<i32>} : memref<256xi32, #tpu.memory_space<vmem>>, vector<16xi32>,
    %get3A_43 = vector.shape_cast %get3A_42 : vector<16xi32> to vector<16xi32>
    %get3A_44 = arith.constant 208 : index
    %get3A_45 = tpu.vector_load %arg4[%get3A_44] {strides = array<i32>} : memref<256xi32, #tpu.memory_space<vmem>>, vector<16xi32>,
    %get3A_46 = vector.shape_cast %get3A_45 : vector<16xi32> to vector<16xi32>
    %get3A_47 = arith.constant 224 : index
    %get3A_48 = tpu.vector_load %arg4[%get3A_47] {strides = array<i32>} : memref<256xi32, #tpu.memory_space<vmem>>, vector<16xi32>,
    %get3A_49 = vector.shape_cast %get3A_48 : vector<16xi32> to vector<16xi32>
    %get3A_50 = arith.constant 240 : index
    %get3A_51 = tpu.vector_load %arg4[%get3A_50] {strides = array<i32>} : memref<256xi32, #tpu.memory_space<vmem>>, vector<16xi32>,
    %get3A_52 = vector.shape_cast %get3A_51 : vector<16xi32> to vector<16xi32>
    %add3A_53 = arith.constant 0 : i32
    %add3A_54 = arith.addi %mul3A_2, %add3A_53 : i32
    %eq3A = vector.broadcast %add3A_54 : i32 to vector<16xi32>
    %eq3A_55 = arith.cmpi eq, %get3A_7, %eq3A : vector<16xi32>
    %select_n3A = arith.select %eq3A_55, %broadcast_in_dim3A_3, %broadcast_in_dim3A_5 : vector<16xi1>, vector<16xf32>
    %swap3A = arith.constant 0 : index
    %swap3A_56 = tpu.vector_load %arg5[%swap3A] {strides = array<i32>} : memref<8192xf32, #tpu.memory_space<vmem>>, vector<16xf32>,
    %swap3A_57 = vector.shape_cast %swap3A_56 : vector<16xf32> to vector<16xf32>
    %swap3A_58 = vector.shape_cast %select_n3A : vector<16xf32> to vector<16xf32>
    tpu.vector_store %arg5[%swap3A], %swap3A_58 {strides = array<i32>} : memref<8192xf32, #tpu.memory_space<vmem>>, vector<16xf32>,
    %eq3A_59 = vector.broadcast %add3A_54 : i32 to vector<16xi32>
    %eq3A_60 = arith.cmpi eq, %get3A_31, %eq3A_59 : vector<16xi32>
    %select_n3A_61 = arith.select %eq3A_60, %broadcast_in_dim3A_3, %broadcast_in_dim3A_5 : vector<16xi1>, vector<16xf32>
    %swap3A_62 = arith.constant 128 : index
    %swap3A_63 = tpu.vector_load %arg5[%swap3A_62] {strides = array<i32>} : memref<8192xf32, #tpu.memory_space<vmem>>, vector<16xf32>,
    %swap3A_64 = vector.shape_cast %swap3A_63 : vector<16xf32> to vector<16xf32>
    %swap3A_65 = vector.shape_cast %select_n3A_61 : vector<16xf32> to vector<16xf32>
    tpu.vector_store %arg5[%swap3A_62], %swap3A_65 {strides = array<i32>} : memref<8192xf32, #tpu.memory_space<vmem>>, vector<16xf32>,
    %eq3A_66 = vector.broadcast %add3A_54 : i32 to vector<16xi32>
    %eq3A_67 = arith.cmpi eq, %get3A_10, %eq3A_66 : vector<16xi32>
    %select_n3A_68 = arith.select %eq3A_67, %broadcast_in_dim3A_3, %broadcast_in_dim3A_5 : vector<16xi1>, vector<16xf32>
    %swap3A_69 = arith.constant 16 : index
    %swap3A_70 = tpu.vector_load %arg5[%swap3A_69] {strides = array<i32>} : memref<8192xf32, #tpu.memory_space<vmem>>, vector<16xf32>,
    %swap3A_71 = vector.shape_cast %swap3A_70 : vector<16xf32> to vector<16xf32>
    %swap3A_72 = vector.shape_cast %select_n3A_68 : vector<16xf32> to vector<16xf32>
    tpu.vector_store %arg5[%swap3A_69], %swap3A_72 {strides = array<i32>} : memref<8192xf32, #tpu.memory_space<vmem>>, vector<16xf32>,
    %eq3A_73 = vector.broadcast %add3A_54 : i32 to vector<16xi32>
    %eq3A_74 = arith.cmpi eq, %get3A_34, %eq3A_73 : vector<16xi32>
    %select_n3A_75 = arith.select %eq3A_74, %broadcast_in_dim3A_3, %broadcast_in_dim3A_5 : vector<16xi1>, vector<16xf32>
    %swap3A_76 = arith.constant 144 : index
    %swap3A_77 = tpu.vector_load %arg5[%swap3A_76] {strides = array<i32>} : memref<8192xf32, #tpu.memory_space<vmem>>, vector<16xf32>,
    %swap3A_78 = vector.shape_cast %swap3A_77 : vector<16xf32> to vector<16xf32>
    %swap3A_79 = vector.shape_cast %select_n3A_75 : vector<16xf32> to vector<16xf32>
    tpu.vector_store %arg5[%swap3A_76], %swap3A_79 {strides = array<i32>} : memref<8192xf32, #tpu.memory_space<vmem>>, vector<16xf32>,
    %eq3A_80 = vector.broadcast %add3A_54 : i32 to vector<16xi32>
    %eq3A_81 = arith.cmpi eq, %get3A_13, %eq3A_80 : vector<16xi32>
    %select_n3A_82 = arith.select %eq3A_81, %broadcast_in_dim3A_3, %broadcast_in_dim3A_5 : vector<16xi1>, vector<16xf32>
    %swap3A_83 = arith.constant 32 : index
    %swap3A_84 = tpu.vector_load %arg5[%swap3A_83] {strides = array<i32>} : memref<8192xf32, #tpu.memory_space<vmem>>, vector<16xf32>,
    %swap3A_85 = vector.shape_cast %swap3A_84 : vector<16xf32> to vector<16xf32>
    %swap3A_86 = vector.shape_cast %select_n3A_82 : vector<16xf32> to vector<16xf32>
    tpu.vector_store %arg5[%swap3A_83], %swap3A_86 {strides = array<i32>} : memref<8192xf32, #tpu.memory_space<vmem>>, vector<16xf32>,
    %eq3A_87 = vector.broadcast %add3A_54 : i32 to vector<16xi32>
    %eq3A_88 = arith.cmpi eq, %get3A_37, %eq3A_87 : vector<16xi32>
    %select_n3A_89 = arith.select %eq3A_88, %broadcast_in_dim3A_3, %broadcast_in_dim3A_5 : vector<16xi1>, vector<16xf32>
    %swap3A_90 = arith.constant 160 : index
    %swap3A_91 = tpu.vector_load %arg5[%swap3A_90] {strides = array<i32>} : memref<8192xf32, #tpu.memory_space<vmem>>, vector<16xf32>,
    %swap3A_92 = vector.shape_cast %swap3A_91 : vector<16xf32> to vector<16xf32>
    %swap3A_93 = vector.shape_cast %select_n3A_89 : vector<16xf32> to vector<16xf32>
    tpu.vector_store %arg5[%swap3A_90], %swap3A_93 {strides = array<i32>} : memref<8192xf32, #tpu.memory_space<vmem>>, vector<16xf32>,
    %eq3A_94 = vector.broadcast %add3A_54 : i32 to vector<16xi32>
    %eq3A_95 = arith.cmpi eq, %get3A_16, %eq3A_94 : vector<16xi32>
    %select_n3A_96 = arith.select %eq3A_95, %broadcast_in_dim3A_3, %broadcast_in_dim3A_5 : vector<16xi1>, vector<16xf32>
    %swap3A_97 = arith.constant 48 : index
    %swap3A_98 = tpu.vector_load %arg5[%swap3A_97] {strides = array<i32>} : memref<8192xf32, #tpu.memory_space<vmem>>, vector<16xf32>,
    %swap3A_99 = vector.shape_cast %swap3A_98 : vector<16xf32> to vector<16xf32>
    %swap3A_100 = vector.shape_cast %select_n3A_96 : vector<16xf32> to vector<16xf32>
    tpu.vector_store %arg5[%swap3A_97], %swap3A_100 {strides = array<i32>} : memref<8192xf32, #tpu.memory_space<vmem>>, vector<16xf32>,
    %eq3A_101 = vector.broadcast %add3A_54 : i32 to vector<16xi32>
    %eq3A_102 = arith.cmpi eq, %get3A_40, %eq3A_101 : vector<16xi32>
    %select_n3A_103 = arith.select %eq3A_102, %broadcast_in_dim3A_3, %broadcast_in_dim3A_5 : vector<16xi1>, vector<16xf32>
    %swap3A_104 = arith.constant 176 : index
    %swap3A_105 = tpu.vector_load %arg5[%swap3A_104] {strides = array<i32>} : memref<8192xf32, #tpu.memory_space<vmem>>, vector<16xf32>,
    %swap3A_106 = vector.shape_cast %swap3A_105 : vector<16xf32> to vector<16xf32>
    %swap3A_107 = vector.shape_cast %select_n3A_103 : vector<16xf32> to vector<16xf32>
    tpu.vector_store %arg5[%swap3A_104], %swap3A_107 {strides = array<i32>} : memref<8192xf32, #tpu.memory_space<vmem>>, vector<16xf32>,
    %eq3A_108 = vector.broadcast %add3A_54 : i32 to vector<16xi32>
    %eq3A_109 = arith.cmpi eq, %get3A_19, %eq3A_108 : vector<16xi32>
    %select_n3A_110 = arith.select %eq3A_109, %broadcast_in_dim3A_3, %broadcast_in_dim3A_5 : vector<16xi1>, vector<16xf32>
    %swap3A_111 = arith.constant 64 : index
    %swap3A_112 = tpu.vector_load %arg5[%swap3A_111] {strides = array<i32>} : memref<8192xf32, #tpu.memory_space<vmem>>, vector<16xf32>,
    %swap3A_113 = vector.shape_cast %swap3A_112 : vector<16xf32> to vector<16xf32>
    %swap3A_114 = vector.shape_cast %select_n3A_110 : vector<16xf32> to vector<16xf32>
    tpu.vector_store %arg5[%swap3A_111], %swap3A_114 {strides = array<i32>} : memref<8192xf32, #tpu.memory_space<vmem>>, vector<16xf32>,
    %eq3A_115 = vector.broadcast %add3A_54 : i32 to vector<16xi32>
    %eq3A_116 = arith.cmpi eq, %get3A_43, %eq3A_115 : vector<16xi32>
    %select_n3A_117 = arith.select %eq3A_116, %broadcast_in_dim3A_3, %broadcast_in_dim3A_5 : vector<16xi1>, vector<16xf32>
    %swap3A_118 = arith.constant 192 : index
    %swap3A_119 = tpu.vector_load %arg5[%swap3A_118] {strides = array<i32>} : memref<8192xf32, #tpu.memory_space<vmem>>, vector<16xf32>,
    %swap3A_120 = vector.shape_cast %swap3A_119 : vector<16xf32> to vector<16xf32>
    %swap3A_121 = vector.shape_cast %select_n3A_117 : vector<16xf32> to vector<16xf32>
    tpu.vector_store %arg5[%swap3A_118], %swap3A_121 {strides = array<i32>} : memref<8192xf32, #tpu.memory_space<vmem>>, vector<16xf32>,
    %eq3A_122 = vector.broadcast %add3A_54 : i32 to vector<16xi32>
    %eq3A_123 = arith.cmpi eq, %get3A_22, %eq3A_122 : vector<16xi32>
    %select_n3A_124 = arith.select %eq3A_123, %broadcast_in_dim3A_3, %broadcast_in_dim3A_5 : vector<16xi1>, vector<16xf32>
    %swap3A_125 = arith.constant 80 : index
    %swap3A_126 = tpu.vector_load %arg5[%swap3A_125] {strides = array<i32>} : memref<8192xf32, #tpu.memory_space<vmem>>, vector<16xf32>,
    %swap3A_127 = vector.shape_cast %swap3A_126 : vector<16xf32> to vector<16xf32>
    %swap3A_128 = vector.shape_cast %select_n3A_124 : vector<16xf32> to vector<16xf32>
    tpu.vector_store %arg5[%swap3A_125], %swap3A_128 {strides = array<i32>} : memref<8192xf32, #tpu.memory_space<vmem>>, vector<16xf32>,
    %eq3A_129 = vector.broadcast %add3A_54 : i32 to vector<16xi32>
    %eq3A_130 = arith.cmpi eq, %get3A_46, %eq3A_129 : vector<16xi32>
    %select_n3A_131 = arith.select %eq3A_130, %broadcast_in_dim3A_3, %broadcast_in_dim3A_5 : vector<16xi1>, vector<16xf32>
    %swap3A_132 = arith.constant 208 : index
    %swap3A_133 = tpu.vector_load %arg5[%swap3A_132] {strides = array<i32>} : memref<8192xf32, #tpu.memory_space<vmem>>, vector<16xf32>,
    %swap3A_134 = vector.shape_cast %swap3A_133 : vector<16xf32> to vector<16xf32>
    %swap3A_135 = vector.shape_cast %select_n3A_131 : vector<16xf32> to vector<16xf32>
    tpu.vector_store %arg5[%swap3A_132], %swap3A_135 {strides = array<i32>} : memref<8192xf32, #tpu.memory_space<vmem>>, vector<16xf32>,
    %eq3A_136 = vector.broadcast %add3A_54 : i32 to vector<16xi32>
    %eq3A_137 = arith.cmpi eq, %get3A_25, %eq3A_136 : vector<16xi32>
    %select_n3A_138 = arith.select %eq3A_137, %broadcast_in_dim3A_3, %broadcast_in_dim3A_5 : vector<16xi1>, vector<16xf32>
    %swap3A_139 = arith.constant 96 : index
    %swap3A_140 = tpu.vector_load %arg5[%swap3A_139] {strides = array<i32>} : memref<8192xf32, #tpu.memory_space<vmem>>, vector<16xf32>,
    %swap3A_141 = vector.shape_cast %swap3A_140 : vector<16xf32> to vector<16xf32>
    %swap3A_142 = vector.shape_cast %select_n3A_138 : vector<16xf32> to vector<16xf32>
    tpu.vector_store %arg5[%swap3A_139], %swap3A_142 {strides = array<i32>} : memref<8192xf32, #tpu.memory_space<vmem>>, vector<16xf32>,
    %eq3A_143 = vector.broadcast %add3A_54 : i32 to vector<16xi32>
    %eq3A_144 = arith.cmpi eq, %get3A_49, %eq3A_143 : vector<16xi32>
    %select_n3A_145 = arith.select %eq3A_144, %broadcast_in_dim3A_3, %broadcast_in_dim3A_5 : vector<16xi1>, vector<16xf32>
    %swap3A_146 = arith.constant 224 : index
    %swap3A_147 = tpu.vector_load %arg5[%swap3A_146] {strides = array<i32>} : memref<8192xf32, #tpu.memory_space<vmem>>, vector<16xf32>,
    %swap3A_148 = vector.shape_cast %swap3A_147 : vector<16xf32> to vector<16xf32>
    %swap3A_149 = vector.shape_cast %select_n3A_145 : vector<16xf32> to vector<16xf32>
    tpu.vector_store %arg5[%swap3A_146], %swap3A_149 {strides = array<i32>} : memref<8192xf32, #tpu.memory_space<vmem>>, vector<16xf32>,
    %eq3A_150 = vector.broadcast %add3A_54 : i32 to vector<16xi32>
    %eq3A_151 = arith.cmpi eq, %get3A_28, %eq3A_150 : vector<16xi32>
    %select_n3A_152 = arith.select %eq3A_151, %broadcast_in_dim3A_3, %broadcast_in_dim3A_5 : vector<16xi1>, vector<16xf32>
    %swap3A_153 = arith.constant 112 : index
    %swap3A_154 = tpu.vector_load %arg5[%swap3A_153] {strides = array<i32>} : memref<8192xf32, #tpu.memory_space<vmem>>, vector<16xf32>,
    %swap3A_155 = vector.shape_cast %swap3A_154 : vector<16xf32> to vector<16xf32>
    %swap3A_156 = vector.shape_cast %select_n3A_152 : vector<16xf32> to vector<16xf32>
    tpu.vector_store %arg5[%swap3A_153], %swap3A_156 {strides = array<i32>} : memref<8192xf32, #tpu.memory_space<vmem>>, vector<16xf32>,
    %eq3A_157 = vector.broadcast %add3A_54 : i32 to vector<16xi32>
    %eq3A_158 = arith.cmpi eq, %get3A_52, %eq3A_157 : vector<16xi32>
    %select_n3A_159 = arith.select %eq3A_158, %broadcast_in_dim3A_3, %broadcast_in_dim3A_5 : vector<16xi1>, vector<16xf32>
    %swap3A_160 = arith.constant 240 : index
    %swap3A_161 = tpu.vector_load %arg5[%swap3A_160] {strides = array<i32>} : memref<8192xf32, #tpu.memory_space<vmem>>, vector<16xf32>,
    %swap3A_162 = vector.shape_cast %swap3A_161 : vector<16xf32> to vector<16xf32>
    %swap3A_163 = vector.shape_cast %select_n3A_159 : vector<16xf32> to vector<16xf32>
    tpu.vector_store %arg5[%swap3A_160], %swap3A_163 {strides = array<i32>} : memref<8192xf32, #tpu.memory_space<vmem>>, vector<16xf32>,
    %add3A_164 = arith.constant 1 : i32
    %add3A_165 = arith.addi %mul3A_2, %add3A_164 : i32
    %eq3A_166 = vector.broadcast %add3A_165 : i32 to vector<16xi32>
    %eq3A_167 = arith.cmpi eq, %get3A_7, %eq3A_166 : vector<16xi32>
    %select_n3A_168 = arith.select %eq3A_167, %broadcast_in_dim3A_3, %broadcast_in_dim3A_5 : vector<16xi1>, vector<16xf32>
    %swap3A_169 = arith.constant 256 : index
    %swap3A_170 = tpu.vector_load %arg5[%swap3A_169] {strides = array<i32>} : memref<8192xf32, #tpu.memory_space<vmem>>, vector<16xf32>,
    %swap3A_171 = vector.shape_cast %swap3A_170 : vector<16xf32> to vector<16xf32>
    %swap3A_172 = vector.shape_cast %select_n3A_168 : vector<16xf32> to vector<16xf32>
    tpu.vector_store %arg5[%swap3A_169], %swap3A_172 {strides = array<i32>} : memref<8192xf32, #tpu.memory_space<vmem>>, vector<16xf32>,
    %eq3A_173 = vector.broadcast %add3A_165 : i32 to vector<16xi32>
    %eq3A_174 = arith.cmpi eq, %get3A_31, %eq3A_173 : vector<16xi32>
    %select_n3A_175 = arith.select %eq3A_174, %broadcast_in_dim3A_3, %broadcast_in_dim3A_5 : vector<16xi1>, vector<16xf32>
    %swap3A_176 = arith.constant 384 : index
    %swap3A_177 = tpu.vector_load %arg5[%swap3A_176] {strides = array<i32>} : memref<8192xf32, #tpu.memory_space<vmem>>, vector<16xf32>,
    %swap3A_178 = vector.shape_cast %swap3A_177 : vector<16xf32> to vector<16xf32>
    %swap3A_179 = vector.shape_cast %select_n3A_175 : vector<16xf32> to vector<16xf32>
    tpu.vector_store %arg5[%swap3A_176], %swap3A_179 {strides = array<i32>} : memref<8192xf32, #tpu.memory_space<vmem>>, vector<16xf32>,
    %eq3A_180 = vector.broadcast %add3A_165 : i32 to vector<16xi32>
    %eq3A_181 = arith.cmpi eq, %get3A_10, %eq3A_180 : vector<16xi32>
    %select_n3A_182 = arith.select %eq3A_181, %broadcast_in_dim3A_3, %broadcast_in_dim3A_5 : vector<16xi1>, vector<16xf32>
    %swap3A_183 = arith.constant 272 : index
    %swap3A_184 = tpu.vector_load %arg5[%swap3A_183] {strides = array<i32>} : memref<8192xf32, #tpu.memory_space<vmem>>, vector<16xf32>,
    %swap3A_185 = vector.shape_cast %swap3A_184 : vector<16xf32> to vector<16xf32>
    %swap3A_186 = vector.shape_cast %select_n3A_182 : vector<16xf32> to vector<16xf32>
    tpu.vector_store %arg5[%swap3A_183], %swap3A_186 {strides = array<i32>} : memref<8192xf32, #tpu.memory_space<vmem>>, vector<16xf32>,
    %eq3A_187 = vector.broadcast %add3A_165 : i32 to vector<16xi32>
    %eq3A_188 = arith.cmpi eq, %get3A_34, %eq3A_187 : vector<16xi32>
    %select_n3A_189 = arith.select %eq3A_188, %broadcast_in_dim3A_3, %broadcast_in_dim3A_5 : vector<16xi1>, vector<16xf32>
    %swap3A_190 = arith.constant 400 : index
    %swap3A_191 = tpu.vector_load %arg5[%swap3A_190] {strides = array<i32>} : memref<8192xf32, #tpu.memory_space<vmem>>, vector<16xf32>,
    %swap3A_192 = vector.shape_cast %swap3A_191 : vector<16xf32> to vector<16xf32>
    %swap3A_193 = vector.shape_cast %select_n3A_189 : vector<16xf32> to vector<16xf32>
    tpu.vector_store %arg5[%swap3A_190], %swap3A_193 {strides = array<i32>} : memref<8192xf32, #tpu.memory_space<vmem>>, vector<16xf32>,
    %eq3A_194 = vector.broadcast %add3A_165 : i32 to vector<16xi32>
    %eq3A_195 = arith.cmpi eq, %get3A_13, %eq3A_194 : vector<16xi32>
    %select_n3A_196 = arith.select %eq3A_195, %broadcast_in_dim3A_3, %broadcast_in_dim3A_5 : vector<16xi1>, vector<16xf32>
    %swap3A_197 = arith.constant 288 : index
    %swap3A_198 = tpu.vector_load %arg5[%swap3A_197] {strides = array<i32>} : memref<8192xf32, #tpu.memory_space<vmem>>, vector<16xf32>,
    %swap3A_199 = vector.shape_cast %swap3A_198 : vector<16xf32> to vector<16xf32>
    %swap3A_200 = vector.shape_cast %select_n3A_196 : vector<16xf32> to vector<16xf32>
    tpu.vector_store %arg5[%swap3A_197], %swap3A_200 {strides = array<i32>} : memref<8192xf32, #tpu.memory_space<vmem>>, vector<16xf32>,
    %eq3A_201 = vector.broadcast %add3A_165 : i32 to vector<16xi32>
    %eq3A_202 = arith.cmpi eq, %get3A_37, %eq3A_201 : vector<16xi32>
    %select_n3A_203 = arith.select %eq3A_202, %broadcast_in_dim3A_3, %broadcast_in_dim3A_5 : vector<16xi1>, vector<16xf32>
    %swap3A_204 = arith.constant 416 : index
    %swap3A_205 = tpu.vector_load %arg5[%swap3A_204] {strides = array<i32>} : memref<8192xf32, #tpu.memory_space<vmem>>, vector<16xf32>,
    %swap3A_206 = vector.shape_cast %swap3A_205 : vector<16xf32> to vector<16xf32>
    %swap3A_207 = vector.shape_cast %select_n3A_203 : vector<16xf32> to vector<16xf32>
    tpu.vector_store %arg5[%swap3A_204], %swap3A_207 {strides = array<i32>} : memref<8192xf32, #tpu.memory_space<vmem>>, vector<16xf32>,
    %eq3A_208 = vector.broadcast %add3A_165 : i32 to vector<16xi32>
    %eq3A_209 = arith.cmpi eq, %get3A_16, %eq3A_208 : vector<16xi32>
    %select_n3A_210 = arith.select %eq3A_209, %broadcast_in_dim3A_3, %broadcast_in_dim3A_5 : vector<16xi1>, vector<16xf32>
    %swap3A_211 = arith.constant 304 : index
    %swap3A_212 = tpu.vector_load %arg5[%swap3A_211] {strides = array<i32>} : memref<8192xf32, #tpu.memory_space<vmem>>, vector<16xf32>,
    %swap3A_213 = vector.shape_cast %swap3A_212 : vector<16xf32> to vector<16xf32>
    %swap3A_214 = vector.shape_cast %select_n3A_210 : vector<16xf32> to vector<16xf32>
    tpu.vector_store %arg5[%swap3A_211], %swap3A_214 {strides = array<i32>} : memref<8192xf32, #tpu.memory_space<vmem>>, vector<16xf32>,
    %eq3A_215 = vector.broadcast %add3A_165 : i32 to vector<16xi32>
    %eq3A_216 = arith.cmpi eq, %get3A_40, %eq3A_215 : vector<16xi32>
    %select_n3A_217 = arith.select %eq3A_216, %broadcast_in_dim3A_3, %broadcast_in_dim3A_5 : vector<16xi1>, vector<16xf32>
    %swap3A_218 = arith.constant 432 : index
    %swap3A_219 = tpu.vector_load %arg5[%swap3A_218] {strides = array<i32>} : memref<8192xf32, #tpu.memory_space<vmem>>, vector<16xf32>,
    %swap3A_220 = vector.shape_cast %swap3A_219 : vector<16xf32> to vector<16xf32>
    %swap3A_221 = vector.shape_cast %select_n3A_217 : vector<16xf32> to vector<16xf32>
    tpu.vector_store %arg5[%swap3A_218], %swap3A_221 {strides = array<i32>} : memref<8192xf32, #tpu.memory_space<vmem>>, vector<16xf32>,
    %eq3A_222 = vector.broadcast %add3A_165 : i32 to vector<16xi32>
    %eq3A_223 = arith.cmpi eq, %get3A_19, %eq3A_222 : vector<16xi32>
    %select_n3A_224 = arith.select %eq3A_223, %broadcast_in_dim3A_3, %broadcast_in_dim3A_5 : vector<16xi1>, vector<16xf32>
    %swap3A_225 = arith.constant 320 : index
    %swap3A_226 = tpu.vector_load %arg5[%swap3A_225] {strides = array<i32>} : memref<8192xf32, #tpu.memory_space<vmem>>, vector<16xf32>,
    %swap3A_227 = vector.shape_cast %swap3A_226 : vector<16xf32> to vector<16xf32>
    %swap3A_228 = vector.shape_cast %select_n3A_224 : vector<16xf32> to vector<16xf32>
    tpu.vector_store %arg5[%swap3A_225], %swap3A_228 {strides = array<i32>} : memref<8192xf32, #tpu.memory_space<vmem>>, vector<16xf32>,
    %eq3A_229 = vector.broadcast %add3A_165 : i32 to vector<16xi32>
    %eq3A_230 = arith.cmpi eq, %get3A_43, %eq3A_229 : vector<16xi32>
    %select_n3A_231 = arith.select %eq3A_230, %broadcast_in_dim3A_3, %broadcast_in_dim3A_5 : vector<16xi1>, vector<16xf32>
    %swap3A_232 = arith.constant 448 : index
    %swap3A_233 = tpu.vector_load %arg5[%swap3A_232] {strides = array<i32>} : memref<8192xf32, #tpu.memory_space<vmem>>, vector<16xf32>,
    %swap3A_234 = vector.shape_cast %swap3A_233 : vector<16xf32> to vector<16xf32>
    %swap3A_235 = vector.shape_cast %select_n3A_231 : vector<16xf32> to vector<16xf32>
    tpu.vector_store %arg5[%swap3A_232], %swap3A_235 {strides = array<i32>} : memref<8192xf32, #tpu.memory_space<vmem>>, vector<16xf32>,
    %eq3A_236 = vector.broadcast %add3A_165 : i32 to vector<16xi32>
    %eq3A_237 = arith.cmpi eq, %get3A_22, %eq3A_236 : vector<16xi32>
    %select_n3A_238 = arith.select %eq3A_237, %broadcast_in_dim3A_3, %broadcast_in_dim3A_5 : vector<16xi1>, vector<16xf32>
    %swap3A_239 = arith.constant 336 : index
    %swap3A_240 = tpu.vector_load %arg5[%swap3A_239] {strides = array<i32>} : memref<8192xf32, #tpu.memory_space<vmem>>, vector<16xf32>,
    %swap3A_241 = vector.shape_cast %swap3A_240 : vector<16xf32> to vector<16xf32>
    %swap3A_242 = vector.shape_cast %select_n3A_238 : vector<16xf32> to vector<16xf32>
    tpu.vector_store %arg5[%swap3A_239], %swap3A_242 {strides = array<i32>} : memref<8192xf32, #tpu.memory_space<vmem>>, vector<16xf32>,
    %eq3A_243 = vector.broadcast %add3A_165 : i32 to vector<16xi32>
    %eq3A_244 = arith.cmpi eq, %get3A_46, %eq3A_243 : vector<16xi32>
    %select_n3A_245 = arith.select %eq3A_244, %broadcast_in_dim3A_3, %broadcast_in_dim3A_5 : vector<16xi1>, vector<16xf32>
    %swap3A_246 = arith.constant 464 : index
    %swap3A_247 = tpu.vector_load %arg5[%swap3A_246] {strides = array<i32>} : memref<8192xf32, #tpu.memory_space<vmem>>, vector<16xf32>,
    %swap3A_248 = vector.shape_cast %swap3A_247 : vector<16xf32> to vector<16xf32>
    %swap3A_249 = vector.shape_cast %select_n3A_245 : vector<16xf32> to vector<16xf32>
    tpu.vector_store %arg5[%swap3A_246], %swap3A_249 {strides = array<i32>} : memref<8192xf32, #tpu.memory_space<vmem>>, vector<16xf32>,
    %eq3A_250 = vector.broadcast %add3A_165 : i32 to vector<16xi32>
    %eq3A_251 = arith.cmpi eq, %get3A_25, %eq3A_250 : vector<16xi32>
    %select_n3A_252 = arith.select %eq3A_251, %broadcast_in_dim3A_3, %broadcast_in_dim3A_5 : vector<16xi1>, vector<16xf32>
    %swap3A_253 = arith.constant 352 : index
    %swap3A_254 = tpu.vector_load %arg5[%swap3A_253] {strides = array<i32>} : memref<8192xf32, #tpu.memory_space<vmem>>, vector<16xf32>,
    %swap3A_255 = vector.shape_cast %swap3A_254 : vector<16xf32> to vector<16xf32>
    %swap3A_256 = vector.shape_cast %select_n3A_252 : vector<16xf32> to vector<16xf32>
    tpu.vector_store %arg5[%swap3A_253], %swap3A_256 {strides = array<i32>} : memref<8192xf32, #tpu.memory_space<vmem>>, vector<16xf32>,
    %eq3A_257 = vector.broadcast %add3A_165 : i32 to vector<16xi32>
    %eq3A_258 = arith.cmpi eq, %get3A_49, %eq3A_257 : vector<16xi32>
    %select_n3A_259 = arith.select %eq3A_258, %broadcast_in_dim3A_3, %broadcast_in_dim3A_5 : vector<16xi1>, vector<16xf32>
    %swap3A_260 = arith.constant 480 : index
    %swap3A_261 = tpu.vector_load %arg5[%swap3A_260] {strides = array<i32>} : memref<8192xf32, #tpu.memory_space<vmem>>, vector<16xf32>,
    %swap3A_262 = vector.shape_cast %swap3A_261 : vector<16xf32> to vector<16xf32>
    %swap3A_263 = vector.shape_cast %select_n3A_259 : vector<16xf32> to vector<16xf32>
    tpu.vector_store %arg5[%swap3A_260], %swap3A_263 {strides = array<i32>} : memref<8192xf32, #tpu.memory_space<vmem>>, vector<16xf32>,
    %eq3A_264 = vector.broadcast %add3A_165 : i32 to vector<16xi32>
    %eq3A_265 = arith.cmpi eq, %get3A_28, %eq3A_264 : vector<16xi32>
    %select_n3A_266 = arith.select %eq3A_265, %broadcast_in_dim3A_3, %broadcast_in_dim3A_5 : vector<16xi1>, vector<16xf32>
    %swap3A_267 = arith.constant 368 : index
    %swap3A_268 = tpu.vector_load %arg5[%swap3A_267] {strides = array<i32>} : memref<8192xf32, #tpu.memory_space<vmem>>, vector<16xf32>,
    %swap3A_269 = vector.shape_cast %swap3A_268 : vector<16xf32> to vector<16xf32>
    %swap3A_270 = vector.shape_cast %select_n3A_266 : vector<16xf32> to vector<16xf32>
    tpu.vector_store %arg5[%swap3A_267], %swap3A_270 {strides = array<i32>} : memref<8192xf32, #tpu.memory_space<vmem>>, vector<16xf32>,
    %eq3A_271 = vector.broadcast %add3A_165 : i32 to vector<16xi32>
    %eq3A_272 = arith.cmpi eq, %get3A_52, %eq3A_271 : vector<16xi32>
    %select_n3A_273 = arith.select %eq3A_272, %broadcast_in_dim3A_3, %broadcast_in_dim3A_5 : vector<16xi1>, vector<16xf32>
    %swap3A_274 = arith.constant 496 : index
    %swap3A_275 = tpu.vector_load %arg5[%swap3A_274] {strides = array<i32>} : memref<8192xf32, #tpu.memory_space<vmem>>, vector<16xf32>,
    %swap3A_276 = vector.shape_cast %swap3A_275 : vector<16xf32> to vector<16xf32>
    %swap3A_277 = vector.shape_cast %select_n3A_273 : vector<16xf32> to vector<16xf32>
    tpu.vector_store %arg5[%swap3A_274], %swap3A_277 {strides = array<i32>} : memref<8192xf32, #tpu.memory_space<vmem>>, vector<16xf32>,
    %add3A_278 = arith.constant 2 : i32
    %add3A_279 = arith.addi %mul3A_2, %add3A_278 : i32
    %eq3A_280 = vector.broadcast %add3A_279 : i32 to vector<16xi32>
    %eq3A_281 = arith.cmpi eq, %get3A_7, %eq3A_280 : vector<16xi32>
    %select_n3A_282 = arith.select %eq3A_281, %broadcast_in_dim3A_3, %broadcast_in_dim3A_5 : vector<16xi1>, vector<16xf32>
    %swap3A_283 = arith.constant 512 : index
    %swap3A_284 = tpu.vector_load %arg5[%swap3A_283] {strides = array<i32>} : memref<8192xf32, #tpu.memory_space<vmem>>, vector<16xf32>,
    %swap3A_285 = vector.shape_cast %swap3A_284 : vector<16xf32> to vector<16xf32>
    %swap3A_286 = vector.shape_cast %select_n3A_282 : vector<16xf32> to vector<16xf32>
    tpu.vector_store %arg5[%swap3A_283], %swap3A_286 {strides = array<i32>} : memref<8192xf32, #tpu.memory_space<vmem>>, vector<16xf32>,
    %eq3A_287 = vector.broadcast %add3A_279 : i32 to vector<16xi32>
    %eq3A_288 = arith.cmpi eq, %get3A_31, %eq3A_287 : vector<16xi32>
    %select_n3A_289 = arith.select %eq3A_288, %broadcast_in_dim3A_3, %broadcast_in_dim3A_5 : vector<16xi1>, vector<16xf32>
    %swap3A_290 = arith.constant 640 : index
    %swap3A_291 = tpu.vector_load %arg5[%swap3A_290] {strides = array<i32>} : memref<8192xf32, #tpu.memory_space<vmem>>, vector<16xf32>,
    %swap3A_292 = vector.shape_cast %swap3A_291 : vector<16xf32> to vector<16xf32>
    %swap3A_293 = vector.shape_cast %select_n3A_289 : vector<16xf32> to vector<16xf32>
    tpu.vector_store %arg5[%swap3A_290], %swap3A_293 {strides = array<i32>} : memref<8192xf32, #tpu.memory_space<vmem>>, vector<16xf32>,
    %eq3A_294 = vector.broadcast %add3A_279 : i32 to vector<16xi32>
    %eq3A_295 = arith.cmpi eq, %get3A_10, %eq3A_294 : vector<16xi32>
    %select_n3A_296 = arith.select %eq3A_295, %broadcast_in_dim3A_3, %broadcast_in_dim3A_5 : vector<16xi1>, vector<16xf32>
    %swap3A_297 = arith.constant 528 : index
    %swap3A_298 = tpu.vector_load %arg5[%swap3A_297] {strides = array<i32>} : memref<8192xf32, #tpu.memory_space<vmem>>, vector<16xf32>,
    %swap3A_299 = vector.shape_cast %swap3A_298 : vector<16xf32> to vector<16xf32>
    %swap3A_300 = vector.shape_cast %select_n3A_296 : vector<16xf32> to vector<16xf32>
    tpu.vector_store %arg5[%swap3A_297], %swap3A_300 {strides = array<i32>} : memref<8192xf32, #tpu.memory_space<vmem>>, vector<16xf32>,
    %eq3A_301 = vector.broadcast %add3A_279 : i32 to vector<16xi32>
    %eq3A_302 = arith.cmpi eq, %get3A_34, %eq3A_301 : vector<16xi32>
    %select_n3A_303 = arith.select %eq3A_302, %broadcast_in_dim3A_3, %broadcast_in_dim3A_5 : vector<16xi1>, vector<16xf32>
    %swap3A_304 = arith.constant 656 : index
    %swap3A_305 = tpu.vector_load %arg5[%swap3A_304] {strides = array<i32>} : memref<8192xf32, #tpu.memory_space<vmem>>, vector<16xf32>,
    %swap3A_306 = vector.shape_cast %swap3A_305 : vector<16xf32> to vector<16xf32>
    %swap3A_307 = vector.shape_cast %select_n3A_303 : vector<16xf32> to vector<16xf32>
    tpu.vector_store %arg5[%swap3A_304], %swap3A_307 {strides = array<i32>} : memref<8192xf32, #tpu.memory_space<vmem>>, vector<16xf32>,
    %eq3A_308 = vector.broadcast %add3A_279 : i32 to vector<16xi32>
    %eq3A_309 = arith.cmpi eq, %get3A_13, %eq3A_308 : vector<16xi32>
    %select_n3A_310 = arith.select %eq3A_309, %broadcast_in_dim3A_3, %broadcast_in_dim3A_5 : vector<16xi1>, vector<16xf32>
    %swap3A_311 = arith.constant 544 : index
    %swap3A_312 = tpu.vector_load %arg5[%swap3A_311] {strides = array<i32>} : memref<8192xf32, #tpu.memory_space<vmem>>, vector<16xf32>,
    %swap3A_313 = vector.shape_cast %swap3A_312 : vector<16xf32> to vector<16xf32>
    %swap3A_314 = vector.shape_cast %select_n3A_310 : vector<16xf32> to vector<16xf32>
    tpu.vector_store %arg5[%swap3A_311], %swap3A_314 {strides = array<i32>} : memref<8192xf32, #tpu.memory_space<vmem>>, vector<16xf32>,
    %eq3A_315 = vector.broadcast %add3A_279 : i32 to vector<16xi32>
    %eq3A_316 = arith.cmpi eq, %get3A_37, %eq3A_315 : vector<16xi32>
    %select_n3A_317 = arith.select %eq3A_316, %broadcast_in_dim3A_3, %broadcast_in_dim3A_5 : vector<16xi1>, vector<16xf32>
    %swap3A_318 = arith.constant 672 : index
    %swap3A_319 = tpu.vector_load %arg5[%swap3A_318] {strides = array<i32>} : memref<8192xf32, #tpu.memory_space<vmem>>, vector<16xf32>,
    %swap3A_320 = vector.shape_cast %swap3A_319 : vector<16xf32> to vector<16xf32>
    %swap3A_321 = vector.shape_cast %select_n3A_317 : vector<16xf32> to vector<16xf32>
    tpu.vector_store %arg5[%swap3A_318], %swap3A_321 {strides = array<i32>} : memref<8192xf32, #tpu.memory_space<vmem>>, vector<16xf32>,
    %eq3A_322 = vector.broadcast %add3A_279 : i32 to vector<16xi32>
    %eq3A_323 = arith.cmpi eq, %get3A_16, %eq3A_322 : vector<16xi32>
    %select_n3A_324 = arith.select %eq3A_323, %broadcast_in_dim3A_3, %broadcast_in_dim3A_5 : vector<16xi1>, vector<16xf32>
    %swap3A_325 = arith.constant 560 : index
    %swap3A_326 = tpu.vector_load %arg5[%swap3A_325] {strides = array<i32>} : memref<8192xf32, #tpu.memory_space<vmem>>, vector<16xf32>,
    %swap3A_327 = vector.shape_cast %swap3A_326 : vector<16xf32> to vector<16xf32>
    %swap3A_328 = vector.shape_cast %select_n3A_324 : vector<16xf32> to vector<16xf32>
    tpu.vector_store %arg5[%swap3A_325], %swap3A_328 {strides = array<i32>} : memref<8192xf32, #tpu.memory_space<vmem>>, vector<16xf32>,
    %eq3A_329 = vector.broadcast %add3A_279 : i32 to vector<16xi32>
    %eq3A_330 = arith.cmpi eq, %get3A_40, %eq3A_329 : vector<16xi32>
    %select_n3A_331 = arith.select %eq3A_330, %broadcast_in_dim3A_3, %broadcast_in_dim3A_5 : vector<16xi1>, vector<16xf32>
    %swap3A_332 = arith.constant 688 : index
    %swap3A_333 = tpu.vector_load %arg5[%swap3A_332] {strides = array<i32>} : memref<8192xf32, #tpu.memory_space<vmem>>, vector<16xf32>,
    %swap3A_334 = vector.shape_cast %swap3A_333 : vector<16xf32> to vector<16xf32>
    %swap3A_335 = vector.shape_cast %select_n3A_331 : vector<16xf32> to vector<16xf32>
    tpu.vector_store %arg5[%swap3A_332], %swap3A_335 {strides = array<i32>} : memref<8192xf32, #tpu.memory_space<vmem>>, vector<16xf32>,
    %eq3A_336 = vector.broadcast %add3A_279 : i32 to vector<16xi32>
    %eq3A_337 = arith.cmpi eq, %get3A_19, %eq3A_336 : vector<16xi32>
    %select_n3A_338 = arith.select %eq3A_337, %broadcast_in_dim3A_3, %broadcast_in_dim3A_5 : vector<16xi1>, vector<16xf32>
    %swap3A_339 = arith.constant 576 : index
    %swap3A_340 = tpu.vector_load %arg5[%swap3A_339] {strides = array<i32>} : memref<8192xf32, #tpu.memory_space<vmem>>, vector<16xf32>,
    %swap3A_341 = vector.shape_cast %swap3A_340 : vector<16xf32> to vector<16xf32>
    %swap3A_342 = vector.shape_cast %select_n3A_338 : vector<16xf32> to vector<16xf32>
    tpu.vector_store %arg5[%swap3A_339], %swap3A_342 {strides = array<i32>} : memref<8192xf32, #tpu.memory_space<vmem>>, vector<16xf32>,
    %eq3A_343 = vector.broadcast %add3A_279 : i32 to vector<16xi32>
    %eq3A_344 = arith.cmpi eq, %get3A_43, %eq3A_343 : vector<16xi32>
    %select_n3A_345 = arith.select %eq3A_344, %broadcast_in_dim3A_3, %broadcast_in_dim3A_5 : vector<16xi1>, vector<16xf32>
    %swap3A_346 = arith.constant 704 : index
    %swap3A_347 = tpu.vector_load %arg5[%swap3A_346] {strides = array<i32>} : memref<8192xf32, #tpu.memory_space<vmem>>, vector<16xf32>,
    %swap3A_348 = vector.shape_cast %swap3A_347 : vector<16xf32> to vector<16xf32>
    %swap3A_349 = vector.shape_cast %select_n3A_345 : vector<16xf32> to vector<16xf32>
    tpu.vector_store %arg5[%swap3A_346], %swap3A_349 {strides = array<i32>} : memref<8192xf32, #tpu.memory_space<vmem>>, vector<16xf32>,
    %eq3A_350 = vector.broadcast %add3A_279 : i32 to vector<16xi32>
    %eq3A_351 = arith.cmpi eq, %get3A_22, %eq3A_350 : vector<16xi32>
    %select_n3A_352 = arith.select %eq3A_351, %broadcast_in_dim3A_3, %broadcast_in_dim3A_5 : vector<16xi1>, vector<16xf32>
    %swap3A_353 = arith.constant 592 : index
    %swap3A_354 = tpu.vector_load %arg5[%swap3A_353] {strides = array<i32>} : memref<8192xf32, #tpu.memory_space<vmem>>, vector<16xf32>,
    %swap3A_355 = vector.shape_cast %swap3A_354 : vector<16xf32> to vector<16xf32>
    %swap3A_356 = vector.shape_cast %select_n3A_352 : vector<16xf32> to vector<16xf32>
    tpu.vector_store %arg5[%swap3A_353], %swap3A_356 {strides = array<i32>} : memref<8192xf32, #tpu.memory_space<vmem>>, vector<16xf32>,
    %eq3A_357 = vector.broadcast %add3A_279 : i32 to vector<16xi32>
    %eq3A_358 = arith.cmpi eq, %get3A_46, %eq3A_357 : vector<16xi32>
    %select_n3A_359 = arith.select %eq3A_358, %broadcast_in_dim3A_3, %broadcast_in_dim3A_5 : vector<16xi1>, vector<16xf32>
    %swap3A_360 = arith.constant 720 : index
    %swap3A_361 = tpu.vector_load %arg5[%swap3A_360] {strides = array<i32>} : memref<8192xf32, #tpu.memory_space<vmem>>, vector<16xf32>,
    %swap3A_362 = vector.shape_cast %swap3A_361 : vector<16xf32> to vector<16xf32>
    %swap3A_363 = vector.shape_cast %select_n3A_359 : vector<16xf32> to vector<16xf32>
    tpu.vector_store %arg5[%swap3A_360], %swap3A_363 {strides = array<i32>} : memref<8192xf32, #tpu.memory_space<vmem>>, vector<16xf32>,
    %eq3A_364 = vector.broadcast %add3A_279 : i32 to vector<16xi32>
    %eq3A_365 = arith.cmpi eq, %get3A_25, %eq3A_364 : vector<16xi32>
    %select_n3A_366 = arith.select %eq3A_365, %broadcast_in_dim3A_3, %broadcast_in_dim3A_5 : vector<16xi1>, vector<16xf32>
    %swap3A_367 = arith.constant 608 : index
    %swap3A_368 = tpu.vector_load %arg5[%swap3A_367] {strides = array<i32>} : memref<8192xf32, #tpu.memory_space<vmem>>, vector<16xf32>,
    %swap3A_369 = vector.shape_cast %swap3A_368 : vector<16xf32> to vector<16xf32>
    %swap3A_370 = vector.shape_cast %select_n3A_366 : vector<16xf32> to vector<16xf32>
    tpu.vector_store %arg5[%swap3A_367], %swap3A_370 {strides = array<i32>} : memref<8192xf32, #tpu.memory_space<vmem>>, vector<16xf32>,
    %eq3A_371 = vector.broadcast %add3A_279 : i32 to vector<16xi32>
    %eq3A_372 = arith.cmpi eq, %get3A_49, %eq3A_371 : vector<16xi32>
    %select_n3A_373 = arith.select %eq3A_372, %broadcast_in_dim3A_3, %broadcast_in_dim3A_5 : vector<16xi1>, vector<16xf32>
    %swap3A_374 = arith.constant 736 : index
    %swap3A_375 = tpu.vector_load %arg5[%swap3A_374] {strides = array<i32>} : memref<8192xf32, #tpu.memory_space<vmem>>, vector<16xf32>,
    %swap3A_376 = vector.shape_cast %swap3A_375 : vector<16xf32> to vector<16xf32>
    %swap3A_377 = vector.shape_cast %select_n3A_373 : vector<16xf32> to vector<16xf32>
    tpu.vector_store %arg5[%swap3A_374], %swap3A_377 {strides = array<i32>} : memref<8192xf32, #tpu.memory_space<vmem>>, vector<16xf32>,
    %eq3A_378 = vector.broadcast %add3A_279 : i32 to vector<16xi32>
    %eq3A_379 = arith.cmpi eq, %get3A_28, %eq3A_378 : vector<16xi32>
    %select_n3A_380 = arith.select %eq3A_379, %broadcast_in_dim3A_3, %broadcast_in_dim3A_5 : vector<16xi1>, vector<16xf32>
    %swap3A_381 = arith.constant 624 : index
    %swap3A_382 = tpu.vector_load %arg5[%swap3A_381] {strides = array<i32>} : memref<8192xf32, #tpu.memory_space<vmem>>, vector<16xf32>,
    %swap3A_383 = vector.shape_cast %swap3A_382 : vector<16xf32> to vector<16xf32>
    %swap3A_384 = vector.shape_cast %select_n3A_380 : vector<16xf32> to vector<16xf32>
    tpu.vector_store %arg5[%swap3A_381], %swap3A_384 {strides = array<i32>} : memref<8192xf32, #tpu.memory_space<vmem>>, vector<16xf32>,
    %eq3A_385 = vector.broadcast %add3A_279 : i32 to vector<16xi32>
    %eq3A_386 = arith.cmpi eq, %get3A_52, %eq3A_385 : vector<16xi32>
    %select_n3A_387 = arith.select %eq3A_386, %broadcast_in_dim3A_3, %broadcast_in_dim3A_5 : vector<16xi1>, vector<16xf32>
    %swap3A_388 = arith.constant 752 : index
    %swap3A_389 = tpu.vector_load %arg5[%swap3A_388] {strides = array<i32>} : memref<8192xf32, #tpu.memory_space<vmem>>, vector<16xf32>,
    %swap3A_390 = vector.shape_cast %swap3A_389 : vector<16xf32> to vector<16xf32>
    %swap3A_391 = vector.shape_cast %select_n3A_387 : vector<16xf32> to vector<16xf32>
    tpu.vector_store %arg5[%swap3A_388], %swap3A_391 {strides = array<i32>} : memref<8192xf32, #tpu.memory_space<vmem>>, vector<16xf32>,
    %add3A_392 = arith.constant 3 : i32
    %add3A_393 = arith.addi %mul3A_2, %add3A_392 : i32
    %eq3A_394 = vector.broadcast %add3A_393 : i32 to vector<16xi32>
    %eq3A_395 = arith.cmpi eq, %get3A_7, %eq3A_394 : vector<16xi32>
    %select_n3A_396 = arith.select %eq3A_395, %broadcast_in_dim3A_3, %broadcast_in_dim3A_5 : vector<16xi1>, vector<16xf32>
    %swap3A_397 = arith.constant 768 : index
    %swap3A_398 = tpu.vector_load %arg5[%swap3A_397] {strides = array<i32>} : memref<8192xf32, #tpu.memory_space<vmem>>, vector<16xf32>,
    %swap3A_399 = vector.shape_cast %swap3A_398 : vector<16xf32> to vector<16xf32>
    %swap3A_400 = vector.shape_cast %select_n3A_396 : vector<16xf32> to vector<16xf32>
    tpu.vector_store %arg5[%swap3A_397], %swap3A_400 {strides = array<i32>} : memref<8192xf32, #tpu.memory_space<vmem>>, vector<16xf32>,
    %eq3A_401 = vector.broadcast %add3A_393 : i32 to vector<16xi32>
    %eq3A_402 = arith.cmpi eq, %get3A_31, %eq3A_401 : vector<16xi32>
    %select_n3A_403 = arith.select %eq3A_402, %broadcast_in_dim3A_3, %broadcast_in_dim3A_5 : vector<16xi1>, vector<16xf32>
    %swap3A_404 = arith.constant 896 : index
    %swap3A_405 = tpu.vector_load %arg5[%swap3A_404] {strides = array<i32>} : memref<8192xf32, #tpu.memory_space<vmem>>, vector<16xf32>,
    %swap3A_406 = vector.shape_cast %swap3A_405 : vector<16xf32> to vector<16xf32>
    %swap3A_407 = vector.shape_cast %select_n3A_403 : vector<16xf32> to vector<16xf32>
    tpu.vector_store %arg5[%swap3A_404], %swap3A_407 {strides = array<i32>} : memref<8192xf32, #tpu.memory_space<vmem>>, vector<16xf32>,
    %eq3A_408 = vector.broadcast %add3A_393 : i32 to vector<16xi32>
    %eq3A_409 = arith.cmpi eq, %get3A_10, %eq3A_408 : vector<16xi32>
    %select_n3A_410 = arith.select %eq3A_409, %broadcast_in_dim3A_3, %broadcast_in_dim3A_5 : vector<16xi1>, vector<16xf32>
    %swap3A_411 = arith.constant 784 : index
    %swap3A_412 = tpu.vector_load %arg5[%swap3A_411] {strides = array<i32>} : memref<8192xf32, #tpu.memory_space<vmem>>, vector<16xf32>,
    %swap3A_413 = vector.shape_cast %swap3A_412 : vector<16xf32> to vector<16xf32>
    %swap3A_414 = vector.shape_cast %select_n3A_410 : vector<16xf32> to vector<16xf32>
    tpu.vector_store %arg5[%swap3A_411], %swap3A_414 {strides = array<i32>} : memref<8192xf32, #tpu.memory_space<vmem>>, vector<16xf32>,
    %eq3A_415 = vector.broadcast %add3A_393 : i32 to vector<16xi32>
    %eq3A_416 = arith.cmpi eq, %get3A_34, %eq3A_415 : vector<16xi32>
    %select_n3A_417 = arith.select %eq3A_416, %broadcast_in_dim3A_3, %broadcast_in_dim3A_5 : vector<16xi1>, vector<16xf32>
    %swap3A_418 = arith.constant 912 : index
    %swap3A_419 = tpu.vector_load %arg5[%swap3A_418] {strides = array<i32>} : memref<8192xf32, #tpu.memory_space<vmem>>, vector<16xf32>,
    %swap3A_420 = vector.shape_cast %swap3A_419 : vector<16xf32> to vector<16xf32>
    %swap3A_421 = vector.shape_cast %select_n3A_417 : vector<16xf32> to vector<16xf32>
    tpu.vector_store %arg5[%swap3A_418], %swap3A_421 {strides = array<i32>} : memref<8192xf32, #tpu.memory_space<vmem>>, vector<16xf32>,
    %eq3A_422 = vector.broadcast %add3A_393 : i32 to vector<16xi32>
    %eq3A_423 = arith.cmpi eq, %get3A_13, %eq3A_422 : vector<16xi32>
    %select_n3A_424 = arith.select %eq3A_423, %broadcast_in_dim3A_3, %broadcast_in_dim3A_5 : vector<16xi1>, vector<16xf32>
    %swap3A_425 = arith.constant 800 : index
    %swap3A_426 = tpu.vector_load %arg5[%swap3A_425] {strides = array<i32>} : memref<8192xf32, #tpu.memory_space<vmem>>, vector<16xf32>,
    %swap3A_427 = vector.shape_cast %swap3A_426 : vector<16xf32> to vector<16xf32>
    %swap3A_428 = vector.shape_cast %select_n3A_424 : vector<16xf32> to vector<16xf32>
    tpu.vector_store %arg5[%swap3A_425], %swap3A_428 {strides = array<i32>} : memref<8192xf32, #tpu.memory_space<vmem>>, vector<16xf32>,
    %eq3A_429 = vector.broadcast %add3A_393 : i32 to vector<16xi32>
    %eq3A_430 = arith.cmpi eq, %get3A_37, %eq3A_429 : vector<16xi32>
    %select_n3A_431 = arith.select %eq3A_430, %broadcast_in_dim3A_3, %broadcast_in_dim3A_5 : vector<16xi1>, vector<16xf32>
    %swap3A_432 = arith.constant 928 : index
    %swap3A_433 = tpu.vector_load %arg5[%swap3A_432] {strides = array<i32>} : memref<8192xf32, #tpu.memory_space<vmem>>, vector<16xf32>,
    %swap3A_434 = vector.shape_cast %swap3A_433 : vector<16xf32> to vector<16xf32>
    %swap3A_435 = vector.shape_cast %select_n3A_431 : vector<16xf32> to vector<16xf32>
    tpu.vector_store %arg5[%swap3A_432], %swap3A_435 {strides = array<i32>} : memref<8192xf32, #tpu.memory_space<vmem>>, vector<16xf32>,
    %eq3A_436 = vector.broadcast %add3A_393 : i32 to vector<16xi32>
    %eq3A_437 = arith.cmpi eq, %get3A_16, %eq3A_436 : vector<16xi32>
    %select_n3A_438 = arith.select %eq3A_437, %broadcast_in_dim3A_3, %broadcast_in_dim3A_5 : vector<16xi1>, vector<16xf32>
    %swap3A_439 = arith.constant 816 : index
    %swap3A_440 = tpu.vector_load %arg5[%swap3A_439] {strides = array<i32>} : memref<8192xf32, #tpu.memory_space<vmem>>, vector<16xf32>,
    %swap3A_441 = vector.shape_cast %swap3A_440 : vector<16xf32> to vector<16xf32>
    %swap3A_442 = vector.shape_cast %select_n3A_438 : vector<16xf32> to vector<16xf32>
    tpu.vector_store %arg5[%swap3A_439], %swap3A_442 {strides = array<i32>} : memref<8192xf32, #tpu.memory_space<vmem>>, vector<16xf32>,
    %eq3A_443 = vector.broadcast %add3A_393 : i32 to vector<16xi32>
    %eq3A_444 = arith.cmpi eq, %get3A_40, %eq3A_443 : vector<16xi32>
    %select_n3A_445 = arith.select %eq3A_444, %broadcast_in_dim3A_3, %broadcast_in_dim3A_5 : vector<16xi1>, vector<16xf32>
    %swap3A_446 = arith.constant 944 : index
    %swap3A_447 = tpu.vector_load %arg5[%swap3A_446] {strides = array<i32>} : memref<8192xf32, #tpu.memory_space<vmem>>, vector<16xf32>,
    %swap3A_448 = vector.shape_cast %swap3A_447 : vector<16xf32> to vector<16xf32>
    %swap3A_449 = vector.shape_cast %select_n3A_445 : vector<16xf32> to vector<16xf32>
    tpu.vector_store %arg5[%swap3A_446], %swap3A_449 {strides = array<i32>} : memref<8192xf32, #tpu.memory_space<vmem>>, vector<16xf32>,
    %eq3A_450 = vector.broadcast %add3A_393 : i32 to vector<16xi32>
    %eq3A_451 = arith.cmpi eq, %get3A_19, %eq3A_450 : vector<16xi32>
    %select_n3A_452 = arith.select %eq3A_451, %broadcast_in_dim3A_3, %broadcast_in_dim3A_5 : vector<16xi1>, vector<16xf32>
    %swap3A_453 = arith.constant 832 : index
    %swap3A_454 = tpu.vector_load %arg5[%swap3A_453] {strides = array<i32>} : memref<8192xf32, #tpu.memory_space<vmem>>, vector<16xf32>,
    %swap3A_455 = vector.shape_cast %swap3A_454 : vector<16xf32> to vector<16xf32>
    %swap3A_456 = vector.shape_cast %select_n3A_452 : vector<16xf32> to vector<16xf32>
    tpu.vector_store %arg5[%swap3A_453], %swap3A_456 {strides = array<i32>} : memref<8192xf32, #tpu.memory_space<vmem>>, vector<16xf32>,
    %eq3A_457 = vector.broadcast %add3A_393 : i32 to vector<16xi32>
    %eq3A_458 = arith.cmpi eq, %get3A_43, %eq3A_457 : vector<16xi32>
    %select_n3A_459 = arith.select %eq3A_458, %broadcast_in_dim3A_3, %broadcast_in_dim3A_5 : vector<16xi1>, vector<16xf32>
    %swap3A_460 = arith.constant 960 : index
    %swap3A_461 = tpu.vector_load %arg5[%swap3A_460] {strides = array<i32>} : memref<8192xf32, #tpu.memory_space<vmem>>, vector<16xf32>,
    %swap3A_462 = vector.shape_cast %swap3A_461 : vector<16xf32> to vector<16xf32>
    %swap3A_463 = vector.shape_cast %select_n3A_459 : vector<16xf32> to vector<16xf32>
    tpu.vector_store %arg5[%swap3A_460], %swap3A_463 {strides = array<i32>} : memref<8192xf32, #tpu.memory_space<vmem>>, vector<16xf32>,
    %eq3A_464 = vector.broadcast %add3A_393 : i32 to vector<16xi32>
    %eq3A_465 = arith.cmpi eq, %get3A_22, %eq3A_464 : vector<16xi32>
    %select_n3A_466 = arith.select %eq3A_465, %broadcast_in_dim3A_3, %broadcast_in_dim3A_5 : vector<16xi1>, vector<16xf32>
    %swap3A_467 = arith.constant 848 : index
    %swap3A_468 = tpu.vector_load %arg5[%swap3A_467] {strides = array<i32>} : memref<8192xf32, #tpu.memory_space<vmem>>, vector<16xf32>,
    %swap3A_469 = vector.shape_cast %swap3A_468 : vector<16xf32> to vector<16xf32>
    %swap3A_470 = vector.shape_cast %select_n3A_466 : vector<16xf32> to vector<16xf32>
    tpu.vector_store %arg5[%swap3A_467], %swap3A_470 {strides = array<i32>} : memref<8192xf32, #tpu.memory_space<vmem>>, vector<16xf32>,
    %eq3A_471 = vector.broadcast %add3A_393 : i32 to vector<16xi32>
    %eq3A_472 = arith.cmpi eq, %get3A_46, %eq3A_471 : vector<16xi32>
    %select_n3A_473 = arith.select %eq3A_472, %broadcast_in_dim3A_3, %broadcast_in_dim3A_5 : vector<16xi1>, vector<16xf32>
    %swap3A_474 = arith.constant 976 : index
    %swap3A_475 = tpu.vector_load %arg5[%swap3A_474] {strides = array<i32>} : memref<8192xf32, #tpu.memory_space<vmem>>, vector<16xf32>,
    %swap3A_476 = vector.shape_cast %swap3A_475 : vector<16xf32> to vector<16xf32>
    %swap3A_477 = vector.shape_cast %select_n3A_473 : vector<16xf32> to vector<16xf32>
    tpu.vector_store %arg5[%swap3A_474], %swap3A_477 {strides = array<i32>} : memref<8192xf32, #tpu.memory_space<vmem>>, vector<16xf32>,
    %eq3A_478 = vector.broadcast %add3A_393 : i32 to vector<16xi32>
    %eq3A_479 = arith.cmpi eq, %get3A_25, %eq3A_478 : vector<16xi32>
    %select_n3A_480 = arith.select %eq3A_479, %broadcast_in_dim3A_3, %broadcast_in_dim3A_5 : vector<16xi1>, vector<16xf32>
    %swap3A_481 = arith.constant 864 : index
    %swap3A_482 = tpu.vector_load %arg5[%swap3A_481] {strides = array<i32>} : memref<8192xf32, #tpu.memory_space<vmem>>, vector<16xf32>,
    %swap3A_483 = vector.shape_cast %swap3A_482 : vector<16xf32> to vector<16xf32>
    %swap3A_484 = vector.shape_cast %select_n3A_480 : vector<16xf32> to vector<16xf32>
    tpu.vector_store %arg5[%swap3A_481], %swap3A_484 {strides = array<i32>} : memref<8192xf32, #tpu.memory_space<vmem>>, vector<16xf32>,
    %eq3A_485 = vector.broadcast %add3A_393 : i32 to vector<16xi32>
    %eq3A_486 = arith.cmpi eq, %get3A_49, %eq3A_485 : vector<16xi32>
    %select_n3A_487 = arith.select %eq3A_486, %broadcast_in_dim3A_3, %broadcast_in_dim3A_5 : vector<16xi1>, vector<16xf32>
    %swap3A_488 = arith.constant 992 : index
    %swap3A_489 = tpu.vector_load %arg5[%swap3A_488] {strides = array<i32>} : memref<8192xf32, #tpu.memory_space<vmem>>, vector<16xf32>,
    %swap3A_490 = vector.shape_cast %swap3A_489 : vector<16xf32> to vector<16xf32>
    %swap3A_491 = vector.shape_cast %select_n3A_487 : vector<16xf32> to vector<16xf32>
    tpu.vector_store %arg5[%swap3A_488], %swap3A_491 {strides = array<i32>} : memref<8192xf32, #tpu.memory_space<vmem>>, vector<16xf32>,
    %eq3A_492 = vector.broadcast %add3A_393 : i32 to vector<16xi32>
    %eq3A_493 = arith.cmpi eq, %get3A_28, %eq3A_492 : vector<16xi32>
    %select_n3A_494 = arith.select %eq3A_493, %broadcast_in_dim3A_3, %broadcast_in_dim3A_5 : vector<16xi1>, vector<16xf32>
    %swap3A_495 = arith.constant 880 : index
    %swap3A_496 = tpu.vector_load %arg5[%swap3A_495] {strides = array<i32>} : memref<8192xf32, #tpu.memory_space<vmem>>, vector<16xf32>,
    %swap3A_497 = vector.shape_cast %swap3A_496 : vector<16xf32> to vector<16xf32>
    %swap3A_498 = vector.shape_cast %select_n3A_494 : vector<16xf32> to vector<16xf32>
    tpu.vector_store %arg5[%swap3A_495], %swap3A_498 {strides = array<i32>} : memref<8192xf32, #tpu.memory_space<vmem>>, vector<16xf32>,
    %eq3A_499 = vector.broadcast %add3A_393 : i32 to vector<16xi32>
    %eq3A_500 = arith.cmpi eq, %get3A_52, %eq3A_499 : vector<16xi32>
    %select_n3A_501 = arith.select %eq3A_500, %broadcast_in_dim3A_3, %broadcast_in_dim3A_5 : vector<16xi1>, vector<16xf32>
    %swap3A_502 = arith.constant 1008 : index
    %swap3A_503 = tpu.vector_load %arg5[%swap3A_502] {strides = array<i32>} : memref<8192xf32, #tpu.memory_space<vmem>>, vector<16xf32>,
    %swap3A_504 = vector.shape_cast %swap3A_503 : vector<16xf32> to vector<16xf32>
    %swap3A_505 = vector.shape_cast %select_n3A_501 : vector<16xf32> to vector<16xf32>
    tpu.vector_store %arg5[%swap3A_502], %swap3A_505 {strides = array<i32>} : memref<8192xf32, #tpu.memory_space<vmem>>, vector<16xf32>,
    %add3A_506 = arith.constant 4 : i32
    %add3A_507 = arith.addi %mul3A_2, %add3A_506 : i32
    %eq3A_508 = vector.broadcast %add3A_507 : i32 to vector<16xi32>
    %eq3A_509 = arith.cmpi eq, %get3A_7, %eq3A_508 : vector<16xi32>
    %select_n3A_510 = arith.select %eq3A_509, %broadcast_in_dim3A_3, %broadcast_in_dim3A_5 : vector<16xi1>, vector<16xf32>
    %swap3A_511 = arith.constant 1024 : index
    %swap3A_512 = tpu.vector_load %arg5[%swap3A_511] {strides = array<i32>} : memref<8192xf32, #tpu.memory_space<vmem>>, vector<16xf32>,
    %swap3A_513 = vector.shape_cast %swap3A_512 : vector<16xf32> to vector<16xf32>
    %swap3A_514 = vector.shape_cast %select_n3A_510 : vector<16xf32> to vector<16xf32>
    tpu.vector_store %arg5[%swap3A_511], %swap3A_514 {strides = array<i32>} : memref<8192xf32, #tpu.memory_space<vmem>>, vector<16xf32>,
    %eq3A_515 = vector.broadcast %add3A_507 : i32 to vector<16xi32>
    %eq3A_516 = arith.cmpi eq, %get3A_31, %eq3A_515 : vector<16xi32>
    %select_n3A_517 = arith.select %eq3A_516, %broadcast_in_dim3A_3, %broadcast_in_dim3A_5 : vector<16xi1>, vector<16xf32>
    %swap3A_518 = arith.constant 1152 : index
    %swap3A_519 = tpu.vector_load %arg5[%swap3A_518] {strides = array<i32>} : memref<8192xf32, #tpu.memory_space<vmem>>, vector<16xf32>,
    %swap3A_520 = vector.shape_cast %swap3A_519 : vector<16xf32> to vector<16xf32>
    %swap3A_521 = vector.shape_cast %select_n3A_517 : vector<16xf32> to vector<16xf32>
    tpu.vector_store %arg5[%swap3A_518], %swap3A_521 {strides = array<i32>} : memref<8192xf32, #tpu.memory_space<vmem>>, vector<16xf32>,
    %eq3A_522 = vector.broadcast %add3A_507 : i32 to vector<16xi32>
    %eq3A_523 = arith.cmpi eq, %get3A_10, %eq3A_522 : vector<16xi32>
    %select_n3A_524 = arith.select %eq3A_523, %broadcast_in_dim3A_3, %broadcast_in_dim3A_5 : vector<16xi1>, vector<16xf32>
    %swap3A_525 = arith.constant 1040 : index
    %swap3A_526 = tpu.vector_load %arg5[%swap3A_525] {strides = array<i32>} : memref<8192xf32, #tpu.memory_space<vmem>>, vector<16xf32>,
    %swap3A_527 = vector.shape_cast %swap3A_526 : vector<16xf32> to vector<16xf32>
    %swap3A_528 = vector.shape_cast %select_n3A_524 : vector<16xf32> to vector<16xf32>
    tpu.vector_store %arg5[%swap3A_525], %swap3A_528 {strides = array<i32>} : memref<8192xf32, #tpu.memory_space<vmem>>, vector<16xf32>,
    %eq3A_529 = vector.broadcast %add3A_507 : i32 to vector<16xi32>
    %eq3A_530 = arith.cmpi eq, %get3A_34, %eq3A_529 : vector<16xi32>
    %select_n3A_531 = arith.select %eq3A_530, %broadcast_in_dim3A_3, %broadcast_in_dim3A_5 : vector<16xi1>, vector<16xf32>
    %swap3A_532 = arith.constant 1168 : index
    %swap3A_533 = tpu.vector_load %arg5[%swap3A_532] {strides = array<i32>} : memref<8192xf32, #tpu.memory_space<vmem>>, vector<16xf32>,
    %swap3A_534 = vector.shape_cast %swap3A_533 : vector<16xf32> to vector<16xf32>
    %swap3A_535 = vector.shape_cast %select_n3A_531 : vector<16xf32> to vector<16xf32>
    tpu.vector_store %arg5[%swap3A_532], %swap3A_535 {strides = array<i32>} : memref<8192xf32, #tpu.memory_space<vmem>>, vector<16xf32>,
    %eq3A_536 = vector.broadcast %add3A_507 : i32 to vector<16xi32>
    %eq3A_537 = arith.cmpi eq, %get3A_13, %eq3A_536 : vector<16xi32>
    %select_n3A_538 = arith.select %eq3A_537, %broadcast_in_dim3A_3, %broadcast_in_dim3A_5 : vector<16xi1>, vector<16xf32>
    %swap3A_539 = arith.constant 1056 : index
    %swap3A_540 = tpu.vector_load %arg5[%swap3A_539] {strides = array<i32>} : memref<8192xf32, #tpu.memory_space<vmem>>, vector<16xf32>,
    %swap3A_541 = vector.shape_cast %swap3A_540 : vector<16xf32> to vector<16xf32>
    %swap3A_542 = vector.shape_cast %select_n3A_538 : vector<16xf32> to vector<16xf32>
    tpu.vector_store %arg5[%swap3A_539], %swap3A_542 {strides = array<i32>} : memref<8192xf32, #tpu.memory_space<vmem>>, vector<16xf32>,
    %eq3A_543 = vector.broadcast %add3A_507 : i32 to vector<16xi32>
    %eq3A_544 = arith.cmpi eq, %get3A_37, %eq3A_543 : vector<16xi32>
    %select_n3A_545 = arith.select %eq3A_544, %broadcast_in_dim3A_3, %broadcast_in_dim3A_5 : vector<16xi1>, vector<16xf32>
    %swap3A_546 = arith.constant 1184 : index
    %swap3A_547 = tpu.vector_load %arg5[%swap3A_546] {strides = array<i32>} : memref<8192xf32, #tpu.memory_space<vmem>>, vector<16xf32>,
    %swap3A_548 = vector.shape_cast %swap3A_547 : vector<16xf32> to vector<16xf32>
    %swap3A_549 = vector.shape_cast %select_n3A_545 : vector<16xf32> to vector<16xf32>
    tpu.vector_store %arg5[%swap3A_546], %swap3A_549 {strides = array<i32>} : memref<8192xf32, #tpu.memory_space<vmem>>, vector<16xf32>,
    %eq3A_550 = vector.broadcast %add3A_507 : i32 to vector<16xi32>
    %eq3A_551 = arith.cmpi eq, %get3A_16, %eq3A_550 : vector<16xi32>
    %select_n3A_552 = arith.select %eq3A_551, %broadcast_in_dim3A_3, %broadcast_in_dim3A_5 : vector<16xi1>, vector<16xf32>
    %swap3A_553 = arith.constant 1072 : index
    %swap3A_554 = tpu.vector_load %arg5[%swap3A_553] {strides = array<i32>} : memref<8192xf32, #tpu.memory_space<vmem>>, vector<16xf32>,
    %swap3A_555 = vector.shape_cast %swap3A_554 : vector<16xf32> to vector<16xf32>
    %swap3A_556 = vector.shape_cast %select_n3A_552 : vector<16xf32> to vector<16xf32>
    tpu.vector_store %arg5[%swap3A_553], %swap3A_556 {strides = array<i32>} : memref<8192xf32, #tpu.memory_space<vmem>>, vector<16xf32>,
    %eq3A_557 = vector.broadcast %add3A_507 : i32 to vector<16xi32>
    %eq3A_558 = arith.cmpi eq, %get3A_40, %eq3A_557 : vector<16xi32>
    %select_n3A_559 = arith.select %eq3A_558, %broadcast_in_dim3A_3, %broadcast_in_dim3A_5 : vector<16xi1>, vector<16xf32>
    %swap3A_560 = arith.constant 1200 : index
    %swap3A_561 = tpu.vector_load %arg5[%swap3A_560] {strides = array<i32>} : memref<8192xf32, #tpu.memory_space<vmem>>, vector<16xf32>,
    %swap3A_562 = vector.shape_cast %swap3A_561 : vector<16xf32> to vector<16xf32>
    %swap3A_563 = vector.shape_cast %select_n3A_559 : vector<16xf32> to vector<16xf32>
    tpu.vector_store %arg5[%swap3A_560], %swap3A_563 {strides = array<i32>} : memref<8192xf32, #tpu.memory_space<vmem>>, vector<16xf32>,
    %eq3A_564 = vector.broadcast %add3A_507 : i32 to vector<16xi32>
    %eq3A_565 = arith.cmpi eq, %get3A_19, %eq3A_564 : vector<16xi32>
    %select_n3A_566 = arith.select %eq3A_565, %broadcast_in_dim3A_3, %broadcast_in_dim3A_5 : vector<16xi1>, vector<16xf32>
    %swap3A_567 = arith.constant 1088 : index
    %swap3A_568 = tpu.vector_load %arg5[%swap3A_567] {strides = array<i32>} : memref<8192xf32, #tpu.memory_space<vmem>>, vector<16xf32>,
    %swap3A_569 = vector.shape_cast %swap3A_568 : vector<16xf32> to vector<16xf32>
    %swap3A_570 = vector.shape_cast %select_n3A_566 : vector<16xf32> to vector<16xf32>
    tpu.vector_store %arg5[%swap3A_567], %swap3A_570 {strides = array<i32>} : memref<8192xf32, #tpu.memory_space<vmem>>, vector<16xf32>,
    %eq3A_571 = vector.broadcast %add3A_507 : i32 to vector<16xi32>
    %eq3A_572 = arith.cmpi eq, %get3A_43, %eq3A_571 : vector<16xi32>
    %select_n3A_573 = arith.select %eq3A_572, %broadcast_in_dim3A_3, %broadcast_in_dim3A_5 : vector<16xi1>, vector<16xf32>
    %swap3A_574 = arith.constant 1216 : index
    %swap3A_575 = tpu.vector_load %arg5[%swap3A_574] {strides = array<i32>} : memref<8192xf32, #tpu.memory_space<vmem>>, vector<16xf32>,
    %swap3A_576 = vector.shape_cast %swap3A_575 : vector<16xf32> to vector<16xf32>
    %swap3A_577 = vector.shape_cast %select_n3A_573 : vector<16xf32> to vector<16xf32>
    tpu.vector_store %arg5[%swap3A_574], %swap3A_577 {strides = array<i32>} : memref<8192xf32, #tpu.memory_space<vmem>>, vector<16xf32>,
    %eq3A_578 = vector.broadcast %add3A_507 : i32 to vector<16xi32>
    %eq3A_579 = arith.cmpi eq, %get3A_22, %eq3A_578 : vector<16xi32>
    %select_n3A_580 = arith.select %eq3A_579, %broadcast_in_dim3A_3, %broadcast_in_dim3A_5 : vector<16xi1>, vector<16xf32>
    %swap3A_581 = arith.constant 1104 : index
    %swap3A_582 = tpu.vector_load %arg5[%swap3A_581] {strides = array<i32>} : memref<8192xf32, #tpu.memory_space<vmem>>, vector<16xf32>,
    %swap3A_583 = vector.shape_cast %swap3A_582 : vector<16xf32> to vector<16xf32>
    %swap3A_584 = vector.shape_cast %select_n3A_580 : vector<16xf32> to vector<16xf32>
    tpu.vector_store %arg5[%swap3A_581], %swap3A_584 {strides = array<i32>} : memref<8192xf32, #tpu.memory_space<vmem>>, vector<16xf32>,
    %eq3A_585 = vector.broadcast %add3A_507 : i32 to vector<16xi32>
    %eq3A_586 = arith.cmpi eq, %get3A_46, %eq3A_585 : vector<16xi32>
    %select_n3A_587 = arith.select %eq3A_586, %broadcast_in_dim3A_3, %broadcast_in_dim3A_5 : vector<16xi1>, vector<16xf32>
    %swap3A_588 = arith.constant 1232 : index
    %swap3A_589 = tpu.vector_load %arg5[%swap3A_588] {strides = array<i32>} : memref<8192xf32, #tpu.memory_space<vmem>>, vector<16xf32>,
    %swap3A_590 = vector.shape_cast %swap3A_589 : vector<16xf32> to vector<16xf32>
    %swap3A_591 = vector.shape_cast %select_n3A_587 : vector<16xf32> to vector<16xf32>
    tpu.vector_store %arg5[%swap3A_588], %swap3A_591 {strides = array<i32>} : memref<8192xf32, #tpu.memory_space<vmem>>, vector<16xf32>,
    %eq3A_592 = vector.broadcast %add3A_507 : i32 to vector<16xi32>
    %eq3A_593 = arith.cmpi eq, %get3A_25, %eq3A_592 : vector<16xi32>
    %select_n3A_594 = arith.select %eq3A_593, %broadcast_in_dim3A_3, %broadcast_in_dim3A_5 : vector<16xi1>, vector<16xf32>
    %swap3A_595 = arith.constant 1120 : index
    %swap3A_596 = tpu.vector_load %arg5[%swap3A_595] {strides = array<i32>} : memref<8192xf32, #tpu.memory_space<vmem>>, vector<16xf32>,
    %swap3A_597 = vector.shape_cast %swap3A_596 : vector<16xf32> to vector<16xf32>
    %swap3A_598 = vector.shape_cast %select_n3A_594 : vector<16xf32> to vector<16xf32>
    tpu.vector_store %arg5[%swap3A_595], %swap3A_598 {strides = array<i32>} : memref<8192xf32, #tpu.memory_space<vmem>>, vector<16xf32>,
    %eq3A_599 = vector.broadcast %add3A_507 : i32 to vector<16xi32>
    %eq3A_600 = arith.cmpi eq, %get3A_49, %eq3A_599 : vector<16xi32>
    %select_n3A_601 = arith.select %eq3A_600, %broadcast_in_dim3A_3, %broadcast_in_dim3A_5 : vector<16xi1>, vector<16xf32>
    %swap3A_602 = arith.constant 1248 : index
    %swap3A_603 = tpu.vector_load %arg5[%swap3A_602] {strides = array<i32>} : memref<8192xf32, #tpu.memory_space<vmem>>, vector<16xf32>,
    %swap3A_604 = vector.shape_cast %swap3A_603 : vector<16xf32> to vector<16xf32>
    %swap3A_605 = vector.shape_cast %select_n3A_601 : vector<16xf32> to vector<16xf32>
    tpu.vector_store %arg5[%swap3A_602], %swap3A_605 {strides = array<i32>} : memref<8192xf32, #tpu.memory_space<vmem>>, vector<16xf32>,
    %eq3A_606 = vector.broadcast %add3A_507 : i32 to vector<16xi32>
    %eq3A_607 = arith.cmpi eq, %get3A_28, %eq3A_606 : vector<16xi32>
    %select_n3A_608 = arith.select %eq3A_607, %broadcast_in_dim3A_3, %broadcast_in_dim3A_5 : vector<16xi1>, vector<16xf32>
    %swap3A_609 = arith.constant 1136 : index
    %swap3A_610 = tpu.vector_load %arg5[%swap3A_609] {strides = array<i32>} : memref<8192xf32, #tpu.memory_space<vmem>>, vector<16xf32>,
    %swap3A_611 = vector.shape_cast %swap3A_610 : vector<16xf32> to vector<16xf32>
    %swap3A_612 = vector.shape_cast %select_n3A_608 : vector<16xf32> to vector<16xf32>
    tpu.vector_store %arg5[%swap3A_609], %swap3A_612 {strides = array<i32>} : memref<8192xf32, #tpu.memory_space<vmem>>, vector<16xf32>,
    %eq3A_613 = vector.broadcast %add3A_507 : i32 to vector<16xi32>
    %eq3A_614 = arith.cmpi eq, %get3A_52, %eq3A_613 : vector<16xi32>
    %select_n3A_615 = arith.select %eq3A_614, %broadcast_in_dim3A_3, %broadcast_in_dim3A_5 : vector<16xi1>, vector<16xf32>
    %swap3A_616 = arith.constant 1264 : index
    %swap3A_617 = tpu.vector_load %arg5[%swap3A_616] {strides = array<i32>} : memref<8192xf32, #tpu.memory_space<vmem>>, vector<16xf32>,
    %swap3A_618 = vector.shape_cast %swap3A_617 : vector<16xf32> to vector<16xf32>
    %swap3A_619 = vector.shape_cast %select_n3A_615 : vector<16xf32> to vector<16xf32>
    tpu.vector_store %arg5[%swap3A_616], %swap3A_619 {strides = array<i32>} : memref<8192xf32, #tpu.memory_space<vmem>>, vector<16xf32>,
    %add3A_620 = arith.constant 5 : i32
    %add3A_621 = arith.addi %mul3A_2, %add3A_620 : i32
    %eq3A_622 = vector.broadcast %add3A_621 : i32 to vector<16xi32>
    %eq3A_623 = arith.cmpi eq, %get3A_7, %eq3A_622 : vector<16xi32>
    %select_n3A_624 = arith.select %eq3A_623, %broadcast_in_dim3A_3, %broadcast_in_dim3A_5 : vector<16xi1>, vector<16xf32>
    %swap3A_625 = arith.constant 1280 : index
    %swap3A_626 = tpu.vector_load %arg5[%swap3A_625] {strides = array<i32>} : memref<8192xf32, #tpu.memory_space<vmem>>, vector<16xf32>,
    %swap3A_627 = vector.shape_cast %swap3A_626 : vector<16xf32> to vector<16xf32>
    %swap3A_628 = vector.shape_cast %select_n3A_624 : vector<16xf32> to vector<16xf32>
    tpu.vector_store %arg5[%swap3A_625], %swap3A_628 {strides = array<i32>} : memref<8192xf32, #tpu.memory_space<vmem>>, vector<16xf32>,
    %eq3A_629 = vector.broadcast %add3A_621 : i32 to vector<16xi32>
    %eq3A_630 = arith.cmpi eq, %get3A_31, %eq3A_629 : vector<16xi32>
    %select_n3A_631 = arith.select %eq3A_630, %broadcast_in_dim3A_3, %broadcast_in_dim3A_5 : vector<16xi1>, vector<16xf32>
    %swap3A_632 = arith.constant 1408 : index
    %swap3A_633 = tpu.vector_load %arg5[%swap3A_632] {strides = array<i32>} : memref<8192xf32, #tpu.memory_space<vmem>>, vector<16xf32>,
    %swap3A_634 = vector.shape_cast %swap3A_633 : vector<16xf32> to vector<16xf32>
    %swap3A_635 = vector.shape_cast %select_n3A_631 : vector<16xf32> to vector<16xf32>
    tpu.vector_store %arg5[%swap3A_632], %swap3A_635 {strides = array<i32>} : memref<8192xf32, #tpu.memory_space<vmem>>, vector<16xf32>,
    %eq3A_636 = vector.broadcast %add3A_621 : i32 to vector<16xi32>
    %eq3A_637 = arith.cmpi eq, %get3A_10, %eq3A_636 : vector<16xi32>
    %select_n3A_638 = arith.select %eq3A_637, %broadcast_in_dim3A_3, %broadcast_in_dim3A_5 : vector<16xi1>, vector<16xf32>
    %swap3A_639 = arith.constant 1296 : index
    %swap3A_640 = tpu.vector_load %arg5[%swap3A_639] {strides = array<i32>} : memref<8192xf32, #tpu.memory_space<vmem>>, vector<16xf32>,
    %swap3A_641 = vector.shape_cast %swap3A_640 : vector<16xf32> to vector<16xf32>
    %swap3A_642 = vector.shape_cast %select_n3A_638 : vector<16xf32> to vector<16xf32>
    tpu.vector_store %arg5[%swap3A_639], %swap3A_642 {strides = array<i32>} : memref<8192xf32, #tpu.memory_space<vmem>>, vector<16xf32>,
    %eq3A_643 = vector.broadcast %add3A_621 : i32 to vector<16xi32>
    %eq3A_644 = arith.cmpi eq, %get3A_34, %eq3A_643 : vector<16xi32>
    %select_n3A_645 = arith.select %eq3A_644, %broadcast_in_dim3A_3, %broadcast_in_dim3A_5 : vector<16xi1>, vector<16xf32>
    %swap3A_646 = arith.constant 1424 : index
    %swap3A_647 = tpu.vector_load %arg5[%swap3A_646] {strides = array<i32>} : memref<8192xf32, #tpu.memory_space<vmem>>, vector<16xf32>,
    %swap3A_648 = vector.shape_cast %swap3A_647 : vector<16xf32> to vector<16xf32>
    %swap3A_649 = vector.shape_cast %select_n3A_645 : vector<16xf32> to vector<16xf32>
    tpu.vector_store %arg5[%swap3A_646], %swap3A_649 {strides = array<i32>} : memref<8192xf32, #tpu.memory_space<vmem>>, vector<16xf32>,
    %eq3A_650 = vector.broadcast %add3A_621 : i32 to vector<16xi32>
    %eq3A_651 = arith.cmpi eq, %get3A_13, %eq3A_650 : vector<16xi32>
    %select_n3A_652 = arith.select %eq3A_651, %broadcast_in_dim3A_3, %broadcast_in_dim3A_5 : vector<16xi1>, vector<16xf32>
    %swap3A_653 = arith.constant 1312 : index
    %swap3A_654 = tpu.vector_load %arg5[%swap3A_653] {strides = array<i32>} : memref<8192xf32, #tpu.memory_space<vmem>>, vector<16xf32>,
    %swap3A_655 = vector.shape_cast %swap3A_654 : vector<16xf32> to vector<16xf32>
    %swap3A_656 = vector.shape_cast %select_n3A_652 : vector<16xf32> to vector<16xf32>
    tpu.vector_store %arg5[%swap3A_653], %swap3A_656 {strides = array<i32>} : memref<8192xf32, #tpu.memory_space<vmem>>, vector<16xf32>,
    %eq3A_657 = vector.broadcast %add3A_621 : i32 to vector<16xi32>
    %eq3A_658 = arith.cmpi eq, %get3A_37, %eq3A_657 : vector<16xi32>
    %select_n3A_659 = arith.select %eq3A_658, %broadcast_in_dim3A_3, %broadcast_in_dim3A_5 : vector<16xi1>, vector<16xf32>
    %swap3A_660 = arith.constant 1440 : index
    %swap3A_661 = tpu.vector_load %arg5[%swap3A_660] {strides = array<i32>} : memref<8192xf32, #tpu.memory_space<vmem>>, vector<16xf32>,
    %swap3A_662 = vector.shape_cast %swap3A_661 : vector<16xf32> to vector<16xf32>
    %swap3A_663 = vector.shape_cast %select_n3A_659 : vector<16xf32> to vector<16xf32>
    tpu.vector_store %arg5[%swap3A_660], %swap3A_663 {strides = array<i32>} : memref<8192xf32, #tpu.memory_space<vmem>>, vector<16xf32>,
    %eq3A_664 = vector.broadcast %add3A_621 : i32 to vector<16xi32>
    %eq3A_665 = arith.cmpi eq, %get3A_16, %eq3A_664 : vector<16xi32>
    %select_n3A_666 = arith.select %eq3A_665, %broadcast_in_dim3A_3, %broadcast_in_dim3A_5 : vector<16xi1>, vector<16xf32>
    %swap3A_667 = arith.constant 1328 : index
    %swap3A_668 = tpu.vector_load %arg5[%swap3A_667] {strides = array<i32>} : memref<8192xf32, #tpu.memory_space<vmem>>, vector<16xf32>,
    %swap3A_669 = vector.shape_cast %swap3A_668 : vector<16xf32> to vector<16xf32>
    %swap3A_670 = vector.shape_cast %select_n3A_666 : vector<16xf32> to vector<16xf32>
    tpu.vector_store %arg5[%swap3A_667], %swap3A_670 {strides = array<i32>} : memref<8192xf32, #tpu.memory_space<vmem>>, vector<16xf32>,
    %eq3A_671 = vector.broadcast %add3A_621 : i32 to vector<16xi32>
    %eq3A_672 = arith.cmpi eq, %get3A_40, %eq3A_671 : vector<16xi32>
    %select_n3A_673 = arith.select %eq3A_672, %broadcast_in_dim3A_3, %broadcast_in_dim3A_5 : vector<16xi1>, vector<16xf32>
    %swap3A_674 = arith.constant 1456 : index
    %swap3A_675 = tpu.vector_load %arg5[%swap3A_674] {strides = array<i32>} : memref<8192xf32, #tpu.memory_space<vmem>>, vector<16xf32>,
    %swap3A_676 = vector.shape_cast %swap3A_675 : vector<16xf32> to vector<16xf32>
    %swap3A_677 = vector.shape_cast %select_n3A_673 : vector<16xf32> to vector<16xf32>
    tpu.vector_store %arg5[%swap3A_674], %swap3A_677 {strides = array<i32>} : memref<8192xf32, #tpu.memory_space<vmem>>, vector<16xf32>,
    %eq3A_678 = vector.broadcast %add3A_621 : i32 to vector<16xi32>
    %eq3A_679 = arith.cmpi eq, %get3A_19, %eq3A_678 : vector<16xi32>
    %select_n3A_680 = arith.select %eq3A_679, %broadcast_in_dim3A_3, %broadcast_in_dim3A_5 : vector<16xi1>, vector<16xf32>
    %swap3A_681 = arith.constant 1344 : index
    %swap3A_682 = tpu.vector_load %arg5[%swap3A_681] {strides = array<i32>} : memref<8192xf32, #tpu.memory_space<vmem>>, vector<16xf32>,
    %swap3A_683 = vector.shape_cast %swap3A_682 : vector<16xf32> to vector<16xf32>
    %swap3A_684 = vector.shape_cast %select_n3A_680 : vector<16xf32> to vector<16xf32>
    tpu.vector_store %arg5[%swap3A_681], %swap3A_684 {strides = array<i32>} : memref<8192xf32, #tpu.memory_space<vmem>>, vector<16xf32>,
    %eq3A_685 = vector.broadcast %add3A_621 : i32 to vector<16xi32>
    %eq3A_686 = arith.cmpi eq, %get3A_43, %eq3A_685 : vector<16xi32>
    %select_n3A_687 = arith.select %eq3A_686, %broadcast_in_dim3A_3, %broadcast_in_dim3A_5 : vector<16xi1>, vector<16xf32>
    %swap3A_688 = arith.constant 1472 : index
    %swap3A_689 = tpu.vector_load %arg5[%swap3A_688] {strides = array<i32>} : memref<8192xf32, #tpu.memory_space<vmem>>, vector<16xf32>,
    %swap3A_690 = vector.shape_cast %swap3A_689 : vector<16xf32> to vector<16xf32>
    %swap3A_691 = vector.shape_cast %select_n3A_687 : vector<16xf32> to vector<16xf32>
    tpu.vector_store %arg5[%swap3A_688], %swap3A_691 {strides = array<i32>} : memref<8192xf32, #tpu.memory_space<vmem>>, vector<16xf32>,
    %eq3A_692 = vector.broadcast %add3A_621 : i32 to vector<16xi32>
    %eq3A_693 = arith.cmpi eq, %get3A_22, %eq3A_692 : vector<16xi32>
    %select_n3A_694 = arith.select %eq3A_693, %broadcast_in_dim3A_3, %broadcast_in_dim3A_5 : vector<16xi1>, vector<16xf32>
    %swap3A_695 = arith.constant 1360 : index
    %swap3A_696 = tpu.vector_load %arg5[%swap3A_695] {strides = array<i32>} : memref<8192xf32, #tpu.memory_space<vmem>>, vector<16xf32>,
    %swap3A_697 = vector.shape_cast %swap3A_696 : vector<16xf32> to vector<16xf32>
    %swap3A_698 = vector.shape_cast %select_n3A_694 : vector<16xf32> to vector<16xf32>
    tpu.vector_store %arg5[%swap3A_695], %swap3A_698 {strides = array<i32>} : memref<8192xf32, #tpu.memory_space<vmem>>, vector<16xf32>,
    %eq3A_699 = vector.broadcast %add3A_621 : i32 to vector<16xi32>
    %eq3A_700 = arith.cmpi eq, %get3A_46, %eq3A_699 : vector<16xi32>
    %select_n3A_701 = arith.select %eq3A_700, %broadcast_in_dim3A_3, %broadcast_in_dim3A_5 : vector<16xi1>, vector<16xf32>
    %swap3A_702 = arith.constant 1488 : index
    %swap3A_703 = tpu.vector_load %arg5[%swap3A_702] {strides = array<i32>} : memref<8192xf32, #tpu.memory_space<vmem>>, vector<16xf32>,
    %swap3A_704 = vector.shape_cast %swap3A_703 : vector<16xf32> to vector<16xf32>
    %swap3A_705 = vector.shape_cast %select_n3A_701 : vector<16xf32> to vector<16xf32>
    tpu.vector_store %arg5[%swap3A_702], %swap3A_705 {strides = array<i32>} : memref<8192xf32, #tpu.memory_space<vmem>>, vector<16xf32>,
    %eq3A_706 = vector.broadcast %add3A_621 : i32 to vector<16xi32>
    %eq3A_707 = arith.cmpi eq, %get3A_25, %eq3A_706 : vector<16xi32>
    %select_n3A_708 = arith.select %eq3A_707, %broadcast_in_dim3A_3, %broadcast_in_dim3A_5 : vector<16xi1>, vector<16xf32>
    %swap3A_709 = arith.constant 1376 : index
    %swap3A_710 = tpu.vector_load %arg5[%swap3A_709] {strides = array<i32>} : memref<8192xf32, #tpu.memory_space<vmem>>, vector<16xf32>,
    %swap3A_711 = vector.shape_cast %swap3A_710 : vector<16xf32> to vector<16xf32>
    %swap3A_712 = vector.shape_cast %select_n3A_708 : vector<16xf32> to vector<16xf32>
    tpu.vector_store %arg5[%swap3A_709], %swap3A_712 {strides = array<i32>} : memref<8192xf32, #tpu.memory_space<vmem>>, vector<16xf32>,
    %eq3A_713 = vector.broadcast %add3A_621 : i32 to vector<16xi32>
    %eq3A_714 = arith.cmpi eq, %get3A_49, %eq3A_713 : vector<16xi32>
    %select_n3A_715 = arith.select %eq3A_714, %broadcast_in_dim3A_3, %broadcast_in_dim3A_5 : vector<16xi1>, vector<16xf32>
    %swap3A_716 = arith.constant 1504 : index
    %swap3A_717 = tpu.vector_load %arg5[%swap3A_716] {strides = array<i32>} : memref<8192xf32, #tpu.memory_space<vmem>>, vector<16xf32>,
    %swap3A_718 = vector.shape_cast %swap3A_717 : vector<16xf32> to vector<16xf32>
    %swap3A_719 = vector.shape_cast %select_n3A_715 : vector<16xf32> to vector<16xf32>
    tpu.vector_store %arg5[%swap3A_716], %swap3A_719 {strides = array<i32>} : memref<8192xf32, #tpu.memory_space<vmem>>, vector<16xf32>,
    %eq3A_720 = vector.broadcast %add3A_621 : i32 to vector<16xi32>
    %eq3A_721 = arith.cmpi eq, %get3A_28, %eq3A_720 : vector<16xi32>
    %select_n3A_722 = arith.select %eq3A_721, %broadcast_in_dim3A_3, %broadcast_in_dim3A_5 : vector<16xi1>, vector<16xf32>
    %swap3A_723 = arith.constant 1392 : index
    %swap3A_724 = tpu.vector_load %arg5[%swap3A_723] {strides = array<i32>} : memref<8192xf32, #tpu.memory_space<vmem>>, vector<16xf32>,
    %swap3A_725 = vector.shape_cast %swap3A_724 : vector<16xf32> to vector<16xf32>
    %swap3A_726 = vector.shape_cast %select_n3A_722 : vector<16xf32> to vector<16xf32>
    tpu.vector_store %arg5[%swap3A_723], %swap3A_726 {strides = array<i32>} : memref<8192xf32, #tpu.memory_space<vmem>>, vector<16xf32>,
    %eq3A_727 = vector.broadcast %add3A_621 : i32 to vector<16xi32>
    %eq3A_728 = arith.cmpi eq, %get3A_52, %eq3A_727 : vector<16xi32>
    %select_n3A_729 = arith.select %eq3A_728, %broadcast_in_dim3A_3, %broadcast_in_dim3A_5 : vector<16xi1>, vector<16xf32>
    %swap3A_730 = arith.constant 1520 : index
    %swap3A_731 = tpu.vector_load %arg5[%swap3A_730] {strides = array<i32>} : memref<8192xf32, #tpu.memory_space<vmem>>, vector<16xf32>,
    %swap3A_732 = vector.shape_cast %swap3A_731 : vector<16xf32> to vector<16xf32>
    %swap3A_733 = vector.shape_cast %select_n3A_729 : vector<16xf32> to vector<16xf32>
    tpu.vector_store %arg5[%swap3A_730], %swap3A_733 {strides = array<i32>} : memref<8192xf32, #tpu.memory_space<vmem>>, vector<16xf32>,
    %add3A_734 = arith.constant 6 : i32
    %add3A_735 = arith.addi %mul3A_2, %add3A_734 : i32
    %eq3A_736 = vector.broadcast %add3A_735 : i32 to vector<16xi32>
    %eq3A_737 = arith.cmpi eq, %get3A_7, %eq3A_736 : vector<16xi32>
    %select_n3A_738 = arith.select %eq3A_737, %broadcast_in_dim3A_3, %broadcast_in_dim3A_5 : vector<16xi1>, vector<16xf32>
    %swap3A_739 = arith.constant 1536 : index
    %swap3A_740 = tpu.vector_load %arg5[%swap3A_739] {strides = array<i32>} : memref<8192xf32, #tpu.memory_space<vmem>>, vector<16xf32>,
    %swap3A_741 = vector.shape_cast %swap3A_740 : vector<16xf32> to vector<16xf32>
    %swap3A_742 = vector.shape_cast %select_n3A_738 : vector<16xf32> to vector<16xf32>
    tpu.vector_store %arg5[%swap3A_739], %swap3A_742 {strides = array<i32>} : memref<8192xf32, #tpu.memory_space<vmem>>, vector<16xf32>,
    %eq3A_743 = vector.broadcast %add3A_735 : i32 to vector<16xi32>
    %eq3A_744 = arith.cmpi eq, %get3A_31, %eq3A_743 : vector<16xi32>
    %select_n3A_745 = arith.select %eq3A_744, %broadcast_in_dim3A_3, %broadcast_in_dim3A_5 : vector<16xi1>, vector<16xf32>
    %swap3A_746 = arith.constant 1664 : index
    %swap3A_747 = tpu.vector_load %arg5[%swap3A_746] {strides = array<i32>} : memref<8192xf32, #tpu.memory_space<vmem>>, vector<16xf32>,
    %swap3A_748 = vector.shape_cast %swap3A_747 : vector<16xf32> to vector<16xf32>
    %swap3A_749 = vector.shape_cast %select_n3A_745 : vector<16xf32> to vector<16xf32>
    tpu.vector_store %arg5[%swap3A_746], %swap3A_749 {strides = array<i32>} : memref<8192xf32, #tpu.memory_space<vmem>>, vector<16xf32>,
    %eq3A_750 = vector.broadcast %add3A_735 : i32 to vector<16xi32>
    %eq3A_751 = arith.cmpi eq, %get3A_10, %eq3A_750 : vector<16xi32>
    %select_n3A_752 = arith.select %eq3A_751, %broadcast_in_dim3A_3, %broadcast_in_dim3A_5 : vector<16xi1>, vector<16xf32>
    %swap3A_753 = arith.constant 1552 : index
    %swap3A_754 = tpu.vector_load %arg5[%swap3A_753] {strides = array<i32>} : memref<8192xf32, #tpu.memory_space<vmem>>, vector<16xf32>,
    %swap3A_755 = vector.shape_cast %swap3A_754 : vector<16xf32> to vector<16xf32>
    %swap3A_756 = vector.shape_cast %select_n3A_752 : vector<16xf32> to vector<16xf32>
    tpu.vector_store %arg5[%swap3A_753], %swap3A_756 {strides = array<i32>} : memref<8192xf32, #tpu.memory_space<vmem>>, vector<16xf32>,
    %eq3A_757 = vector.broadcast %add3A_735 : i32 to vector<16xi32>
    %eq3A_758 = arith.cmpi eq, %get3A_34, %eq3A_757 : vector<16xi32>
    %select_n3A_759 = arith.select %eq3A_758, %broadcast_in_dim3A_3, %broadcast_in_dim3A_5 : vector<16xi1>, vector<16xf32>
    %swap3A_760 = arith.constant 1680 : index
    %swap3A_761 = tpu.vector_load %arg5[%swap3A_760] {strides = array<i32>} : memref<8192xf32, #tpu.memory_space<vmem>>, vector<16xf32>,
    %swap3A_762 = vector.shape_cast %swap3A_761 : vector<16xf32> to vector<16xf32>
    %swap3A_763 = vector.shape_cast %select_n3A_759 : vector<16xf32> to vector<16xf32>
    tpu.vector_store %arg5[%swap3A_760], %swap3A_763 {strides = array<i32>} : memref<8192xf32, #tpu.memory_space<vmem>>, vector<16xf32>,
    %eq3A_764 = vector.broadcast %add3A_735 : i32 to vector<16xi32>
    %eq3A_765 = arith.cmpi eq, %get3A_13, %eq3A_764 : vector<16xi32>
    %select_n3A_766 = arith.select %eq3A_765, %broadcast_in_dim3A_3, %broadcast_in_dim3A_5 : vector<16xi1>, vector<16xf32>
    %swap3A_767 = arith.constant 1568 : index
    %swap3A_768 = tpu.vector_load %arg5[%swap3A_767] {strides = array<i32>} : memref<8192xf32, #tpu.memory_space<vmem>>, vector<16xf32>,
    %swap3A_769 = vector.shape_cast %swap3A_768 : vector<16xf32> to vector<16xf32>
    %swap3A_770 = vector.shape_cast %select_n3A_766 : vector<16xf32> to vector<16xf32>
    tpu.vector_store %arg5[%swap3A_767], %swap3A_770 {strides = array<i32>} : memref<8192xf32, #tpu.memory_space<vmem>>, vector<16xf32>,
    %eq3A_771 = vector.broadcast %add3A_735 : i32 to vector<16xi32>
    %eq3A_772 = arith.cmpi eq, %get3A_37, %eq3A_771 : vector<16xi32>
    %select_n3A_773 = arith.select %eq3A_772, %broadcast_in_dim3A_3, %broadcast_in_dim3A_5 : vector<16xi1>, vector<16xf32>
    %swap3A_774 = arith.constant 1696 : index
    %swap3A_775 = tpu.vector_load %arg5[%swap3A_774] {strides = array<i32>} : memref<8192xf32, #tpu.memory_space<vmem>>, vector<16xf32>,
    %swap3A_776 = vector.shape_cast %swap3A_775 : vector<16xf32> to vector<16xf32>
    %swap3A_777 = vector.shape_cast %select_n3A_773 : vector<16xf32> to vector<16xf32>
    tpu.vector_store %arg5[%swap3A_774], %swap3A_777 {strides = array<i32>} : memref<8192xf32, #tpu.memory_space<vmem>>, vector<16xf32>,
    %eq3A_778 = vector.broadcast %add3A_735 : i32 to vector<16xi32>
    %eq3A_779 = arith.cmpi eq, %get3A_16, %eq3A_778 : vector<16xi32>
    %select_n3A_780 = arith.select %eq3A_779, %broadcast_in_dim3A_3, %broadcast_in_dim3A_5 : vector<16xi1>, vector<16xf32>
    %swap3A_781 = arith.constant 1584 : index
    %swap3A_782 = tpu.vector_load %arg5[%swap3A_781] {strides = array<i32>} : memref<8192xf32, #tpu.memory_space<vmem>>, vector<16xf32>,
    %swap3A_783 = vector.shape_cast %swap3A_782 : vector<16xf32> to vector<16xf32>
    %swap3A_784 = vector.shape_cast %select_n3A_780 : vector<16xf32> to vector<16xf32>
    tpu.vector_store %arg5[%swap3A_781], %swap3A_784 {strides = array<i32>} : memref<8192xf32, #tpu.memory_space<vmem>>, vector<16xf32>,
    %eq3A_785 = vector.broadcast %add3A_735 : i32 to vector<16xi32>
    %eq3A_786 = arith.cmpi eq, %get3A_40, %eq3A_785 : vector<16xi32>
    %select_n3A_787 = arith.select %eq3A_786, %broadcast_in_dim3A_3, %broadcast_in_dim3A_5 : vector<16xi1>, vector<16xf32>
    %swap3A_788 = arith.constant 1712 : index
    %swap3A_789 = tpu.vector_load %arg5[%swap3A_788] {strides = array<i32>} : memref<8192xf32, #tpu.memory_space<vmem>>, vector<16xf32>,
    %swap3A_790 = vector.shape_cast %swap3A_789 : vector<16xf32> to vector<16xf32>
    %swap3A_791 = vector.shape_cast %select_n3A_787 : vector<16xf32> to vector<16xf32>
    tpu.vector_store %arg5[%swap3A_788], %swap3A_791 {strides = array<i32>} : memref<8192xf32, #tpu.memory_space<vmem>>, vector<16xf32>,
    %eq3A_792 = vector.broadcast %add3A_735 : i32 to vector<16xi32>
    %eq3A_793 = arith.cmpi eq, %get3A_19, %eq3A_792 : vector<16xi32>
    %select_n3A_794 = arith.select %eq3A_793, %broadcast_in_dim3A_3, %broadcast_in_dim3A_5 : vector<16xi1>, vector<16xf32>
    %swap3A_795 = arith.constant 1600 : index
    %swap3A_796 = tpu.vector_load %arg5[%swap3A_795] {strides = array<i32>} : memref<8192xf32, #tpu.memory_space<vmem>>, vector<16xf32>,
    %swap3A_797 = vector.shape_cast %swap3A_796 : vector<16xf32> to vector<16xf32>
    %swap3A_798 = vector.shape_cast %select_n3A_794 : vector<16xf32> to vector<16xf32>
    tpu.vector_store %arg5[%swap3A_795], %swap3A_798 {strides = array<i32>} : memref<8192xf32, #tpu.memory_space<vmem>>, vector<16xf32>,
    %eq3A_799 = vector.broadcast %add3A_735 : i32 to vector<16xi32>
    %eq3A_800 = arith.cmpi eq, %get3A_43, %eq3A_799 : vector<16xi32>
    %select_n3A_801 = arith.select %eq3A_800, %broadcast_in_dim3A_3, %broadcast_in_dim3A_5 : vector<16xi1>, vector<16xf32>
    %swap3A_802 = arith.constant 1728 : index
    %swap3A_803 = tpu.vector_load %arg5[%swap3A_802] {strides = array<i32>} : memref<8192xf32, #tpu.memory_space<vmem>>, vector<16xf32>,
    %swap3A_804 = vector.shape_cast %swap3A_803 : vector<16xf32> to vector<16xf32>
    %swap3A_805 = vector.shape_cast %select_n3A_801 : vector<16xf32> to vector<16xf32>
    tpu.vector_store %arg5[%swap3A_802], %swap3A_805 {strides = array<i32>} : memref<8192xf32, #tpu.memory_space<vmem>>, vector<16xf32>,
    %eq3A_806 = vector.broadcast %add3A_735 : i32 to vector<16xi32>
    %eq3A_807 = arith.cmpi eq, %get3A_22, %eq3A_806 : vector<16xi32>
    %select_n3A_808 = arith.select %eq3A_807, %broadcast_in_dim3A_3, %broadcast_in_dim3A_5 : vector<16xi1>, vector<16xf32>
    %swap3A_809 = arith.constant 1616 : index
    %swap3A_810 = tpu.vector_load %arg5[%swap3A_809] {strides = array<i32>} : memref<8192xf32, #tpu.memory_space<vmem>>, vector<16xf32>,
    %swap3A_811 = vector.shape_cast %swap3A_810 : vector<16xf32> to vector<16xf32>
    %swap3A_812 = vector.shape_cast %select_n3A_808 : vector<16xf32> to vector<16xf32>
    tpu.vector_store %arg5[%swap3A_809], %swap3A_812 {strides = array<i32>} : memref<8192xf32, #tpu.memory_space<vmem>>, vector<16xf32>,
    %eq3A_813 = vector.broadcast %add3A_735 : i32 to vector<16xi32>
    %eq3A_814 = arith.cmpi eq, %get3A_46, %eq3A_813 : vector<16xi32>
    %select_n3A_815 = arith.select %eq3A_814, %broadcast_in_dim3A_3, %broadcast_in_dim3A_5 : vector<16xi1>, vector<16xf32>
    %swap3A_816 = arith.constant 1744 : index
    %swap3A_817 = tpu.vector_load %arg5[%swap3A_816] {strides = array<i32>} : memref<8192xf32, #tpu.memory_space<vmem>>, vector<16xf32>,
    %swap3A_818 = vector.shape_cast %swap3A_817 : vector<16xf32> to vector<16xf32>
    %swap3A_819 = vector.shape_cast %select_n3A_815 : vector<16xf32> to vector<16xf32>
    tpu.vector_store %arg5[%swap3A_816], %swap3A_819 {strides = array<i32>} : memref<8192xf32, #tpu.memory_space<vmem>>, vector<16xf32>,
    %eq3A_820 = vector.broadcast %add3A_735 : i32 to vector<16xi32>
    %eq3A_821 = arith.cmpi eq, %get3A_25, %eq3A_820 : vector<16xi32>
    %select_n3A_822 = arith.select %eq3A_821, %broadcast_in_dim3A_3, %broadcast_in_dim3A_5 : vector<16xi1>, vector<16xf32>
    %swap3A_823 = arith.constant 1632 : index
    %swap3A_824 = tpu.vector_load %arg5[%swap3A_823] {strides = array<i32>} : memref<8192xf32, #tpu.memory_space<vmem>>, vector<16xf32>,
    %swap3A_825 = vector.shape_cast %swap3A_824 : vector<16xf32> to vector<16xf32>
    %swap3A_826 = vector.shape_cast %select_n3A_822 : vector<16xf32> to vector<16xf32>
    tpu.vector_store %arg5[%swap3A_823], %swap3A_826 {strides = array<i32>} : memref<8192xf32, #tpu.memory_space<vmem>>, vector<16xf32>,
    %eq3A_827 = vector.broadcast %add3A_735 : i32 to vector<16xi32>
    %eq3A_828 = arith.cmpi eq, %get3A_49, %eq3A_827 : vector<16xi32>
    %select_n3A_829 = arith.select %eq3A_828, %broadcast_in_dim3A_3, %broadcast_in_dim3A_5 : vector<16xi1>, vector<16xf32>
    %swap3A_830 = arith.constant 1760 : index
    %swap3A_831 = tpu.vector_load %arg5[%swap3A_830] {strides = array<i32>} : memref<8192xf32, #tpu.memory_space<vmem>>, vector<16xf32>,
    %swap3A_832 = vector.shape_cast %swap3A_831 : vector<16xf32> to vector<16xf32>
    %swap3A_833 = vector.shape_cast %select_n3A_829 : vector<16xf32> to vector<16xf32>
    tpu.vector_store %arg5[%swap3A_830], %swap3A_833 {strides = array<i32>} : memref<8192xf32, #tpu.memory_space<vmem>>, vector<16xf32>,
    %eq3A_834 = vector.broadcast %add3A_735 : i32 to vector<16xi32>
    %eq3A_835 = arith.cmpi eq, %get3A_28, %eq3A_834 : vector<16xi32>
    %select_n3A_836 = arith.select %eq3A_835, %broadcast_in_dim3A_3, %broadcast_in_dim3A_5 : vector<16xi1>, vector<16xf32>
    %swap3A_837 = arith.constant 1648 : index
    %swap3A_838 = tpu.vector_load %arg5[%swap3A_837] {strides = array<i32>} : memref<8192xf32, #tpu.memory_space<vmem>>, vector<16xf32>,
    %swap3A_839 = vector.shape_cast %swap3A_838 : vector<16xf32> to vector<16xf32>
    %swap3A_840 = vector.shape_cast %select_n3A_836 : vector<16xf32> to vector<16xf32>
    tpu.vector_store %arg5[%swap3A_837], %swap3A_840 {strides = array<i32>} : memref<8192xf32, #tpu.memory_space<vmem>>, vector<16xf32>,
    %eq3A_841 = vector.broadcast %add3A_735 : i32 to vector<16xi32>
    %eq3A_842 = arith.cmpi eq, %get3A_52, %eq3A_841 : vector<16xi32>
    %select_n3A_843 = arith.select %eq3A_842, %broadcast_in_dim3A_3, %broadcast_in_dim3A_5 : vector<16xi1>, vector<16xf32>
    %swap3A_844 = arith.constant 1776 : index
    %swap3A_845 = tpu.vector_load %arg5[%swap3A_844] {strides = array<i32>} : memref<8192xf32, #tpu.memory_space<vmem>>, vector<16xf32>,
    %swap3A_846 = vector.shape_cast %swap3A_845 : vector<16xf32> to vector<16xf32>
    %swap3A_847 = vector.shape_cast %select_n3A_843 : vector<16xf32> to vector<16xf32>
    tpu.vector_store %arg5[%swap3A_844], %swap3A_847 {strides = array<i32>} : memref<8192xf32, #tpu.memory_space<vmem>>, vector<16xf32>,
    %add3A_848 = arith.constant 7 : i32
    %add3A_849 = arith.addi %mul3A_2, %add3A_848 : i32
    %eq3A_850 = vector.broadcast %add3A_849 : i32 to vector<16xi32>
    %eq3A_851 = arith.cmpi eq, %get3A_7, %eq3A_850 : vector<16xi32>
    %select_n3A_852 = arith.select %eq3A_851, %broadcast_in_dim3A_3, %broadcast_in_dim3A_5 : vector<16xi1>, vector<16xf32>
    %swap3A_853 = arith.constant 1792 : index
    %swap3A_854 = tpu.vector_load %arg5[%swap3A_853] {strides = array<i32>} : memref<8192xf32, #tpu.memory_space<vmem>>, vector<16xf32>,
    %swap3A_855 = vector.shape_cast %swap3A_854 : vector<16xf32> to vector<16xf32>
    %swap3A_856 = vector.shape_cast %select_n3A_852 : vector<16xf32> to vector<16xf32>
    tpu.vector_store %arg5[%swap3A_853], %swap3A_856 {strides = array<i32>} : memref<8192xf32, #tpu.memory_space<vmem>>, vector<16xf32>,
    %eq3A_857 = vector.broadcast %add3A_849 : i32 to vector<16xi32>
    %eq3A_858 = arith.cmpi eq, %get3A_31, %eq3A_857 : vector<16xi32>
    %select_n3A_859 = arith.select %eq3A_858, %broadcast_in_dim3A_3, %broadcast_in_dim3A_5 : vector<16xi1>, vector<16xf32>
    %swap3A_860 = arith.constant 1920 : index
    %swap3A_861 = tpu.vector_load %arg5[%swap3A_860] {strides = array<i32>} : memref<8192xf32, #tpu.memory_space<vmem>>, vector<16xf32>,
    %swap3A_862 = vector.shape_cast %swap3A_861 : vector<16xf32> to vector<16xf32>
    %swap3A_863 = vector.shape_cast %select_n3A_859 : vector<16xf32> to vector<16xf32>
    tpu.vector_store %arg5[%swap3A_860], %swap3A_863 {strides = array<i32>} : memref<8192xf32, #tpu.memory_space<vmem>>, vector<16xf32>,
    %eq3A_864 = vector.broadcast %add3A_849 : i32 to vector<16xi32>
    %eq3A_865 = arith.cmpi eq, %get3A_10, %eq3A_864 : vector<16xi32>
    %select_n3A_866 = arith.select %eq3A_865, %broadcast_in_dim3A_3, %broadcast_in_dim3A_5 : vector<16xi1>, vector<16xf32>
    %swap3A_867 = arith.constant 1808 : index
    %swap3A_868 = tpu.vector_load %arg5[%swap3A_867] {strides = array<i32>} : memref<8192xf32, #tpu.memory_space<vmem>>, vector<16xf32>,
    %swap3A_869 = vector.shape_cast %swap3A_868 : vector<16xf32> to vector<16xf32>
    %swap3A_870 = vector.shape_cast %select_n3A_866 : vector<16xf32> to vector<16xf32>
    tpu.vector_store %arg5[%swap3A_867], %swap3A_870 {strides = array<i32>} : memref<8192xf32, #tpu.memory_space<vmem>>, vector<16xf32>,
    %eq3A_871 = vector.broadcast %add3A_849 : i32 to vector<16xi32>
    %eq3A_872 = arith.cmpi eq, %get3A_34, %eq3A_871 : vector<16xi32>
    %select_n3A_873 = arith.select %eq3A_872, %broadcast_in_dim3A_3, %broadcast_in_dim3A_5 : vector<16xi1>, vector<16xf32>
    %swap3A_874 = arith.constant 1936 : index
    %swap3A_875 = tpu.vector_load %arg5[%swap3A_874] {strides = array<i32>} : memref<8192xf32, #tpu.memory_space<vmem>>, vector<16xf32>,
    %swap3A_876 = vector.shape_cast %swap3A_875 : vector<16xf32> to vector<16xf32>
    %swap3A_877 = vector.shape_cast %select_n3A_873 : vector<16xf32> to vector<16xf32>
    tpu.vector_store %arg5[%swap3A_874], %swap3A_877 {strides = array<i32>} : memref<8192xf32, #tpu.memory_space<vmem>>, vector<16xf32>,
    %eq3A_878 = vector.broadcast %add3A_849 : i32 to vector<16xi32>
    %eq3A_879 = arith.cmpi eq, %get3A_13, %eq3A_878 : vector<16xi32>
    %select_n3A_880 = arith.select %eq3A_879, %broadcast_in_dim3A_3, %broadcast_in_dim3A_5 : vector<16xi1>, vector<16xf32>
    %swap3A_881 = arith.constant 1824 : index
    %swap3A_882 = tpu.vector_load %arg5[%swap3A_881] {strides = array<i32>} : memref<8192xf32, #tpu.memory_space<vmem>>, vector<16xf32>,
    %swap3A_883 = vector.shape_cast %swap3A_882 : vector<16xf32> to vector<16xf32>
    %swap3A_884 = vector.shape_cast %select_n3A_880 : vector<16xf32> to vector<16xf32>
    tpu.vector_store %arg5[%swap3A_881], %swap3A_884 {strides = array<i32>} : memref<8192xf32, #tpu.memory_space<vmem>>, vector<16xf32>,
    %eq3A_885 = vector.broadcast %add3A_849 : i32 to vector<16xi32>
    %eq3A_886 = arith.cmpi eq, %get3A_37, %eq3A_885 : vector<16xi32>
    %select_n3A_887 = arith.select %eq3A_886, %broadcast_in_dim3A_3, %broadcast_in_dim3A_5 : vector<16xi1>, vector<16xf32>
    %swap3A_888 = arith.constant 1952 : index
    %swap3A_889 = tpu.vector_load %arg5[%swap3A_888] {strides = array<i32>} : memref<8192xf32, #tpu.memory_space<vmem>>, vector<16xf32>,
    %swap3A_890 = vector.shape_cast %swap3A_889 : vector<16xf32> to vector<16xf32>
    %swap3A_891 = vector.shape_cast %select_n3A_887 : vector<16xf32> to vector<16xf32>
    tpu.vector_store %arg5[%swap3A_888], %swap3A_891 {strides = array<i32>} : memref<8192xf32, #tpu.memory_space<vmem>>, vector<16xf32>,
    %eq3A_892 = vector.broadcast %add3A_849 : i32 to vector<16xi32>
    %eq3A_893 = arith.cmpi eq, %get3A_16, %eq3A_892 : vector<16xi32>
    %select_n3A_894 = arith.select %eq3A_893, %broadcast_in_dim3A_3, %broadcast_in_dim3A_5 : vector<16xi1>, vector<16xf32>
    %swap3A_895 = arith.constant 1840 : index
    %swap3A_896 = tpu.vector_load %arg5[%swap3A_895] {strides = array<i32>} : memref<8192xf32, #tpu.memory_space<vmem>>, vector<16xf32>,
    %swap3A_897 = vector.shape_cast %swap3A_896 : vector<16xf32> to vector<16xf32>
    %swap3A_898 = vector.shape_cast %select_n3A_894 : vector<16xf32> to vector<16xf32>
    tpu.vector_store %arg5[%swap3A_895], %swap3A_898 {strides = array<i32>} : memref<8192xf32, #tpu.memory_space<vmem>>, vector<16xf32>,
    %eq3A_899 = vector.broadcast %add3A_849 : i32 to vector<16xi32>
    %eq3A_900 = arith.cmpi eq, %get3A_40, %eq3A_899 : vector<16xi32>
    %select_n3A_901 = arith.select %eq3A_900, %broadcast_in_dim3A_3, %broadcast_in_dim3A_5 : vector<16xi1>, vector<16xf32>
    %swap3A_902 = arith.constant 1968 : index
    %swap3A_903 = tpu.vector_load %arg5[%swap3A_902] {strides = array<i32>} : memref<8192xf32, #tpu.memory_space<vmem>>, vector<16xf32>,
    %swap3A_904 = vector.shape_cast %swap3A_903 : vector<16xf32> to vector<16xf32>
    %swap3A_905 = vector.shape_cast %select_n3A_901 : vector<16xf32> to vector<16xf32>
    tpu.vector_store %arg5[%swap3A_902], %swap3A_905 {strides = array<i32>} : memref<8192xf32, #tpu.memory_space<vmem>>, vector<16xf32>,
    %eq3A_906 = vector.broadcast %add3A_849 : i32 to vector<16xi32>
    %eq3A_907 = arith.cmpi eq, %get3A_19, %eq3A_906 : vector<16xi32>
    %select_n3A_908 = arith.select %eq3A_907, %broadcast_in_dim3A_3, %broadcast_in_dim3A_5 : vector<16xi1>, vector<16xf32>
    %swap3A_909 = arith.constant 1856 : index
    %swap3A_910 = tpu.vector_load %arg5[%swap3A_909] {strides = array<i32>} : memref<8192xf32, #tpu.memory_space<vmem>>, vector<16xf32>,
    %swap3A_911 = vector.shape_cast %swap3A_910 : vector<16xf32> to vector<16xf32>
    %swap3A_912 = vector.shape_cast %select_n3A_908 : vector<16xf32> to vector<16xf32>
    tpu.vector_store %arg5[%swap3A_909], %swap3A_912 {strides = array<i32>} : memref<8192xf32, #tpu.memory_space<vmem>>, vector<16xf32>,
    %eq3A_913 = vector.broadcast %add3A_849 : i32 to vector<16xi32>
    %eq3A_914 = arith.cmpi eq, %get3A_43, %eq3A_913 : vector<16xi32>
    %select_n3A_915 = arith.select %eq3A_914, %broadcast_in_dim3A_3, %broadcast_in_dim3A_5 : vector<16xi1>, vector<16xf32>
    %swap3A_916 = arith.constant 1984 : index
    %swap3A_917 = tpu.vector_load %arg5[%swap3A_916] {strides = array<i32>} : memref<8192xf32, #tpu.memory_space<vmem>>, vector<16xf32>,
    %swap3A_918 = vector.shape_cast %swap3A_917 : vector<16xf32> to vector<16xf32>
    %swap3A_919 = vector.shape_cast %select_n3A_915 : vector<16xf32> to vector<16xf32>
    tpu.vector_store %arg5[%swap3A_916], %swap3A_919 {strides = array<i32>} : memref<8192xf32, #tpu.memory_space<vmem>>, vector<16xf32>,
    %eq3A_920 = vector.broadcast %add3A_849 : i32 to vector<16xi32>
    %eq3A_921 = arith.cmpi eq, %get3A_22, %eq3A_920 : vector<16xi32>
    %select_n3A_922 = arith.select %eq3A_921, %broadcast_in_dim3A_3, %broadcast_in_dim3A_5 : vector<16xi1>, vector<16xf32>
    %swap3A_923 = arith.constant 1872 : index
    %swap3A_924 = tpu.vector_load %arg5[%swap3A_923] {strides = array<i32>} : memref<8192xf32, #tpu.memory_space<vmem>>, vector<16xf32>,
    %swap3A_925 = vector.shape_cast %swap3A_924 : vector<16xf32> to vector<16xf32>
    %swap3A_926 = vector.shape_cast %select_n3A_922 : vector<16xf32> to vector<16xf32>
    tpu.vector_store %arg5[%swap3A_923], %swap3A_926 {strides = array<i32>} : memref<8192xf32, #tpu.memory_space<vmem>>, vector<16xf32>,
    %eq3A_927 = vector.broadcast %add3A_849 : i32 to vector<16xi32>
    %eq3A_928 = arith.cmpi eq, %get3A_46, %eq3A_927 : vector<16xi32>
    %select_n3A_929 = arith.select %eq3A_928, %broadcast_in_dim3A_3, %broadcast_in_dim3A_5 : vector<16xi1>, vector<16xf32>
    %swap3A_930 = arith.constant 2000 : index
    %swap3A_931 = tpu.vector_load %arg5[%swap3A_930] {strides = array<i32>} : memref<8192xf32, #tpu.memory_space<vmem>>, vector<16xf32>,
    %swap3A_932 = vector.shape_cast %swap3A_931 : vector<16xf32> to vector<16xf32>
    %swap3A_933 = vector.shape_cast %select_n3A_929 : vector<16xf32> to vector<16xf32>
    tpu.vector_store %arg5[%swap3A_930], %swap3A_933 {strides = array<i32>} : memref<8192xf32, #tpu.memory_space<vmem>>, vector<16xf32>,
    %eq3A_934 = vector.broadcast %add3A_849 : i32 to vector<16xi32>
    %eq3A_935 = arith.cmpi eq, %get3A_25, %eq3A_934 : vector<16xi32>
    %select_n3A_936 = arith.select %eq3A_935, %broadcast_in_dim3A_3, %broadcast_in_dim3A_5 : vector<16xi1>, vector<16xf32>
    %swap3A_937 = arith.constant 1888 : index
    %swap3A_938 = tpu.vector_load %arg5[%swap3A_937] {strides = array<i32>} : memref<8192xf32, #tpu.memory_space<vmem>>, vector<16xf32>,
    %swap3A_939 = vector.shape_cast %swap3A_938 : vector<16xf32> to vector<16xf32>
    %swap3A_940 = vector.shape_cast %select_n3A_936 : vector<16xf32> to vector<16xf32>
    tpu.vector_store %arg5[%swap3A_937], %swap3A_940 {strides = array<i32>} : memref<8192xf32, #tpu.memory_space<vmem>>, vector<16xf32>,
    %eq3A_941 = vector.broadcast %add3A_849 : i32 to vector<16xi32>
    %eq3A_942 = arith.cmpi eq, %get3A_49, %eq3A_941 : vector<16xi32>
    %select_n3A_943 = arith.select %eq3A_942, %broadcast_in_dim3A_3, %broadcast_in_dim3A_5 : vector<16xi1>, vector<16xf32>
    %swap3A_944 = arith.constant 2016 : index
    %swap3A_945 = tpu.vector_load %arg5[%swap3A_944] {strides = array<i32>} : memref<8192xf32, #tpu.memory_space<vmem>>, vector<16xf32>,
    %swap3A_946 = vector.shape_cast %swap3A_945 : vector<16xf32> to vector<16xf32>
    %swap3A_947 = vector.shape_cast %select_n3A_943 : vector<16xf32> to vector<16xf32>
    tpu.vector_store %arg5[%swap3A_944], %swap3A_947 {strides = array<i32>} : memref<8192xf32, #tpu.memory_space<vmem>>, vector<16xf32>,
    %eq3A_948 = vector.broadcast %add3A_849 : i32 to vector<16xi32>
    %eq3A_949 = arith.cmpi eq, %get3A_28, %eq3A_948 : vector<16xi32>
    %select_n3A_950 = arith.select %eq3A_949, %broadcast_in_dim3A_3, %broadcast_in_dim3A_5 : vector<16xi1>, vector<16xf32>
    %swap3A_951 = arith.constant 1904 : index
    %swap3A_952 = tpu.vector_load %arg5[%swap3A_951] {strides = array<i32>} : memref<8192xf32, #tpu.memory_space<vmem>>, vector<16xf32>,
    %swap3A_953 = vector.shape_cast %swap3A_952 : vector<16xf32> to vector<16xf32>
    %swap3A_954 = vector.shape_cast %select_n3A_950 : vector<16xf32> to vector<16xf32>
    tpu.vector_store %arg5[%swap3A_951], %swap3A_954 {strides = array<i32>} : memref<8192xf32, #tpu.memory_space<vmem>>, vector<16xf32>,
    %eq3A_955 = vector.broadcast %add3A_849 : i32 to vector<16xi32>
    %eq3A_956 = arith.cmpi eq, %get3A_52, %eq3A_955 : vector<16xi32>
    %select_n3A_957 = arith.select %eq3A_956, %broadcast_in_dim3A_3, %broadcast_in_dim3A_5 : vector<16xi1>, vector<16xf32>
    %swap3A_958 = arith.constant 2032 : index
    %swap3A_959 = tpu.vector_load %arg5[%swap3A_958] {strides = array<i32>} : memref<8192xf32, #tpu.memory_space<vmem>>, vector<16xf32>,
    %swap3A_960 = vector.shape_cast %swap3A_959 : vector<16xf32> to vector<16xf32>
    %swap3A_961 = vector.shape_cast %select_n3A_957 : vector<16xf32> to vector<16xf32>
    tpu.vector_store %arg5[%swap3A_958], %swap3A_961 {strides = array<i32>} : memref<8192xf32, #tpu.memory_space<vmem>>, vector<16xf32>,
    %add3A_962 = arith.constant 8 : i32
    %add3A_963 = arith.addi %mul3A_2, %add3A_962 : i32
    %eq3A_964 = vector.broadcast %add3A_963 : i32 to vector<16xi32>
    %eq3A_965 = arith.cmpi eq, %get3A_7, %eq3A_964 : vector<16xi32>
    %select_n3A_966 = arith.select %eq3A_965, %broadcast_in_dim3A_3, %broadcast_in_dim3A_5 : vector<16xi1>, vector<16xf32>
    %swap3A_967 = arith.constant 2048 : index
    %swap3A_968 = tpu.vector_load %arg5[%swap3A_967] {strides = array<i32>} : memref<8192xf32, #tpu.memory_space<vmem>>, vector<16xf32>,
    %swap3A_969 = vector.shape_cast %swap3A_968 : vector<16xf32> to vector<16xf32>
    %swap3A_970 = vector.shape_cast %select_n3A_966 : vector<16xf32> to vector<16xf32>
    tpu.vector_store %arg5[%swap3A_967], %swap3A_970 {strides = array<i32>} : memref<8192xf32, #tpu.memory_space<vmem>>, vector<16xf32>,
    %eq3A_971 = vector.broadcast %add3A_963 : i32 to vector<16xi32>
    %eq3A_972 = arith.cmpi eq, %get3A_31, %eq3A_971 : vector<16xi32>
    %select_n3A_973 = arith.select %eq3A_972, %broadcast_in_dim3A_3, %broadcast_in_dim3A_5 : vector<16xi1>, vector<16xf32>
    %swap3A_974 = arith.constant 2176 : index
    %swap3A_975 = tpu.vector_load %arg5[%swap3A_974] {strides = array<i32>} : memref<8192xf32, #tpu.memory_space<vmem>>, vector<16xf32>,
    %swap3A_976 = vector.shape_cast %swap3A_975 : vector<16xf32> to vector<16xf32>
    %swap3A_977 = vector.shape_cast %select_n3A_973 : vector<16xf32> to vector<16xf32>
    tpu.vector_store %arg5[%swap3A_974], %swap3A_977 {strides = array<i32>} : memref<8192xf32, #tpu.memory_space<vmem>>, vector<16xf32>,
    %eq3A_978 = vector.broadcast %add3A_963 : i32 to vector<16xi32>
    %eq3A_979 = arith.cmpi eq, %get3A_10, %eq3A_978 : vector<16xi32>
    %select_n3A_980 = arith.select %eq3A_979, %broadcast_in_dim3A_3, %broadcast_in_dim3A_5 : vector<16xi1>, vector<16xf32>
    %swap3A_981 = arith.constant 2064 : index
    %swap3A_982 = tpu.vector_load %arg5[%swap3A_981] {strides = array<i32>} : memref<8192xf32, #tpu.memory_space<vmem>>, vector<16xf32>,
    %swap3A_983 = vector.shape_cast %swap3A_982 : vector<16xf32> to vector<16xf32>
    %swap3A_984 = vector.shape_cast %select_n3A_980 : vector<16xf32> to vector<16xf32>
    tpu.vector_store %arg5[%swap3A_981], %swap3A_984 {strides = array<i32>} : memref<8192xf32, #tpu.memory_space<vmem>>, vector<16xf32>,
    %eq3A_985 = vector.broadcast %add3A_963 : i32 to vector<16xi32>
    %eq3A_986 = arith.cmpi eq, %get3A_34, %eq3A_985 : vector<16xi32>
    %select_n3A_987 = arith.select %eq3A_986, %broadcast_in_dim3A_3, %broadcast_in_dim3A_5 : vector<16xi1>, vector<16xf32>
    %swap3A_988 = arith.constant 2192 : index
    %swap3A_989 = tpu.vector_load %arg5[%swap3A_988] {strides = array<i32>} : memref<8192xf32, #tpu.memory_space<vmem>>, vector<16xf32>,
    %swap3A_990 = vector.shape_cast %swap3A_989 : vector<16xf32> to vector<16xf32>
    %swap3A_991 = vector.shape_cast %select_n3A_987 : vector<16xf32> to vector<16xf32>
    tpu.vector_store %arg5[%swap3A_988], %swap3A_991 {strides = array<i32>} : memref<8192xf32, #tpu.memory_space<vmem>>, vector<16xf32>,
    %eq3A_992 = vector.broadcast %add3A_963 : i32 to vector<16xi32>
    %eq3A_993 = arith.cmpi eq, %get3A_13, %eq3A_992 : vector<16xi32>
    %select_n3A_994 = arith.select %eq3A_993, %broadcast_in_dim3A_3, %broadcast_in_dim3A_5 : vector<16xi1>, vector<16xf32>
    %swap3A_995 = arith.constant 2080 : index
    %swap3A_996 = tpu.vector_load %arg5[%swap3A_995] {strides = array<i32>} : memref<8192xf32, #tpu.memory_space<vmem>>, vector<16xf32>,
    %swap3A_997 = vector.shape_cast %swap3A_996 : vector<16xf32> to vector<16xf32>
    %swap3A_998 = vector.shape_cast %select_n3A_994 : vector<16xf32> to vector<16xf32>
    tpu.vector_store %arg5[%swap3A_995], %swap3A_998 {strides = array<i32>} : memref<8192xf32, #tpu.memory_space<vmem>>, vector<16xf32>,
    %eq3A_999 = vector.broadcast %add3A_963 : i32 to vector<16xi32>
    %eq3A_1000 = arith.cmpi eq, %get3A_37, %eq3A_999 : vector<16xi32>
    %select_n3A_1001 = arith.select %eq3A_1000, %broadcast_in_dim3A_3, %broadcast_in_dim3A_5 : vector<16xi1>, vector<16xf32>
    %swap3A_1002 = arith.constant 2208 : index
    %swap3A_1003 = tpu.vector_load %arg5[%swap3A_1002] {strides = array<i32>} : memref<8192xf32, #tpu.memory_space<vmem>>, vector<16xf32>,
    %swap3A_1004 = vector.shape_cast %swap3A_1003 : vector<16xf32> to vector<16xf32>
    %swap3A_1005 = vector.shape_cast %select_n3A_1001 : vector<16xf32> to vector<16xf32>
    tpu.vector_store %arg5[%swap3A_1002], %swap3A_1005 {strides = array<i32>} : memref<8192xf32, #tpu.memory_space<vmem>>, vector<16xf32>,
    %eq3A_1006 = vector.broadcast %add3A_963 : i32 to vector<16xi32>
    %eq3A_1007 = arith.cmpi eq, %get3A_16, %eq3A_1006 : vector<16xi32>
    %select_n3A_1008 = arith.select %eq3A_1007, %broadcast_in_dim3A_3, %broadcast_in_dim3A_5 : vector<16xi1>, vector<16xf32>
    %swap3A_1009 = arith.constant 2096 : index
    %swap3A_1010 = tpu.vector_load %arg5[%swap3A_1009] {strides = array<i32>} : memref<8192xf32, #tpu.memory_space<vmem>>, vector<16xf32>,
    %swap3A_1011 = vector.shape_cast %swap3A_1010 : vector<16xf32> to vector<16xf32>
    %swap3A_1012 = vector.shape_cast %select_n3A_1008 : vector<16xf32> to vector<16xf32>
    tpu.vector_store %arg5[%swap3A_1009], %swap3A_1012 {strides = array<i32>} : memref<8192xf32, #tpu.memory_space<vmem>>, vector<16xf32>,
    %eq3A_1013 = vector.broadcast %add3A_963 : i32 to vector<16xi32>
    %eq3A_1014 = arith.cmpi eq, %get3A_40, %eq3A_1013 : vector<16xi32>
    %select_n3A_1015 = arith.select %eq3A_1014, %broadcast_in_dim3A_3, %broadcast_in_dim3A_5 : vector<16xi1>, vector<16xf32>
    %swap3A_1016 = arith.constant 2224 : index
    %swap3A_1017 = tpu.vector_load %arg5[%swap3A_1016] {strides = array<i32>} : memref<8192xf32, #tpu.memory_space<vmem>>, vector<16xf32>,
    %swap3A_1018 = vector.shape_cast %swap3A_1017 : vector<16xf32> to vector<16xf32>
    %swap3A_1019 = vector.shape_cast %select_n3A_1015 : vector<16xf32> to vector<16xf32>
    tpu.vector_store %arg5[%swap3A_1016], %swap3A_1019 {strides = array<i32>} : memref<8192xf32, #tpu.memory_space<vmem>>, vector<16xf32>,
    %eq3A_1020 = vector.broadcast %add3A_963 : i32 to vector<16xi32>
    %eq3A_1021 = arith.cmpi eq, %get3A_19, %eq3A_1020 : vector<16xi32>
    %select_n3A_1022 = arith.select %eq3A_1021, %broadcast_in_dim3A_3, %broadcast_in_dim3A_5 : vector<16xi1>, vector<16xf32>
    %swap3A_1023 = arith.constant 2112 : index
    %swap3A_1024 = tpu.vector_load %arg5[%swap3A_1023] {strides = array<i32>} : memref<8192xf32, #tpu.memory_space<vmem>>, vector<16xf32>,
    %swap3A_1025 = vector.shape_cast %swap3A_1024 : vector<16xf32> to vector<16xf32>
    %swap3A_1026 = vector.shape_cast %select_n3A_1022 : vector<16xf32> to vector<16xf32>
    tpu.vector_store %arg5[%swap3A_1023], %swap3A_1026 {strides = array<i32>} : memref<8192xf32, #tpu.memory_space<vmem>>, vector<16xf32>,
    %eq3A_1027 = vector.broadcast %add3A_963 : i32 to vector<16xi32>
    %eq3A_1028 = arith.cmpi eq, %get3A_43, %eq3A_1027 : vector<16xi32>
    %select_n3A_1029 = arith.select %eq3A_1028, %broadcast_in_dim3A_3, %broadcast_in_dim3A_5 : vector<16xi1>, vector<16xf32>
    %swap3A_1030 = arith.constant 2240 : index
    %swap3A_1031 = tpu.vector_load %arg5[%swap3A_1030] {strides = array<i32>} : memref<8192xf32, #tpu.memory_space<vmem>>, vector<16xf32>,
    %swap3A_1032 = vector.shape_cast %swap3A_1031 : vector<16xf32> to vector<16xf32>
    %swap3A_1033 = vector.shape_cast %select_n3A_1029 : vector<16xf32> to vector<16xf32>
    tpu.vector_store %arg5[%swap3A_1030], %swap3A_1033 {strides = array<i32>} : memref<8192xf32, #tpu.memory_space<vmem>>, vector<16xf32>,
    %eq3A_1034 = vector.broadcast %add3A_963 : i32 to vector<16xi32>
    %eq3A_1035 = arith.cmpi eq, %get3A_22, %eq3A_1034 : vector<16xi32>
    %select_n3A_1036 = arith.select %eq3A_1035, %broadcast_in_dim3A_3, %broadcast_in_dim3A_5 : vector<16xi1>, vector<16xf32>
    %swap3A_1037 = arith.constant 2128 : index
    %swap3A_1038 = tpu.vector_load %arg5[%swap3A_1037] {strides = array<i32>} : memref<8192xf32, #tpu.memory_space<vmem>>, vector<16xf32>,
    %swap3A_1039 = vector.shape_cast %swap3A_1038 : vector<16xf32> to vector<16xf32>
    %swap3A_1040 = vector.shape_cast %select_n3A_1036 : vector<16xf32> to vector<16xf32>
    tpu.vector_store %arg5[%swap3A_1037], %swap3A_1040 {strides = array<i32>} : memref<8192xf32, #tpu.memory_space<vmem>>, vector<16xf32>,
    %eq3A_1041 = vector.broadcast %add3A_963 : i32 to vector<16xi32>
    %eq3A_1042 = arith.cmpi eq, %get3A_46, %eq3A_1041 : vector<16xi32>
    %select_n3A_1043 = arith.select %eq3A_1042, %broadcast_in_dim3A_3, %broadcast_in_dim3A_5 : vector<16xi1>, vector<16xf32>
    %swap3A_1044 = arith.constant 2256 : index
    %swap3A_1045 = tpu.vector_load %arg5[%swap3A_1044] {strides = array<i32>} : memref<8192xf32, #tpu.memory_space<vmem>>, vector<16xf32>,
    %swap3A_1046 = vector.shape_cast %swap3A_1045 : vector<16xf32> to vector<16xf32>
    %swap3A_1047 = vector.shape_cast %select_n3A_1043 : vector<16xf32> to vector<16xf32>
    tpu.vector_store %arg5[%swap3A_1044], %swap3A_1047 {strides = array<i32>} : memref<8192xf32, #tpu.memory_space<vmem>>, vector<16xf32>,
    %eq3A_1048 = vector.broadcast %add3A_963 : i32 to vector<16xi32>
    %eq3A_1049 = arith.cmpi eq, %get3A_25, %eq3A_1048 : vector<16xi32>
    %select_n3A_1050 = arith.select %eq3A_1049, %broadcast_in_dim3A_3, %broadcast_in_dim3A_5 : vector<16xi1>, vector<16xf32>
    %swap3A_1051 = arith.constant 2144 : index
    %swap3A_1052 = tpu.vector_load %arg5[%swap3A_1051] {strides = array<i32>} : memref<8192xf32, #tpu.memory_space<vmem>>, vector<16xf32>,
    %swap3A_1053 = vector.shape_cast %swap3A_1052 : vector<16xf32> to vector<16xf32>
    %swap3A_1054 = vector.shape_cast %select_n3A_1050 : vector<16xf32> to vector<16xf32>
    tpu.vector_store %arg5[%swap3A_1051], %swap3A_1054 {strides = array<i32>} : memref<8192xf32, #tpu.memory_space<vmem>>, vector<16xf32>,
    %eq3A_1055 = vector.broadcast %add3A_963 : i32 to vector<16xi32>
    %eq3A_1056 = arith.cmpi eq, %get3A_49, %eq3A_1055 : vector<16xi32>
    %select_n3A_1057 = arith.select %eq3A_1056, %broadcast_in_dim3A_3, %broadcast_in_dim3A_5 : vector<16xi1>, vector<16xf32>
    %swap3A_1058 = arith.constant 2272 : index
    %swap3A_1059 = tpu.vector_load %arg5[%swap3A_1058] {strides = array<i32>} : memref<8192xf32, #tpu.memory_space<vmem>>, vector<16xf32>,
    %swap3A_1060 = vector.shape_cast %swap3A_1059 : vector<16xf32> to vector<16xf32>
    %swap3A_1061 = vector.shape_cast %select_n3A_1057 : vector<16xf32> to vector<16xf32>
    tpu.vector_store %arg5[%swap3A_1058], %swap3A_1061 {strides = array<i32>} : memref<8192xf32, #tpu.memory_space<vmem>>, vector<16xf32>,
    %eq3A_1062 = vector.broadcast %add3A_963 : i32 to vector<16xi32>
    %eq3A_1063 = arith.cmpi eq, %get3A_28, %eq3A_1062 : vector<16xi32>
    %select_n3A_1064 = arith.select %eq3A_1063, %broadcast_in_dim3A_3, %broadcast_in_dim3A_5 : vector<16xi1>, vector<16xf32>
    %swap3A_1065 = arith.constant 2160 : index
    %swap3A_1066 = tpu.vector_load %arg5[%swap3A_1065] {strides = array<i32>} : memref<8192xf32, #tpu.memory_space<vmem>>, vector<16xf32>,
    %swap3A_1067 = vector.shape_cast %swap3A_1066 : vector<16xf32> to vector<16xf32>
    %swap3A_1068 = vector.shape_cast %select_n3A_1064 : vector<16xf32> to vector<16xf32>
    tpu.vector_store %arg5[%swap3A_1065], %swap3A_1068 {strides = array<i32>} : memref<8192xf32, #tpu.memory_space<vmem>>, vector<16xf32>,
    %eq3A_1069 = vector.broadcast %add3A_963 : i32 to vector<16xi32>
    %eq3A_1070 = arith.cmpi eq, %get3A_52, %eq3A_1069 : vector<16xi32>
    %select_n3A_1071 = arith.select %eq3A_1070, %broadcast_in_dim3A_3, %broadcast_in_dim3A_5 : vector<16xi1>, vector<16xf32>
    %swap3A_1072 = arith.constant 2288 : index
    %swap3A_1073 = tpu.vector_load %arg5[%swap3A_1072] {strides = array<i32>} : memref<8192xf32, #tpu.memory_space<vmem>>, vector<16xf32>,
    %swap3A_1074 = vector.shape_cast %swap3A_1073 : vector<16xf32> to vector<16xf32>
    %swap3A_1075 = vector.shape_cast %select_n3A_1071 : vector<16xf32> to vector<16xf32>
    tpu.vector_store %arg5[%swap3A_1072], %swap3A_1075 {strides = array<i32>} : memref<8192xf32, #tpu.memory_space<vmem>>, vector<16xf32>,
    %add3A_1076 = arith.constant 9 : i32
    %add3A_1077 = arith.addi %mul3A_2, %add3A_1076 : i32
    %eq3A_1078 = vector.broadcast %add3A_1077 : i32 to vector<16xi32>
    %eq3A_1079 = arith.cmpi eq, %get3A_7, %eq3A_1078 : vector<16xi32>
    %select_n3A_1080 = arith.select %eq3A_1079, %broadcast_in_dim3A_3, %broadcast_in_dim3A_5 : vector<16xi1>, vector<16xf32>
    %swap3A_1081 = arith.constant 2304 : index
    %swap3A_1082 = tpu.vector_load %arg5[%swap3A_1081] {strides = array<i32>} : memref<8192xf32, #tpu.memory_space<vmem>>, vector<16xf32>,
    %swap3A_1083 = vector.shape_cast %swap3A_1082 : vector<16xf32> to vector<16xf32>
    %swap3A_1084 = vector.shape_cast %select_n3A_1080 : vector<16xf32> to vector<16xf32>
    tpu.vector_store %arg5[%swap3A_1081], %swap3A_1084 {strides = array<i32>} : memref<8192xf32, #tpu.memory_space<vmem>>, vector<16xf32>,
    %eq3A_1085 = vector.broadcast %add3A_1077 : i32 to vector<16xi32>
    %eq3A_1086 = arith.cmpi eq, %get3A_31, %eq3A_1085 : vector<16xi32>
    %select_n3A_1087 = arith.select %eq3A_1086, %broadcast_in_dim3A_3, %broadcast_in_dim3A_5 : vector<16xi1>, vector<16xf32>
    %swap3A_1088 = arith.constant 2432 : index
    %swap3A_1089 = tpu.vector_load %arg5[%swap3A_1088] {strides = array<i32>} : memref<8192xf32, #tpu.memory_space<vmem>>, vector<16xf32>,
    %swap3A_1090 = vector.shape_cast %swap3A_1089 : vector<16xf32> to vector<16xf32>
    %swap3A_1091 = vector.shape_cast %select_n3A_1087 : vector<16xf32> to vector<16xf32>
    tpu.vector_store %arg5[%swap3A_1088], %swap3A_1091 {strides = array<i32>} : memref<8192xf32, #tpu.memory_space<vmem>>, vector<16xf32>,
    %eq3A_1092 = vector.broadcast %add3A_1077 : i32 to vector<16xi32>
    %eq3A_1093 = arith.cmpi eq, %get3A_10, %eq3A_1092 : vector<16xi32>
    %select_n3A_1094 = arith.select %eq3A_1093, %broadcast_in_dim3A_3, %broadcast_in_dim3A_5 : vector<16xi1>, vector<16xf32>
    %swap3A_1095 = arith.constant 2320 : index
    %swap3A_1096 = tpu.vector_load %arg5[%swap3A_1095] {strides = array<i32>} : memref<8192xf32, #tpu.memory_space<vmem>>, vector<16xf32>,
    %swap3A_1097 = vector.shape_cast %swap3A_1096 : vector<16xf32> to vector<16xf32>
    %swap3A_1098 = vector.shape_cast %select_n3A_1094 : vector<16xf32> to vector<16xf32>
    tpu.vector_store %arg5[%swap3A_1095], %swap3A_1098 {strides = array<i32>} : memref<8192xf32, #tpu.memory_space<vmem>>, vector<16xf32>,
    %eq3A_1099 = vector.broadcast %add3A_1077 : i32 to vector<16xi32>
    %eq3A_1100 = arith.cmpi eq, %get3A_34, %eq3A_1099 : vector<16xi32>
    %select_n3A_1101 = arith.select %eq3A_1100, %broadcast_in_dim3A_3, %broadcast_in_dim3A_5 : vector<16xi1>, vector<16xf32>
    %swap3A_1102 = arith.constant 2448 : index
    %swap3A_1103 = tpu.vector_load %arg5[%swap3A_1102] {strides = array<i32>} : memref<8192xf32, #tpu.memory_space<vmem>>, vector<16xf32>,
    %swap3A_1104 = vector.shape_cast %swap3A_1103 : vector<16xf32> to vector<16xf32>
    %swap3A_1105 = vector.shape_cast %select_n3A_1101 : vector<16xf32> to vector<16xf32>
    tpu.vector_store %arg5[%swap3A_1102], %swap3A_1105 {strides = array<i32>} : memref<8192xf32, #tpu.memory_space<vmem>>, vector<16xf32>,
    %eq3A_1106 = vector.broadcast %add3A_1077 : i32 to vector<16xi32>
    %eq3A_1107 = arith.cmpi eq, %get3A_13, %eq3A_1106 : vector<16xi32>
    %select_n3A_1108 = arith.select %eq3A_1107, %broadcast_in_dim3A_3, %broadcast_in_dim3A_5 : vector<16xi1>, vector<16xf32>
    %swap3A_1109 = arith.constant 2336 : index
    %swap3A_1110 = tpu.vector_load %arg5[%swap3A_1109] {strides = array<i32>} : memref<8192xf32, #tpu.memory_space<vmem>>, vector<16xf32>,
    %swap3A_1111 = vector.shape_cast %swap3A_1110 : vector<16xf32> to vector<16xf32>
    %swap3A_1112 = vector.shape_cast %select_n3A_1108 : vector<16xf32> to vector<16xf32>
    tpu.vector_store %arg5[%swap3A_1109], %swap3A_1112 {strides = array<i32>} : memref<8192xf32, #tpu.memory_space<vmem>>, vector<16xf32>,
    %eq3A_1113 = vector.broadcast %add3A_1077 : i32 to vector<16xi32>
    %eq3A_1114 = arith.cmpi eq, %get3A_37, %eq3A_1113 : vector<16xi32>
    %select_n3A_1115 = arith.select %eq3A_1114, %broadcast_in_dim3A_3, %broadcast_in_dim3A_5 : vector<16xi1>, vector<16xf32>
    %swap3A_1116 = arith.constant 2464 : index
    %swap3A_1117 = tpu.vector_load %arg5[%swap3A_1116] {strides = array<i32>} : memref<8192xf32, #tpu.memory_space<vmem>>, vector<16xf32>,
    %swap3A_1118 = vector.shape_cast %swap3A_1117 : vector<16xf32> to vector<16xf32>
    %swap3A_1119 = vector.shape_cast %select_n3A_1115 : vector<16xf32> to vector<16xf32>
    tpu.vector_store %arg5[%swap3A_1116], %swap3A_1119 {strides = array<i32>} : memref<8192xf32, #tpu.memory_space<vmem>>, vector<16xf32>,
    %eq3A_1120 = vector.broadcast %add3A_1077 : i32 to vector<16xi32>
    %eq3A_1121 = arith.cmpi eq, %get3A_16, %eq3A_1120 : vector<16xi32>
    %select_n3A_1122 = arith.select %eq3A_1121, %broadcast_in_dim3A_3, %broadcast_in_dim3A_5 : vector<16xi1>, vector<16xf32>
    %swap3A_1123 = arith.constant 2352 : index
    %swap3A_1124 = tpu.vector_load %arg5[%swap3A_1123] {strides = array<i32>} : memref<8192xf32, #tpu.memory_space<vmem>>, vector<16xf32>,
    %swap3A_1125 = vector.shape_cast %swap3A_1124 : vector<16xf32> to vector<16xf32>
    %swap3A_1126 = vector.shape_cast %select_n3A_1122 : vector<16xf32> to vector<16xf32>
    tpu.vector_store %arg5[%swap3A_1123], %swap3A_1126 {strides = array<i32>} : memref<8192xf32, #tpu.memory_space<vmem>>, vector<16xf32>,
    %eq3A_1127 = vector.broadcast %add3A_1077 : i32 to vector<16xi32>
    %eq3A_1128 = arith.cmpi eq, %get3A_40, %eq3A_1127 : vector<16xi32>
    %select_n3A_1129 = arith.select %eq3A_1128, %broadcast_in_dim3A_3, %broadcast_in_dim3A_5 : vector<16xi1>, vector<16xf32>
    %swap3A_1130 = arith.constant 2480 : index
    %swap3A_1131 = tpu.vector_load %arg5[%swap3A_1130] {strides = array<i32>} : memref<8192xf32, #tpu.memory_space<vmem>>, vector<16xf32>,
    %swap3A_1132 = vector.shape_cast %swap3A_1131 : vector<16xf32> to vector<16xf32>
    %swap3A_1133 = vector.shape_cast %select_n3A_1129 : vector<16xf32> to vector<16xf32>
    tpu.vector_store %arg5[%swap3A_1130], %swap3A_1133 {strides = array<i32>} : memref<8192xf32, #tpu.memory_space<vmem>>, vector<16xf32>,
    %eq3A_1134 = vector.broadcast %add3A_1077 : i32 to vector<16xi32>
    %eq3A_1135 = arith.cmpi eq, %get3A_19, %eq3A_1134 : vector<16xi32>
    %select_n3A_1136 = arith.select %eq3A_1135, %broadcast_in_dim3A_3, %broadcast_in_dim3A_5 : vector<16xi1>, vector<16xf32>
    %swap3A_1137 = arith.constant 2368 : index
    %swap3A_1138 = tpu.vector_load %arg5[%swap3A_1137] {strides = array<i32>} : memref<8192xf32, #tpu.memory_space<vmem>>, vector<16xf32>,
    %swap3A_1139 = vector.shape_cast %swap3A_1138 : vector<16xf32> to vector<16xf32>
    %swap3A_1140 = vector.shape_cast %select_n3A_1136 : vector<16xf32> to vector<16xf32>
    tpu.vector_store %arg5[%swap3A_1137], %swap3A_1140 {strides = array<i32>} : memref<8192xf32, #tpu.memory_space<vmem>>, vector<16xf32>,
    %eq3A_1141 = vector.broadcast %add3A_1077 : i32 to vector<16xi32>
    %eq3A_1142 = arith.cmpi eq, %get3A_43, %eq3A_1141 : vector<16xi32>
    %select_n3A_1143 = arith.select %eq3A_1142, %broadcast_in_dim3A_3, %broadcast_in_dim3A_5 : vector<16xi1>, vector<16xf32>
    %swap3A_1144 = arith.constant 2496 : index
    %swap3A_1145 = tpu.vector_load %arg5[%swap3A_1144] {strides = array<i32>} : memref<8192xf32, #tpu.memory_space<vmem>>, vector<16xf32>,
    %swap3A_1146 = vector.shape_cast %swap3A_1145 : vector<16xf32> to vector<16xf32>
    %swap3A_1147 = vector.shape_cast %select_n3A_1143 : vector<16xf32> to vector<16xf32>
    tpu.vector_store %arg5[%swap3A_1144], %swap3A_1147 {strides = array<i32>} : memref<8192xf32, #tpu.memory_space<vmem>>, vector<16xf32>,
    %eq3A_1148 = vector.broadcast %add3A_1077 : i32 to vector<16xi32>
    %eq3A_1149 = arith.cmpi eq, %get3A_22, %eq3A_1148 : vector<16xi32>
    %select_n3A_1150 = arith.select %eq3A_1149, %broadcast_in_dim3A_3, %broadcast_in_dim3A_5 : vector<16xi1>, vector<16xf32>
    %swap3A_1151 = arith.constant 2384 : index
    %swap3A_1152 = tpu.vector_load %arg5[%swap3A_1151] {strides = array<i32>} : memref<8192xf32, #tpu.memory_space<vmem>>, vector<16xf32>,
    %swap3A_1153 = vector.shape_cast %swap3A_1152 : vector<16xf32> to vector<16xf32>
    %swap3A_1154 = vector.shape_cast %select_n3A_1150 : vector<16xf32> to vector<16xf32>
    tpu.vector_store %arg5[%swap3A_1151], %swap3A_1154 {strides = array<i32>} : memref<8192xf32, #tpu.memory_space<vmem>>, vector<16xf32>,
    %eq3A_1155 = vector.broadcast %add3A_1077 : i32 to vector<16xi32>
    %eq3A_1156 = arith.cmpi eq, %get3A_46, %eq3A_1155 : vector<16xi32>
    %select_n3A_1157 = arith.select %eq3A_1156, %broadcast_in_dim3A_3, %broadcast_in_dim3A_5 : vector<16xi1>, vector<16xf32>
    %swap3A_1158 = arith.constant 2512 : index
    %swap3A_1159 = tpu.vector_load %arg5[%swap3A_1158] {strides = array<i32>} : memref<8192xf32, #tpu.memory_space<vmem>>, vector<16xf32>,
    %swap3A_1160 = vector.shape_cast %swap3A_1159 : vector<16xf32> to vector<16xf32>
    %swap3A_1161 = vector.shape_cast %select_n3A_1157 : vector<16xf32> to vector<16xf32>
    tpu.vector_store %arg5[%swap3A_1158], %swap3A_1161 {strides = array<i32>} : memref<8192xf32, #tpu.memory_space<vmem>>, vector<16xf32>,
    %eq3A_1162 = vector.broadcast %add3A_1077 : i32 to vector<16xi32>
    %eq3A_1163 = arith.cmpi eq, %get3A_25, %eq3A_1162 : vector<16xi32>
    %select_n3A_1164 = arith.select %eq3A_1163, %broadcast_in_dim3A_3, %broadcast_in_dim3A_5 : vector<16xi1>, vector<16xf32>
    %swap3A_1165 = arith.constant 2400 : index
    %swap3A_1166 = tpu.vector_load %arg5[%swap3A_1165] {strides = array<i32>} : memref<8192xf32, #tpu.memory_space<vmem>>, vector<16xf32>,
    %swap3A_1167 = vector.shape_cast %swap3A_1166 : vector<16xf32> to vector<16xf32>
    %swap3A_1168 = vector.shape_cast %select_n3A_1164 : vector<16xf32> to vector<16xf32>
    tpu.vector_store %arg5[%swap3A_1165], %swap3A_1168 {strides = array<i32>} : memref<8192xf32, #tpu.memory_space<vmem>>, vector<16xf32>,
    %eq3A_1169 = vector.broadcast %add3A_1077 : i32 to vector<16xi32>
    %eq3A_1170 = arith.cmpi eq, %get3A_49, %eq3A_1169 : vector<16xi32>
    %select_n3A_1171 = arith.select %eq3A_1170, %broadcast_in_dim3A_3, %broadcast_in_dim3A_5 : vector<16xi1>, vector<16xf32>
    %swap3A_1172 = arith.constant 2528 : index
    %swap3A_1173 = tpu.vector_load %arg5[%swap3A_1172] {strides = array<i32>} : memref<8192xf32, #tpu.memory_space<vmem>>, vector<16xf32>,
    %swap3A_1174 = vector.shape_cast %swap3A_1173 : vector<16xf32> to vector<16xf32>
    %swap3A_1175 = vector.shape_cast %select_n3A_1171 : vector<16xf32> to vector<16xf32>
    tpu.vector_store %arg5[%swap3A_1172], %swap3A_1175 {strides = array<i32>} : memref<8192xf32, #tpu.memory_space<vmem>>, vector<16xf32>,
    %eq3A_1176 = vector.broadcast %add3A_1077 : i32 to vector<16xi32>
    %eq3A_1177 = arith.cmpi eq, %get3A_28, %eq3A_1176 : vector<16xi32>
    %select_n3A_1178 = arith.select %eq3A_1177, %broadcast_in_dim3A_3, %broadcast_in_dim3A_5 : vector<16xi1>, vector<16xf32>
    %swap3A_1179 = arith.constant 2416 : index
    %swap3A_1180 = tpu.vector_load %arg5[%swap3A_1179] {strides = array<i32>} : memref<8192xf32, #tpu.memory_space<vmem>>, vector<16xf32>,
    %swap3A_1181 = vector.shape_cast %swap3A_1180 : vector<16xf32> to vector<16xf32>
    %swap3A_1182 = vector.shape_cast %select_n3A_1178 : vector<16xf32> to vector<16xf32>
    tpu.vector_store %arg5[%swap3A_1179], %swap3A_1182 {strides = array<i32>} : memref<8192xf32, #tpu.memory_space<vmem>>, vector<16xf32>,
    %eq3A_1183 = vector.broadcast %add3A_1077 : i32 to vector<16xi32>
    %eq3A_1184 = arith.cmpi eq, %get3A_52, %eq3A_1183 : vector<16xi32>
    %select_n3A_1185 = arith.select %eq3A_1184, %broadcast_in_dim3A_3, %broadcast_in_dim3A_5 : vector<16xi1>, vector<16xf32>
    %swap3A_1186 = arith.constant 2544 : index
    %swap3A_1187 = tpu.vector_load %arg5[%swap3A_1186] {strides = array<i32>} : memref<8192xf32, #tpu.memory_space<vmem>>, vector<16xf32>,
    %swap3A_1188 = vector.shape_cast %swap3A_1187 : vector<16xf32> to vector<16xf32>
    %swap3A_1189 = vector.shape_cast %select_n3A_1185 : vector<16xf32> to vector<16xf32>
    tpu.vector_store %arg5[%swap3A_1186], %swap3A_1189 {strides = array<i32>} : memref<8192xf32, #tpu.memory_space<vmem>>, vector<16xf32>,
    %add3A_1190 = arith.constant 10 : i32
    %add3A_1191 = arith.addi %mul3A_2, %add3A_1190 : i32
    %eq3A_1192 = vector.broadcast %add3A_1191 : i32 to vector<16xi32>
    %eq3A_1193 = arith.cmpi eq, %get3A_7, %eq3A_1192 : vector<16xi32>
    %select_n3A_1194 = arith.select %eq3A_1193, %broadcast_in_dim3A_3, %broadcast_in_dim3A_5 : vector<16xi1>, vector<16xf32>
    %swap3A_1195 = arith.constant 2560 : index
    %swap3A_1196 = tpu.vector_load %arg5[%swap3A_1195] {strides = array<i32>} : memref<8192xf32, #tpu.memory_space<vmem>>, vector<16xf32>,
    %swap3A_1197 = vector.shape_cast %swap3A_1196 : vector<16xf32> to vector<16xf32>
    %swap3A_1198 = vector.shape_cast %select_n3A_1194 : vector<16xf32> to vector<16xf32>
    tpu.vector_store %arg5[%swap3A_1195], %swap3A_1198 {strides = array<i32>} : memref<8192xf32, #tpu.memory_space<vmem>>, vector<16xf32>,
    %eq3A_1199 = vector.broadcast %add3A_1191 : i32 to vector<16xi32>
    %eq3A_1200 = arith.cmpi eq, %get3A_31, %eq3A_1199 : vector<16xi32>
    %select_n3A_1201 = arith.select %eq3A_1200, %broadcast_in_dim3A_3, %broadcast_in_dim3A_5 : vector<16xi1>, vector<16xf32>
    %swap3A_1202 = arith.constant 2688 : index
    %swap3A_1203 = tpu.vector_load %arg5[%swap3A_1202] {strides = array<i32>} : memref<8192xf32, #tpu.memory_space<vmem>>, vector<16xf32>,
    %swap3A_1204 = vector.shape_cast %swap3A_1203 : vector<16xf32> to vector<16xf32>
    %swap3A_1205 = vector.shape_cast %select_n3A_1201 : vector<16xf32> to vector<16xf32>
    tpu.vector_store %arg5[%swap3A_1202], %swap3A_1205 {strides = array<i32>} : memref<8192xf32, #tpu.memory_space<vmem>>, vector<16xf32>,
    %eq3A_1206 = vector.broadcast %add3A_1191 : i32 to vector<16xi32>
    %eq3A_1207 = arith.cmpi eq, %get3A_10, %eq3A_1206 : vector<16xi32>
    %select_n3A_1208 = arith.select %eq3A_1207, %broadcast_in_dim3A_3, %broadcast_in_dim3A_5 : vector<16xi1>, vector<16xf32>
    %swap3A_1209 = arith.constant 2576 : index
    %swap3A_1210 = tpu.vector_load %arg5[%swap3A_1209] {strides = array<i32>} : memref<8192xf32, #tpu.memory_space<vmem>>, vector<16xf32>,
    %swap3A_1211 = vector.shape_cast %swap3A_1210 : vector<16xf32> to vector<16xf32>
    %swap3A_1212 = vector.shape_cast %select_n3A_1208 : vector<16xf32> to vector<16xf32>
    tpu.vector_store %arg5[%swap3A_1209], %swap3A_1212 {strides = array<i32>} : memref<8192xf32, #tpu.memory_space<vmem>>, vector<16xf32>,
    %eq3A_1213 = vector.broadcast %add3A_1191 : i32 to vector<16xi32>
    %eq3A_1214 = arith.cmpi eq, %get3A_34, %eq3A_1213 : vector<16xi32>
    %select_n3A_1215 = arith.select %eq3A_1214, %broadcast_in_dim3A_3, %broadcast_in_dim3A_5 : vector<16xi1>, vector<16xf32>
    %swap3A_1216 = arith.constant 2704 : index
    %swap3A_1217 = tpu.vector_load %arg5[%swap3A_1216] {strides = array<i32>} : memref<8192xf32, #tpu.memory_space<vmem>>, vector<16xf32>,
    %swap3A_1218 = vector.shape_cast %swap3A_1217 : vector<16xf32> to vector<16xf32>
    %swap3A_1219 = vector.shape_cast %select_n3A_1215 : vector<16xf32> to vector<16xf32>
    tpu.vector_store %arg5[%swap3A_1216], %swap3A_1219 {strides = array<i32>} : memref<8192xf32, #tpu.memory_space<vmem>>, vector<16xf32>,
    %eq3A_1220 = vector.broadcast %add3A_1191 : i32 to vector<16xi32>
    %eq3A_1221 = arith.cmpi eq, %get3A_13, %eq3A_1220 : vector<16xi32>
    %select_n3A_1222 = arith.select %eq3A_1221, %broadcast_in_dim3A_3, %broadcast_in_dim3A_5 : vector<16xi1>, vector<16xf32>
    %swap3A_1223 = arith.constant 2592 : index
    %swap3A_1224 = tpu.vector_load %arg5[%swap3A_1223] {strides = array<i32>} : memref<8192xf32, #tpu.memory_space<vmem>>, vector<16xf32>,
    %swap3A_1225 = vector.shape_cast %swap3A_1224 : vector<16xf32> to vector<16xf32>
    %swap3A_1226 = vector.shape_cast %select_n3A_1222 : vector<16xf32> to vector<16xf32>
    tpu.vector_store %arg5[%swap3A_1223], %swap3A_1226 {strides = array<i32>} : memref<8192xf32, #tpu.memory_space<vmem>>, vector<16xf32>,
    %eq3A_1227 = vector.broadcast %add3A_1191 : i32 to vector<16xi32>
    %eq3A_1228 = arith.cmpi eq, %get3A_37, %eq3A_1227 : vector<16xi32>
    %select_n3A_1229 = arith.select %eq3A_1228, %broadcast_in_dim3A_3, %broadcast_in_dim3A_5 : vector<16xi1>, vector<16xf32>
    %swap3A_1230 = arith.constant 2720 : index
    %swap3A_1231 = tpu.vector_load %arg5[%swap3A_1230] {strides = array<i32>} : memref<8192xf32, #tpu.memory_space<vmem>>, vector<16xf32>,
    %swap3A_1232 = vector.shape_cast %swap3A_1231 : vector<16xf32> to vector<16xf32>
    %swap3A_1233 = vector.shape_cast %select_n3A_1229 : vector<16xf32> to vector<16xf32>
    tpu.vector_store %arg5[%swap3A_1230], %swap3A_1233 {strides = array<i32>} : memref<8192xf32, #tpu.memory_space<vmem>>, vector<16xf32>,
    %eq3A_1234 = vector.broadcast %add3A_1191 : i32 to vector<16xi32>
    %eq3A_1235 = arith.cmpi eq, %get3A_16, %eq3A_1234 : vector<16xi32>
    %select_n3A_1236 = arith.select %eq3A_1235, %broadcast_in_dim3A_3, %broadcast_in_dim3A_5 : vector<16xi1>, vector<16xf32>
    %swap3A_1237 = arith.constant 2608 : index
    %swap3A_1238 = tpu.vector_load %arg5[%swap3A_1237] {strides = array<i32>} : memref<8192xf32, #tpu.memory_space<vmem>>, vector<16xf32>,
    %swap3A_1239 = vector.shape_cast %swap3A_1238 : vector<16xf32> to vector<16xf32>
    %swap3A_1240 = vector.shape_cast %select_n3A_1236 : vector<16xf32> to vector<16xf32>
    tpu.vector_store %arg5[%swap3A_1237], %swap3A_1240 {strides = array<i32>} : memref<8192xf32, #tpu.memory_space<vmem>>, vector<16xf32>,
    %eq3A_1241 = vector.broadcast %add3A_1191 : i32 to vector<16xi32>
    %eq3A_1242 = arith.cmpi eq, %get3A_40, %eq3A_1241 : vector<16xi32>
    %select_n3A_1243 = arith.select %eq3A_1242, %broadcast_in_dim3A_3, %broadcast_in_dim3A_5 : vector<16xi1>, vector<16xf32>
    %swap3A_1244 = arith.constant 2736 : index
    %swap3A_1245 = tpu.vector_load %arg5[%swap3A_1244] {strides = array<i32>} : memref<8192xf32, #tpu.memory_space<vmem>>, vector<16xf32>,
    %swap3A_1246 = vector.shape_cast %swap3A_1245 : vector<16xf32> to vector<16xf32>
    %swap3A_1247 = vector.shape_cast %select_n3A_1243 : vector<16xf32> to vector<16xf32>
    tpu.vector_store %arg5[%swap3A_1244], %swap3A_1247 {strides = array<i32>} : memref<8192xf32, #tpu.memory_space<vmem>>, vector<16xf32>,
    %eq3A_1248 = vector.broadcast %add3A_1191 : i32 to vector<16xi32>
    %eq3A_1249 = arith.cmpi eq, %get3A_19, %eq3A_1248 : vector<16xi32>
    %select_n3A_1250 = arith.select %eq3A_1249, %broadcast_in_dim3A_3, %broadcast_in_dim3A_5 : vector<16xi1>, vector<16xf32>
    %swap3A_1251 = arith.constant 2624 : index
    %swap3A_1252 = tpu.vector_load %arg5[%swap3A_1251] {strides = array<i32>} : memref<8192xf32, #tpu.memory_space<vmem>>, vector<16xf32>,
    %swap3A_1253 = vector.shape_cast %swap3A_1252 : vector<16xf32> to vector<16xf32>
    %swap3A_1254 = vector.shape_cast %select_n3A_1250 : vector<16xf32> to vector<16xf32>
    tpu.vector_store %arg5[%swap3A_1251], %swap3A_1254 {strides = array<i32>} : memref<8192xf32, #tpu.memory_space<vmem>>, vector<16xf32>,
    %eq3A_1255 = vector.broadcast %add3A_1191 : i32 to vector<16xi32>
    %eq3A_1256 = arith.cmpi eq, %get3A_43, %eq3A_1255 : vector<16xi32>
    %select_n3A_1257 = arith.select %eq3A_1256, %broadcast_in_dim3A_3, %broadcast_in_dim3A_5 : vector<16xi1>, vector<16xf32>
    %swap3A_1258 = arith.constant 2752 : index
    %swap3A_1259 = tpu.vector_load %arg5[%swap3A_1258] {strides = array<i32>} : memref<8192xf32, #tpu.memory_space<vmem>>, vector<16xf32>,
    %swap3A_1260 = vector.shape_cast %swap3A_1259 : vector<16xf32> to vector<16xf32>
    %swap3A_1261 = vector.shape_cast %select_n3A_1257 : vector<16xf32> to vector<16xf32>
    tpu.vector_store %arg5[%swap3A_1258], %swap3A_1261 {strides = array<i32>} : memref<8192xf32, #tpu.memory_space<vmem>>, vector<16xf32>,
    %eq3A_1262 = vector.broadcast %add3A_1191 : i32 to vector<16xi32>
    %eq3A_1263 = arith.cmpi eq, %get3A_22, %eq3A_1262 : vector<16xi32>
    %select_n3A_1264 = arith.select %eq3A_1263, %broadcast_in_dim3A_3, %broadcast_in_dim3A_5 : vector<16xi1>, vector<16xf32>
    %swap3A_1265 = arith.constant 2640 : index
    %swap3A_1266 = tpu.vector_load %arg5[%swap3A_1265] {strides = array<i32>} : memref<8192xf32, #tpu.memory_space<vmem>>, vector<16xf32>,
    %swap3A_1267 = vector.shape_cast %swap3A_1266 : vector<16xf32> to vector<16xf32>
    %swap3A_1268 = vector.shape_cast %select_n3A_1264 : vector<16xf32> to vector<16xf32>
    tpu.vector_store %arg5[%swap3A_1265], %swap3A_1268 {strides = array<i32>} : memref<8192xf32, #tpu.memory_space<vmem>>, vector<16xf32>,
    %eq3A_1269 = vector.broadcast %add3A_1191 : i32 to vector<16xi32>
    %eq3A_1270 = arith.cmpi eq, %get3A_46, %eq3A_1269 : vector<16xi32>
    %select_n3A_1271 = arith.select %eq3A_1270, %broadcast_in_dim3A_3, %broadcast_in_dim3A_5 : vector<16xi1>, vector<16xf32>
    %swap3A_1272 = arith.constant 2768 : index
    %swap3A_1273 = tpu.vector_load %arg5[%swap3A_1272] {strides = array<i32>} : memref<8192xf32, #tpu.memory_space<vmem>>, vector<16xf32>,
    %swap3A_1274 = vector.shape_cast %swap3A_1273 : vector<16xf32> to vector<16xf32>
    %swap3A_1275 = vector.shape_cast %select_n3A_1271 : vector<16xf32> to vector<16xf32>
    tpu.vector_store %arg5[%swap3A_1272], %swap3A_1275 {strides = array<i32>} : memref<8192xf32, #tpu.memory_space<vmem>>, vector<16xf32>,
    %eq3A_1276 = vector.broadcast %add3A_1191 : i32 to vector<16xi32>
    %eq3A_1277 = arith.cmpi eq, %get3A_25, %eq3A_1276 : vector<16xi32>
    %select_n3A_1278 = arith.select %eq3A_1277, %broadcast_in_dim3A_3, %broadcast_in_dim3A_5 : vector<16xi1>, vector<16xf32>
    %swap3A_1279 = arith.constant 2656 : index
    %swap3A_1280 = tpu.vector_load %arg5[%swap3A_1279] {strides = array<i32>} : memref<8192xf32, #tpu.memory_space<vmem>>, vector<16xf32>,
    %swap3A_1281 = vector.shape_cast %swap3A_1280 : vector<16xf32> to vector<16xf32>
    %swap3A_1282 = vector.shape_cast %select_n3A_1278 : vector<16xf32> to vector<16xf32>
    tpu.vector_store %arg5[%swap3A_1279], %swap3A_1282 {strides = array<i32>} : memref<8192xf32, #tpu.memory_space<vmem>>, vector<16xf32>,
    %eq3A_1283 = vector.broadcast %add3A_1191 : i32 to vector<16xi32>
    %eq3A_1284 = arith.cmpi eq, %get3A_49, %eq3A_1283 : vector<16xi32>
    %select_n3A_1285 = arith.select %eq3A_1284, %broadcast_in_dim3A_3, %broadcast_in_dim3A_5 : vector<16xi1>, vector<16xf32>
    %swap3A_1286 = arith.constant 2784 : index
    %swap3A_1287 = tpu.vector_load %arg5[%swap3A_1286] {strides = array<i32>} : memref<8192xf32, #tpu.memory_space<vmem>>, vector<16xf32>,
    %swap3A_1288 = vector.shape_cast %swap3A_1287 : vector<16xf32> to vector<16xf32>
    %swap3A_1289 = vector.shape_cast %select_n3A_1285 : vector<16xf32> to vector<16xf32>
    tpu.vector_store %arg5[%swap3A_1286], %swap3A_1289 {strides = array<i32>} : memref<8192xf32, #tpu.memory_space<vmem>>, vector<16xf32>,
    %eq3A_1290 = vector.broadcast %add3A_1191 : i32 to vector<16xi32>
    %eq3A_1291 = arith.cmpi eq, %get3A_28, %eq3A_1290 : vector<16xi32>
    %select_n3A_1292 = arith.select %eq3A_1291, %broadcast_in_dim3A_3, %broadcast_in_dim3A_5 : vector<16xi1>, vector<16xf32>
    %swap3A_1293 = arith.constant 2672 : index
    %swap3A_1294 = tpu.vector_load %arg5[%swap3A_1293] {strides = array<i32>} : memref<8192xf32, #tpu.memory_space<vmem>>, vector<16xf32>,
    %swap3A_1295 = vector.shape_cast %swap3A_1294 : vector<16xf32> to vector<16xf32>
    %swap3A_1296 = vector.shape_cast %select_n3A_1292 : vector<16xf32> to vector<16xf32>
    tpu.vector_store %arg5[%swap3A_1293], %swap3A_1296 {strides = array<i32>} : memref<8192xf32, #tpu.memory_space<vmem>>, vector<16xf32>,
    %eq3A_1297 = vector.broadcast %add3A_1191 : i32 to vector<16xi32>
    %eq3A_1298 = arith.cmpi eq, %get3A_52, %eq3A_1297 : vector<16xi32>
    %select_n3A_1299 = arith.select %eq3A_1298, %broadcast_in_dim3A_3, %broadcast_in_dim3A_5 : vector<16xi1>, vector<16xf32>
    %swap3A_1300 = arith.constant 2800 : index
    %swap3A_1301 = tpu.vector_load %arg5[%swap3A_1300] {strides = array<i32>} : memref<8192xf32, #tpu.memory_space<vmem>>, vector<16xf32>,
    %swap3A_1302 = vector.shape_cast %swap3A_1301 : vector<16xf32> to vector<16xf32>
    %swap3A_1303 = vector.shape_cast %select_n3A_1299 : vector<16xf32> to vector<16xf32>
    tpu.vector_store %arg5[%swap3A_1300], %swap3A_1303 {strides = array<i32>} : memref<8192xf32, #tpu.memory_space<vmem>>, vector<16xf32>,
    %add3A_1304 = arith.constant 11 : i32
    %add3A_1305 = arith.addi %mul3A_2, %add3A_1304 : i32
    %eq3A_1306 = vector.broadcast %add3A_1305 : i32 to vector<16xi32>
    %eq3A_1307 = arith.cmpi eq, %get3A_7, %eq3A_1306 : vector<16xi32>
    %select_n3A_1308 = arith.select %eq3A_1307, %broadcast_in_dim3A_3, %broadcast_in_dim3A_5 : vector<16xi1>, vector<16xf32>
    %swap3A_1309 = arith.constant 2816 : index
    %swap3A_1310 = tpu.vector_load %arg5[%swap3A_1309] {strides = array<i32>} : memref<8192xf32, #tpu.memory_space<vmem>>, vector<16xf32>,
    %swap3A_1311 = vector.shape_cast %swap3A_1310 : vector<16xf32> to vector<16xf32>
    %swap3A_1312 = vector.shape_cast %select_n3A_1308 : vector<16xf32> to vector<16xf32>
    tpu.vector_store %arg5[%swap3A_1309], %swap3A_1312 {strides = array<i32>} : memref<8192xf32, #tpu.memory_space<vmem>>, vector<16xf32>,
    %eq3A_1313 = vector.broadcast %add3A_1305 : i32 to vector<16xi32>
    %eq3A_1314 = arith.cmpi eq, %get3A_31, %eq3A_1313 : vector<16xi32>
    %select_n3A_1315 = arith.select %eq3A_1314, %broadcast_in_dim3A_3, %broadcast_in_dim3A_5 : vector<16xi1>, vector<16xf32>
    %swap3A_1316 = arith.constant 2944 : index
    %swap3A_1317 = tpu.vector_load %arg5[%swap3A_1316] {strides = array<i32>} : memref<8192xf32, #tpu.memory_space<vmem>>, vector<16xf32>,
    %swap3A_1318 = vector.shape_cast %swap3A_1317 : vector<16xf32> to vector<16xf32>
    %swap3A_1319 = vector.shape_cast %select_n3A_1315 : vector<16xf32> to vector<16xf32>
    tpu.vector_store %arg5[%swap3A_1316], %swap3A_1319 {strides = array<i32>} : memref<8192xf32, #tpu.memory_space<vmem>>, vector<16xf32>,
    %eq3A_1320 = vector.broadcast %add3A_1305 : i32 to vector<16xi32>
    %eq3A_1321 = arith.cmpi eq, %get3A_10, %eq3A_1320 : vector<16xi32>
    %select_n3A_1322 = arith.select %eq3A_1321, %broadcast_in_dim3A_3, %broadcast_in_dim3A_5 : vector<16xi1>, vector<16xf32>
    %swap3A_1323 = arith.constant 2832 : index
    %swap3A_1324 = tpu.vector_load %arg5[%swap3A_1323] {strides = array<i32>} : memref<8192xf32, #tpu.memory_space<vmem>>, vector<16xf32>,
    %swap3A_1325 = vector.shape_cast %swap3A_1324 : vector<16xf32> to vector<16xf32>
    %swap3A_1326 = vector.shape_cast %select_n3A_1322 : vector<16xf32> to vector<16xf32>
    tpu.vector_store %arg5[%swap3A_1323], %swap3A_1326 {strides = array<i32>} : memref<8192xf32, #tpu.memory_space<vmem>>, vector<16xf32>,
    %eq3A_1327 = vector.broadcast %add3A_1305 : i32 to vector<16xi32>
    %eq3A_1328 = arith.cmpi eq, %get3A_34, %eq3A_1327 : vector<16xi32>
    %select_n3A_1329 = arith.select %eq3A_1328, %broadcast_in_dim3A_3, %broadcast_in_dim3A_5 : vector<16xi1>, vector<16xf32>
    %swap3A_1330 = arith.constant 2960 : index
    %swap3A_1331 = tpu.vector_load %arg5[%swap3A_1330] {strides = array<i32>} : memref<8192xf32, #tpu.memory_space<vmem>>, vector<16xf32>,
    %swap3A_1332 = vector.shape_cast %swap3A_1331 : vector<16xf32> to vector<16xf32>
    %swap3A_1333 = vector.shape_cast %select_n3A_1329 : vector<16xf32> to vector<16xf32>
    tpu.vector_store %arg5[%swap3A_1330], %swap3A_1333 {strides = array<i32>} : memref<8192xf32, #tpu.memory_space<vmem>>, vector<16xf32>,
    %eq3A_1334 = vector.broadcast %add3A_1305 : i32 to vector<16xi32>
    %eq3A_1335 = arith.cmpi eq, %get3A_13, %eq3A_1334 : vector<16xi32>
    %select_n3A_1336 = arith.select %eq3A_1335, %broadcast_in_dim3A_3, %broadcast_in_dim3A_5 : vector<16xi1>, vector<16xf32>
    %swap3A_1337 = arith.constant 2848 : index
    %swap3A_1338 = tpu.vector_load %arg5[%swap3A_1337] {strides = array<i32>} : memref<8192xf32, #tpu.memory_space<vmem>>, vector<16xf32>,
    %swap3A_1339 = vector.shape_cast %swap3A_1338 : vector<16xf32> to vector<16xf32>
    %swap3A_1340 = vector.shape_cast %select_n3A_1336 : vector<16xf32> to vector<16xf32>
    tpu.vector_store %arg5[%swap3A_1337], %swap3A_1340 {strides = array<i32>} : memref<8192xf32, #tpu.memory_space<vmem>>, vector<16xf32>,
    %eq3A_1341 = vector.broadcast %add3A_1305 : i32 to vector<16xi32>
    %eq3A_1342 = arith.cmpi eq, %get3A_37, %eq3A_1341 : vector<16xi32>
    %select_n3A_1343 = arith.select %eq3A_1342, %broadcast_in_dim3A_3, %broadcast_in_dim3A_5 : vector<16xi1>, vector<16xf32>
    %swap3A_1344 = arith.constant 2976 : index
    %swap3A_1345 = tpu.vector_load %arg5[%swap3A_1344] {strides = array<i32>} : memref<8192xf32, #tpu.memory_space<vmem>>, vector<16xf32>,
    %swap3A_1346 = vector.shape_cast %swap3A_1345 : vector<16xf32> to vector<16xf32>
    %swap3A_1347 = vector.shape_cast %select_n3A_1343 : vector<16xf32> to vector<16xf32>
    tpu.vector_store %arg5[%swap3A_1344], %swap3A_1347 {strides = array<i32>} : memref<8192xf32, #tpu.memory_space<vmem>>, vector<16xf32>,
    %eq3A_1348 = vector.broadcast %add3A_1305 : i32 to vector<16xi32>
    %eq3A_1349 = arith.cmpi eq, %get3A_16, %eq3A_1348 : vector<16xi32>
    %select_n3A_1350 = arith.select %eq3A_1349, %broadcast_in_dim3A_3, %broadcast_in_dim3A_5 : vector<16xi1>, vector<16xf32>
    %swap3A_1351 = arith.constant 2864 : index
    %swap3A_1352 = tpu.vector_load %arg5[%swap3A_1351] {strides = array<i32>} : memref<8192xf32, #tpu.memory_space<vmem>>, vector<16xf32>,
    %swap3A_1353 = vector.shape_cast %swap3A_1352 : vector<16xf32> to vector<16xf32>
    %swap3A_1354 = vector.shape_cast %select_n3A_1350 : vector<16xf32> to vector<16xf32>
    tpu.vector_store %arg5[%swap3A_1351], %swap3A_1354 {strides = array<i32>} : memref<8192xf32, #tpu.memory_space<vmem>>, vector<16xf32>,
    %eq3A_1355 = vector.broadcast %add3A_1305 : i32 to vector<16xi32>
    %eq3A_1356 = arith.cmpi eq, %get3A_40, %eq3A_1355 : vector<16xi32>
    %select_n3A_1357 = arith.select %eq3A_1356, %broadcast_in_dim3A_3, %broadcast_in_dim3A_5 : vector<16xi1>, vector<16xf32>
    %swap3A_1358 = arith.constant 2992 : index
    %swap3A_1359 = tpu.vector_load %arg5[%swap3A_1358] {strides = array<i32>} : memref<8192xf32, #tpu.memory_space<vmem>>, vector<16xf32>,
    %swap3A_1360 = vector.shape_cast %swap3A_1359 : vector<16xf32> to vector<16xf32>
    %swap3A_1361 = vector.shape_cast %select_n3A_1357 : vector<16xf32> to vector<16xf32>
    tpu.vector_store %arg5[%swap3A_1358], %swap3A_1361 {strides = array<i32>} : memref<8192xf32, #tpu.memory_space<vmem>>, vector<16xf32>,
    %eq3A_1362 = vector.broadcast %add3A_1305 : i32 to vector<16xi32>
    %eq3A_1363 = arith.cmpi eq, %get3A_19, %eq3A_1362 : vector<16xi32>
    %select_n3A_1364 = arith.select %eq3A_1363, %broadcast_in_dim3A_3, %broadcast_in_dim3A_5 : vector<16xi1>, vector<16xf32>
    %swap3A_1365 = arith.constant 2880 : index
    %swap3A_1366 = tpu.vector_load %arg5[%swap3A_1365] {strides = array<i32>} : memref<8192xf32, #tpu.memory_space<vmem>>, vector<16xf32>,
    %swap3A_1367 = vector.shape_cast %swap3A_1366 : vector<16xf32> to vector<16xf32>
    %swap3A_1368 = vector.shape_cast %select_n3A_1364 : vector<16xf32> to vector<16xf32>
    tpu.vector_store %arg5[%swap3A_1365], %swap3A_1368 {strides = array<i32>} : memref<8192xf32, #tpu.memory_space<vmem>>, vector<16xf32>,
    %eq3A_1369 = vector.broadcast %add3A_1305 : i32 to vector<16xi32>
    %eq3A_1370 = arith.cmpi eq, %get3A_43, %eq3A_1369 : vector<16xi32>
    %select_n3A_1371 = arith.select %eq3A_1370, %broadcast_in_dim3A_3, %broadcast_in_dim3A_5 : vector<16xi1>, vector<16xf32>
    %swap3A_1372 = arith.constant 3008 : index
    %swap3A_1373 = tpu.vector_load %arg5[%swap3A_1372] {strides = array<i32>} : memref<8192xf32, #tpu.memory_space<vmem>>, vector<16xf32>,
    %swap3A_1374 = vector.shape_cast %swap3A_1373 : vector<16xf32> to vector<16xf32>
    %swap3A_1375 = vector.shape_cast %select_n3A_1371 : vector<16xf32> to vector<16xf32>
    tpu.vector_store %arg5[%swap3A_1372], %swap3A_1375 {strides = array<i32>} : memref<8192xf32, #tpu.memory_space<vmem>>, vector<16xf32>,
    %eq3A_1376 = vector.broadcast %add3A_1305 : i32 to vector<16xi32>
    %eq3A_1377 = arith.cmpi eq, %get3A_22, %eq3A_1376 : vector<16xi32>
    %select_n3A_1378 = arith.select %eq3A_1377, %broadcast_in_dim3A_3, %broadcast_in_dim3A_5 : vector<16xi1>, vector<16xf32>
    %swap3A_1379 = arith.constant 2896 : index
    %swap3A_1380 = tpu.vector_load %arg5[%swap3A_1379] {strides = array<i32>} : memref<8192xf32, #tpu.memory_space<vmem>>, vector<16xf32>,
    %swap3A_1381 = vector.shape_cast %swap3A_1380 : vector<16xf32> to vector<16xf32>
    %swap3A_1382 = vector.shape_cast %select_n3A_1378 : vector<16xf32> to vector<16xf32>
    tpu.vector_store %arg5[%swap3A_1379], %swap3A_1382 {strides = array<i32>} : memref<8192xf32, #tpu.memory_space<vmem>>, vector<16xf32>,
    %eq3A_1383 = vector.broadcast %add3A_1305 : i32 to vector<16xi32>
    %eq3A_1384 = arith.cmpi eq, %get3A_46, %eq3A_1383 : vector<16xi32>
    %select_n3A_1385 = arith.select %eq3A_1384, %broadcast_in_dim3A_3, %broadcast_in_dim3A_5 : vector<16xi1>, vector<16xf32>
    %swap3A_1386 = arith.constant 3024 : index
    %swap3A_1387 = tpu.vector_load %arg5[%swap3A_1386] {strides = array<i32>} : memref<8192xf32, #tpu.memory_space<vmem>>, vector<16xf32>,
    %swap3A_1388 = vector.shape_cast %swap3A_1387 : vector<16xf32> to vector<16xf32>
    %swap3A_1389 = vector.shape_cast %select_n3A_1385 : vector<16xf32> to vector<16xf32>
    tpu.vector_store %arg5[%swap3A_1386], %swap3A_1389 {strides = array<i32>} : memref<8192xf32, #tpu.memory_space<vmem>>, vector<16xf32>,
    %eq3A_1390 = vector.broadcast %add3A_1305 : i32 to vector<16xi32>
    %eq3A_1391 = arith.cmpi eq, %get3A_25, %eq3A_1390 : vector<16xi32>
    %select_n3A_1392 = arith.select %eq3A_1391, %broadcast_in_dim3A_3, %broadcast_in_dim3A_5 : vector<16xi1>, vector<16xf32>
    %swap3A_1393 = arith.constant 2912 : index
    %swap3A_1394 = tpu.vector_load %arg5[%swap3A_1393] {strides = array<i32>} : memref<8192xf32, #tpu.memory_space<vmem>>, vector<16xf32>,
    %swap3A_1395 = vector.shape_cast %swap3A_1394 : vector<16xf32> to vector<16xf32>
    %swap3A_1396 = vector.shape_cast %select_n3A_1392 : vector<16xf32> to vector<16xf32>
    tpu.vector_store %arg5[%swap3A_1393], %swap3A_1396 {strides = array<i32>} : memref<8192xf32, #tpu.memory_space<vmem>>, vector<16xf32>,
    %eq3A_1397 = vector.broadcast %add3A_1305 : i32 to vector<16xi32>
    %eq3A_1398 = arith.cmpi eq, %get3A_49, %eq3A_1397 : vector<16xi32>
    %select_n3A_1399 = arith.select %eq3A_1398, %broadcast_in_dim3A_3, %broadcast_in_dim3A_5 : vector<16xi1>, vector<16xf32>
    %swap3A_1400 = arith.constant 3040 : index
    %swap3A_1401 = tpu.vector_load %arg5[%swap3A_1400] {strides = array<i32>} : memref<8192xf32, #tpu.memory_space<vmem>>, vector<16xf32>,
    %swap3A_1402 = vector.shape_cast %swap3A_1401 : vector<16xf32> to vector<16xf32>
    %swap3A_1403 = vector.shape_cast %select_n3A_1399 : vector<16xf32> to vector<16xf32>
    tpu.vector_store %arg5[%swap3A_1400], %swap3A_1403 {strides = array<i32>} : memref<8192xf32, #tpu.memory_space<vmem>>, vector<16xf32>,
    %eq3A_1404 = vector.broadcast %add3A_1305 : i32 to vector<16xi32>
    %eq3A_1405 = arith.cmpi eq, %get3A_28, %eq3A_1404 : vector<16xi32>
    %select_n3A_1406 = arith.select %eq3A_1405, %broadcast_in_dim3A_3, %broadcast_in_dim3A_5 : vector<16xi1>, vector<16xf32>
    %swap3A_1407 = arith.constant 2928 : index
    %swap3A_1408 = tpu.vector_load %arg5[%swap3A_1407] {strides = array<i32>} : memref<8192xf32, #tpu.memory_space<vmem>>, vector<16xf32>,
    %swap3A_1409 = vector.shape_cast %swap3A_1408 : vector<16xf32> to vector<16xf32>
    %swap3A_1410 = vector.shape_cast %select_n3A_1406 : vector<16xf32> to vector<16xf32>
    tpu.vector_store %arg5[%swap3A_1407], %swap3A_1410 {strides = array<i32>} : memref<8192xf32, #tpu.memory_space<vmem>>, vector<16xf32>,
    %eq3A_1411 = vector.broadcast %add3A_1305 : i32 to vector<16xi32>
    %eq3A_1412 = arith.cmpi eq, %get3A_52, %eq3A_1411 : vector<16xi32>
    %select_n3A_1413 = arith.select %eq3A_1412, %broadcast_in_dim3A_3, %broadcast_in_dim3A_5 : vector<16xi1>, vector<16xf32>
    %swap3A_1414 = arith.constant 3056 : index
    %swap3A_1415 = tpu.vector_load %arg5[%swap3A_1414] {strides = array<i32>} : memref<8192xf32, #tpu.memory_space<vmem>>, vector<16xf32>,
    %swap3A_1416 = vector.shape_cast %swap3A_1415 : vector<16xf32> to vector<16xf32>
    %swap3A_1417 = vector.shape_cast %select_n3A_1413 : vector<16xf32> to vector<16xf32>
    tpu.vector_store %arg5[%swap3A_1414], %swap3A_1417 {strides = array<i32>} : memref<8192xf32, #tpu.memory_space<vmem>>, vector<16xf32>,
    %add3A_1418 = arith.constant 12 : i32
    %add3A_1419 = arith.addi %mul3A_2, %add3A_1418 : i32
    %eq3A_1420 = vector.broadcast %add3A_1419 : i32 to vector<16xi32>
    %eq3A_1421 = arith.cmpi eq, %get3A_7, %eq3A_1420 : vector<16xi32>
    %select_n3A_1422 = arith.select %eq3A_1421, %broadcast_in_dim3A_3, %broadcast_in_dim3A_5 : vector<16xi1>, vector<16xf32>
    %swap3A_1423 = arith.constant 3072 : index
    %swap3A_1424 = tpu.vector_load %arg5[%swap3A_1423] {strides = array<i32>} : memref<8192xf32, #tpu.memory_space<vmem>>, vector<16xf32>,
    %swap3A_1425 = vector.shape_cast %swap3A_1424 : vector<16xf32> to vector<16xf32>
    %swap3A_1426 = vector.shape_cast %select_n3A_1422 : vector<16xf32> to vector<16xf32>
    tpu.vector_store %arg5[%swap3A_1423], %swap3A_1426 {strides = array<i32>} : memref<8192xf32, #tpu.memory_space<vmem>>, vector<16xf32>,
    %eq3A_1427 = vector.broadcast %add3A_1419 : i32 to vector<16xi32>
    %eq3A_1428 = arith.cmpi eq, %get3A_31, %eq3A_1427 : vector<16xi32>
    %select_n3A_1429 = arith.select %eq3A_1428, %broadcast_in_dim3A_3, %broadcast_in_dim3A_5 : vector<16xi1>, vector<16xf32>
    %swap3A_1430 = arith.constant 3200 : index
    %swap3A_1431 = tpu.vector_load %arg5[%swap3A_1430] {strides = array<i32>} : memref<8192xf32, #tpu.memory_space<vmem>>, vector<16xf32>,
    %swap3A_1432 = vector.shape_cast %swap3A_1431 : vector<16xf32> to vector<16xf32>
    %swap3A_1433 = vector.shape_cast %select_n3A_1429 : vector<16xf32> to vector<16xf32>
    tpu.vector_store %arg5[%swap3A_1430], %swap3A_1433 {strides = array<i32>} : memref<8192xf32, #tpu.memory_space<vmem>>, vector<16xf32>,
    %eq3A_1434 = vector.broadcast %add3A_1419 : i32 to vector<16xi32>
    %eq3A_1435 = arith.cmpi eq, %get3A_10, %eq3A_1434 : vector<16xi32>
    %select_n3A_1436 = arith.select %eq3A_1435, %broadcast_in_dim3A_3, %broadcast_in_dim3A_5 : vector<16xi1>, vector<16xf32>
    %swap3A_1437 = arith.constant 3088 : index
    %swap3A_1438 = tpu.vector_load %arg5[%swap3A_1437] {strides = array<i32>} : memref<8192xf32, #tpu.memory_space<vmem>>, vector<16xf32>,
    %swap3A_1439 = vector.shape_cast %swap3A_1438 : vector<16xf32> to vector<16xf32>
    %swap3A_1440 = vector.shape_cast %select_n3A_1436 : vector<16xf32> to vector<16xf32>
    tpu.vector_store %arg5[%swap3A_1437], %swap3A_1440 {strides = array<i32>} : memref<8192xf32, #tpu.memory_space<vmem>>, vector<16xf32>,
    %eq3A_1441 = vector.broadcast %add3A_1419 : i32 to vector<16xi32>
    %eq3A_1442 = arith.cmpi eq, %get3A_34, %eq3A_1441 : vector<16xi32>
    %select_n3A_1443 = arith.select %eq3A_1442, %broadcast_in_dim3A_3, %broadcast_in_dim3A_5 : vector<16xi1>, vector<16xf32>
    %swap3A_1444 = arith.constant 3216 : index
    %swap3A_1445 = tpu.vector_load %arg5[%swap3A_1444] {strides = array<i32>} : memref<8192xf32, #tpu.memory_space<vmem>>, vector<16xf32>,
    %swap3A_1446 = vector.shape_cast %swap3A_1445 : vector<16xf32> to vector<16xf32>
    %swap3A_1447 = vector.shape_cast %select_n3A_1443 : vector<16xf32> to vector<16xf32>
    tpu.vector_store %arg5[%swap3A_1444], %swap3A_1447 {strides = array<i32>} : memref<8192xf32, #tpu.memory_space<vmem>>, vector<16xf32>,
    %eq3A_1448 = vector.broadcast %add3A_1419 : i32 to vector<16xi32>
    %eq3A_1449 = arith.cmpi eq, %get3A_13, %eq3A_1448 : vector<16xi32>
    %select_n3A_1450 = arith.select %eq3A_1449, %broadcast_in_dim3A_3, %broadcast_in_dim3A_5 : vector<16xi1>, vector<16xf32>
    %swap3A_1451 = arith.constant 3104 : index
    %swap3A_1452 = tpu.vector_load %arg5[%swap3A_1451] {strides = array<i32>} : memref<8192xf32, #tpu.memory_space<vmem>>, vector<16xf32>,
    %swap3A_1453 = vector.shape_cast %swap3A_1452 : vector<16xf32> to vector<16xf32>
    %swap3A_1454 = vector.shape_cast %select_n3A_1450 : vector<16xf32> to vector<16xf32>
    tpu.vector_store %arg5[%swap3A_1451], %swap3A_1454 {strides = array<i32>} : memref<8192xf32, #tpu.memory_space<vmem>>, vector<16xf32>,
    %eq3A_1455 = vector.broadcast %add3A_1419 : i32 to vector<16xi32>
    %eq3A_1456 = arith.cmpi eq, %get3A_37, %eq3A_1455 : vector<16xi32>
    %select_n3A_1457 = arith.select %eq3A_1456, %broadcast_in_dim3A_3, %broadcast_in_dim3A_5 : vector<16xi1>, vector<16xf32>
    %swap3A_1458 = arith.constant 3232 : index
    %swap3A_1459 = tpu.vector_load %arg5[%swap3A_1458] {strides = array<i32>} : memref<8192xf32, #tpu.memory_space<vmem>>, vector<16xf32>,
    %swap3A_1460 = vector.shape_cast %swap3A_1459 : vector<16xf32> to vector<16xf32>
    %swap3A_1461 = vector.shape_cast %select_n3A_1457 : vector<16xf32> to vector<16xf32>
    tpu.vector_store %arg5[%swap3A_1458], %swap3A_1461 {strides = array<i32>} : memref<8192xf32, #tpu.memory_space<vmem>>, vector<16xf32>,
    %eq3A_1462 = vector.broadcast %add3A_1419 : i32 to vector<16xi32>
    %eq3A_1463 = arith.cmpi eq, %get3A_16, %eq3A_1462 : vector<16xi32>
    %select_n3A_1464 = arith.select %eq3A_1463, %broadcast_in_dim3A_3, %broadcast_in_dim3A_5 : vector<16xi1>, vector<16xf32>
    %swap3A_1465 = arith.constant 3120 : index
    %swap3A_1466 = tpu.vector_load %arg5[%swap3A_1465] {strides = array<i32>} : memref<8192xf32, #tpu.memory_space<vmem>>, vector<16xf32>,
    %swap3A_1467 = vector.shape_cast %swap3A_1466 : vector<16xf32> to vector<16xf32>
    %swap3A_1468 = vector.shape_cast %select_n3A_1464 : vector<16xf32> to vector<16xf32>
    tpu.vector_store %arg5[%swap3A_1465], %swap3A_1468 {strides = array<i32>} : memref<8192xf32, #tpu.memory_space<vmem>>, vector<16xf32>,
    %eq3A_1469 = vector.broadcast %add3A_1419 : i32 to vector<16xi32>
    %eq3A_1470 = arith.cmpi eq, %get3A_40, %eq3A_1469 : vector<16xi32>
    %select_n3A_1471 = arith.select %eq3A_1470, %broadcast_in_dim3A_3, %broadcast_in_dim3A_5 : vector<16xi1>, vector<16xf32>
    %swap3A_1472 = arith.constant 3248 : index
    %swap3A_1473 = tpu.vector_load %arg5[%swap3A_1472] {strides = array<i32>} : memref<8192xf32, #tpu.memory_space<vmem>>, vector<16xf32>,
    %swap3A_1474 = vector.shape_cast %swap3A_1473 : vector<16xf32> to vector<16xf32>
    %swap3A_1475 = vector.shape_cast %select_n3A_1471 : vector<16xf32> to vector<16xf32>
    tpu.vector_store %arg5[%swap3A_1472], %swap3A_1475 {strides = array<i32>} : memref<8192xf32, #tpu.memory_space<vmem>>, vector<16xf32>,
    %eq3A_1476 = vector.broadcast %add3A_1419 : i32 to vector<16xi32>
    %eq3A_1477 = arith.cmpi eq, %get3A_19, %eq3A_1476 : vector<16xi32>
    %select_n3A_1478 = arith.select %eq3A_1477, %broadcast_in_dim3A_3, %broadcast_in_dim3A_5 : vector<16xi1>, vector<16xf32>
    %swap3A_1479 = arith.constant 3136 : index
    %swap3A_1480 = tpu.vector_load %arg5[%swap3A_1479] {strides = array<i32>} : memref<8192xf32, #tpu.memory_space<vmem>>, vector<16xf32>,
    %swap3A_1481 = vector.shape_cast %swap3A_1480 : vector<16xf32> to vector<16xf32>
    %swap3A_1482 = vector.shape_cast %select_n3A_1478 : vector<16xf32> to vector<16xf32>
    tpu.vector_store %arg5[%swap3A_1479], %swap3A_1482 {strides = array<i32>} : memref<8192xf32, #tpu.memory_space<vmem>>, vector<16xf32>,
    %eq3A_1483 = vector.broadcast %add3A_1419 : i32 to vector<16xi32>
    %eq3A_1484 = arith.cmpi eq, %get3A_43, %eq3A_1483 : vector<16xi32>
    %select_n3A_1485 = arith.select %eq3A_1484, %broadcast_in_dim3A_3, %broadcast_in_dim3A_5 : vector<16xi1>, vector<16xf32>
    %swap3A_1486 = arith.constant 3264 : index
    %swap3A_1487 = tpu.vector_load %arg5[%swap3A_1486] {strides = array<i32>} : memref<8192xf32, #tpu.memory_space<vmem>>, vector<16xf32>,
    %swap3A_1488 = vector.shape_cast %swap3A_1487 : vector<16xf32> to vector<16xf32>
    %swap3A_1489 = vector.shape_cast %select_n3A_1485 : vector<16xf32> to vector<16xf32>
    tpu.vector_store %arg5[%swap3A_1486], %swap3A_1489 {strides = array<i32>} : memref<8192xf32, #tpu.memory_space<vmem>>, vector<16xf32>,
    %eq3A_1490 = vector.broadcast %add3A_1419 : i32 to vector<16xi32>
    %eq3A_1491 = arith.cmpi eq, %get3A_22, %eq3A_1490 : vector<16xi32>
    %select_n3A_1492 = arith.select %eq3A_1491, %broadcast_in_dim3A_3, %broadcast_in_dim3A_5 : vector<16xi1>, vector<16xf32>
    %swap3A_1493 = arith.constant 3152 : index
    %swap3A_1494 = tpu.vector_load %arg5[%swap3A_1493] {strides = array<i32>} : memref<8192xf32, #tpu.memory_space<vmem>>, vector<16xf32>,
    %swap3A_1495 = vector.shape_cast %swap3A_1494 : vector<16xf32> to vector<16xf32>
    %swap3A_1496 = vector.shape_cast %select_n3A_1492 : vector<16xf32> to vector<16xf32>
    tpu.vector_store %arg5[%swap3A_1493], %swap3A_1496 {strides = array<i32>} : memref<8192xf32, #tpu.memory_space<vmem>>, vector<16xf32>,
    %eq3A_1497 = vector.broadcast %add3A_1419 : i32 to vector<16xi32>
    %eq3A_1498 = arith.cmpi eq, %get3A_46, %eq3A_1497 : vector<16xi32>
    %select_n3A_1499 = arith.select %eq3A_1498, %broadcast_in_dim3A_3, %broadcast_in_dim3A_5 : vector<16xi1>, vector<16xf32>
    %swap3A_1500 = arith.constant 3280 : index
    %swap3A_1501 = tpu.vector_load %arg5[%swap3A_1500] {strides = array<i32>} : memref<8192xf32, #tpu.memory_space<vmem>>, vector<16xf32>,
    %swap3A_1502 = vector.shape_cast %swap3A_1501 : vector<16xf32> to vector<16xf32>
    %swap3A_1503 = vector.shape_cast %select_n3A_1499 : vector<16xf32> to vector<16xf32>
    tpu.vector_store %arg5[%swap3A_1500], %swap3A_1503 {strides = array<i32>} : memref<8192xf32, #tpu.memory_space<vmem>>, vector<16xf32>,
    %eq3A_1504 = vector.broadcast %add3A_1419 : i32 to vector<16xi32>
    %eq3A_1505 = arith.cmpi eq, %get3A_25, %eq3A_1504 : vector<16xi32>
    %select_n3A_1506 = arith.select %eq3A_1505, %broadcast_in_dim3A_3, %broadcast_in_dim3A_5 : vector<16xi1>, vector<16xf32>
    %swap3A_1507 = arith.constant 3168 : index
    %swap3A_1508 = tpu.vector_load %arg5[%swap3A_1507] {strides = array<i32>} : memref<8192xf32, #tpu.memory_space<vmem>>, vector<16xf32>,
    %swap3A_1509 = vector.shape_cast %swap3A_1508 : vector<16xf32> to vector<16xf32>
    %swap3A_1510 = vector.shape_cast %select_n3A_1506 : vector<16xf32> to vector<16xf32>
    tpu.vector_store %arg5[%swap3A_1507], %swap3A_1510 {strides = array<i32>} : memref<8192xf32, #tpu.memory_space<vmem>>, vector<16xf32>,
    %eq3A_1511 = vector.broadcast %add3A_1419 : i32 to vector<16xi32>
    %eq3A_1512 = arith.cmpi eq, %get3A_49, %eq3A_1511 : vector<16xi32>
    %select_n3A_1513 = arith.select %eq3A_1512, %broadcast_in_dim3A_3, %broadcast_in_dim3A_5 : vector<16xi1>, vector<16xf32>
    %swap3A_1514 = arith.constant 3296 : index
    %swap3A_1515 = tpu.vector_load %arg5[%swap3A_1514] {strides = array<i32>} : memref<8192xf32, #tpu.memory_space<vmem>>, vector<16xf32>,
    %swap3A_1516 = vector.shape_cast %swap3A_1515 : vector<16xf32> to vector<16xf32>
    %swap3A_1517 = vector.shape_cast %select_n3A_1513 : vector<16xf32> to vector<16xf32>
    tpu.vector_store %arg5[%swap3A_1514], %swap3A_1517 {strides = array<i32>} : memref<8192xf32, #tpu.memory_space<vmem>>, vector<16xf32>,
    %eq3A_1518 = vector.broadcast %add3A_1419 : i32 to vector<16xi32>
    %eq3A_1519 = arith.cmpi eq, %get3A_28, %eq3A_1518 : vector<16xi32>
    %select_n3A_1520 = arith.select %eq3A_1519, %broadcast_in_dim3A_3, %broadcast_in_dim3A_5 : vector<16xi1>, vector<16xf32>
    %swap3A_1521 = arith.constant 3184 : index
    %swap3A_1522 = tpu.vector_load %arg5[%swap3A_1521] {strides = array<i32>} : memref<8192xf32, #tpu.memory_space<vmem>>, vector<16xf32>,
    %swap3A_1523 = vector.shape_cast %swap3A_1522 : vector<16xf32> to vector<16xf32>
    %swap3A_1524 = vector.shape_cast %select_n3A_1520 : vector<16xf32> to vector<16xf32>
    tpu.vector_store %arg5[%swap3A_1521], %swap3A_1524 {strides = array<i32>} : memref<8192xf32, #tpu.memory_space<vmem>>, vector<16xf32>,
    %eq3A_1525 = vector.broadcast %add3A_1419 : i32 to vector<16xi32>
    %eq3A_1526 = arith.cmpi eq, %get3A_52, %eq3A_1525 : vector<16xi32>
    %select_n3A_1527 = arith.select %eq3A_1526, %broadcast_in_dim3A_3, %broadcast_in_dim3A_5 : vector<16xi1>, vector<16xf32>
    %swap3A_1528 = arith.constant 3312 : index
    %swap3A_1529 = tpu.vector_load %arg5[%swap3A_1528] {strides = array<i32>} : memref<8192xf32, #tpu.memory_space<vmem>>, vector<16xf32>,
    %swap3A_1530 = vector.shape_cast %swap3A_1529 : vector<16xf32> to vector<16xf32>
    %swap3A_1531 = vector.shape_cast %select_n3A_1527 : vector<16xf32> to vector<16xf32>
    tpu.vector_store %arg5[%swap3A_1528], %swap3A_1531 {strides = array<i32>} : memref<8192xf32, #tpu.memory_space<vmem>>, vector<16xf32>,
    %add3A_1532 = arith.constant 13 : i32
    %add3A_1533 = arith.addi %mul3A_2, %add3A_1532 : i32
    %eq3A_1534 = vector.broadcast %add3A_1533 : i32 to vector<16xi32>
    %eq3A_1535 = arith.cmpi eq, %get3A_7, %eq3A_1534 : vector<16xi32>
    %select_n3A_1536 = arith.select %eq3A_1535, %broadcast_in_dim3A_3, %broadcast_in_dim3A_5 : vector<16xi1>, vector<16xf32>
    %swap3A_1537 = arith.constant 3328 : index
    %swap3A_1538 = tpu.vector_load %arg5[%swap3A_1537] {strides = array<i32>} : memref<8192xf32, #tpu.memory_space<vmem>>, vector<16xf32>,
    %swap3A_1539 = vector.shape_cast %swap3A_1538 : vector<16xf32> to vector<16xf32>
    %swap3A_1540 = vector.shape_cast %select_n3A_1536 : vector<16xf32> to vector<16xf32>
    tpu.vector_store %arg5[%swap3A_1537], %swap3A_1540 {strides = array<i32>} : memref<8192xf32, #tpu.memory_space<vmem>>, vector<16xf32>,
    %eq3A_1541 = vector.broadcast %add3A_1533 : i32 to vector<16xi32>
    %eq3A_1542 = arith.cmpi eq, %get3A_31, %eq3A_1541 : vector<16xi32>
    %select_n3A_1543 = arith.select %eq3A_1542, %broadcast_in_dim3A_3, %broadcast_in_dim3A_5 : vector<16xi1>, vector<16xf32>
    %swap3A_1544 = arith.constant 3456 : index
    %swap3A_1545 = tpu.vector_load %arg5[%swap3A_1544] {strides = array<i32>} : memref<8192xf32, #tpu.memory_space<vmem>>, vector<16xf32>,
    %swap3A_1546 = vector.shape_cast %swap3A_1545 : vector<16xf32> to vector<16xf32>
    %swap3A_1547 = vector.shape_cast %select_n3A_1543 : vector<16xf32> to vector<16xf32>
    tpu.vector_store %arg5[%swap3A_1544], %swap3A_1547 {strides = array<i32>} : memref<8192xf32, #tpu.memory_space<vmem>>, vector<16xf32>,
    %eq3A_1548 = vector.broadcast %add3A_1533 : i32 to vector<16xi32>
    %eq3A_1549 = arith.cmpi eq, %get3A_10, %eq3A_1548 : vector<16xi32>
    %select_n3A_1550 = arith.select %eq3A_1549, %broadcast_in_dim3A_3, %broadcast_in_dim3A_5 : vector<16xi1>, vector<16xf32>
    %swap3A_1551 = arith.constant 3344 : index
    %swap3A_1552 = tpu.vector_load %arg5[%swap3A_1551] {strides = array<i32>} : memref<8192xf32, #tpu.memory_space<vmem>>, vector<16xf32>,
    %swap3A_1553 = vector.shape_cast %swap3A_1552 : vector<16xf32> to vector<16xf32>
    %swap3A_1554 = vector.shape_cast %select_n3A_1550 : vector<16xf32> to vector<16xf32>
    tpu.vector_store %arg5[%swap3A_1551], %swap3A_1554 {strides = array<i32>} : memref<8192xf32, #tpu.memory_space<vmem>>, vector<16xf32>,
    %eq3A_1555 = vector.broadcast %add3A_1533 : i32 to vector<16xi32>
    %eq3A_1556 = arith.cmpi eq, %get3A_34, %eq3A_1555 : vector<16xi32>
    %select_n3A_1557 = arith.select %eq3A_1556, %broadcast_in_dim3A_3, %broadcast_in_dim3A_5 : vector<16xi1>, vector<16xf32>
    %swap3A_1558 = arith.constant 3472 : index
    %swap3A_1559 = tpu.vector_load %arg5[%swap3A_1558] {strides = array<i32>} : memref<8192xf32, #tpu.memory_space<vmem>>, vector<16xf32>,
    %swap3A_1560 = vector.shape_cast %swap3A_1559 : vector<16xf32> to vector<16xf32>
    %swap3A_1561 = vector.shape_cast %select_n3A_1557 : vector<16xf32> to vector<16xf32>
    tpu.vector_store %arg5[%swap3A_1558], %swap3A_1561 {strides = array<i32>} : memref<8192xf32, #tpu.memory_space<vmem>>, vector<16xf32>,
    %eq3A_1562 = vector.broadcast %add3A_1533 : i32 to vector<16xi32>
    %eq3A_1563 = arith.cmpi eq, %get3A_13, %eq3A_1562 : vector<16xi32>
    %select_n3A_1564 = arith.select %eq3A_1563, %broadcast_in_dim3A_3, %broadcast_in_dim3A_5 : vector<16xi1>, vector<16xf32>
    %swap3A_1565 = arith.constant 3360 : index
    %swap3A_1566 = tpu.vector_load %arg5[%swap3A_1565] {strides = array<i32>} : memref<8192xf32, #tpu.memory_space<vmem>>, vector<16xf32>,
    %swap3A_1567 = vector.shape_cast %swap3A_1566 : vector<16xf32> to vector<16xf32>
    %swap3A_1568 = vector.shape_cast %select_n3A_1564 : vector<16xf32> to vector<16xf32>
    tpu.vector_store %arg5[%swap3A_1565], %swap3A_1568 {strides = array<i32>} : memref<8192xf32, #tpu.memory_space<vmem>>, vector<16xf32>,
    %eq3A_1569 = vector.broadcast %add3A_1533 : i32 to vector<16xi32>
    %eq3A_1570 = arith.cmpi eq, %get3A_37, %eq3A_1569 : vector<16xi32>
    %select_n3A_1571 = arith.select %eq3A_1570, %broadcast_in_dim3A_3, %broadcast_in_dim3A_5 : vector<16xi1>, vector<16xf32>
    %swap3A_1572 = arith.constant 3488 : index
    %swap3A_1573 = tpu.vector_load %arg5[%swap3A_1572] {strides = array<i32>} : memref<8192xf32, #tpu.memory_space<vmem>>, vector<16xf32>,
    %swap3A_1574 = vector.shape_cast %swap3A_1573 : vector<16xf32> to vector<16xf32>
    %swap3A_1575 = vector.shape_cast %select_n3A_1571 : vector<16xf32> to vector<16xf32>
    tpu.vector_store %arg5[%swap3A_1572], %swap3A_1575 {strides = array<i32>} : memref<8192xf32, #tpu.memory_space<vmem>>, vector<16xf32>,
    %eq3A_1576 = vector.broadcast %add3A_1533 : i32 to vector<16xi32>
    %eq3A_1577 = arith.cmpi eq, %get3A_16, %eq3A_1576 : vector<16xi32>
    %select_n3A_1578 = arith.select %eq3A_1577, %broadcast_in_dim3A_3, %broadcast_in_dim3A_5 : vector<16xi1>, vector<16xf32>
    %swap3A_1579 = arith.constant 3376 : index
    %swap3A_1580 = tpu.vector_load %arg5[%swap3A_1579] {strides = array<i32>} : memref<8192xf32, #tpu.memory_space<vmem>>, vector<16xf32>,
    %swap3A_1581 = vector.shape_cast %swap3A_1580 : vector<16xf32> to vector<16xf32>
    %swap3A_1582 = vector.shape_cast %select_n3A_1578 : vector<16xf32> to vector<16xf32>
    tpu.vector_store %arg5[%swap3A_1579], %swap3A_1582 {strides = array<i32>} : memref<8192xf32, #tpu.memory_space<vmem>>, vector<16xf32>,
    %eq3A_1583 = vector.broadcast %add3A_1533 : i32 to vector<16xi32>
    %eq3A_1584 = arith.cmpi eq, %get3A_40, %eq3A_1583 : vector<16xi32>
    %select_n3A_1585 = arith.select %eq3A_1584, %broadcast_in_dim3A_3, %broadcast_in_dim3A_5 : vector<16xi1>, vector<16xf32>
    %swap3A_1586 = arith.constant 3504 : index
    %swap3A_1587 = tpu.vector_load %arg5[%swap3A_1586] {strides = array<i32>} : memref<8192xf32, #tpu.memory_space<vmem>>, vector<16xf32>,
    %swap3A_1588 = vector.shape_cast %swap3A_1587 : vector<16xf32> to vector<16xf32>
    %swap3A_1589 = vector.shape_cast %select_n3A_1585 : vector<16xf32> to vector<16xf32>
    tpu.vector_store %arg5[%swap3A_1586], %swap3A_1589 {strides = array<i32>} : memref<8192xf32, #tpu.memory_space<vmem>>, vector<16xf32>,
    %eq3A_1590 = vector.broadcast %add3A_1533 : i32 to vector<16xi32>
    %eq3A_1591 = arith.cmpi eq, %get3A_19, %eq3A_1590 : vector<16xi32>
    %select_n3A_1592 = arith.select %eq3A_1591, %broadcast_in_dim3A_3, %broadcast_in_dim3A_5 : vector<16xi1>, vector<16xf32>
    %swap3A_1593 = arith.constant 3392 : index
    %swap3A_1594 = tpu.vector_load %arg5[%swap3A_1593] {strides = array<i32>} : memref<8192xf32, #tpu.memory_space<vmem>>, vector<16xf32>,
    %swap3A_1595 = vector.shape_cast %swap3A_1594 : vector<16xf32> to vector<16xf32>
    %swap3A_1596 = vector.shape_cast %select_n3A_1592 : vector<16xf32> to vector<16xf32>
    tpu.vector_store %arg5[%swap3A_1593], %swap3A_1596 {strides = array<i32>} : memref<8192xf32, #tpu.memory_space<vmem>>, vector<16xf32>,
    %eq3A_1597 = vector.broadcast %add3A_1533 : i32 to vector<16xi32>
    %eq3A_1598 = arith.cmpi eq, %get3A_43, %eq3A_1597 : vector<16xi32>
    %select_n3A_1599 = arith.select %eq3A_1598, %broadcast_in_dim3A_3, %broadcast_in_dim3A_5 : vector<16xi1>, vector<16xf32>
    %swap3A_1600 = arith.constant 3520 : index
    %swap3A_1601 = tpu.vector_load %arg5[%swap3A_1600] {strides = array<i32>} : memref<8192xf32, #tpu.memory_space<vmem>>, vector<16xf32>,
    %swap3A_1602 = vector.shape_cast %swap3A_1601 : vector<16xf32> to vector<16xf32>
    %swap3A_1603 = vector.shape_cast %select_n3A_1599 : vector<16xf32> to vector<16xf32>
    tpu.vector_store %arg5[%swap3A_1600], %swap3A_1603 {strides = array<i32>} : memref<8192xf32, #tpu.memory_space<vmem>>, vector<16xf32>,
    %eq3A_1604 = vector.broadcast %add3A_1533 : i32 to vector<16xi32>
    %eq3A_1605 = arith.cmpi eq, %get3A_22, %eq3A_1604 : vector<16xi32>
    %select_n3A_1606 = arith.select %eq3A_1605, %broadcast_in_dim3A_3, %broadcast_in_dim3A_5 : vector<16xi1>, vector<16xf32>
    %swap3A_1607 = arith.constant 3408 : index
    %swap3A_1608 = tpu.vector_load %arg5[%swap3A_1607] {strides = array<i32>} : memref<8192xf32, #tpu.memory_space<vmem>>, vector<16xf32>,
    %swap3A_1609 = vector.shape_cast %swap3A_1608 : vector<16xf32> to vector<16xf32>
    %swap3A_1610 = vector.shape_cast %select_n3A_1606 : vector<16xf32> to vector<16xf32>
    tpu.vector_store %arg5[%swap3A_1607], %swap3A_1610 {strides = array<i32>} : memref<8192xf32, #tpu.memory_space<vmem>>, vector<16xf32>,
    %eq3A_1611 = vector.broadcast %add3A_1533 : i32 to vector<16xi32>
    %eq3A_1612 = arith.cmpi eq, %get3A_46, %eq3A_1611 : vector<16xi32>
    %select_n3A_1613 = arith.select %eq3A_1612, %broadcast_in_dim3A_3, %broadcast_in_dim3A_5 : vector<16xi1>, vector<16xf32>
    %swap3A_1614 = arith.constant 3536 : index
    %swap3A_1615 = tpu.vector_load %arg5[%swap3A_1614] {strides = array<i32>} : memref<8192xf32, #tpu.memory_space<vmem>>, vector<16xf32>,
    %swap3A_1616 = vector.shape_cast %swap3A_1615 : vector<16xf32> to vector<16xf32>
    %swap3A_1617 = vector.shape_cast %select_n3A_1613 : vector<16xf32> to vector<16xf32>
    tpu.vector_store %arg5[%swap3A_1614], %swap3A_1617 {strides = array<i32>} : memref<8192xf32, #tpu.memory_space<vmem>>, vector<16xf32>,
    %eq3A_1618 = vector.broadcast %add3A_1533 : i32 to vector<16xi32>
    %eq3A_1619 = arith.cmpi eq, %get3A_25, %eq3A_1618 : vector<16xi32>
    %select_n3A_1620 = arith.select %eq3A_1619, %broadcast_in_dim3A_3, %broadcast_in_dim3A_5 : vector<16xi1>, vector<16xf32>
    %swap3A_1621 = arith.constant 3424 : index
    %swap3A_1622 = tpu.vector_load %arg5[%swap3A_1621] {strides = array<i32>} : memref<8192xf32, #tpu.memory_space<vmem>>, vector<16xf32>,
    %swap3A_1623 = vector.shape_cast %swap3A_1622 : vector<16xf32> to vector<16xf32>
    %swap3A_1624 = vector.shape_cast %select_n3A_1620 : vector<16xf32> to vector<16xf32>
    tpu.vector_store %arg5[%swap3A_1621], %swap3A_1624 {strides = array<i32>} : memref<8192xf32, #tpu.memory_space<vmem>>, vector<16xf32>,
    %eq3A_1625 = vector.broadcast %add3A_1533 : i32 to vector<16xi32>
    %eq3A_1626 = arith.cmpi eq, %get3A_49, %eq3A_1625 : vector<16xi32>
    %select_n3A_1627 = arith.select %eq3A_1626, %broadcast_in_dim3A_3, %broadcast_in_dim3A_5 : vector<16xi1>, vector<16xf32>
    %swap3A_1628 = arith.constant 3552 : index
    %swap3A_1629 = tpu.vector_load %arg5[%swap3A_1628] {strides = array<i32>} : memref<8192xf32, #tpu.memory_space<vmem>>, vector<16xf32>,
    %swap3A_1630 = vector.shape_cast %swap3A_1629 : vector<16xf32> to vector<16xf32>
    %swap3A_1631 = vector.shape_cast %select_n3A_1627 : vector<16xf32> to vector<16xf32>
    tpu.vector_store %arg5[%swap3A_1628], %swap3A_1631 {strides = array<i32>} : memref<8192xf32, #tpu.memory_space<vmem>>, vector<16xf32>,
    %eq3A_1632 = vector.broadcast %add3A_1533 : i32 to vector<16xi32>
    %eq3A_1633 = arith.cmpi eq, %get3A_28, %eq3A_1632 : vector<16xi32>
    %select_n3A_1634 = arith.select %eq3A_1633, %broadcast_in_dim3A_3, %broadcast_in_dim3A_5 : vector<16xi1>, vector<16xf32>
    %swap3A_1635 = arith.constant 3440 : index
    %swap3A_1636 = tpu.vector_load %arg5[%swap3A_1635] {strides = array<i32>} : memref<8192xf32, #tpu.memory_space<vmem>>, vector<16xf32>,
    %swap3A_1637 = vector.shape_cast %swap3A_1636 : vector<16xf32> to vector<16xf32>
    %swap3A_1638 = vector.shape_cast %select_n3A_1634 : vector<16xf32> to vector<16xf32>
    tpu.vector_store %arg5[%swap3A_1635], %swap3A_1638 {strides = array<i32>} : memref<8192xf32, #tpu.memory_space<vmem>>, vector<16xf32>,
    %eq3A_1639 = vector.broadcast %add3A_1533 : i32 to vector<16xi32>
    %eq3A_1640 = arith.cmpi eq, %get3A_52, %eq3A_1639 : vector<16xi32>
    %select_n3A_1641 = arith.select %eq3A_1640, %broadcast_in_dim3A_3, %broadcast_in_dim3A_5 : vector<16xi1>, vector<16xf32>
    %swap3A_1642 = arith.constant 3568 : index
    %swap3A_1643 = tpu.vector_load %arg5[%swap3A_1642] {strides = array<i32>} : memref<8192xf32, #tpu.memory_space<vmem>>, vector<16xf32>,
    %swap3A_1644 = vector.shape_cast %swap3A_1643 : vector<16xf32> to vector<16xf32>
    %swap3A_1645 = vector.shape_cast %select_n3A_1641 : vector<16xf32> to vector<16xf32>
    tpu.vector_store %arg5[%swap3A_1642], %swap3A_1645 {strides = array<i32>} : memref<8192xf32, #tpu.memory_space<vmem>>, vector<16xf32>,
    %add3A_1646 = arith.constant 14 : i32
    %add3A_1647 = arith.addi %mul3A_2, %add3A_1646 : i32
    %eq3A_1648 = vector.broadcast %add3A_1647 : i32 to vector<16xi32>
    %eq3A_1649 = arith.cmpi eq, %get3A_7, %eq3A_1648 : vector<16xi32>
    %select_n3A_1650 = arith.select %eq3A_1649, %broadcast_in_dim3A_3, %broadcast_in_dim3A_5 : vector<16xi1>, vector<16xf32>
    %swap3A_1651 = arith.constant 3584 : index
    %swap3A_1652 = tpu.vector_load %arg5[%swap3A_1651] {strides = array<i32>} : memref<8192xf32, #tpu.memory_space<vmem>>, vector<16xf32>,
    %swap3A_1653 = vector.shape_cast %swap3A_1652 : vector<16xf32> to vector<16xf32>
    %swap3A_1654 = vector.shape_cast %select_n3A_1650 : vector<16xf32> to vector<16xf32>
    tpu.vector_store %arg5[%swap3A_1651], %swap3A_1654 {strides = array<i32>} : memref<8192xf32, #tpu.memory_space<vmem>>, vector<16xf32>,
    %eq3A_1655 = vector.broadcast %add3A_1647 : i32 to vector<16xi32>
    %eq3A_1656 = arith.cmpi eq, %get3A_31, %eq3A_1655 : vector<16xi32>
    %select_n3A_1657 = arith.select %eq3A_1656, %broadcast_in_dim3A_3, %broadcast_in_dim3A_5 : vector<16xi1>, vector<16xf32>
    %swap3A_1658 = arith.constant 3712 : index
    %swap3A_1659 = tpu.vector_load %arg5[%swap3A_1658] {strides = array<i32>} : memref<8192xf32, #tpu.memory_space<vmem>>, vector<16xf32>,
    %swap3A_1660 = vector.shape_cast %swap3A_1659 : vector<16xf32> to vector<16xf32>
    %swap3A_1661 = vector.shape_cast %select_n3A_1657 : vector<16xf32> to vector<16xf32>
    tpu.vector_store %arg5[%swap3A_1658], %swap3A_1661 {strides = array<i32>} : memref<8192xf32, #tpu.memory_space<vmem>>, vector<16xf32>,
    %eq3A_1662 = vector.broadcast %add3A_1647 : i32 to vector<16xi32>
    %eq3A_1663 = arith.cmpi eq, %get3A_10, %eq3A_1662 : vector<16xi32>
    %select_n3A_1664 = arith.select %eq3A_1663, %broadcast_in_dim3A_3, %broadcast_in_dim3A_5 : vector<16xi1>, vector<16xf32>
    %swap3A_1665 = arith.constant 3600 : index
    %swap3A_1666 = tpu.vector_load %arg5[%swap3A_1665] {strides = array<i32>} : memref<8192xf32, #tpu.memory_space<vmem>>, vector<16xf32>,
    %swap3A_1667 = vector.shape_cast %swap3A_1666 : vector<16xf32> to vector<16xf32>
    %swap3A_1668 = vector.shape_cast %select_n3A_1664 : vector<16xf32> to vector<16xf32>
    tpu.vector_store %arg5[%swap3A_1665], %swap3A_1668 {strides = array<i32>} : memref<8192xf32, #tpu.memory_space<vmem>>, vector<16xf32>,
    %eq3A_1669 = vector.broadcast %add3A_1647 : i32 to vector<16xi32>
    %eq3A_1670 = arith.cmpi eq, %get3A_34, %eq3A_1669 : vector<16xi32>
    %select_n3A_1671 = arith.select %eq3A_1670, %broadcast_in_dim3A_3, %broadcast_in_dim3A_5 : vector<16xi1>, vector<16xf32>
    %swap3A_1672 = arith.constant 3728 : index
    %swap3A_1673 = tpu.vector_load %arg5[%swap3A_1672] {strides = array<i32>} : memref<8192xf32, #tpu.memory_space<vmem>>, vector<16xf32>,
    %swap3A_1674 = vector.shape_cast %swap3A_1673 : vector<16xf32> to vector<16xf32>
    %swap3A_1675 = vector.shape_cast %select_n3A_1671 : vector<16xf32> to vector<16xf32>
    tpu.vector_store %arg5[%swap3A_1672], %swap3A_1675 {strides = array<i32>} : memref<8192xf32, #tpu.memory_space<vmem>>, vector<16xf32>,
    %eq3A_1676 = vector.broadcast %add3A_1647 : i32 to vector<16xi32>
    %eq3A_1677 = arith.cmpi eq, %get3A_13, %eq3A_1676 : vector<16xi32>
    %select_n3A_1678 = arith.select %eq3A_1677, %broadcast_in_dim3A_3, %broadcast_in_dim3A_5 : vector<16xi1>, vector<16xf32>
    %swap3A_1679 = arith.constant 3616 : index
    %swap3A_1680 = tpu.vector_load %arg5[%swap3A_1679] {strides = array<i32>} : memref<8192xf32, #tpu.memory_space<vmem>>, vector<16xf32>,
    %swap3A_1681 = vector.shape_cast %swap3A_1680 : vector<16xf32> to vector<16xf32>
    %swap3A_1682 = vector.shape_cast %select_n3A_1678 : vector<16xf32> to vector<16xf32>
    tpu.vector_store %arg5[%swap3A_1679], %swap3A_1682 {strides = array<i32>} : memref<8192xf32, #tpu.memory_space<vmem>>, vector<16xf32>,
    %eq3A_1683 = vector.broadcast %add3A_1647 : i32 to vector<16xi32>
    %eq3A_1684 = arith.cmpi eq, %get3A_37, %eq3A_1683 : vector<16xi32>
    %select_n3A_1685 = arith.select %eq3A_1684, %broadcast_in_dim3A_3, %broadcast_in_dim3A_5 : vector<16xi1>, vector<16xf32>
    %swap3A_1686 = arith.constant 3744 : index
    %swap3A_1687 = tpu.vector_load %arg5[%swap3A_1686] {strides = array<i32>} : memref<8192xf32, #tpu.memory_space<vmem>>, vector<16xf32>,
    %swap3A_1688 = vector.shape_cast %swap3A_1687 : vector<16xf32> to vector<16xf32>
    %swap3A_1689 = vector.shape_cast %select_n3A_1685 : vector<16xf32> to vector<16xf32>
    tpu.vector_store %arg5[%swap3A_1686], %swap3A_1689 {strides = array<i32>} : memref<8192xf32, #tpu.memory_space<vmem>>, vector<16xf32>,
    %eq3A_1690 = vector.broadcast %add3A_1647 : i32 to vector<16xi32>
    %eq3A_1691 = arith.cmpi eq, %get3A_16, %eq3A_1690 : vector<16xi32>
    %select_n3A_1692 = arith.select %eq3A_1691, %broadcast_in_dim3A_3, %broadcast_in_dim3A_5 : vector<16xi1>, vector<16xf32>
    %swap3A_1693 = arith.constant 3632 : index
    %swap3A_1694 = tpu.vector_load %arg5[%swap3A_1693] {strides = array<i32>} : memref<8192xf32, #tpu.memory_space<vmem>>, vector<16xf32>,
    %swap3A_1695 = vector.shape_cast %swap3A_1694 : vector<16xf32> to vector<16xf32>
    %swap3A_1696 = vector.shape_cast %select_n3A_1692 : vector<16xf32> to vector<16xf32>
    tpu.vector_store %arg5[%swap3A_1693], %swap3A_1696 {strides = array<i32>} : memref<8192xf32, #tpu.memory_space<vmem>>, vector<16xf32>,
    %eq3A_1697 = vector.broadcast %add3A_1647 : i32 to vector<16xi32>
    %eq3A_1698 = arith.cmpi eq, %get3A_40, %eq3A_1697 : vector<16xi32>
    %select_n3A_1699 = arith.select %eq3A_1698, %broadcast_in_dim3A_3, %broadcast_in_dim3A_5 : vector<16xi1>, vector<16xf32>
    %swap3A_1700 = arith.constant 3760 : index
    %swap3A_1701 = tpu.vector_load %arg5[%swap3A_1700] {strides = array<i32>} : memref<8192xf32, #tpu.memory_space<vmem>>, vector<16xf32>,
    %swap3A_1702 = vector.shape_cast %swap3A_1701 : vector<16xf32> to vector<16xf32>
    %swap3A_1703 = vector.shape_cast %select_n3A_1699 : vector<16xf32> to vector<16xf32>
    tpu.vector_store %arg5[%swap3A_1700], %swap3A_1703 {strides = array<i32>} : memref<8192xf32, #tpu.memory_space<vmem>>, vector<16xf32>,
    %eq3A_1704 = vector.broadcast %add3A_1647 : i32 to vector<16xi32>
    %eq3A_1705 = arith.cmpi eq, %get3A_19, %eq3A_1704 : vector<16xi32>
    %select_n3A_1706 = arith.select %eq3A_1705, %broadcast_in_dim3A_3, %broadcast_in_dim3A_5 : vector<16xi1>, vector<16xf32>
    %swap3A_1707 = arith.constant 3648 : index
    %swap3A_1708 = tpu.vector_load %arg5[%swap3A_1707] {strides = array<i32>} : memref<8192xf32, #tpu.memory_space<vmem>>, vector<16xf32>,
    %swap3A_1709 = vector.shape_cast %swap3A_1708 : vector<16xf32> to vector<16xf32>
    %swap3A_1710 = vector.shape_cast %select_n3A_1706 : vector<16xf32> to vector<16xf32>
    tpu.vector_store %arg5[%swap3A_1707], %swap3A_1710 {strides = array<i32>} : memref<8192xf32, #tpu.memory_space<vmem>>, vector<16xf32>,
    %eq3A_1711 = vector.broadcast %add3A_1647 : i32 to vector<16xi32>
    %eq3A_1712 = arith.cmpi eq, %get3A_43, %eq3A_1711 : vector<16xi32>
    %select_n3A_1713 = arith.select %eq3A_1712, %broadcast_in_dim3A_3, %broadcast_in_dim3A_5 : vector<16xi1>, vector<16xf32>
    %swap3A_1714 = arith.constant 3776 : index
    %swap3A_1715 = tpu.vector_load %arg5[%swap3A_1714] {strides = array<i32>} : memref<8192xf32, #tpu.memory_space<vmem>>, vector<16xf32>,
    %swap3A_1716 = vector.shape_cast %swap3A_1715 : vector<16xf32> to vector<16xf32>
    %swap3A_1717 = vector.shape_cast %select_n3A_1713 : vector<16xf32> to vector<16xf32>
    tpu.vector_store %arg5[%swap3A_1714], %swap3A_1717 {strides = array<i32>} : memref<8192xf32, #tpu.memory_space<vmem>>, vector<16xf32>,
    %eq3A_1718 = vector.broadcast %add3A_1647 : i32 to vector<16xi32>
    %eq3A_1719 = arith.cmpi eq, %get3A_22, %eq3A_1718 : vector<16xi32>
    %select_n3A_1720 = arith.select %eq3A_1719, %broadcast_in_dim3A_3, %broadcast_in_dim3A_5 : vector<16xi1>, vector<16xf32>
    %swap3A_1721 = arith.constant 3664 : index
    %swap3A_1722 = tpu.vector_load %arg5[%swap3A_1721] {strides = array<i32>} : memref<8192xf32, #tpu.memory_space<vmem>>, vector<16xf32>,
    %swap3A_1723 = vector.shape_cast %swap3A_1722 : vector<16xf32> to vector<16xf32>
    %swap3A_1724 = vector.shape_cast %select_n3A_1720 : vector<16xf32> to vector<16xf32>
    tpu.vector_store %arg5[%swap3A_1721], %swap3A_1724 {strides = array<i32>} : memref<8192xf32, #tpu.memory_space<vmem>>, vector<16xf32>,
    %eq3A_1725 = vector.broadcast %add3A_1647 : i32 to vector<16xi32>
    %eq3A_1726 = arith.cmpi eq, %get3A_46, %eq3A_1725 : vector<16xi32>
    %select_n3A_1727 = arith.select %eq3A_1726, %broadcast_in_dim3A_3, %broadcast_in_dim3A_5 : vector<16xi1>, vector<16xf32>
    %swap3A_1728 = arith.constant 3792 : index
    %swap3A_1729 = tpu.vector_load %arg5[%swap3A_1728] {strides = array<i32>} : memref<8192xf32, #tpu.memory_space<vmem>>, vector<16xf32>,
    %swap3A_1730 = vector.shape_cast %swap3A_1729 : vector<16xf32> to vector<16xf32>
    %swap3A_1731 = vector.shape_cast %select_n3A_1727 : vector<16xf32> to vector<16xf32>
    tpu.vector_store %arg5[%swap3A_1728], %swap3A_1731 {strides = array<i32>} : memref<8192xf32, #tpu.memory_space<vmem>>, vector<16xf32>,
    %eq3A_1732 = vector.broadcast %add3A_1647 : i32 to vector<16xi32>
    %eq3A_1733 = arith.cmpi eq, %get3A_25, %eq3A_1732 : vector<16xi32>
    %select_n3A_1734 = arith.select %eq3A_1733, %broadcast_in_dim3A_3, %broadcast_in_dim3A_5 : vector<16xi1>, vector<16xf32>
    %swap3A_1735 = arith.constant 3680 : index
    %swap3A_1736 = tpu.vector_load %arg5[%swap3A_1735] {strides = array<i32>} : memref<8192xf32, #tpu.memory_space<vmem>>, vector<16xf32>,
    %swap3A_1737 = vector.shape_cast %swap3A_1736 : vector<16xf32> to vector<16xf32>
    %swap3A_1738 = vector.shape_cast %select_n3A_1734 : vector<16xf32> to vector<16xf32>
    tpu.vector_store %arg5[%swap3A_1735], %swap3A_1738 {strides = array<i32>} : memref<8192xf32, #tpu.memory_space<vmem>>, vector<16xf32>,
    %eq3A_1739 = vector.broadcast %add3A_1647 : i32 to vector<16xi32>
    %eq3A_1740 = arith.cmpi eq, %get3A_49, %eq3A_1739 : vector<16xi32>
    %select_n3A_1741 = arith.select %eq3A_1740, %broadcast_in_dim3A_3, %broadcast_in_dim3A_5 : vector<16xi1>, vector<16xf32>
    %swap3A_1742 = arith.constant 3808 : index
    %swap3A_1743 = tpu.vector_load %arg5[%swap3A_1742] {strides = array<i32>} : memref<8192xf32, #tpu.memory_space<vmem>>, vector<16xf32>,
    %swap3A_1744 = vector.shape_cast %swap3A_1743 : vector<16xf32> to vector<16xf32>
    %swap3A_1745 = vector.shape_cast %select_n3A_1741 : vector<16xf32> to vector<16xf32>
    tpu.vector_store %arg5[%swap3A_1742], %swap3A_1745 {strides = array<i32>} : memref<8192xf32, #tpu.memory_space<vmem>>, vector<16xf32>,
    %eq3A_1746 = vector.broadcast %add3A_1647 : i32 to vector<16xi32>
    %eq3A_1747 = arith.cmpi eq, %get3A_28, %eq3A_1746 : vector<16xi32>
    %select_n3A_1748 = arith.select %eq3A_1747, %broadcast_in_dim3A_3, %broadcast_in_dim3A_5 : vector<16xi1>, vector<16xf32>
    %swap3A_1749 = arith.constant 3696 : index
    %swap3A_1750 = tpu.vector_load %arg5[%swap3A_1749] {strides = array<i32>} : memref<8192xf32, #tpu.memory_space<vmem>>, vector<16xf32>,
    %swap3A_1751 = vector.shape_cast %swap3A_1750 : vector<16xf32> to vector<16xf32>
    %swap3A_1752 = vector.shape_cast %select_n3A_1748 : vector<16xf32> to vector<16xf32>
    tpu.vector_store %arg5[%swap3A_1749], %swap3A_1752 {strides = array<i32>} : memref<8192xf32, #tpu.memory_space<vmem>>, vector<16xf32>,
    %eq3A_1753 = vector.broadcast %add3A_1647 : i32 to vector<16xi32>
    %eq3A_1754 = arith.cmpi eq, %get3A_52, %eq3A_1753 : vector<16xi32>
    %select_n3A_1755 = arith.select %eq3A_1754, %broadcast_in_dim3A_3, %broadcast_in_dim3A_5 : vector<16xi1>, vector<16xf32>
    %swap3A_1756 = arith.constant 3824 : index
    %swap3A_1757 = tpu.vector_load %arg5[%swap3A_1756] {strides = array<i32>} : memref<8192xf32, #tpu.memory_space<vmem>>, vector<16xf32>,
    %swap3A_1758 = vector.shape_cast %swap3A_1757 : vector<16xf32> to vector<16xf32>
    %swap3A_1759 = vector.shape_cast %select_n3A_1755 : vector<16xf32> to vector<16xf32>
    tpu.vector_store %arg5[%swap3A_1756], %swap3A_1759 {strides = array<i32>} : memref<8192xf32, #tpu.memory_space<vmem>>, vector<16xf32>,
    %add3A_1760 = arith.constant 15 : i32
    %add3A_1761 = arith.addi %mul3A_2, %add3A_1760 : i32
    %eq3A_1762 = vector.broadcast %add3A_1761 : i32 to vector<16xi32>
    %eq3A_1763 = arith.cmpi eq, %get3A_7, %eq3A_1762 : vector<16xi32>
    %select_n3A_1764 = arith.select %eq3A_1763, %broadcast_in_dim3A_3, %broadcast_in_dim3A_5 : vector<16xi1>, vector<16xf32>
    %swap3A_1765 = arith.constant 3840 : index
    %swap3A_1766 = tpu.vector_load %arg5[%swap3A_1765] {strides = array<i32>} : memref<8192xf32, #tpu.memory_space<vmem>>, vector<16xf32>,
    %swap3A_1767 = vector.shape_cast %swap3A_1766 : vector<16xf32> to vector<16xf32>
    %swap3A_1768 = vector.shape_cast %select_n3A_1764 : vector<16xf32> to vector<16xf32>
    tpu.vector_store %arg5[%swap3A_1765], %swap3A_1768 {strides = array<i32>} : memref<8192xf32, #tpu.memory_space<vmem>>, vector<16xf32>,
    %eq3A_1769 = vector.broadcast %add3A_1761 : i32 to vector<16xi32>
    %eq3A_1770 = arith.cmpi eq, %get3A_31, %eq3A_1769 : vector<16xi32>
    %select_n3A_1771 = arith.select %eq3A_1770, %broadcast_in_dim3A_3, %broadcast_in_dim3A_5 : vector<16xi1>, vector<16xf32>
    %swap3A_1772 = arith.constant 3968 : index
    %swap3A_1773 = tpu.vector_load %arg5[%swap3A_1772] {strides = array<i32>} : memref<8192xf32, #tpu.memory_space<vmem>>, vector<16xf32>,
    %swap3A_1774 = vector.shape_cast %swap3A_1773 : vector<16xf32> to vector<16xf32>
    %swap3A_1775 = vector.shape_cast %select_n3A_1771 : vector<16xf32> to vector<16xf32>
    tpu.vector_store %arg5[%swap3A_1772], %swap3A_1775 {strides = array<i32>} : memref<8192xf32, #tpu.memory_space<vmem>>, vector<16xf32>,
    %eq3A_1776 = vector.broadcast %add3A_1761 : i32 to vector<16xi32>
    %eq3A_1777 = arith.cmpi eq, %get3A_10, %eq3A_1776 : vector<16xi32>
    %select_n3A_1778 = arith.select %eq3A_1777, %broadcast_in_dim3A_3, %broadcast_in_dim3A_5 : vector<16xi1>, vector<16xf32>
    %swap3A_1779 = arith.constant 3856 : index
    %swap3A_1780 = tpu.vector_load %arg5[%swap3A_1779] {strides = array<i32>} : memref<8192xf32, #tpu.memory_space<vmem>>, vector<16xf32>,
    %swap3A_1781 = vector.shape_cast %swap3A_1780 : vector<16xf32> to vector<16xf32>
    %swap3A_1782 = vector.shape_cast %select_n3A_1778 : vector<16xf32> to vector<16xf32>
    tpu.vector_store %arg5[%swap3A_1779], %swap3A_1782 {strides = array<i32>} : memref<8192xf32, #tpu.memory_space<vmem>>, vector<16xf32>,
    %eq3A_1783 = vector.broadcast %add3A_1761 : i32 to vector<16xi32>
    %eq3A_1784 = arith.cmpi eq, %get3A_34, %eq3A_1783 : vector<16xi32>
    %select_n3A_1785 = arith.select %eq3A_1784, %broadcast_in_dim3A_3, %broadcast_in_dim3A_5 : vector<16xi1>, vector<16xf32>
    %swap3A_1786 = arith.constant 3984 : index
    %swap3A_1787 = tpu.vector_load %arg5[%swap3A_1786] {strides = array<i32>} : memref<8192xf32, #tpu.memory_space<vmem>>, vector<16xf32>,
    %swap3A_1788 = vector.shape_cast %swap3A_1787 : vector<16xf32> to vector<16xf32>
    %swap3A_1789 = vector.shape_cast %select_n3A_1785 : vector<16xf32> to vector<16xf32>
    tpu.vector_store %arg5[%swap3A_1786], %swap3A_1789 {strides = array<i32>} : memref<8192xf32, #tpu.memory_space<vmem>>, vector<16xf32>,
    %eq3A_1790 = vector.broadcast %add3A_1761 : i32 to vector<16xi32>
    %eq3A_1791 = arith.cmpi eq, %get3A_13, %eq3A_1790 : vector<16xi32>
    %select_n3A_1792 = arith.select %eq3A_1791, %broadcast_in_dim3A_3, %broadcast_in_dim3A_5 : vector<16xi1>, vector<16xf32>
    %swap3A_1793 = arith.constant 3872 : index
    %swap3A_1794 = tpu.vector_load %arg5[%swap3A_1793] {strides = array<i32>} : memref<8192xf32, #tpu.memory_space<vmem>>, vector<16xf32>,
    %swap3A_1795 = vector.shape_cast %swap3A_1794 : vector<16xf32> to vector<16xf32>
    %swap3A_1796 = vector.shape_cast %select_n3A_1792 : vector<16xf32> to vector<16xf32>
    tpu.vector_store %arg5[%swap3A_1793], %swap3A_1796 {strides = array<i32>} : memref<8192xf32, #tpu.memory_space<vmem>>, vector<16xf32>,
    %eq3A_1797 = vector.broadcast %add3A_1761 : i32 to vector<16xi32>
    %eq3A_1798 = arith.cmpi eq, %get3A_37, %eq3A_1797 : vector<16xi32>
    %select_n3A_1799 = arith.select %eq3A_1798, %broadcast_in_dim3A_3, %broadcast_in_dim3A_5 : vector<16xi1>, vector<16xf32>
    %swap3A_1800 = arith.constant 4000 : index
    %swap3A_1801 = tpu.vector_load %arg5[%swap3A_1800] {strides = array<i32>} : memref<8192xf32, #tpu.memory_space<vmem>>, vector<16xf32>,
    %swap3A_1802 = vector.shape_cast %swap3A_1801 : vector<16xf32> to vector<16xf32>
    %swap3A_1803 = vector.shape_cast %select_n3A_1799 : vector<16xf32> to vector<16xf32>
    tpu.vector_store %arg5[%swap3A_1800], %swap3A_1803 {strides = array<i32>} : memref<8192xf32, #tpu.memory_space<vmem>>, vector<16xf32>,
    %eq3A_1804 = vector.broadcast %add3A_1761 : i32 to vector<16xi32>
    %eq3A_1805 = arith.cmpi eq, %get3A_16, %eq3A_1804 : vector<16xi32>
    %select_n3A_1806 = arith.select %eq3A_1805, %broadcast_in_dim3A_3, %broadcast_in_dim3A_5 : vector<16xi1>, vector<16xf32>
    %swap3A_1807 = arith.constant 3888 : index
    %swap3A_1808 = tpu.vector_load %arg5[%swap3A_1807] {strides = array<i32>} : memref<8192xf32, #tpu.memory_space<vmem>>, vector<16xf32>,
    %swap3A_1809 = vector.shape_cast %swap3A_1808 : vector<16xf32> to vector<16xf32>
    %swap3A_1810 = vector.shape_cast %select_n3A_1806 : vector<16xf32> to vector<16xf32>
    tpu.vector_store %arg5[%swap3A_1807], %swap3A_1810 {strides = array<i32>} : memref<8192xf32, #tpu.memory_space<vmem>>, vector<16xf32>,
    %eq3A_1811 = vector.broadcast %add3A_1761 : i32 to vector<16xi32>
    %eq3A_1812 = arith.cmpi eq, %get3A_40, %eq3A_1811 : vector<16xi32>
    %select_n3A_1813 = arith.select %eq3A_1812, %broadcast_in_dim3A_3, %broadcast_in_dim3A_5 : vector<16xi1>, vector<16xf32>
    %swap3A_1814 = arith.constant 4016 : index
    %swap3A_1815 = tpu.vector_load %arg5[%swap3A_1814] {strides = array<i32>} : memref<8192xf32, #tpu.memory_space<vmem>>, vector<16xf32>,
    %swap3A_1816 = vector.shape_cast %swap3A_1815 : vector<16xf32> to vector<16xf32>
    %swap3A_1817 = vector.shape_cast %select_n3A_1813 : vector<16xf32> to vector<16xf32>
    tpu.vector_store %arg5[%swap3A_1814], %swap3A_1817 {strides = array<i32>} : memref<8192xf32, #tpu.memory_space<vmem>>, vector<16xf32>,
    %eq3A_1818 = vector.broadcast %add3A_1761 : i32 to vector<16xi32>
    %eq3A_1819 = arith.cmpi eq, %get3A_19, %eq3A_1818 : vector<16xi32>
    %select_n3A_1820 = arith.select %eq3A_1819, %broadcast_in_dim3A_3, %broadcast_in_dim3A_5 : vector<16xi1>, vector<16xf32>
    %swap3A_1821 = arith.constant 3904 : index
    %swap3A_1822 = tpu.vector_load %arg5[%swap3A_1821] {strides = array<i32>} : memref<8192xf32, #tpu.memory_space<vmem>>, vector<16xf32>,
    %swap3A_1823 = vector.shape_cast %swap3A_1822 : vector<16xf32> to vector<16xf32>
    %swap3A_1824 = vector.shape_cast %select_n3A_1820 : vector<16xf32> to vector<16xf32>
    tpu.vector_store %arg5[%swap3A_1821], %swap3A_1824 {strides = array<i32>} : memref<8192xf32, #tpu.memory_space<vmem>>, vector<16xf32>,
    %eq3A_1825 = vector.broadcast %add3A_1761 : i32 to vector<16xi32>
    %eq3A_1826 = arith.cmpi eq, %get3A_43, %eq3A_1825 : vector<16xi32>
    %select_n3A_1827 = arith.select %eq3A_1826, %broadcast_in_dim3A_3, %broadcast_in_dim3A_5 : vector<16xi1>, vector<16xf32>
    %swap3A_1828 = arith.constant 4032 : index
    %swap3A_1829 = tpu.vector_load %arg5[%swap3A_1828] {strides = array<i32>} : memref<8192xf32, #tpu.memory_space<vmem>>, vector<16xf32>,
    %swap3A_1830 = vector.shape_cast %swap3A_1829 : vector<16xf32> to vector<16xf32>
    %swap3A_1831 = vector.shape_cast %select_n3A_1827 : vector<16xf32> to vector<16xf32>
    tpu.vector_store %arg5[%swap3A_1828], %swap3A_1831 {strides = array<i32>} : memref<8192xf32, #tpu.memory_space<vmem>>, vector<16xf32>,
    %eq3A_1832 = vector.broadcast %add3A_1761 : i32 to vector<16xi32>
    %eq3A_1833 = arith.cmpi eq, %get3A_22, %eq3A_1832 : vector<16xi32>
    %select_n3A_1834 = arith.select %eq3A_1833, %broadcast_in_dim3A_3, %broadcast_in_dim3A_5 : vector<16xi1>, vector<16xf32>
    %swap3A_1835 = arith.constant 3920 : index
    %swap3A_1836 = tpu.vector_load %arg5[%swap3A_1835] {strides = array<i32>} : memref<8192xf32, #tpu.memory_space<vmem>>, vector<16xf32>,
    %swap3A_1837 = vector.shape_cast %swap3A_1836 : vector<16xf32> to vector<16xf32>
    %swap3A_1838 = vector.shape_cast %select_n3A_1834 : vector<16xf32> to vector<16xf32>
    tpu.vector_store %arg5[%swap3A_1835], %swap3A_1838 {strides = array<i32>} : memref<8192xf32, #tpu.memory_space<vmem>>, vector<16xf32>,
    %eq3A_1839 = vector.broadcast %add3A_1761 : i32 to vector<16xi32>
    %eq3A_1840 = arith.cmpi eq, %get3A_46, %eq3A_1839 : vector<16xi32>
    %select_n3A_1841 = arith.select %eq3A_1840, %broadcast_in_dim3A_3, %broadcast_in_dim3A_5 : vector<16xi1>, vector<16xf32>
    %swap3A_1842 = arith.constant 4048 : index
    %swap3A_1843 = tpu.vector_load %arg5[%swap3A_1842] {strides = array<i32>} : memref<8192xf32, #tpu.memory_space<vmem>>, vector<16xf32>,
    %swap3A_1844 = vector.shape_cast %swap3A_1843 : vector<16xf32> to vector<16xf32>
    %swap3A_1845 = vector.shape_cast %select_n3A_1841 : vector<16xf32> to vector<16xf32>
    tpu.vector_store %arg5[%swap3A_1842], %swap3A_1845 {strides = array<i32>} : memref<8192xf32, #tpu.memory_space<vmem>>, vector<16xf32>,
    %eq3A_1846 = vector.broadcast %add3A_1761 : i32 to vector<16xi32>
    %eq3A_1847 = arith.cmpi eq, %get3A_25, %eq3A_1846 : vector<16xi32>
    %select_n3A_1848 = arith.select %eq3A_1847, %broadcast_in_dim3A_3, %broadcast_in_dim3A_5 : vector<16xi1>, vector<16xf32>
    %swap3A_1849 = arith.constant 3936 : index
    %swap3A_1850 = tpu.vector_load %arg5[%swap3A_1849] {strides = array<i32>} : memref<8192xf32, #tpu.memory_space<vmem>>, vector<16xf32>,
    %swap3A_1851 = vector.shape_cast %swap3A_1850 : vector<16xf32> to vector<16xf32>
    %swap3A_1852 = vector.shape_cast %select_n3A_1848 : vector<16xf32> to vector<16xf32>
    tpu.vector_store %arg5[%swap3A_1849], %swap3A_1852 {strides = array<i32>} : memref<8192xf32, #tpu.memory_space<vmem>>, vector<16xf32>,
    %eq3A_1853 = vector.broadcast %add3A_1761 : i32 to vector<16xi32>
    %eq3A_1854 = arith.cmpi eq, %get3A_49, %eq3A_1853 : vector<16xi32>
    %select_n3A_1855 = arith.select %eq3A_1854, %broadcast_in_dim3A_3, %broadcast_in_dim3A_5 : vector<16xi1>, vector<16xf32>
    %swap3A_1856 = arith.constant 4064 : index
    %swap3A_1857 = tpu.vector_load %arg5[%swap3A_1856] {strides = array<i32>} : memref<8192xf32, #tpu.memory_space<vmem>>, vector<16xf32>,
    %swap3A_1858 = vector.shape_cast %swap3A_1857 : vector<16xf32> to vector<16xf32>
    %swap3A_1859 = vector.shape_cast %select_n3A_1855 : vector<16xf32> to vector<16xf32>
    tpu.vector_store %arg5[%swap3A_1856], %swap3A_1859 {strides = array<i32>} : memref<8192xf32, #tpu.memory_space<vmem>>, vector<16xf32>,
    %eq3A_1860 = vector.broadcast %add3A_1761 : i32 to vector<16xi32>
    %eq3A_1861 = arith.cmpi eq, %get3A_28, %eq3A_1860 : vector<16xi32>
    %select_n3A_1862 = arith.select %eq3A_1861, %broadcast_in_dim3A_3, %broadcast_in_dim3A_5 : vector<16xi1>, vector<16xf32>
    %swap3A_1863 = arith.constant 3952 : index
    %swap3A_1864 = tpu.vector_load %arg5[%swap3A_1863] {strides = array<i32>} : memref<8192xf32, #tpu.memory_space<vmem>>, vector<16xf32>,
    %swap3A_1865 = vector.shape_cast %swap3A_1864 : vector<16xf32> to vector<16xf32>
    %swap3A_1866 = vector.shape_cast %select_n3A_1862 : vector<16xf32> to vector<16xf32>
    tpu.vector_store %arg5[%swap3A_1863], %swap3A_1866 {strides = array<i32>} : memref<8192xf32, #tpu.memory_space<vmem>>, vector<16xf32>,
    %eq3A_1867 = vector.broadcast %add3A_1761 : i32 to vector<16xi32>
    %eq3A_1868 = arith.cmpi eq, %get3A_52, %eq3A_1867 : vector<16xi32>
    %select_n3A_1869 = arith.select %eq3A_1868, %broadcast_in_dim3A_3, %broadcast_in_dim3A_5 : vector<16xi1>, vector<16xf32>
    %swap3A_1870 = arith.constant 4080 : index
    %swap3A_1871 = tpu.vector_load %arg5[%swap3A_1870] {strides = array<i32>} : memref<8192xf32, #tpu.memory_space<vmem>>, vector<16xf32>,
    %swap3A_1872 = vector.shape_cast %swap3A_1871 : vector<16xf32> to vector<16xf32>
    %swap3A_1873 = vector.shape_cast %select_n3A_1869 : vector<16xf32> to vector<16xf32>
    tpu.vector_store %arg5[%swap3A_1870], %swap3A_1873 {strides = array<i32>} : memref<8192xf32, #tpu.memory_space<vmem>>, vector<16xf32>,
    %add3A_1874 = arith.constant 16 : i32
    %add3A_1875 = arith.addi %mul3A_2, %add3A_1874 : i32
    %eq3A_1876 = vector.broadcast %add3A_1875 : i32 to vector<16xi32>
    %eq3A_1877 = arith.cmpi eq, %get3A_7, %eq3A_1876 : vector<16xi32>
    %select_n3A_1878 = arith.select %eq3A_1877, %broadcast_in_dim3A_3, %broadcast_in_dim3A_5 : vector<16xi1>, vector<16xf32>
    %swap3A_1879 = arith.constant 4096 : index
    %swap3A_1880 = tpu.vector_load %arg5[%swap3A_1879] {strides = array<i32>} : memref<8192xf32, #tpu.memory_space<vmem>>, vector<16xf32>,
    %swap3A_1881 = vector.shape_cast %swap3A_1880 : vector<16xf32> to vector<16xf32>
    %swap3A_1882 = vector.shape_cast %select_n3A_1878 : vector<16xf32> to vector<16xf32>
    tpu.vector_store %arg5[%swap3A_1879], %swap3A_1882 {strides = array<i32>} : memref<8192xf32, #tpu.memory_space<vmem>>, vector<16xf32>,
    %eq3A_1883 = vector.broadcast %add3A_1875 : i32 to vector<16xi32>
    %eq3A_1884 = arith.cmpi eq, %get3A_31, %eq3A_1883 : vector<16xi32>
    %select_n3A_1885 = arith.select %eq3A_1884, %broadcast_in_dim3A_3, %broadcast_in_dim3A_5 : vector<16xi1>, vector<16xf32>
    %swap3A_1886 = arith.constant 4224 : index
    %swap3A_1887 = tpu.vector_load %arg5[%swap3A_1886] {strides = array<i32>} : memref<8192xf32, #tpu.memory_space<vmem>>, vector<16xf32>,
    %swap3A_1888 = vector.shape_cast %swap3A_1887 : vector<16xf32> to vector<16xf32>
    %swap3A_1889 = vector.shape_cast %select_n3A_1885 : vector<16xf32> to vector<16xf32>
    tpu.vector_store %arg5[%swap3A_1886], %swap3A_1889 {strides = array<i32>} : memref<8192xf32, #tpu.memory_space<vmem>>, vector<16xf32>,
    %eq3A_1890 = vector.broadcast %add3A_1875 : i32 to vector<16xi32>
    %eq3A_1891 = arith.cmpi eq, %get3A_10, %eq3A_1890 : vector<16xi32>
    %select_n3A_1892 = arith.select %eq3A_1891, %broadcast_in_dim3A_3, %broadcast_in_dim3A_5 : vector<16xi1>, vector<16xf32>
    %swap3A_1893 = arith.constant 4112 : index
    %swap3A_1894 = tpu.vector_load %arg5[%swap3A_1893] {strides = array<i32>} : memref<8192xf32, #tpu.memory_space<vmem>>, vector<16xf32>,
    %swap3A_1895 = vector.shape_cast %swap3A_1894 : vector<16xf32> to vector<16xf32>
    %swap3A_1896 = vector.shape_cast %select_n3A_1892 : vector<16xf32> to vector<16xf32>
    tpu.vector_store %arg5[%swap3A_1893], %swap3A_1896 {strides = array<i32>} : memref<8192xf32, #tpu.memory_space<vmem>>, vector<16xf32>,
    %eq3A_1897 = vector.broadcast %add3A_1875 : i32 to vector<16xi32>
    %eq3A_1898 = arith.cmpi eq, %get3A_34, %eq3A_1897 : vector<16xi32>
    %select_n3A_1899 = arith.select %eq3A_1898, %broadcast_in_dim3A_3, %broadcast_in_dim3A_5 : vector<16xi1>, vector<16xf32>
    %swap3A_1900 = arith.constant 4240 : index
    %swap3A_1901 = tpu.vector_load %arg5[%swap3A_1900] {strides = array<i32>} : memref<8192xf32, #tpu.memory_space<vmem>>, vector<16xf32>,
    %swap3A_1902 = vector.shape_cast %swap3A_1901 : vector<16xf32> to vector<16xf32>
    %swap3A_1903 = vector.shape_cast %select_n3A_1899 : vector<16xf32> to vector<16xf32>
    tpu.vector_store %arg5[%swap3A_1900], %swap3A_1903 {strides = array<i32>} : memref<8192xf32, #tpu.memory_space<vmem>>, vector<16xf32>,
    %eq3A_1904 = vector.broadcast %add3A_1875 : i32 to vector<16xi32>
    %eq3A_1905 = arith.cmpi eq, %get3A_13, %eq3A_1904 : vector<16xi32>
    %select_n3A_1906 = arith.select %eq3A_1905, %broadcast_in_dim3A_3, %broadcast_in_dim3A_5 : vector<16xi1>, vector<16xf32>
    %swap3A_1907 = arith.constant 4128 : index
    %swap3A_1908 = tpu.vector_load %arg5[%swap3A_1907] {strides = array<i32>} : memref<8192xf32, #tpu.memory_space<vmem>>, vector<16xf32>,
    %swap3A_1909 = vector.shape_cast %swap3A_1908 : vector<16xf32> to vector<16xf32>
    %swap3A_1910 = vector.shape_cast %select_n3A_1906 : vector<16xf32> to vector<16xf32>
    tpu.vector_store %arg5[%swap3A_1907], %swap3A_1910 {strides = array<i32>} : memref<8192xf32, #tpu.memory_space<vmem>>, vector<16xf32>,
    %eq3A_1911 = vector.broadcast %add3A_1875 : i32 to vector<16xi32>
    %eq3A_1912 = arith.cmpi eq, %get3A_37, %eq3A_1911 : vector<16xi32>
    %select_n3A_1913 = arith.select %eq3A_1912, %broadcast_in_dim3A_3, %broadcast_in_dim3A_5 : vector<16xi1>, vector<16xf32>
    %swap3A_1914 = arith.constant 4256 : index
    %swap3A_1915 = tpu.vector_load %arg5[%swap3A_1914] {strides = array<i32>} : memref<8192xf32, #tpu.memory_space<vmem>>, vector<16xf32>,
    %swap3A_1916 = vector.shape_cast %swap3A_1915 : vector<16xf32> to vector<16xf32>
    %swap3A_1917 = vector.shape_cast %select_n3A_1913 : vector<16xf32> to vector<16xf32>
    tpu.vector_store %arg5[%swap3A_1914], %swap3A_1917 {strides = array<i32>} : memref<8192xf32, #tpu.memory_space<vmem>>, vector<16xf32>,
    %eq3A_1918 = vector.broadcast %add3A_1875 : i32 to vector<16xi32>
    %eq3A_1919 = arith.cmpi eq, %get3A_16, %eq3A_1918 : vector<16xi32>
    %select_n3A_1920 = arith.select %eq3A_1919, %broadcast_in_dim3A_3, %broadcast_in_dim3A_5 : vector<16xi1>, vector<16xf32>
    %swap3A_1921 = arith.constant 4144 : index
    %swap3A_1922 = tpu.vector_load %arg5[%swap3A_1921] {strides = array<i32>} : memref<8192xf32, #tpu.memory_space<vmem>>, vector<16xf32>,
    %swap3A_1923 = vector.shape_cast %swap3A_1922 : vector<16xf32> to vector<16xf32>
    %swap3A_1924 = vector.shape_cast %select_n3A_1920 : vector<16xf32> to vector<16xf32>
    tpu.vector_store %arg5[%swap3A_1921], %swap3A_1924 {strides = array<i32>} : memref<8192xf32, #tpu.memory_space<vmem>>, vector<16xf32>,
    %eq3A_1925 = vector.broadcast %add3A_1875 : i32 to vector<16xi32>
    %eq3A_1926 = arith.cmpi eq, %get3A_40, %eq3A_1925 : vector<16xi32>
    %select_n3A_1927 = arith.select %eq3A_1926, %broadcast_in_dim3A_3, %broadcast_in_dim3A_5 : vector<16xi1>, vector<16xf32>
    %swap3A_1928 = arith.constant 4272 : index
    %swap3A_1929 = tpu.vector_load %arg5[%swap3A_1928] {strides = array<i32>} : memref<8192xf32, #tpu.memory_space<vmem>>, vector<16xf32>,
    %swap3A_1930 = vector.shape_cast %swap3A_1929 : vector<16xf32> to vector<16xf32>
    %swap3A_1931 = vector.shape_cast %select_n3A_1927 : vector<16xf32> to vector<16xf32>
    tpu.vector_store %arg5[%swap3A_1928], %swap3A_1931 {strides = array<i32>} : memref<8192xf32, #tpu.memory_space<vmem>>, vector<16xf32>,
    %eq3A_1932 = vector.broadcast %add3A_1875 : i32 to vector<16xi32>
    %eq3A_1933 = arith.cmpi eq, %get3A_19, %eq3A_1932 : vector<16xi32>
    %select_n3A_1934 = arith.select %eq3A_1933, %broadcast_in_dim3A_3, %broadcast_in_dim3A_5 : vector<16xi1>, vector<16xf32>
    %swap3A_1935 = arith.constant 4160 : index
    %swap3A_1936 = tpu.vector_load %arg5[%swap3A_1935] {strides = array<i32>} : memref<8192xf32, #tpu.memory_space<vmem>>, vector<16xf32>,
    %swap3A_1937 = vector.shape_cast %swap3A_1936 : vector<16xf32> to vector<16xf32>
    %swap3A_1938 = vector.shape_cast %select_n3A_1934 : vector<16xf32> to vector<16xf32>
    tpu.vector_store %arg5[%swap3A_1935], %swap3A_1938 {strides = array<i32>} : memref<8192xf32, #tpu.memory_space<vmem>>, vector<16xf32>,
    %eq3A_1939 = vector.broadcast %add3A_1875 : i32 to vector<16xi32>
    %eq3A_1940 = arith.cmpi eq, %get3A_43, %eq3A_1939 : vector<16xi32>
    %select_n3A_1941 = arith.select %eq3A_1940, %broadcast_in_dim3A_3, %broadcast_in_dim3A_5 : vector<16xi1>, vector<16xf32>
    %swap3A_1942 = arith.constant 4288 : index
    %swap3A_1943 = tpu.vector_load %arg5[%swap3A_1942] {strides = array<i32>} : memref<8192xf32, #tpu.memory_space<vmem>>, vector<16xf32>,
    %swap3A_1944 = vector.shape_cast %swap3A_1943 : vector<16xf32> to vector<16xf32>
    %swap3A_1945 = vector.shape_cast %select_n3A_1941 : vector<16xf32> to vector<16xf32>
    tpu.vector_store %arg5[%swap3A_1942], %swap3A_1945 {strides = array<i32>} : memref<8192xf32, #tpu.memory_space<vmem>>, vector<16xf32>,
    %eq3A_1946 = vector.broadcast %add3A_1875 : i32 to vector<16xi32>
    %eq3A_1947 = arith.cmpi eq, %get3A_22, %eq3A_1946 : vector<16xi32>
    %select_n3A_1948 = arith.select %eq3A_1947, %broadcast_in_dim3A_3, %broadcast_in_dim3A_5 : vector<16xi1>, vector<16xf32>
    %swap3A_1949 = arith.constant 4176 : index
    %swap3A_1950 = tpu.vector_load %arg5[%swap3A_1949] {strides = array<i32>} : memref<8192xf32, #tpu.memory_space<vmem>>, vector<16xf32>,
    %swap3A_1951 = vector.shape_cast %swap3A_1950 : vector<16xf32> to vector<16xf32>
    %swap3A_1952 = vector.shape_cast %select_n3A_1948 : vector<16xf32> to vector<16xf32>
    tpu.vector_store %arg5[%swap3A_1949], %swap3A_1952 {strides = array<i32>} : memref<8192xf32, #tpu.memory_space<vmem>>, vector<16xf32>,
    %eq3A_1953 = vector.broadcast %add3A_1875 : i32 to vector<16xi32>
    %eq3A_1954 = arith.cmpi eq, %get3A_46, %eq3A_1953 : vector<16xi32>
    %select_n3A_1955 = arith.select %eq3A_1954, %broadcast_in_dim3A_3, %broadcast_in_dim3A_5 : vector<16xi1>, vector<16xf32>
    %swap3A_1956 = arith.constant 4304 : index
    %swap3A_1957 = tpu.vector_load %arg5[%swap3A_1956] {strides = array<i32>} : memref<8192xf32, #tpu.memory_space<vmem>>, vector<16xf32>,
    %swap3A_1958 = vector.shape_cast %swap3A_1957 : vector<16xf32> to vector<16xf32>
    %swap3A_1959 = vector.shape_cast %select_n3A_1955 : vector<16xf32> to vector<16xf32>
    tpu.vector_store %arg5[%swap3A_1956], %swap3A_1959 {strides = array<i32>} : memref<8192xf32, #tpu.memory_space<vmem>>, vector<16xf32>,
    %eq3A_1960 = vector.broadcast %add3A_1875 : i32 to vector<16xi32>
    %eq3A_1961 = arith.cmpi eq, %get3A_25, %eq3A_1960 : vector<16xi32>
    %select_n3A_1962 = arith.select %eq3A_1961, %broadcast_in_dim3A_3, %broadcast_in_dim3A_5 : vector<16xi1>, vector<16xf32>
    %swap3A_1963 = arith.constant 4192 : index
    %swap3A_1964 = tpu.vector_load %arg5[%swap3A_1963] {strides = array<i32>} : memref<8192xf32, #tpu.memory_space<vmem>>, vector<16xf32>,
    %swap3A_1965 = vector.shape_cast %swap3A_1964 : vector<16xf32> to vector<16xf32>
    %swap3A_1966 = vector.shape_cast %select_n3A_1962 : vector<16xf32> to vector<16xf32>
    tpu.vector_store %arg5[%swap3A_1963], %swap3A_1966 {strides = array<i32>} : memref<8192xf32, #tpu.memory_space<vmem>>, vector<16xf32>,
    %eq3A_1967 = vector.broadcast %add3A_1875 : i32 to vector<16xi32>
    %eq3A_1968 = arith.cmpi eq, %get3A_49, %eq3A_1967 : vector<16xi32>
    %select_n3A_1969 = arith.select %eq3A_1968, %broadcast_in_dim3A_3, %broadcast_in_dim3A_5 : vector<16xi1>, vector<16xf32>
    %swap3A_1970 = arith.constant 4320 : index
    %swap3A_1971 = tpu.vector_load %arg5[%swap3A_1970] {strides = array<i32>} : memref<8192xf32, #tpu.memory_space<vmem>>, vector<16xf32>,
    %swap3A_1972 = vector.shape_cast %swap3A_1971 : vector<16xf32> to vector<16xf32>
    %swap3A_1973 = vector.shape_cast %select_n3A_1969 : vector<16xf32> to vector<16xf32>
    tpu.vector_store %arg5[%swap3A_1970], %swap3A_1973 {strides = array<i32>} : memref<8192xf32, #tpu.memory_space<vmem>>, vector<16xf32>,
    %eq3A_1974 = vector.broadcast %add3A_1875 : i32 to vector<16xi32>
    %eq3A_1975 = arith.cmpi eq, %get3A_28, %eq3A_1974 : vector<16xi32>
    %select_n3A_1976 = arith.select %eq3A_1975, %broadcast_in_dim3A_3, %broadcast_in_dim3A_5 : vector<16xi1>, vector<16xf32>
    %swap3A_1977 = arith.constant 4208 : index
    %swap3A_1978 = tpu.vector_load %arg5[%swap3A_1977] {strides = array<i32>} : memref<8192xf32, #tpu.memory_space<vmem>>, vector<16xf32>,
    %swap3A_1979 = vector.shape_cast %swap3A_1978 : vector<16xf32> to vector<16xf32>
    %swap3A_1980 = vector.shape_cast %select_n3A_1976 : vector<16xf32> to vector<16xf32>
    tpu.vector_store %arg5[%swap3A_1977], %swap3A_1980 {strides = array<i32>} : memref<8192xf32, #tpu.memory_space<vmem>>, vector<16xf32>,
    %eq3A_1981 = vector.broadcast %add3A_1875 : i32 to vector<16xi32>
    %eq3A_1982 = arith.cmpi eq, %get3A_52, %eq3A_1981 : vector<16xi32>
    %select_n3A_1983 = arith.select %eq3A_1982, %broadcast_in_dim3A_3, %broadcast_in_dim3A_5 : vector<16xi1>, vector<16xf32>
    %swap3A_1984 = arith.constant 4336 : index
    %swap3A_1985 = tpu.vector_load %arg5[%swap3A_1984] {strides = array<i32>} : memref<8192xf32, #tpu.memory_space<vmem>>, vector<16xf32>,
    %swap3A_1986 = vector.shape_cast %swap3A_1985 : vector<16xf32> to vector<16xf32>
    %swap3A_1987 = vector.shape_cast %select_n3A_1983 : vector<16xf32> to vector<16xf32>
    tpu.vector_store %arg5[%swap3A_1984], %swap3A_1987 {strides = array<i32>} : memref<8192xf32, #tpu.memory_space<vmem>>, vector<16xf32>,
    %add3A_1988 = arith.constant 17 : i32
    %add3A_1989 = arith.addi %mul3A_2, %add3A_1988 : i32
    %eq3A_1990 = vector.broadcast %add3A_1989 : i32 to vector<16xi32>
    %eq3A_1991 = arith.cmpi eq, %get3A_7, %eq3A_1990 : vector<16xi32>
    %select_n3A_1992 = arith.select %eq3A_1991, %broadcast_in_dim3A_3, %broadcast_in_dim3A_5 : vector<16xi1>, vector<16xf32>
    %swap3A_1993 = arith.constant 4352 : index
    %swap3A_1994 = tpu.vector_load %arg5[%swap3A_1993] {strides = array<i32>} : memref<8192xf32, #tpu.memory_space<vmem>>, vector<16xf32>,
    %swap3A_1995 = vector.shape_cast %swap3A_1994 : vector<16xf32> to vector<16xf32>
    %swap3A_1996 = vector.shape_cast %select_n3A_1992 : vector<16xf32> to vector<16xf32>
    tpu.vector_store %arg5[%swap3A_1993], %swap3A_1996 {strides = array<i32>} : memref<8192xf32, #tpu.memory_space<vmem>>, vector<16xf32>,
    %eq3A_1997 = vector.broadcast %add3A_1989 : i32 to vector<16xi32>
    %eq3A_1998 = arith.cmpi eq, %get3A_31, %eq3A_1997 : vector<16xi32>
    %select_n3A_1999 = arith.select %eq3A_1998, %broadcast_in_dim3A_3, %broadcast_in_dim3A_5 : vector<16xi1>, vector<16xf32>
    %swap3A_2000 = arith.constant 4480 : index
    %swap3A_2001 = tpu.vector_load %arg5[%swap3A_2000] {strides = array<i32>} : memref<8192xf32, #tpu.memory_space<vmem>>, vector<16xf32>,
    %swap3A_2002 = vector.shape_cast %swap3A_2001 : vector<16xf32> to vector<16xf32>
    %swap3A_2003 = vector.shape_cast %select_n3A_1999 : vector<16xf32> to vector<16xf32>
    tpu.vector_store %arg5[%swap3A_2000], %swap3A_2003 {strides = array<i32>} : memref<8192xf32, #tpu.memory_space<vmem>>, vector<16xf32>,
    %eq3A_2004 = vector.broadcast %add3A_1989 : i32 to vector<16xi32>
    %eq3A_2005 = arith.cmpi eq, %get3A_10, %eq3A_2004 : vector<16xi32>
    %select_n3A_2006 = arith.select %eq3A_2005, %broadcast_in_dim3A_3, %broadcast_in_dim3A_5 : vector<16xi1>, vector<16xf32>
    %swap3A_2007 = arith.constant 4368 : index
    %swap3A_2008 = tpu.vector_load %arg5[%swap3A_2007] {strides = array<i32>} : memref<8192xf32, #tpu.memory_space<vmem>>, vector<16xf32>,
    %swap3A_2009 = vector.shape_cast %swap3A_2008 : vector<16xf32> to vector<16xf32>
    %swap3A_2010 = vector.shape_cast %select_n3A_2006 : vector<16xf32> to vector<16xf32>
    tpu.vector_store %arg5[%swap3A_2007], %swap3A_2010 {strides = array<i32>} : memref<8192xf32, #tpu.memory_space<vmem>>, vector<16xf32>,
    %eq3A_2011 = vector.broadcast %add3A_1989 : i32 to vector<16xi32>
    %eq3A_2012 = arith.cmpi eq, %get3A_34, %eq3A_2011 : vector<16xi32>
    %select_n3A_2013 = arith.select %eq3A_2012, %broadcast_in_dim3A_3, %broadcast_in_dim3A_5 : vector<16xi1>, vector<16xf32>
    %swap3A_2014 = arith.constant 4496 : index
    %swap3A_2015 = tpu.vector_load %arg5[%swap3A_2014] {strides = array<i32>} : memref<8192xf32, #tpu.memory_space<vmem>>, vector<16xf32>,
    %swap3A_2016 = vector.shape_cast %swap3A_2015 : vector<16xf32> to vector<16xf32>
    %swap3A_2017 = vector.shape_cast %select_n3A_2013 : vector<16xf32> to vector<16xf32>
    tpu.vector_store %arg5[%swap3A_2014], %swap3A_2017 {strides = array<i32>} : memref<8192xf32, #tpu.memory_space<vmem>>, vector<16xf32>,
    %eq3A_2018 = vector.broadcast %add3A_1989 : i32 to vector<16xi32>
    %eq3A_2019 = arith.cmpi eq, %get3A_13, %eq3A_2018 : vector<16xi32>
    %select_n3A_2020 = arith.select %eq3A_2019, %broadcast_in_dim3A_3, %broadcast_in_dim3A_5 : vector<16xi1>, vector<16xf32>
    %swap3A_2021 = arith.constant 4384 : index
    %swap3A_2022 = tpu.vector_load %arg5[%swap3A_2021] {strides = array<i32>} : memref<8192xf32, #tpu.memory_space<vmem>>, vector<16xf32>,
    %swap3A_2023 = vector.shape_cast %swap3A_2022 : vector<16xf32> to vector<16xf32>
    %swap3A_2024 = vector.shape_cast %select_n3A_2020 : vector<16xf32> to vector<16xf32>
    tpu.vector_store %arg5[%swap3A_2021], %swap3A_2024 {strides = array<i32>} : memref<8192xf32, #tpu.memory_space<vmem>>, vector<16xf32>,
    %eq3A_2025 = vector.broadcast %add3A_1989 : i32 to vector<16xi32>
    %eq3A_2026 = arith.cmpi eq, %get3A_37, %eq3A_2025 : vector<16xi32>
    %select_n3A_2027 = arith.select %eq3A_2026, %broadcast_in_dim3A_3, %broadcast_in_dim3A_5 : vector<16xi1>, vector<16xf32>
    %swap3A_2028 = arith.constant 4512 : index
    %swap3A_2029 = tpu.vector_load %arg5[%swap3A_2028] {strides = array<i32>} : memref<8192xf32, #tpu.memory_space<vmem>>, vector<16xf32>,
    %swap3A_2030 = vector.shape_cast %swap3A_2029 : vector<16xf32> to vector<16xf32>
    %swap3A_2031 = vector.shape_cast %select_n3A_2027 : vector<16xf32> to vector<16xf32>
    tpu.vector_store %arg5[%swap3A_2028], %swap3A_2031 {strides = array<i32>} : memref<8192xf32, #tpu.memory_space<vmem>>, vector<16xf32>,
    %eq3A_2032 = vector.broadcast %add3A_1989 : i32 to vector<16xi32>
    %eq3A_2033 = arith.cmpi eq, %get3A_16, %eq3A_2032 : vector<16xi32>
    %select_n3A_2034 = arith.select %eq3A_2033, %broadcast_in_dim3A_3, %broadcast_in_dim3A_5 : vector<16xi1>, vector<16xf32>
    %swap3A_2035 = arith.constant 4400 : index
    %swap3A_2036 = tpu.vector_load %arg5[%swap3A_2035] {strides = array<i32>} : memref<8192xf32, #tpu.memory_space<vmem>>, vector<16xf32>,
    %swap3A_2037 = vector.shape_cast %swap3A_2036 : vector<16xf32> to vector<16xf32>
    %swap3A_2038 = vector.shape_cast %select_n3A_2034 : vector<16xf32> to vector<16xf32>
    tpu.vector_store %arg5[%swap3A_2035], %swap3A_2038 {strides = array<i32>} : memref<8192xf32, #tpu.memory_space<vmem>>, vector<16xf32>,
    %eq3A_2039 = vector.broadcast %add3A_1989 : i32 to vector<16xi32>
    %eq3A_2040 = arith.cmpi eq, %get3A_40, %eq3A_2039 : vector<16xi32>
    %select_n3A_2041 = arith.select %eq3A_2040, %broadcast_in_dim3A_3, %broadcast_in_dim3A_5 : vector<16xi1>, vector<16xf32>
    %swap3A_2042 = arith.constant 4528 : index
    %swap3A_2043 = tpu.vector_load %arg5[%swap3A_2042] {strides = array<i32>} : memref<8192xf32, #tpu.memory_space<vmem>>, vector<16xf32>,
    %swap3A_2044 = vector.shape_cast %swap3A_2043 : vector<16xf32> to vector<16xf32>
    %swap3A_2045 = vector.shape_cast %select_n3A_2041 : vector<16xf32> to vector<16xf32>
    tpu.vector_store %arg5[%swap3A_2042], %swap3A_2045 {strides = array<i32>} : memref<8192xf32, #tpu.memory_space<vmem>>, vector<16xf32>,
    %eq3A_2046 = vector.broadcast %add3A_1989 : i32 to vector<16xi32>
    %eq3A_2047 = arith.cmpi eq, %get3A_19, %eq3A_2046 : vector<16xi32>
    %select_n3A_2048 = arith.select %eq3A_2047, %broadcast_in_dim3A_3, %broadcast_in_dim3A_5 : vector<16xi1>, vector<16xf32>
    %swap3A_2049 = arith.constant 4416 : index
    %swap3A_2050 = tpu.vector_load %arg5[%swap3A_2049] {strides = array<i32>} : memref<8192xf32, #tpu.memory_space<vmem>>, vector<16xf32>,
    %swap3A_2051 = vector.shape_cast %swap3A_2050 : vector<16xf32> to vector<16xf32>
    %swap3A_2052 = vector.shape_cast %select_n3A_2048 : vector<16xf32> to vector<16xf32>
    tpu.vector_store %arg5[%swap3A_2049], %swap3A_2052 {strides = array<i32>} : memref<8192xf32, #tpu.memory_space<vmem>>, vector<16xf32>,
    %eq3A_2053 = vector.broadcast %add3A_1989 : i32 to vector<16xi32>
    %eq3A_2054 = arith.cmpi eq, %get3A_43, %eq3A_2053 : vector<16xi32>
    %select_n3A_2055 = arith.select %eq3A_2054, %broadcast_in_dim3A_3, %broadcast_in_dim3A_5 : vector<16xi1>, vector<16xf32>
    %swap3A_2056 = arith.constant 4544 : index
    %swap3A_2057 = tpu.vector_load %arg5[%swap3A_2056] {strides = array<i32>} : memref<8192xf32, #tpu.memory_space<vmem>>, vector<16xf32>,
    %swap3A_2058 = vector.shape_cast %swap3A_2057 : vector<16xf32> to vector<16xf32>
    %swap3A_2059 = vector.shape_cast %select_n3A_2055 : vector<16xf32> to vector<16xf32>
    tpu.vector_store %arg5[%swap3A_2056], %swap3A_2059 {strides = array<i32>} : memref<8192xf32, #tpu.memory_space<vmem>>, vector<16xf32>,
    %eq3A_2060 = vector.broadcast %add3A_1989 : i32 to vector<16xi32>
    %eq3A_2061 = arith.cmpi eq, %get3A_22, %eq3A_2060 : vector<16xi32>
    %select_n3A_2062 = arith.select %eq3A_2061, %broadcast_in_dim3A_3, %broadcast_in_dim3A_5 : vector<16xi1>, vector<16xf32>
    %swap3A_2063 = arith.constant 4432 : index
    %swap3A_2064 = tpu.vector_load %arg5[%swap3A_2063] {strides = array<i32>} : memref<8192xf32, #tpu.memory_space<vmem>>, vector<16xf32>,
    %swap3A_2065 = vector.shape_cast %swap3A_2064 : vector<16xf32> to vector<16xf32>
    %swap3A_2066 = vector.shape_cast %select_n3A_2062 : vector<16xf32> to vector<16xf32>
    tpu.vector_store %arg5[%swap3A_2063], %swap3A_2066 {strides = array<i32>} : memref<8192xf32, #tpu.memory_space<vmem>>, vector<16xf32>,
    %eq3A_2067 = vector.broadcast %add3A_1989 : i32 to vector<16xi32>
    %eq3A_2068 = arith.cmpi eq, %get3A_46, %eq3A_2067 : vector<16xi32>
    %select_n3A_2069 = arith.select %eq3A_2068, %broadcast_in_dim3A_3, %broadcast_in_dim3A_5 : vector<16xi1>, vector<16xf32>
    %swap3A_2070 = arith.constant 4560 : index
    %swap3A_2071 = tpu.vector_load %arg5[%swap3A_2070] {strides = array<i32>} : memref<8192xf32, #tpu.memory_space<vmem>>, vector<16xf32>,
    %swap3A_2072 = vector.shape_cast %swap3A_2071 : vector<16xf32> to vector<16xf32>
    %swap3A_2073 = vector.shape_cast %select_n3A_2069 : vector<16xf32> to vector<16xf32>
    tpu.vector_store %arg5[%swap3A_2070], %swap3A_2073 {strides = array<i32>} : memref<8192xf32, #tpu.memory_space<vmem>>, vector<16xf32>,
    %eq3A_2074 = vector.broadcast %add3A_1989 : i32 to vector<16xi32>
    %eq3A_2075 = arith.cmpi eq, %get3A_25, %eq3A_2074 : vector<16xi32>
    %select_n3A_2076 = arith.select %eq3A_2075, %broadcast_in_dim3A_3, %broadcast_in_dim3A_5 : vector<16xi1>, vector<16xf32>
    %swap3A_2077 = arith.constant 4448 : index
    %swap3A_2078 = tpu.vector_load %arg5[%swap3A_2077] {strides = array<i32>} : memref<8192xf32, #tpu.memory_space<vmem>>, vector<16xf32>,
    %swap3A_2079 = vector.shape_cast %swap3A_2078 : vector<16xf32> to vector<16xf32>
    %swap3A_2080 = vector.shape_cast %select_n3A_2076 : vector<16xf32> to vector<16xf32>
    tpu.vector_store %arg5[%swap3A_2077], %swap3A_2080 {strides = array<i32>} : memref<8192xf32, #tpu.memory_space<vmem>>, vector<16xf32>,
    %eq3A_2081 = vector.broadcast %add3A_1989 : i32 to vector<16xi32>
    %eq3A_2082 = arith.cmpi eq, %get3A_49, %eq3A_2081 : vector<16xi32>
    %select_n3A_2083 = arith.select %eq3A_2082, %broadcast_in_dim3A_3, %broadcast_in_dim3A_5 : vector<16xi1>, vector<16xf32>
    %swap3A_2084 = arith.constant 4576 : index
    %swap3A_2085 = tpu.vector_load %arg5[%swap3A_2084] {strides = array<i32>} : memref<8192xf32, #tpu.memory_space<vmem>>, vector<16xf32>,
    %swap3A_2086 = vector.shape_cast %swap3A_2085 : vector<16xf32> to vector<16xf32>
    %swap3A_2087 = vector.shape_cast %select_n3A_2083 : vector<16xf32> to vector<16xf32>
    tpu.vector_store %arg5[%swap3A_2084], %swap3A_2087 {strides = array<i32>} : memref<8192xf32, #tpu.memory_space<vmem>>, vector<16xf32>,
    %eq3A_2088 = vector.broadcast %add3A_1989 : i32 to vector<16xi32>
    %eq3A_2089 = arith.cmpi eq, %get3A_28, %eq3A_2088 : vector<16xi32>
    %select_n3A_2090 = arith.select %eq3A_2089, %broadcast_in_dim3A_3, %broadcast_in_dim3A_5 : vector<16xi1>, vector<16xf32>
    %swap3A_2091 = arith.constant 4464 : index
    %swap3A_2092 = tpu.vector_load %arg5[%swap3A_2091] {strides = array<i32>} : memref<8192xf32, #tpu.memory_space<vmem>>, vector<16xf32>,
    %swap3A_2093 = vector.shape_cast %swap3A_2092 : vector<16xf32> to vector<16xf32>
    %swap3A_2094 = vector.shape_cast %select_n3A_2090 : vector<16xf32> to vector<16xf32>
    tpu.vector_store %arg5[%swap3A_2091], %swap3A_2094 {strides = array<i32>} : memref<8192xf32, #tpu.memory_space<vmem>>, vector<16xf32>,
    %eq3A_2095 = vector.broadcast %add3A_1989 : i32 to vector<16xi32>
    %eq3A_2096 = arith.cmpi eq, %get3A_52, %eq3A_2095 : vector<16xi32>
    %select_n3A_2097 = arith.select %eq3A_2096, %broadcast_in_dim3A_3, %broadcast_in_dim3A_5 : vector<16xi1>, vector<16xf32>
    %swap3A_2098 = arith.constant 4592 : index
    %swap3A_2099 = tpu.vector_load %arg5[%swap3A_2098] {strides = array<i32>} : memref<8192xf32, #tpu.memory_space<vmem>>, vector<16xf32>,
    %swap3A_2100 = vector.shape_cast %swap3A_2099 : vector<16xf32> to vector<16xf32>
    %swap3A_2101 = vector.shape_cast %select_n3A_2097 : vector<16xf32> to vector<16xf32>
    tpu.vector_store %arg5[%swap3A_2098], %swap3A_2101 {strides = array<i32>} : memref<8192xf32, #tpu.memory_space<vmem>>, vector<16xf32>,
    %add3A_2102 = arith.constant 18 : i32
    %add3A_2103 = arith.addi %mul3A_2, %add3A_2102 : i32
    %eq3A_2104 = vector.broadcast %add3A_2103 : i32 to vector<16xi32>
    %eq3A_2105 = arith.cmpi eq, %get3A_7, %eq3A_2104 : vector<16xi32>
    %select_n3A_2106 = arith.select %eq3A_2105, %broadcast_in_dim3A_3, %broadcast_in_dim3A_5 : vector<16xi1>, vector<16xf32>
    %swap3A_2107 = arith.constant 4608 : index
    %swap3A_2108 = tpu.vector_load %arg5[%swap3A_2107] {strides = array<i32>} : memref<8192xf32, #tpu.memory_space<vmem>>, vector<16xf32>,
    %swap3A_2109 = vector.shape_cast %swap3A_2108 : vector<16xf32> to vector<16xf32>
    %swap3A_2110 = vector.shape_cast %select_n3A_2106 : vector<16xf32> to vector<16xf32>
    tpu.vector_store %arg5[%swap3A_2107], %swap3A_2110 {strides = array<i32>} : memref<8192xf32, #tpu.memory_space<vmem>>, vector<16xf32>,
    %eq3A_2111 = vector.broadcast %add3A_2103 : i32 to vector<16xi32>
    %eq3A_2112 = arith.cmpi eq, %get3A_31, %eq3A_2111 : vector<16xi32>
    %select_n3A_2113 = arith.select %eq3A_2112, %broadcast_in_dim3A_3, %broadcast_in_dim3A_5 : vector<16xi1>, vector<16xf32>
    %swap3A_2114 = arith.constant 4736 : index
    %swap3A_2115 = tpu.vector_load %arg5[%swap3A_2114] {strides = array<i32>} : memref<8192xf32, #tpu.memory_space<vmem>>, vector<16xf32>,
    %swap3A_2116 = vector.shape_cast %swap3A_2115 : vector<16xf32> to vector<16xf32>
    %swap3A_2117 = vector.shape_cast %select_n3A_2113 : vector<16xf32> to vector<16xf32>
    tpu.vector_store %arg5[%swap3A_2114], %swap3A_2117 {strides = array<i32>} : memref<8192xf32, #tpu.memory_space<vmem>>, vector<16xf32>,
    %eq3A_2118 = vector.broadcast %add3A_2103 : i32 to vector<16xi32>
    %eq3A_2119 = arith.cmpi eq, %get3A_10, %eq3A_2118 : vector<16xi32>
    %select_n3A_2120 = arith.select %eq3A_2119, %broadcast_in_dim3A_3, %broadcast_in_dim3A_5 : vector<16xi1>, vector<16xf32>
    %swap3A_2121 = arith.constant 4624 : index
    %swap3A_2122 = tpu.vector_load %arg5[%swap3A_2121] {strides = array<i32>} : memref<8192xf32, #tpu.memory_space<vmem>>, vector<16xf32>,
    %swap3A_2123 = vector.shape_cast %swap3A_2122 : vector<16xf32> to vector<16xf32>
    %swap3A_2124 = vector.shape_cast %select_n3A_2120 : vector<16xf32> to vector<16xf32>
    tpu.vector_store %arg5[%swap3A_2121], %swap3A_2124 {strides = array<i32>} : memref<8192xf32, #tpu.memory_space<vmem>>, vector<16xf32>,
    %eq3A_2125 = vector.broadcast %add3A_2103 : i32 to vector<16xi32>
    %eq3A_2126 = arith.cmpi eq, %get3A_34, %eq3A_2125 : vector<16xi32>
    %select_n3A_2127 = arith.select %eq3A_2126, %broadcast_in_dim3A_3, %broadcast_in_dim3A_5 : vector<16xi1>, vector<16xf32>
    %swap3A_2128 = arith.constant 4752 : index
    %swap3A_2129 = tpu.vector_load %arg5[%swap3A_2128] {strides = array<i32>} : memref<8192xf32, #tpu.memory_space<vmem>>, vector<16xf32>,
    %swap3A_2130 = vector.shape_cast %swap3A_2129 : vector<16xf32> to vector<16xf32>
    %swap3A_2131 = vector.shape_cast %select_n3A_2127 : vector<16xf32> to vector<16xf32>
    tpu.vector_store %arg5[%swap3A_2128], %swap3A_2131 {strides = array<i32>} : memref<8192xf32, #tpu.memory_space<vmem>>, vector<16xf32>,
    %eq3A_2132 = vector.broadcast %add3A_2103 : i32 to vector<16xi32>
    %eq3A_2133 = arith.cmpi eq, %get3A_13, %eq3A_2132 : vector<16xi32>
    %select_n3A_2134 = arith.select %eq3A_2133, %broadcast_in_dim3A_3, %broadcast_in_dim3A_5 : vector<16xi1>, vector<16xf32>
    %swap3A_2135 = arith.constant 4640 : index
    %swap3A_2136 = tpu.vector_load %arg5[%swap3A_2135] {strides = array<i32>} : memref<8192xf32, #tpu.memory_space<vmem>>, vector<16xf32>,
    %swap3A_2137 = vector.shape_cast %swap3A_2136 : vector<16xf32> to vector<16xf32>
    %swap3A_2138 = vector.shape_cast %select_n3A_2134 : vector<16xf32> to vector<16xf32>
    tpu.vector_store %arg5[%swap3A_2135], %swap3A_2138 {strides = array<i32>} : memref<8192xf32, #tpu.memory_space<vmem>>, vector<16xf32>,
    %eq3A_2139 = vector.broadcast %add3A_2103 : i32 to vector<16xi32>
    %eq3A_2140 = arith.cmpi eq, %get3A_37, %eq3A_2139 : vector<16xi32>
    %select_n3A_2141 = arith.select %eq3A_2140, %broadcast_in_dim3A_3, %broadcast_in_dim3A_5 : vector<16xi1>, vector<16xf32>
    %swap3A_2142 = arith.constant 4768 : index
    %swap3A_2143 = tpu.vector_load %arg5[%swap3A_2142] {strides = array<i32>} : memref<8192xf32, #tpu.memory_space<vmem>>, vector<16xf32>,
    %swap3A_2144 = vector.shape_cast %swap3A_2143 : vector<16xf32> to vector<16xf32>
    %swap3A_2145 = vector.shape_cast %select_n3A_2141 : vector<16xf32> to vector<16xf32>
    tpu.vector_store %arg5[%swap3A_2142], %swap3A_2145 {strides = array<i32>} : memref<8192xf32, #tpu.memory_space<vmem>>, vector<16xf32>,
    %eq3A_2146 = vector.broadcast %add3A_2103 : i32 to vector<16xi32>
    %eq3A_2147 = arith.cmpi eq, %get3A_16, %eq3A_2146 : vector<16xi32>
    %select_n3A_2148 = arith.select %eq3A_2147, %broadcast_in_dim3A_3, %broadcast_in_dim3A_5 : vector<16xi1>, vector<16xf32>
    %swap3A_2149 = arith.constant 4656 : index
    %swap3A_2150 = tpu.vector_load %arg5[%swap3A_2149] {strides = array<i32>} : memref<8192xf32, #tpu.memory_space<vmem>>, vector<16xf32>,
    %swap3A_2151 = vector.shape_cast %swap3A_2150 : vector<16xf32> to vector<16xf32>
    %swap3A_2152 = vector.shape_cast %select_n3A_2148 : vector<16xf32> to vector<16xf32>
    tpu.vector_store %arg5[%swap3A_2149], %swap3A_2152 {strides = array<i32>} : memref<8192xf32, #tpu.memory_space<vmem>>, vector<16xf32>,
    %eq3A_2153 = vector.broadcast %add3A_2103 : i32 to vector<16xi32>
    %eq3A_2154 = arith.cmpi eq, %get3A_40, %eq3A_2153 : vector<16xi32>
    %select_n3A_2155 = arith.select %eq3A_2154, %broadcast_in_dim3A_3, %broadcast_in_dim3A_5 : vector<16xi1>, vector<16xf32>
    %swap3A_2156 = arith.constant 4784 : index
    %swap3A_2157 = tpu.vector_load %arg5[%swap3A_2156] {strides = array<i32>} : memref<8192xf32, #tpu.memory_space<vmem>>, vector<16xf32>,
    %swap3A_2158 = vector.shape_cast %swap3A_2157 : vector<16xf32> to vector<16xf32>
    %swap3A_2159 = vector.shape_cast %select_n3A_2155 : vector<16xf32> to vector<16xf32>
    tpu.vector_store %arg5[%swap3A_2156], %swap3A_2159 {strides = array<i32>} : memref<8192xf32, #tpu.memory_space<vmem>>, vector<16xf32>,
    %eq3A_2160 = vector.broadcast %add3A_2103 : i32 to vector<16xi32>
    %eq3A_2161 = arith.cmpi eq, %get3A_19, %eq3A_2160 : vector<16xi32>
    %select_n3A_2162 = arith.select %eq3A_2161, %broadcast_in_dim3A_3, %broadcast_in_dim3A_5 : vector<16xi1>, vector<16xf32>
    %swap3A_2163 = arith.constant 4672 : index
    %swap3A_2164 = tpu.vector_load %arg5[%swap3A_2163] {strides = array<i32>} : memref<8192xf32, #tpu.memory_space<vmem>>, vector<16xf32>,
    %swap3A_2165 = vector.shape_cast %swap3A_2164 : vector<16xf32> to vector<16xf32>
    %swap3A_2166 = vector.shape_cast %select_n3A_2162 : vector<16xf32> to vector<16xf32>
    tpu.vector_store %arg5[%swap3A_2163], %swap3A_2166 {strides = array<i32>} : memref<8192xf32, #tpu.memory_space<vmem>>, vector<16xf32>,
    %eq3A_2167 = vector.broadcast %add3A_2103 : i32 to vector<16xi32>
    %eq3A_2168 = arith.cmpi eq, %get3A_43, %eq3A_2167 : vector<16xi32>
    %select_n3A_2169 = arith.select %eq3A_2168, %broadcast_in_dim3A_3, %broadcast_in_dim3A_5 : vector<16xi1>, vector<16xf32>
    %swap3A_2170 = arith.constant 4800 : index
    %swap3A_2171 = tpu.vector_load %arg5[%swap3A_2170] {strides = array<i32>} : memref<8192xf32, #tpu.memory_space<vmem>>, vector<16xf32>,
    %swap3A_2172 = vector.shape_cast %swap3A_2171 : vector<16xf32> to vector<16xf32>
    %swap3A_2173 = vector.shape_cast %select_n3A_2169 : vector<16xf32> to vector<16xf32>
    tpu.vector_store %arg5[%swap3A_2170], %swap3A_2173 {strides = array<i32>} : memref<8192xf32, #tpu.memory_space<vmem>>, vector<16xf32>,
    %eq3A_2174 = vector.broadcast %add3A_2103 : i32 to vector<16xi32>
    %eq3A_2175 = arith.cmpi eq, %get3A_22, %eq3A_2174 : vector<16xi32>
    %select_n3A_2176 = arith.select %eq3A_2175, %broadcast_in_dim3A_3, %broadcast_in_dim3A_5 : vector<16xi1>, vector<16xf32>
    %swap3A_2177 = arith.constant 4688 : index
    %swap3A_2178 = tpu.vector_load %arg5[%swap3A_2177] {strides = array<i32>} : memref<8192xf32, #tpu.memory_space<vmem>>, vector<16xf32>,
    %swap3A_2179 = vector.shape_cast %swap3A_2178 : vector<16xf32> to vector<16xf32>
    %swap3A_2180 = vector.shape_cast %select_n3A_2176 : vector<16xf32> to vector<16xf32>
    tpu.vector_store %arg5[%swap3A_2177], %swap3A_2180 {strides = array<i32>} : memref<8192xf32, #tpu.memory_space<vmem>>, vector<16xf32>,
    %eq3A_2181 = vector.broadcast %add3A_2103 : i32 to vector<16xi32>
    %eq3A_2182 = arith.cmpi eq, %get3A_46, %eq3A_2181 : vector<16xi32>
    %select_n3A_2183 = arith.select %eq3A_2182, %broadcast_in_dim3A_3, %broadcast_in_dim3A_5 : vector<16xi1>, vector<16xf32>
    %swap3A_2184 = arith.constant 4816 : index
    %swap3A_2185 = tpu.vector_load %arg5[%swap3A_2184] {strides = array<i32>} : memref<8192xf32, #tpu.memory_space<vmem>>, vector<16xf32>,
    %swap3A_2186 = vector.shape_cast %swap3A_2185 : vector<16xf32> to vector<16xf32>
    %swap3A_2187 = vector.shape_cast %select_n3A_2183 : vector<16xf32> to vector<16xf32>
    tpu.vector_store %arg5[%swap3A_2184], %swap3A_2187 {strides = array<i32>} : memref<8192xf32, #tpu.memory_space<vmem>>, vector<16xf32>,
    %eq3A_2188 = vector.broadcast %add3A_2103 : i32 to vector<16xi32>
    %eq3A_2189 = arith.cmpi eq, %get3A_25, %eq3A_2188 : vector<16xi32>
    %select_n3A_2190 = arith.select %eq3A_2189, %broadcast_in_dim3A_3, %broadcast_in_dim3A_5 : vector<16xi1>, vector<16xf32>
    %swap3A_2191 = arith.constant 4704 : index
    %swap3A_2192 = tpu.vector_load %arg5[%swap3A_2191] {strides = array<i32>} : memref<8192xf32, #tpu.memory_space<vmem>>, vector<16xf32>,
    %swap3A_2193 = vector.shape_cast %swap3A_2192 : vector<16xf32> to vector<16xf32>
    %swap3A_2194 = vector.shape_cast %select_n3A_2190 : vector<16xf32> to vector<16xf32>
    tpu.vector_store %arg5[%swap3A_2191], %swap3A_2194 {strides = array<i32>} : memref<8192xf32, #tpu.memory_space<vmem>>, vector<16xf32>,
    %eq3A_2195 = vector.broadcast %add3A_2103 : i32 to vector<16xi32>
    %eq3A_2196 = arith.cmpi eq, %get3A_49, %eq3A_2195 : vector<16xi32>
    %select_n3A_2197 = arith.select %eq3A_2196, %broadcast_in_dim3A_3, %broadcast_in_dim3A_5 : vector<16xi1>, vector<16xf32>
    %swap3A_2198 = arith.constant 4832 : index
    %swap3A_2199 = tpu.vector_load %arg5[%swap3A_2198] {strides = array<i32>} : memref<8192xf32, #tpu.memory_space<vmem>>, vector<16xf32>,
    %swap3A_2200 = vector.shape_cast %swap3A_2199 : vector<16xf32> to vector<16xf32>
    %swap3A_2201 = vector.shape_cast %select_n3A_2197 : vector<16xf32> to vector<16xf32>
    tpu.vector_store %arg5[%swap3A_2198], %swap3A_2201 {strides = array<i32>} : memref<8192xf32, #tpu.memory_space<vmem>>, vector<16xf32>,
    %eq3A_2202 = vector.broadcast %add3A_2103 : i32 to vector<16xi32>
    %eq3A_2203 = arith.cmpi eq, %get3A_28, %eq3A_2202 : vector<16xi32>
    %select_n3A_2204 = arith.select %eq3A_2203, %broadcast_in_dim3A_3, %broadcast_in_dim3A_5 : vector<16xi1>, vector<16xf32>
    %swap3A_2205 = arith.constant 4720 : index
    %swap3A_2206 = tpu.vector_load %arg5[%swap3A_2205] {strides = array<i32>} : memref<8192xf32, #tpu.memory_space<vmem>>, vector<16xf32>,
    %swap3A_2207 = vector.shape_cast %swap3A_2206 : vector<16xf32> to vector<16xf32>
    %swap3A_2208 = vector.shape_cast %select_n3A_2204 : vector<16xf32> to vector<16xf32>
    tpu.vector_store %arg5[%swap3A_2205], %swap3A_2208 {strides = array<i32>} : memref<8192xf32, #tpu.memory_space<vmem>>, vector<16xf32>,
    %eq3A_2209 = vector.broadcast %add3A_2103 : i32 to vector<16xi32>
    %eq3A_2210 = arith.cmpi eq, %get3A_52, %eq3A_2209 : vector<16xi32>
    %select_n3A_2211 = arith.select %eq3A_2210, %broadcast_in_dim3A_3, %broadcast_in_dim3A_5 : vector<16xi1>, vector<16xf32>
    %swap3A_2212 = arith.constant 4848 : index
    %swap3A_2213 = tpu.vector_load %arg5[%swap3A_2212] {strides = array<i32>} : memref<8192xf32, #tpu.memory_space<vmem>>, vector<16xf32>,
    %swap3A_2214 = vector.shape_cast %swap3A_2213 : vector<16xf32> to vector<16xf32>
    %swap3A_2215 = vector.shape_cast %select_n3A_2211 : vector<16xf32> to vector<16xf32>
    tpu.vector_store %arg5[%swap3A_2212], %swap3A_2215 {strides = array<i32>} : memref<8192xf32, #tpu.memory_space<vmem>>, vector<16xf32>,
    %add3A_2216 = arith.constant 19 : i32
    %add3A_2217 = arith.addi %mul3A_2, %add3A_2216 : i32
    %eq3A_2218 = vector.broadcast %add3A_2217 : i32 to vector<16xi32>
    %eq3A_2219 = arith.cmpi eq, %get3A_7, %eq3A_2218 : vector<16xi32>
    %select_n3A_2220 = arith.select %eq3A_2219, %broadcast_in_dim3A_3, %broadcast_in_dim3A_5 : vector<16xi1>, vector<16xf32>
    %swap3A_2221 = arith.constant 4864 : index
    %swap3A_2222 = tpu.vector_load %arg5[%swap3A_2221] {strides = array<i32>} : memref<8192xf32, #tpu.memory_space<vmem>>, vector<16xf32>,
    %swap3A_2223 = vector.shape_cast %swap3A_2222 : vector<16xf32> to vector<16xf32>
    %swap3A_2224 = vector.shape_cast %select_n3A_2220 : vector<16xf32> to vector<16xf32>
    tpu.vector_store %arg5[%swap3A_2221], %swap3A_2224 {strides = array<i32>} : memref<8192xf32, #tpu.memory_space<vmem>>, vector<16xf32>,
    %eq3A_2225 = vector.broadcast %add3A_2217 : i32 to vector<16xi32>
    %eq3A_2226 = arith.cmpi eq, %get3A_31, %eq3A_2225 : vector<16xi32>
    %select_n3A_2227 = arith.select %eq3A_2226, %broadcast_in_dim3A_3, %broadcast_in_dim3A_5 : vector<16xi1>, vector<16xf32>
    %swap3A_2228 = arith.constant 4992 : index
    %swap3A_2229 = tpu.vector_load %arg5[%swap3A_2228] {strides = array<i32>} : memref<8192xf32, #tpu.memory_space<vmem>>, vector<16xf32>,
    %swap3A_2230 = vector.shape_cast %swap3A_2229 : vector<16xf32> to vector<16xf32>
    %swap3A_2231 = vector.shape_cast %select_n3A_2227 : vector<16xf32> to vector<16xf32>
    tpu.vector_store %arg5[%swap3A_2228], %swap3A_2231 {strides = array<i32>} : memref<8192xf32, #tpu.memory_space<vmem>>, vector<16xf32>,
    %eq3A_2232 = vector.broadcast %add3A_2217 : i32 to vector<16xi32>
    %eq3A_2233 = arith.cmpi eq, %get3A_10, %eq3A_2232 : vector<16xi32>
    %select_n3A_2234 = arith.select %eq3A_2233, %broadcast_in_dim3A_3, %broadcast_in_dim3A_5 : vector<16xi1>, vector<16xf32>
    %swap3A_2235 = arith.constant 4880 : index
    %swap3A_2236 = tpu.vector_load %arg5[%swap3A_2235] {strides = array<i32>} : memref<8192xf32, #tpu.memory_space<vmem>>, vector<16xf32>,
    %swap3A_2237 = vector.shape_cast %swap3A_2236 : vector<16xf32> to vector<16xf32>
    %swap3A_2238 = vector.shape_cast %select_n3A_2234 : vector<16xf32> to vector<16xf32>
    tpu.vector_store %arg5[%swap3A_2235], %swap3A_2238 {strides = array<i32>} : memref<8192xf32, #tpu.memory_space<vmem>>, vector<16xf32>,
    %eq3A_2239 = vector.broadcast %add3A_2217 : i32 to vector<16xi32>
    %eq3A_2240 = arith.cmpi eq, %get3A_34, %eq3A_2239 : vector<16xi32>
    %select_n3A_2241 = arith.select %eq3A_2240, %broadcast_in_dim3A_3, %broadcast_in_dim3A_5 : vector<16xi1>, vector<16xf32>
    %swap3A_2242 = arith.constant 5008 : index
    %swap3A_2243 = tpu.vector_load %arg5[%swap3A_2242] {strides = array<i32>} : memref<8192xf32, #tpu.memory_space<vmem>>, vector<16xf32>,
    %swap3A_2244 = vector.shape_cast %swap3A_2243 : vector<16xf32> to vector<16xf32>
    %swap3A_2245 = vector.shape_cast %select_n3A_2241 : vector<16xf32> to vector<16xf32>
    tpu.vector_store %arg5[%swap3A_2242], %swap3A_2245 {strides = array<i32>} : memref<8192xf32, #tpu.memory_space<vmem>>, vector<16xf32>,
    %eq3A_2246 = vector.broadcast %add3A_2217 : i32 to vector<16xi32>
    %eq3A_2247 = arith.cmpi eq, %get3A_13, %eq3A_2246 : vector<16xi32>
    %select_n3A_2248 = arith.select %eq3A_2247, %broadcast_in_dim3A_3, %broadcast_in_dim3A_5 : vector<16xi1>, vector<16xf32>
    %swap3A_2249 = arith.constant 4896 : index
    %swap3A_2250 = tpu.vector_load %arg5[%swap3A_2249] {strides = array<i32>} : memref<8192xf32, #tpu.memory_space<vmem>>, vector<16xf32>,
    %swap3A_2251 = vector.shape_cast %swap3A_2250 : vector<16xf32> to vector<16xf32>
    %swap3A_2252 = vector.shape_cast %select_n3A_2248 : vector<16xf32> to vector<16xf32>
    tpu.vector_store %arg5[%swap3A_2249], %swap3A_2252 {strides = array<i32>} : memref<8192xf32, #tpu.memory_space<vmem>>, vector<16xf32>,
    %eq3A_2253 = vector.broadcast %add3A_2217 : i32 to vector<16xi32>
    %eq3A_2254 = arith.cmpi eq, %get3A_37, %eq3A_2253 : vector<16xi32>
    %select_n3A_2255 = arith.select %eq3A_2254, %broadcast_in_dim3A_3, %broadcast_in_dim3A_5 : vector<16xi1>, vector<16xf32>
    %swap3A_2256 = arith.constant 5024 : index
    %swap3A_2257 = tpu.vector_load %arg5[%swap3A_2256] {strides = array<i32>} : memref<8192xf32, #tpu.memory_space<vmem>>, vector<16xf32>,
    %swap3A_2258 = vector.shape_cast %swap3A_2257 : vector<16xf32> to vector<16xf32>
    %swap3A_2259 = vector.shape_cast %select_n3A_2255 : vector<16xf32> to vector<16xf32>
    tpu.vector_store %arg5[%swap3A_2256], %swap3A_2259 {strides = array<i32>} : memref<8192xf32, #tpu.memory_space<vmem>>, vector<16xf32>,
    %eq3A_2260 = vector.broadcast %add3A_2217 : i32 to vector<16xi32>
    %eq3A_2261 = arith.cmpi eq, %get3A_16, %eq3A_2260 : vector<16xi32>
    %select_n3A_2262 = arith.select %eq3A_2261, %broadcast_in_dim3A_3, %broadcast_in_dim3A_5 : vector<16xi1>, vector<16xf32>
    %swap3A_2263 = arith.constant 4912 : index
    %swap3A_2264 = tpu.vector_load %arg5[%swap3A_2263] {strides = array<i32>} : memref<8192xf32, #tpu.memory_space<vmem>>, vector<16xf32>,
    %swap3A_2265 = vector.shape_cast %swap3A_2264 : vector<16xf32> to vector<16xf32>
    %swap3A_2266 = vector.shape_cast %select_n3A_2262 : vector<16xf32> to vector<16xf32>
    tpu.vector_store %arg5[%swap3A_2263], %swap3A_2266 {strides = array<i32>} : memref<8192xf32, #tpu.memory_space<vmem>>, vector<16xf32>,
    %eq3A_2267 = vector.broadcast %add3A_2217 : i32 to vector<16xi32>
    %eq3A_2268 = arith.cmpi eq, %get3A_40, %eq3A_2267 : vector<16xi32>
    %select_n3A_2269 = arith.select %eq3A_2268, %broadcast_in_dim3A_3, %broadcast_in_dim3A_5 : vector<16xi1>, vector<16xf32>
    %swap3A_2270 = arith.constant 5040 : index
    %swap3A_2271 = tpu.vector_load %arg5[%swap3A_2270] {strides = array<i32>} : memref<8192xf32, #tpu.memory_space<vmem>>, vector<16xf32>,
    %swap3A_2272 = vector.shape_cast %swap3A_2271 : vector<16xf32> to vector<16xf32>
    %swap3A_2273 = vector.shape_cast %select_n3A_2269 : vector<16xf32> to vector<16xf32>
    tpu.vector_store %arg5[%swap3A_2270], %swap3A_2273 {strides = array<i32>} : memref<8192xf32, #tpu.memory_space<vmem>>, vector<16xf32>,
    %eq3A_2274 = vector.broadcast %add3A_2217 : i32 to vector<16xi32>
    %eq3A_2275 = arith.cmpi eq, %get3A_19, %eq3A_2274 : vector<16xi32>
    %select_n3A_2276 = arith.select %eq3A_2275, %broadcast_in_dim3A_3, %broadcast_in_dim3A_5 : vector<16xi1>, vector<16xf32>
    %swap3A_2277 = arith.constant 4928 : index
    %swap3A_2278 = tpu.vector_load %arg5[%swap3A_2277] {strides = array<i32>} : memref<8192xf32, #tpu.memory_space<vmem>>, vector<16xf32>,
    %swap3A_2279 = vector.shape_cast %swap3A_2278 : vector<16xf32> to vector<16xf32>
    %swap3A_2280 = vector.shape_cast %select_n3A_2276 : vector<16xf32> to vector<16xf32>
    tpu.vector_store %arg5[%swap3A_2277], %swap3A_2280 {strides = array<i32>} : memref<8192xf32, #tpu.memory_space<vmem>>, vector<16xf32>,
    %eq3A_2281 = vector.broadcast %add3A_2217 : i32 to vector<16xi32>
    %eq3A_2282 = arith.cmpi eq, %get3A_43, %eq3A_2281 : vector<16xi32>
    %select_n3A_2283 = arith.select %eq3A_2282, %broadcast_in_dim3A_3, %broadcast_in_dim3A_5 : vector<16xi1>, vector<16xf32>
    %swap3A_2284 = arith.constant 5056 : index
    %swap3A_2285 = tpu.vector_load %arg5[%swap3A_2284] {strides = array<i32>} : memref<8192xf32, #tpu.memory_space<vmem>>, vector<16xf32>,
    %swap3A_2286 = vector.shape_cast %swap3A_2285 : vector<16xf32> to vector<16xf32>
    %swap3A_2287 = vector.shape_cast %select_n3A_2283 : vector<16xf32> to vector<16xf32>
    tpu.vector_store %arg5[%swap3A_2284], %swap3A_2287 {strides = array<i32>} : memref<8192xf32, #tpu.memory_space<vmem>>, vector<16xf32>,
    %eq3A_2288 = vector.broadcast %add3A_2217 : i32 to vector<16xi32>
    %eq3A_2289 = arith.cmpi eq, %get3A_22, %eq3A_2288 : vector<16xi32>
    %select_n3A_2290 = arith.select %eq3A_2289, %broadcast_in_dim3A_3, %broadcast_in_dim3A_5 : vector<16xi1>, vector<16xf32>
    %swap3A_2291 = arith.constant 4944 : index
    %swap3A_2292 = tpu.vector_load %arg5[%swap3A_2291] {strides = array<i32>} : memref<8192xf32, #tpu.memory_space<vmem>>, vector<16xf32>,
    %swap3A_2293 = vector.shape_cast %swap3A_2292 : vector<16xf32> to vector<16xf32>
    %swap3A_2294 = vector.shape_cast %select_n3A_2290 : vector<16xf32> to vector<16xf32>
    tpu.vector_store %arg5[%swap3A_2291], %swap3A_2294 {strides = array<i32>} : memref<8192xf32, #tpu.memory_space<vmem>>, vector<16xf32>,
    %eq3A_2295 = vector.broadcast %add3A_2217 : i32 to vector<16xi32>
    %eq3A_2296 = arith.cmpi eq, %get3A_46, %eq3A_2295 : vector<16xi32>
    %select_n3A_2297 = arith.select %eq3A_2296, %broadcast_in_dim3A_3, %broadcast_in_dim3A_5 : vector<16xi1>, vector<16xf32>
    %swap3A_2298 = arith.constant 5072 : index
    %swap3A_2299 = tpu.vector_load %arg5[%swap3A_2298] {strides = array<i32>} : memref<8192xf32, #tpu.memory_space<vmem>>, vector<16xf32>,
    %swap3A_2300 = vector.shape_cast %swap3A_2299 : vector<16xf32> to vector<16xf32>
    %swap3A_2301 = vector.shape_cast %select_n3A_2297 : vector<16xf32> to vector<16xf32>
    tpu.vector_store %arg5[%swap3A_2298], %swap3A_2301 {strides = array<i32>} : memref<8192xf32, #tpu.memory_space<vmem>>, vector<16xf32>,
    %eq3A_2302 = vector.broadcast %add3A_2217 : i32 to vector<16xi32>
    %eq3A_2303 = arith.cmpi eq, %get3A_25, %eq3A_2302 : vector<16xi32>
    %select_n3A_2304 = arith.select %eq3A_2303, %broadcast_in_dim3A_3, %broadcast_in_dim3A_5 : vector<16xi1>, vector<16xf32>
    %swap3A_2305 = arith.constant 4960 : index
    %swap3A_2306 = tpu.vector_load %arg5[%swap3A_2305] {strides = array<i32>} : memref<8192xf32, #tpu.memory_space<vmem>>, vector<16xf32>,
    %swap3A_2307 = vector.shape_cast %swap3A_2306 : vector<16xf32> to vector<16xf32>
    %swap3A_2308 = vector.shape_cast %select_n3A_2304 : vector<16xf32> to vector<16xf32>
    tpu.vector_store %arg5[%swap3A_2305], %swap3A_2308 {strides = array<i32>} : memref<8192xf32, #tpu.memory_space<vmem>>, vector<16xf32>,
    %eq3A_2309 = vector.broadcast %add3A_2217 : i32 to vector<16xi32>
    %eq3A_2310 = arith.cmpi eq, %get3A_49, %eq3A_2309 : vector<16xi32>
    %select_n3A_2311 = arith.select %eq3A_2310, %broadcast_in_dim3A_3, %broadcast_in_dim3A_5 : vector<16xi1>, vector<16xf32>
    %swap3A_2312 = arith.constant 5088 : index
    %swap3A_2313 = tpu.vector_load %arg5[%swap3A_2312] {strides = array<i32>} : memref<8192xf32, #tpu.memory_space<vmem>>, vector<16xf32>,
    %swap3A_2314 = vector.shape_cast %swap3A_2313 : vector<16xf32> to vector<16xf32>
    %swap3A_2315 = vector.shape_cast %select_n3A_2311 : vector<16xf32> to vector<16xf32>
    tpu.vector_store %arg5[%swap3A_2312], %swap3A_2315 {strides = array<i32>} : memref<8192xf32, #tpu.memory_space<vmem>>, vector<16xf32>,
    %eq3A_2316 = vector.broadcast %add3A_2217 : i32 to vector<16xi32>
    %eq3A_2317 = arith.cmpi eq, %get3A_28, %eq3A_2316 : vector<16xi32>
    %select_n3A_2318 = arith.select %eq3A_2317, %broadcast_in_dim3A_3, %broadcast_in_dim3A_5 : vector<16xi1>, vector<16xf32>
    %swap3A_2319 = arith.constant 4976 : index
    %swap3A_2320 = tpu.vector_load %arg5[%swap3A_2319] {strides = array<i32>} : memref<8192xf32, #tpu.memory_space<vmem>>, vector<16xf32>,
    %swap3A_2321 = vector.shape_cast %swap3A_2320 : vector<16xf32> to vector<16xf32>
    %swap3A_2322 = vector.shape_cast %select_n3A_2318 : vector<16xf32> to vector<16xf32>
    tpu.vector_store %arg5[%swap3A_2319], %swap3A_2322 {strides = array<i32>} : memref<8192xf32, #tpu.memory_space<vmem>>, vector<16xf32>,
    %eq3A_2323 = vector.broadcast %add3A_2217 : i32 to vector<16xi32>
    %eq3A_2324 = arith.cmpi eq, %get3A_52, %eq3A_2323 : vector<16xi32>
    %select_n3A_2325 = arith.select %eq3A_2324, %broadcast_in_dim3A_3, %broadcast_in_dim3A_5 : vector<16xi1>, vector<16xf32>
    %swap3A_2326 = arith.constant 5104 : index
    %swap3A_2327 = tpu.vector_load %arg5[%swap3A_2326] {strides = array<i32>} : memref<8192xf32, #tpu.memory_space<vmem>>, vector<16xf32>,
    %swap3A_2328 = vector.shape_cast %swap3A_2327 : vector<16xf32> to vector<16xf32>
    %swap3A_2329 = vector.shape_cast %select_n3A_2325 : vector<16xf32> to vector<16xf32>
    tpu.vector_store %arg5[%swap3A_2326], %swap3A_2329 {strides = array<i32>} : memref<8192xf32, #tpu.memory_space<vmem>>, vector<16xf32>,
    %add3A_2330 = arith.constant 20 : i32
    %add3A_2331 = arith.addi %mul3A_2, %add3A_2330 : i32
    %eq3A_2332 = vector.broadcast %add3A_2331 : i32 to vector<16xi32>
    %eq3A_2333 = arith.cmpi eq, %get3A_7, %eq3A_2332 : vector<16xi32>
    %select_n3A_2334 = arith.select %eq3A_2333, %broadcast_in_dim3A_3, %broadcast_in_dim3A_5 : vector<16xi1>, vector<16xf32>
    %swap3A_2335 = arith.constant 5120 : index
    %swap3A_2336 = tpu.vector_load %arg5[%swap3A_2335] {strides = array<i32>} : memref<8192xf32, #tpu.memory_space<vmem>>, vector<16xf32>,
    %swap3A_2337 = vector.shape_cast %swap3A_2336 : vector<16xf32> to vector<16xf32>
    %swap3A_2338 = vector.shape_cast %select_n3A_2334 : vector<16xf32> to vector<16xf32>
    tpu.vector_store %arg5[%swap3A_2335], %swap3A_2338 {strides = array<i32>} : memref<8192xf32, #tpu.memory_space<vmem>>, vector<16xf32>,
    %eq3A_2339 = vector.broadcast %add3A_2331 : i32 to vector<16xi32>
    %eq3A_2340 = arith.cmpi eq, %get3A_31, %eq3A_2339 : vector<16xi32>
    %select_n3A_2341 = arith.select %eq3A_2340, %broadcast_in_dim3A_3, %broadcast_in_dim3A_5 : vector<16xi1>, vector<16xf32>
    %swap3A_2342 = arith.constant 5248 : index
    %swap3A_2343 = tpu.vector_load %arg5[%swap3A_2342] {strides = array<i32>} : memref<8192xf32, #tpu.memory_space<vmem>>, vector<16xf32>,
    %swap3A_2344 = vector.shape_cast %swap3A_2343 : vector<16xf32> to vector<16xf32>
    %swap3A_2345 = vector.shape_cast %select_n3A_2341 : vector<16xf32> to vector<16xf32>
    tpu.vector_store %arg5[%swap3A_2342], %swap3A_2345 {strides = array<i32>} : memref<8192xf32, #tpu.memory_space<vmem>>, vector<16xf32>,
    %eq3A_2346 = vector.broadcast %add3A_2331 : i32 to vector<16xi32>
    %eq3A_2347 = arith.cmpi eq, %get3A_10, %eq3A_2346 : vector<16xi32>
    %select_n3A_2348 = arith.select %eq3A_2347, %broadcast_in_dim3A_3, %broadcast_in_dim3A_5 : vector<16xi1>, vector<16xf32>
    %swap3A_2349 = arith.constant 5136 : index
    %swap3A_2350 = tpu.vector_load %arg5[%swap3A_2349] {strides = array<i32>} : memref<8192xf32, #tpu.memory_space<vmem>>, vector<16xf32>,
    %swap3A_2351 = vector.shape_cast %swap3A_2350 : vector<16xf32> to vector<16xf32>
    %swap3A_2352 = vector.shape_cast %select_n3A_2348 : vector<16xf32> to vector<16xf32>
    tpu.vector_store %arg5[%swap3A_2349], %swap3A_2352 {strides = array<i32>} : memref<8192xf32, #tpu.memory_space<vmem>>, vector<16xf32>,
    %eq3A_2353 = vector.broadcast %add3A_2331 : i32 to vector<16xi32>
    %eq3A_2354 = arith.cmpi eq, %get3A_34, %eq3A_2353 : vector<16xi32>
    %select_n3A_2355 = arith.select %eq3A_2354, %broadcast_in_dim3A_3, %broadcast_in_dim3A_5 : vector<16xi1>, vector<16xf32>
    %swap3A_2356 = arith.constant 5264 : index
    %swap3A_2357 = tpu.vector_load %arg5[%swap3A_2356] {strides = array<i32>} : memref<8192xf32, #tpu.memory_space<vmem>>, vector<16xf32>,
    %swap3A_2358 = vector.shape_cast %swap3A_2357 : vector<16xf32> to vector<16xf32>
    %swap3A_2359 = vector.shape_cast %select_n3A_2355 : vector<16xf32> to vector<16xf32>
    tpu.vector_store %arg5[%swap3A_2356], %swap3A_2359 {strides = array<i32>} : memref<8192xf32, #tpu.memory_space<vmem>>, vector<16xf32>,
    %eq3A_2360 = vector.broadcast %add3A_2331 : i32 to vector<16xi32>
    %eq3A_2361 = arith.cmpi eq, %get3A_13, %eq3A_2360 : vector<16xi32>
    %select_n3A_2362 = arith.select %eq3A_2361, %broadcast_in_dim3A_3, %broadcast_in_dim3A_5 : vector<16xi1>, vector<16xf32>
    %swap3A_2363 = arith.constant 5152 : index
    %swap3A_2364 = tpu.vector_load %arg5[%swap3A_2363] {strides = array<i32>} : memref<8192xf32, #tpu.memory_space<vmem>>, vector<16xf32>,
    %swap3A_2365 = vector.shape_cast %swap3A_2364 : vector<16xf32> to vector<16xf32>
    %swap3A_2366 = vector.shape_cast %select_n3A_2362 : vector<16xf32> to vector<16xf32>
    tpu.vector_store %arg5[%swap3A_2363], %swap3A_2366 {strides = array<i32>} : memref<8192xf32, #tpu.memory_space<vmem>>, vector<16xf32>,
    %eq3A_2367 = vector.broadcast %add3A_2331 : i32 to vector<16xi32>
    %eq3A_2368 = arith.cmpi eq, %get3A_37, %eq3A_2367 : vector<16xi32>
    %select_n3A_2369 = arith.select %eq3A_2368, %broadcast_in_dim3A_3, %broadcast_in_dim3A_5 : vector<16xi1>, vector<16xf32>
    %swap3A_2370 = arith.constant 5280 : index
    %swap3A_2371 = tpu.vector_load %arg5[%swap3A_2370] {strides = array<i32>} : memref<8192xf32, #tpu.memory_space<vmem>>, vector<16xf32>,
    %swap3A_2372 = vector.shape_cast %swap3A_2371 : vector<16xf32> to vector<16xf32>
    %swap3A_2373 = vector.shape_cast %select_n3A_2369 : vector<16xf32> to vector<16xf32>
    tpu.vector_store %arg5[%swap3A_2370], %swap3A_2373 {strides = array<i32>} : memref<8192xf32, #tpu.memory_space<vmem>>, vector<16xf32>,
    %eq3A_2374 = vector.broadcast %add3A_2331 : i32 to vector<16xi32>
    %eq3A_2375 = arith.cmpi eq, %get3A_16, %eq3A_2374 : vector<16xi32>
    %select_n3A_2376 = arith.select %eq3A_2375, %broadcast_in_dim3A_3, %broadcast_in_dim3A_5 : vector<16xi1>, vector<16xf32>
    %swap3A_2377 = arith.constant 5168 : index
    %swap3A_2378 = tpu.vector_load %arg5[%swap3A_2377] {strides = array<i32>} : memref<8192xf32, #tpu.memory_space<vmem>>, vector<16xf32>,
    %swap3A_2379 = vector.shape_cast %swap3A_2378 : vector<16xf32> to vector<16xf32>
    %swap3A_2380 = vector.shape_cast %select_n3A_2376 : vector<16xf32> to vector<16xf32>
    tpu.vector_store %arg5[%swap3A_2377], %swap3A_2380 {strides = array<i32>} : memref<8192xf32, #tpu.memory_space<vmem>>, vector<16xf32>,
    %eq3A_2381 = vector.broadcast %add3A_2331 : i32 to vector<16xi32>
    %eq3A_2382 = arith.cmpi eq, %get3A_40, %eq3A_2381 : vector<16xi32>
    %select_n3A_2383 = arith.select %eq3A_2382, %broadcast_in_dim3A_3, %broadcast_in_dim3A_5 : vector<16xi1>, vector<16xf32>
    %swap3A_2384 = arith.constant 5296 : index
    %swap3A_2385 = tpu.vector_load %arg5[%swap3A_2384] {strides = array<i32>} : memref<8192xf32, #tpu.memory_space<vmem>>, vector<16xf32>,
    %swap3A_2386 = vector.shape_cast %swap3A_2385 : vector<16xf32> to vector<16xf32>
    %swap3A_2387 = vector.shape_cast %select_n3A_2383 : vector<16xf32> to vector<16xf32>
    tpu.vector_store %arg5[%swap3A_2384], %swap3A_2387 {strides = array<i32>} : memref<8192xf32, #tpu.memory_space<vmem>>, vector<16xf32>,
    %eq3A_2388 = vector.broadcast %add3A_2331 : i32 to vector<16xi32>
    %eq3A_2389 = arith.cmpi eq, %get3A_19, %eq3A_2388 : vector<16xi32>
    %select_n3A_2390 = arith.select %eq3A_2389, %broadcast_in_dim3A_3, %broadcast_in_dim3A_5 : vector<16xi1>, vector<16xf32>
    %swap3A_2391 = arith.constant 5184 : index
    %swap3A_2392 = tpu.vector_load %arg5[%swap3A_2391] {strides = array<i32>} : memref<8192xf32, #tpu.memory_space<vmem>>, vector<16xf32>,
    %swap3A_2393 = vector.shape_cast %swap3A_2392 : vector<16xf32> to vector<16xf32>
    %swap3A_2394 = vector.shape_cast %select_n3A_2390 : vector<16xf32> to vector<16xf32>
    tpu.vector_store %arg5[%swap3A_2391], %swap3A_2394 {strides = array<i32>} : memref<8192xf32, #tpu.memory_space<vmem>>, vector<16xf32>,
    %eq3A_2395 = vector.broadcast %add3A_2331 : i32 to vector<16xi32>
    %eq3A_2396 = arith.cmpi eq, %get3A_43, %eq3A_2395 : vector<16xi32>
    %select_n3A_2397 = arith.select %eq3A_2396, %broadcast_in_dim3A_3, %broadcast_in_dim3A_5 : vector<16xi1>, vector<16xf32>
    %swap3A_2398 = arith.constant 5312 : index
    %swap3A_2399 = tpu.vector_load %arg5[%swap3A_2398] {strides = array<i32>} : memref<8192xf32, #tpu.memory_space<vmem>>, vector<16xf32>,
    %swap3A_2400 = vector.shape_cast %swap3A_2399 : vector<16xf32> to vector<16xf32>
    %swap3A_2401 = vector.shape_cast %select_n3A_2397 : vector<16xf32> to vector<16xf32>
    tpu.vector_store %arg5[%swap3A_2398], %swap3A_2401 {strides = array<i32>} : memref<8192xf32, #tpu.memory_space<vmem>>, vector<16xf32>,
    %eq3A_2402 = vector.broadcast %add3A_2331 : i32 to vector<16xi32>
    %eq3A_2403 = arith.cmpi eq, %get3A_22, %eq3A_2402 : vector<16xi32>
    %select_n3A_2404 = arith.select %eq3A_2403, %broadcast_in_dim3A_3, %broadcast_in_dim3A_5 : vector<16xi1>, vector<16xf32>
    %swap3A_2405 = arith.constant 5200 : index
    %swap3A_2406 = tpu.vector_load %arg5[%swap3A_2405] {strides = array<i32>} : memref<8192xf32, #tpu.memory_space<vmem>>, vector<16xf32>,
    %swap3A_2407 = vector.shape_cast %swap3A_2406 : vector<16xf32> to vector<16xf32>
    %swap3A_2408 = vector.shape_cast %select_n3A_2404 : vector<16xf32> to vector<16xf32>
    tpu.vector_store %arg5[%swap3A_2405], %swap3A_2408 {strides = array<i32>} : memref<8192xf32, #tpu.memory_space<vmem>>, vector<16xf32>,
    %eq3A_2409 = vector.broadcast %add3A_2331 : i32 to vector<16xi32>
    %eq3A_2410 = arith.cmpi eq, %get3A_46, %eq3A_2409 : vector<16xi32>
    %select_n3A_2411 = arith.select %eq3A_2410, %broadcast_in_dim3A_3, %broadcast_in_dim3A_5 : vector<16xi1>, vector<16xf32>
    %swap3A_2412 = arith.constant 5328 : index
    %swap3A_2413 = tpu.vector_load %arg5[%swap3A_2412] {strides = array<i32>} : memref<8192xf32, #tpu.memory_space<vmem>>, vector<16xf32>,
    %swap3A_2414 = vector.shape_cast %swap3A_2413 : vector<16xf32> to vector<16xf32>
    %swap3A_2415 = vector.shape_cast %select_n3A_2411 : vector<16xf32> to vector<16xf32>
    tpu.vector_store %arg5[%swap3A_2412], %swap3A_2415 {strides = array<i32>} : memref<8192xf32, #tpu.memory_space<vmem>>, vector<16xf32>,
    %eq3A_2416 = vector.broadcast %add3A_2331 : i32 to vector<16xi32>
    %eq3A_2417 = arith.cmpi eq, %get3A_25, %eq3A_2416 : vector<16xi32>
    %select_n3A_2418 = arith.select %eq3A_2417, %broadcast_in_dim3A_3, %broadcast_in_dim3A_5 : vector<16xi1>, vector<16xf32>
    %swap3A_2419 = arith.constant 5216 : index
    %swap3A_2420 = tpu.vector_load %arg5[%swap3A_2419] {strides = array<i32>} : memref<8192xf32, #tpu.memory_space<vmem>>, vector<16xf32>,
    %swap3A_2421 = vector.shape_cast %swap3A_2420 : vector<16xf32> to vector<16xf32>
    %swap3A_2422 = vector.shape_cast %select_n3A_2418 : vector<16xf32> to vector<16xf32>
    tpu.vector_store %arg5[%swap3A_2419], %swap3A_2422 {strides = array<i32>} : memref<8192xf32, #tpu.memory_space<vmem>>, vector<16xf32>,
    %eq3A_2423 = vector.broadcast %add3A_2331 : i32 to vector<16xi32>
    %eq3A_2424 = arith.cmpi eq, %get3A_49, %eq3A_2423 : vector<16xi32>
    %select_n3A_2425 = arith.select %eq3A_2424, %broadcast_in_dim3A_3, %broadcast_in_dim3A_5 : vector<16xi1>, vector<16xf32>
    %swap3A_2426 = arith.constant 5344 : index
    %swap3A_2427 = tpu.vector_load %arg5[%swap3A_2426] {strides = array<i32>} : memref<8192xf32, #tpu.memory_space<vmem>>, vector<16xf32>,
    %swap3A_2428 = vector.shape_cast %swap3A_2427 : vector<16xf32> to vector<16xf32>
    %swap3A_2429 = vector.shape_cast %select_n3A_2425 : vector<16xf32> to vector<16xf32>
    tpu.vector_store %arg5[%swap3A_2426], %swap3A_2429 {strides = array<i32>} : memref<8192xf32, #tpu.memory_space<vmem>>, vector<16xf32>,
    %eq3A_2430 = vector.broadcast %add3A_2331 : i32 to vector<16xi32>
    %eq3A_2431 = arith.cmpi eq, %get3A_28, %eq3A_2430 : vector<16xi32>
    %select_n3A_2432 = arith.select %eq3A_2431, %broadcast_in_dim3A_3, %broadcast_in_dim3A_5 : vector<16xi1>, vector<16xf32>
    %swap3A_2433 = arith.constant 5232 : index
    %swap3A_2434 = tpu.vector_load %arg5[%swap3A_2433] {strides = array<i32>} : memref<8192xf32, #tpu.memory_space<vmem>>, vector<16xf32>,
    %swap3A_2435 = vector.shape_cast %swap3A_2434 : vector<16xf32> to vector<16xf32>
    %swap3A_2436 = vector.shape_cast %select_n3A_2432 : vector<16xf32> to vector<16xf32>
    tpu.vector_store %arg5[%swap3A_2433], %swap3A_2436 {strides = array<i32>} : memref<8192xf32, #tpu.memory_space<vmem>>, vector<16xf32>,
    %eq3A_2437 = vector.broadcast %add3A_2331 : i32 to vector<16xi32>
    %eq3A_2438 = arith.cmpi eq, %get3A_52, %eq3A_2437 : vector<16xi32>
    %select_n3A_2439 = arith.select %eq3A_2438, %broadcast_in_dim3A_3, %broadcast_in_dim3A_5 : vector<16xi1>, vector<16xf32>
    %swap3A_2440 = arith.constant 5360 : index
    %swap3A_2441 = tpu.vector_load %arg5[%swap3A_2440] {strides = array<i32>} : memref<8192xf32, #tpu.memory_space<vmem>>, vector<16xf32>,
    %swap3A_2442 = vector.shape_cast %swap3A_2441 : vector<16xf32> to vector<16xf32>
    %swap3A_2443 = vector.shape_cast %select_n3A_2439 : vector<16xf32> to vector<16xf32>
    tpu.vector_store %arg5[%swap3A_2440], %swap3A_2443 {strides = array<i32>} : memref<8192xf32, #tpu.memory_space<vmem>>, vector<16xf32>,
    %add3A_2444 = arith.constant 21 : i32
    %add3A_2445 = arith.addi %mul3A_2, %add3A_2444 : i32
    %eq3A_2446 = vector.broadcast %add3A_2445 : i32 to vector<16xi32>
    %eq3A_2447 = arith.cmpi eq, %get3A_7, %eq3A_2446 : vector<16xi32>
    %select_n3A_2448 = arith.select %eq3A_2447, %broadcast_in_dim3A_3, %broadcast_in_dim3A_5 : vector<16xi1>, vector<16xf32>
    %swap3A_2449 = arith.constant 5376 : index
    %swap3A_2450 = tpu.vector_load %arg5[%swap3A_2449] {strides = array<i32>} : memref<8192xf32, #tpu.memory_space<vmem>>, vector<16xf32>,
    %swap3A_2451 = vector.shape_cast %swap3A_2450 : vector<16xf32> to vector<16xf32>
    %swap3A_2452 = vector.shape_cast %select_n3A_2448 : vector<16xf32> to vector<16xf32>
    tpu.vector_store %arg5[%swap3A_2449], %swap3A_2452 {strides = array<i32>} : memref<8192xf32, #tpu.memory_space<vmem>>, vector<16xf32>,
    %eq3A_2453 = vector.broadcast %add3A_2445 : i32 to vector<16xi32>
    %eq3A_2454 = arith.cmpi eq, %get3A_31, %eq3A_2453 : vector<16xi32>
    %select_n3A_2455 = arith.select %eq3A_2454, %broadcast_in_dim3A_3, %broadcast_in_dim3A_5 : vector<16xi1>, vector<16xf32>
    %swap3A_2456 = arith.constant 5504 : index
    %swap3A_2457 = tpu.vector_load %arg5[%swap3A_2456] {strides = array<i32>} : memref<8192xf32, #tpu.memory_space<vmem>>, vector<16xf32>,
    %swap3A_2458 = vector.shape_cast %swap3A_2457 : vector<16xf32> to vector<16xf32>
    %swap3A_2459 = vector.shape_cast %select_n3A_2455 : vector<16xf32> to vector<16xf32>
    tpu.vector_store %arg5[%swap3A_2456], %swap3A_2459 {strides = array<i32>} : memref<8192xf32, #tpu.memory_space<vmem>>, vector<16xf32>,
    %eq3A_2460 = vector.broadcast %add3A_2445 : i32 to vector<16xi32>
    %eq3A_2461 = arith.cmpi eq, %get3A_10, %eq3A_2460 : vector<16xi32>
    %select_n3A_2462 = arith.select %eq3A_2461, %broadcast_in_dim3A_3, %broadcast_in_dim3A_5 : vector<16xi1>, vector<16xf32>
    %swap3A_2463 = arith.constant 5392 : index
    %swap3A_2464 = tpu.vector_load %arg5[%swap3A_2463] {strides = array<i32>} : memref<8192xf32, #tpu.memory_space<vmem>>, vector<16xf32>,
    %swap3A_2465 = vector.shape_cast %swap3A_2464 : vector<16xf32> to vector<16xf32>
    %swap3A_2466 = vector.shape_cast %select_n3A_2462 : vector<16xf32> to vector<16xf32>
    tpu.vector_store %arg5[%swap3A_2463], %swap3A_2466 {strides = array<i32>} : memref<8192xf32, #tpu.memory_space<vmem>>, vector<16xf32>,
    %eq3A_2467 = vector.broadcast %add3A_2445 : i32 to vector<16xi32>
    %eq3A_2468 = arith.cmpi eq, %get3A_34, %eq3A_2467 : vector<16xi32>
    %select_n3A_2469 = arith.select %eq3A_2468, %broadcast_in_dim3A_3, %broadcast_in_dim3A_5 : vector<16xi1>, vector<16xf32>
    %swap3A_2470 = arith.constant 5520 : index
    %swap3A_2471 = tpu.vector_load %arg5[%swap3A_2470] {strides = array<i32>} : memref<8192xf32, #tpu.memory_space<vmem>>, vector<16xf32>,
    %swap3A_2472 = vector.shape_cast %swap3A_2471 : vector<16xf32> to vector<16xf32>
    %swap3A_2473 = vector.shape_cast %select_n3A_2469 : vector<16xf32> to vector<16xf32>
    tpu.vector_store %arg5[%swap3A_2470], %swap3A_2473 {strides = array<i32>} : memref<8192xf32, #tpu.memory_space<vmem>>, vector<16xf32>,
    %eq3A_2474 = vector.broadcast %add3A_2445 : i32 to vector<16xi32>
    %eq3A_2475 = arith.cmpi eq, %get3A_13, %eq3A_2474 : vector<16xi32>
    %select_n3A_2476 = arith.select %eq3A_2475, %broadcast_in_dim3A_3, %broadcast_in_dim3A_5 : vector<16xi1>, vector<16xf32>
    %swap3A_2477 = arith.constant 5408 : index
    %swap3A_2478 = tpu.vector_load %arg5[%swap3A_2477] {strides = array<i32>} : memref<8192xf32, #tpu.memory_space<vmem>>, vector<16xf32>,
    %swap3A_2479 = vector.shape_cast %swap3A_2478 : vector<16xf32> to vector<16xf32>
    %swap3A_2480 = vector.shape_cast %select_n3A_2476 : vector<16xf32> to vector<16xf32>
    tpu.vector_store %arg5[%swap3A_2477], %swap3A_2480 {strides = array<i32>} : memref<8192xf32, #tpu.memory_space<vmem>>, vector<16xf32>,
    %eq3A_2481 = vector.broadcast %add3A_2445 : i32 to vector<16xi32>
    %eq3A_2482 = arith.cmpi eq, %get3A_37, %eq3A_2481 : vector<16xi32>
    %select_n3A_2483 = arith.select %eq3A_2482, %broadcast_in_dim3A_3, %broadcast_in_dim3A_5 : vector<16xi1>, vector<16xf32>
    %swap3A_2484 = arith.constant 5536 : index
    %swap3A_2485 = tpu.vector_load %arg5[%swap3A_2484] {strides = array<i32>} : memref<8192xf32, #tpu.memory_space<vmem>>, vector<16xf32>,
    %swap3A_2486 = vector.shape_cast %swap3A_2485 : vector<16xf32> to vector<16xf32>
    %swap3A_2487 = vector.shape_cast %select_n3A_2483 : vector<16xf32> to vector<16xf32>
    tpu.vector_store %arg5[%swap3A_2484], %swap3A_2487 {strides = array<i32>} : memref<8192xf32, #tpu.memory_space<vmem>>, vector<16xf32>,
    %eq3A_2488 = vector.broadcast %add3A_2445 : i32 to vector<16xi32>
    %eq3A_2489 = arith.cmpi eq, %get3A_16, %eq3A_2488 : vector<16xi32>
    %select_n3A_2490 = arith.select %eq3A_2489, %broadcast_in_dim3A_3, %broadcast_in_dim3A_5 : vector<16xi1>, vector<16xf32>
    %swap3A_2491 = arith.constant 5424 : index
    %swap3A_2492 = tpu.vector_load %arg5[%swap3A_2491] {strides = array<i32>} : memref<8192xf32, #tpu.memory_space<vmem>>, vector<16xf32>,
    %swap3A_2493 = vector.shape_cast %swap3A_2492 : vector<16xf32> to vector<16xf32>
    %swap3A_2494 = vector.shape_cast %select_n3A_2490 : vector<16xf32> to vector<16xf32>
    tpu.vector_store %arg5[%swap3A_2491], %swap3A_2494 {strides = array<i32>} : memref<8192xf32, #tpu.memory_space<vmem>>, vector<16xf32>,
    %eq3A_2495 = vector.broadcast %add3A_2445 : i32 to vector<16xi32>
    %eq3A_2496 = arith.cmpi eq, %get3A_40, %eq3A_2495 : vector<16xi32>
    %select_n3A_2497 = arith.select %eq3A_2496, %broadcast_in_dim3A_3, %broadcast_in_dim3A_5 : vector<16xi1>, vector<16xf32>
    %swap3A_2498 = arith.constant 5552 : index
    %swap3A_2499 = tpu.vector_load %arg5[%swap3A_2498] {strides = array<i32>} : memref<8192xf32, #tpu.memory_space<vmem>>, vector<16xf32>,
    %swap3A_2500 = vector.shape_cast %swap3A_2499 : vector<16xf32> to vector<16xf32>
    %swap3A_2501 = vector.shape_cast %select_n3A_2497 : vector<16xf32> to vector<16xf32>
    tpu.vector_store %arg5[%swap3A_2498], %swap3A_2501 {strides = array<i32>} : memref<8192xf32, #tpu.memory_space<vmem>>, vector<16xf32>,
    %eq3A_2502 = vector.broadcast %add3A_2445 : i32 to vector<16xi32>
    %eq3A_2503 = arith.cmpi eq, %get3A_19, %eq3A_2502 : vector<16xi32>
    %select_n3A_2504 = arith.select %eq3A_2503, %broadcast_in_dim3A_3, %broadcast_in_dim3A_5 : vector<16xi1>, vector<16xf32>
    %swap3A_2505 = arith.constant 5440 : index
    %swap3A_2506 = tpu.vector_load %arg5[%swap3A_2505] {strides = array<i32>} : memref<8192xf32, #tpu.memory_space<vmem>>, vector<16xf32>,
    %swap3A_2507 = vector.shape_cast %swap3A_2506 : vector<16xf32> to vector<16xf32>
    %swap3A_2508 = vector.shape_cast %select_n3A_2504 : vector<16xf32> to vector<16xf32>
    tpu.vector_store %arg5[%swap3A_2505], %swap3A_2508 {strides = array<i32>} : memref<8192xf32, #tpu.memory_space<vmem>>, vector<16xf32>,
    %eq3A_2509 = vector.broadcast %add3A_2445 : i32 to vector<16xi32>
    %eq3A_2510 = arith.cmpi eq, %get3A_43, %eq3A_2509 : vector<16xi32>
    %select_n3A_2511 = arith.select %eq3A_2510, %broadcast_in_dim3A_3, %broadcast_in_dim3A_5 : vector<16xi1>, vector<16xf32>
    %swap3A_2512 = arith.constant 5568 : index
    %swap3A_2513 = tpu.vector_load %arg5[%swap3A_2512] {strides = array<i32>} : memref<8192xf32, #tpu.memory_space<vmem>>, vector<16xf32>,
    %swap3A_2514 = vector.shape_cast %swap3A_2513 : vector<16xf32> to vector<16xf32>
    %swap3A_2515 = vector.shape_cast %select_n3A_2511 : vector<16xf32> to vector<16xf32>
    tpu.vector_store %arg5[%swap3A_2512], %swap3A_2515 {strides = array<i32>} : memref<8192xf32, #tpu.memory_space<vmem>>, vector<16xf32>,
    %eq3A_2516 = vector.broadcast %add3A_2445 : i32 to vector<16xi32>
    %eq3A_2517 = arith.cmpi eq, %get3A_22, %eq3A_2516 : vector<16xi32>
    %select_n3A_2518 = arith.select %eq3A_2517, %broadcast_in_dim3A_3, %broadcast_in_dim3A_5 : vector<16xi1>, vector<16xf32>
    %swap3A_2519 = arith.constant 5456 : index
    %swap3A_2520 = tpu.vector_load %arg5[%swap3A_2519] {strides = array<i32>} : memref<8192xf32, #tpu.memory_space<vmem>>, vector<16xf32>,
    %swap3A_2521 = vector.shape_cast %swap3A_2520 : vector<16xf32> to vector<16xf32>
    %swap3A_2522 = vector.shape_cast %select_n3A_2518 : vector<16xf32> to vector<16xf32>
    tpu.vector_store %arg5[%swap3A_2519], %swap3A_2522 {strides = array<i32>} : memref<8192xf32, #tpu.memory_space<vmem>>, vector<16xf32>,
    %eq3A_2523 = vector.broadcast %add3A_2445 : i32 to vector<16xi32>
    %eq3A_2524 = arith.cmpi eq, %get3A_46, %eq3A_2523 : vector<16xi32>
    %select_n3A_2525 = arith.select %eq3A_2524, %broadcast_in_dim3A_3, %broadcast_in_dim3A_5 : vector<16xi1>, vector<16xf32>
    %swap3A_2526 = arith.constant 5584 : index
    %swap3A_2527 = tpu.vector_load %arg5[%swap3A_2526] {strides = array<i32>} : memref<8192xf32, #tpu.memory_space<vmem>>, vector<16xf32>,
    %swap3A_2528 = vector.shape_cast %swap3A_2527 : vector<16xf32> to vector<16xf32>
    %swap3A_2529 = vector.shape_cast %select_n3A_2525 : vector<16xf32> to vector<16xf32>
    tpu.vector_store %arg5[%swap3A_2526], %swap3A_2529 {strides = array<i32>} : memref<8192xf32, #tpu.memory_space<vmem>>, vector<16xf32>,
    %eq3A_2530 = vector.broadcast %add3A_2445 : i32 to vector<16xi32>
    %eq3A_2531 = arith.cmpi eq, %get3A_25, %eq3A_2530 : vector<16xi32>
    %select_n3A_2532 = arith.select %eq3A_2531, %broadcast_in_dim3A_3, %broadcast_in_dim3A_5 : vector<16xi1>, vector<16xf32>
    %swap3A_2533 = arith.constant 5472 : index
    %swap3A_2534 = tpu.vector_load %arg5[%swap3A_2533] {strides = array<i32>} : memref<8192xf32, #tpu.memory_space<vmem>>, vector<16xf32>,
    %swap3A_2535 = vector.shape_cast %swap3A_2534 : vector<16xf32> to vector<16xf32>
    %swap3A_2536 = vector.shape_cast %select_n3A_2532 : vector<16xf32> to vector<16xf32>
    tpu.vector_store %arg5[%swap3A_2533], %swap3A_2536 {strides = array<i32>} : memref<8192xf32, #tpu.memory_space<vmem>>, vector<16xf32>,
    %eq3A_2537 = vector.broadcast %add3A_2445 : i32 to vector<16xi32>
    %eq3A_2538 = arith.cmpi eq, %get3A_49, %eq3A_2537 : vector<16xi32>
    %select_n3A_2539 = arith.select %eq3A_2538, %broadcast_in_dim3A_3, %broadcast_in_dim3A_5 : vector<16xi1>, vector<16xf32>
    %swap3A_2540 = arith.constant 5600 : index
    %swap3A_2541 = tpu.vector_load %arg5[%swap3A_2540] {strides = array<i32>} : memref<8192xf32, #tpu.memory_space<vmem>>, vector<16xf32>,
    %swap3A_2542 = vector.shape_cast %swap3A_2541 : vector<16xf32> to vector<16xf32>
    %swap3A_2543 = vector.shape_cast %select_n3A_2539 : vector<16xf32> to vector<16xf32>
    tpu.vector_store %arg5[%swap3A_2540], %swap3A_2543 {strides = array<i32>} : memref<8192xf32, #tpu.memory_space<vmem>>, vector<16xf32>,
    %eq3A_2544 = vector.broadcast %add3A_2445 : i32 to vector<16xi32>
    %eq3A_2545 = arith.cmpi eq, %get3A_28, %eq3A_2544 : vector<16xi32>
    %select_n3A_2546 = arith.select %eq3A_2545, %broadcast_in_dim3A_3, %broadcast_in_dim3A_5 : vector<16xi1>, vector<16xf32>
    %swap3A_2547 = arith.constant 5488 : index
    %swap3A_2548 = tpu.vector_load %arg5[%swap3A_2547] {strides = array<i32>} : memref<8192xf32, #tpu.memory_space<vmem>>, vector<16xf32>,
    %swap3A_2549 = vector.shape_cast %swap3A_2548 : vector<16xf32> to vector<16xf32>
    %swap3A_2550 = vector.shape_cast %select_n3A_2546 : vector<16xf32> to vector<16xf32>
    tpu.vector_store %arg5[%swap3A_2547], %swap3A_2550 {strides = array<i32>} : memref<8192xf32, #tpu.memory_space<vmem>>, vector<16xf32>,
    %eq3A_2551 = vector.broadcast %add3A_2445 : i32 to vector<16xi32>
    %eq3A_2552 = arith.cmpi eq, %get3A_52, %eq3A_2551 : vector<16xi32>
    %select_n3A_2553 = arith.select %eq3A_2552, %broadcast_in_dim3A_3, %broadcast_in_dim3A_5 : vector<16xi1>, vector<16xf32>
    %swap3A_2554 = arith.constant 5616 : index
    %swap3A_2555 = tpu.vector_load %arg5[%swap3A_2554] {strides = array<i32>} : memref<8192xf32, #tpu.memory_space<vmem>>, vector<16xf32>,
    %swap3A_2556 = vector.shape_cast %swap3A_2555 : vector<16xf32> to vector<16xf32>
    %swap3A_2557 = vector.shape_cast %select_n3A_2553 : vector<16xf32> to vector<16xf32>
    tpu.vector_store %arg5[%swap3A_2554], %swap3A_2557 {strides = array<i32>} : memref<8192xf32, #tpu.memory_space<vmem>>, vector<16xf32>,
    %add3A_2558 = arith.constant 22 : i32
    %add3A_2559 = arith.addi %mul3A_2, %add3A_2558 : i32
    %eq3A_2560 = vector.broadcast %add3A_2559 : i32 to vector<16xi32>
    %eq3A_2561 = arith.cmpi eq, %get3A_7, %eq3A_2560 : vector<16xi32>
    %select_n3A_2562 = arith.select %eq3A_2561, %broadcast_in_dim3A_3, %broadcast_in_dim3A_5 : vector<16xi1>, vector<16xf32>
    %swap3A_2563 = arith.constant 5632 : index
    %swap3A_2564 = tpu.vector_load %arg5[%swap3A_2563] {strides = array<i32>} : memref<8192xf32, #tpu.memory_space<vmem>>, vector<16xf32>,
    %swap3A_2565 = vector.shape_cast %swap3A_2564 : vector<16xf32> to vector<16xf32>
    %swap3A_2566 = vector.shape_cast %select_n3A_2562 : vector<16xf32> to vector<16xf32>
    tpu.vector_store %arg5[%swap3A_2563], %swap3A_2566 {strides = array<i32>} : memref<8192xf32, #tpu.memory_space<vmem>>, vector<16xf32>,
    %eq3A_2567 = vector.broadcast %add3A_2559 : i32 to vector<16xi32>
    %eq3A_2568 = arith.cmpi eq, %get3A_31, %eq3A_2567 : vector<16xi32>
    %select_n3A_2569 = arith.select %eq3A_2568, %broadcast_in_dim3A_3, %broadcast_in_dim3A_5 : vector<16xi1>, vector<16xf32>
    %swap3A_2570 = arith.constant 5760 : index
    %swap3A_2571 = tpu.vector_load %arg5[%swap3A_2570] {strides = array<i32>} : memref<8192xf32, #tpu.memory_space<vmem>>, vector<16xf32>,
    %swap3A_2572 = vector.shape_cast %swap3A_2571 : vector<16xf32> to vector<16xf32>
    %swap3A_2573 = vector.shape_cast %select_n3A_2569 : vector<16xf32> to vector<16xf32>
    tpu.vector_store %arg5[%swap3A_2570], %swap3A_2573 {strides = array<i32>} : memref<8192xf32, #tpu.memory_space<vmem>>, vector<16xf32>,
    %eq3A_2574 = vector.broadcast %add3A_2559 : i32 to vector<16xi32>
    %eq3A_2575 = arith.cmpi eq, %get3A_10, %eq3A_2574 : vector<16xi32>
    %select_n3A_2576 = arith.select %eq3A_2575, %broadcast_in_dim3A_3, %broadcast_in_dim3A_5 : vector<16xi1>, vector<16xf32>
    %swap3A_2577 = arith.constant 5648 : index
    %swap3A_2578 = tpu.vector_load %arg5[%swap3A_2577] {strides = array<i32>} : memref<8192xf32, #tpu.memory_space<vmem>>, vector<16xf32>,
    %swap3A_2579 = vector.shape_cast %swap3A_2578 : vector<16xf32> to vector<16xf32>
    %swap3A_2580 = vector.shape_cast %select_n3A_2576 : vector<16xf32> to vector<16xf32>
    tpu.vector_store %arg5[%swap3A_2577], %swap3A_2580 {strides = array<i32>} : memref<8192xf32, #tpu.memory_space<vmem>>, vector<16xf32>,
    %eq3A_2581 = vector.broadcast %add3A_2559 : i32 to vector<16xi32>
    %eq3A_2582 = arith.cmpi eq, %get3A_34, %eq3A_2581 : vector<16xi32>
    %select_n3A_2583 = arith.select %eq3A_2582, %broadcast_in_dim3A_3, %broadcast_in_dim3A_5 : vector<16xi1>, vector<16xf32>
    %swap3A_2584 = arith.constant 5776 : index
    %swap3A_2585 = tpu.vector_load %arg5[%swap3A_2584] {strides = array<i32>} : memref<8192xf32, #tpu.memory_space<vmem>>, vector<16xf32>,
    %swap3A_2586 = vector.shape_cast %swap3A_2585 : vector<16xf32> to vector<16xf32>
    %swap3A_2587 = vector.shape_cast %select_n3A_2583 : vector<16xf32> to vector<16xf32>
    tpu.vector_store %arg5[%swap3A_2584], %swap3A_2587 {strides = array<i32>} : memref<8192xf32, #tpu.memory_space<vmem>>, vector<16xf32>,
    %eq3A_2588 = vector.broadcast %add3A_2559 : i32 to vector<16xi32>
    %eq3A_2589 = arith.cmpi eq, %get3A_13, %eq3A_2588 : vector<16xi32>
    %select_n3A_2590 = arith.select %eq3A_2589, %broadcast_in_dim3A_3, %broadcast_in_dim3A_5 : vector<16xi1>, vector<16xf32>
    %swap3A_2591 = arith.constant 5664 : index
    %swap3A_2592 = tpu.vector_load %arg5[%swap3A_2591] {strides = array<i32>} : memref<8192xf32, #tpu.memory_space<vmem>>, vector<16xf32>,
    %swap3A_2593 = vector.shape_cast %swap3A_2592 : vector<16xf32> to vector<16xf32>
    %swap3A_2594 = vector.shape_cast %select_n3A_2590 : vector<16xf32> to vector<16xf32>
    tpu.vector_store %arg5[%swap3A_2591], %swap3A_2594 {strides = array<i32>} : memref<8192xf32, #tpu.memory_space<vmem>>, vector<16xf32>,
    %eq3A_2595 = vector.broadcast %add3A_2559 : i32 to vector<16xi32>
    %eq3A_2596 = arith.cmpi eq, %get3A_37, %eq3A_2595 : vector<16xi32>
    %select_n3A_2597 = arith.select %eq3A_2596, %broadcast_in_dim3A_3, %broadcast_in_dim3A_5 : vector<16xi1>, vector<16xf32>
    %swap3A_2598 = arith.constant 5792 : index
    %swap3A_2599 = tpu.vector_load %arg5[%swap3A_2598] {strides = array<i32>} : memref<8192xf32, #tpu.memory_space<vmem>>, vector<16xf32>,
    %swap3A_2600 = vector.shape_cast %swap3A_2599 : vector<16xf32> to vector<16xf32>
    %swap3A_2601 = vector.shape_cast %select_n3A_2597 : vector<16xf32> to vector<16xf32>
    tpu.vector_store %arg5[%swap3A_2598], %swap3A_2601 {strides = array<i32>} : memref<8192xf32, #tpu.memory_space<vmem>>, vector<16xf32>,
    %eq3A_2602 = vector.broadcast %add3A_2559 : i32 to vector<16xi32>
    %eq3A_2603 = arith.cmpi eq, %get3A_16, %eq3A_2602 : vector<16xi32>
    %select_n3A_2604 = arith.select %eq3A_2603, %broadcast_in_dim3A_3, %broadcast_in_dim3A_5 : vector<16xi1>, vector<16xf32>
    %swap3A_2605 = arith.constant 5680 : index
    %swap3A_2606 = tpu.vector_load %arg5[%swap3A_2605] {strides = array<i32>} : memref<8192xf32, #tpu.memory_space<vmem>>, vector<16xf32>,
    %swap3A_2607 = vector.shape_cast %swap3A_2606 : vector<16xf32> to vector<16xf32>
    %swap3A_2608 = vector.shape_cast %select_n3A_2604 : vector<16xf32> to vector<16xf32>
    tpu.vector_store %arg5[%swap3A_2605], %swap3A_2608 {strides = array<i32>} : memref<8192xf32, #tpu.memory_space<vmem>>, vector<16xf32>,
    %eq3A_2609 = vector.broadcast %add3A_2559 : i32 to vector<16xi32>
    %eq3A_2610 = arith.cmpi eq, %get3A_40, %eq3A_2609 : vector<16xi32>
    %select_n3A_2611 = arith.select %eq3A_2610, %broadcast_in_dim3A_3, %broadcast_in_dim3A_5 : vector<16xi1>, vector<16xf32>
    %swap3A_2612 = arith.constant 5808 : index
    %swap3A_2613 = tpu.vector_load %arg5[%swap3A_2612] {strides = array<i32>} : memref<8192xf32, #tpu.memory_space<vmem>>, vector<16xf32>,
    %swap3A_2614 = vector.shape_cast %swap3A_2613 : vector<16xf32> to vector<16xf32>
    %swap3A_2615 = vector.shape_cast %select_n3A_2611 : vector<16xf32> to vector<16xf32>
    tpu.vector_store %arg5[%swap3A_2612], %swap3A_2615 {strides = array<i32>} : memref<8192xf32, #tpu.memory_space<vmem>>, vector<16xf32>,
    %eq3A_2616 = vector.broadcast %add3A_2559 : i32 to vector<16xi32>
    %eq3A_2617 = arith.cmpi eq, %get3A_19, %eq3A_2616 : vector<16xi32>
    %select_n3A_2618 = arith.select %eq3A_2617, %broadcast_in_dim3A_3, %broadcast_in_dim3A_5 : vector<16xi1>, vector<16xf32>
    %swap3A_2619 = arith.constant 5696 : index
    %swap3A_2620 = tpu.vector_load %arg5[%swap3A_2619] {strides = array<i32>} : memref<8192xf32, #tpu.memory_space<vmem>>, vector<16xf32>,
    %swap3A_2621 = vector.shape_cast %swap3A_2620 : vector<16xf32> to vector<16xf32>
    %swap3A_2622 = vector.shape_cast %select_n3A_2618 : vector<16xf32> to vector<16xf32>
    tpu.vector_store %arg5[%swap3A_2619], %swap3A_2622 {strides = array<i32>} : memref<8192xf32, #tpu.memory_space<vmem>>, vector<16xf32>,
    %eq3A_2623 = vector.broadcast %add3A_2559 : i32 to vector<16xi32>
    %eq3A_2624 = arith.cmpi eq, %get3A_43, %eq3A_2623 : vector<16xi32>
    %select_n3A_2625 = arith.select %eq3A_2624, %broadcast_in_dim3A_3, %broadcast_in_dim3A_5 : vector<16xi1>, vector<16xf32>
    %swap3A_2626 = arith.constant 5824 : index
    %swap3A_2627 = tpu.vector_load %arg5[%swap3A_2626] {strides = array<i32>} : memref<8192xf32, #tpu.memory_space<vmem>>, vector<16xf32>,
    %swap3A_2628 = vector.shape_cast %swap3A_2627 : vector<16xf32> to vector<16xf32>
    %swap3A_2629 = vector.shape_cast %select_n3A_2625 : vector<16xf32> to vector<16xf32>
    tpu.vector_store %arg5[%swap3A_2626], %swap3A_2629 {strides = array<i32>} : memref<8192xf32, #tpu.memory_space<vmem>>, vector<16xf32>,
    %eq3A_2630 = vector.broadcast %add3A_2559 : i32 to vector<16xi32>
    %eq3A_2631 = arith.cmpi eq, %get3A_22, %eq3A_2630 : vector<16xi32>
    %select_n3A_2632 = arith.select %eq3A_2631, %broadcast_in_dim3A_3, %broadcast_in_dim3A_5 : vector<16xi1>, vector<16xf32>
    %swap3A_2633 = arith.constant 5712 : index
    %swap3A_2634 = tpu.vector_load %arg5[%swap3A_2633] {strides = array<i32>} : memref<8192xf32, #tpu.memory_space<vmem>>, vector<16xf32>,
    %swap3A_2635 = vector.shape_cast %swap3A_2634 : vector<16xf32> to vector<16xf32>
    %swap3A_2636 = vector.shape_cast %select_n3A_2632 : vector<16xf32> to vector<16xf32>
    tpu.vector_store %arg5[%swap3A_2633], %swap3A_2636 {strides = array<i32>} : memref<8192xf32, #tpu.memory_space<vmem>>, vector<16xf32>,
    %eq3A_2637 = vector.broadcast %add3A_2559 : i32 to vector<16xi32>
    %eq3A_2638 = arith.cmpi eq, %get3A_46, %eq3A_2637 : vector<16xi32>
    %select_n3A_2639 = arith.select %eq3A_2638, %broadcast_in_dim3A_3, %broadcast_in_dim3A_5 : vector<16xi1>, vector<16xf32>
    %swap3A_2640 = arith.constant 5840 : index
    %swap3A_2641 = tpu.vector_load %arg5[%swap3A_2640] {strides = array<i32>} : memref<8192xf32, #tpu.memory_space<vmem>>, vector<16xf32>,
    %swap3A_2642 = vector.shape_cast %swap3A_2641 : vector<16xf32> to vector<16xf32>
    %swap3A_2643 = vector.shape_cast %select_n3A_2639 : vector<16xf32> to vector<16xf32>
    tpu.vector_store %arg5[%swap3A_2640], %swap3A_2643 {strides = array<i32>} : memref<8192xf32, #tpu.memory_space<vmem>>, vector<16xf32>,
    %eq3A_2644 = vector.broadcast %add3A_2559 : i32 to vector<16xi32>
    %eq3A_2645 = arith.cmpi eq, %get3A_25, %eq3A_2644 : vector<16xi32>
    %select_n3A_2646 = arith.select %eq3A_2645, %broadcast_in_dim3A_3, %broadcast_in_dim3A_5 : vector<16xi1>, vector<16xf32>
    %swap3A_2647 = arith.constant 5728 : index
    %swap3A_2648 = tpu.vector_load %arg5[%swap3A_2647] {strides = array<i32>} : memref<8192xf32, #tpu.memory_space<vmem>>, vector<16xf32>,
    %swap3A_2649 = vector.shape_cast %swap3A_2648 : vector<16xf32> to vector<16xf32>
    %swap3A_2650 = vector.shape_cast %select_n3A_2646 : vector<16xf32> to vector<16xf32>
    tpu.vector_store %arg5[%swap3A_2647], %swap3A_2650 {strides = array<i32>} : memref<8192xf32, #tpu.memory_space<vmem>>, vector<16xf32>,
    %eq3A_2651 = vector.broadcast %add3A_2559 : i32 to vector<16xi32>
    %eq3A_2652 = arith.cmpi eq, %get3A_49, %eq3A_2651 : vector<16xi32>
    %select_n3A_2653 = arith.select %eq3A_2652, %broadcast_in_dim3A_3, %broadcast_in_dim3A_5 : vector<16xi1>, vector<16xf32>
    %swap3A_2654 = arith.constant 5856 : index
    %swap3A_2655 = tpu.vector_load %arg5[%swap3A_2654] {strides = array<i32>} : memref<8192xf32, #tpu.memory_space<vmem>>, vector<16xf32>,
    %swap3A_2656 = vector.shape_cast %swap3A_2655 : vector<16xf32> to vector<16xf32>
    %swap3A_2657 = vector.shape_cast %select_n3A_2653 : vector<16xf32> to vector<16xf32>
    tpu.vector_store %arg5[%swap3A_2654], %swap3A_2657 {strides = array<i32>} : memref<8192xf32, #tpu.memory_space<vmem>>, vector<16xf32>,
    %eq3A_2658 = vector.broadcast %add3A_2559 : i32 to vector<16xi32>
    %eq3A_2659 = arith.cmpi eq, %get3A_28, %eq3A_2658 : vector<16xi32>
    %select_n3A_2660 = arith.select %eq3A_2659, %broadcast_in_dim3A_3, %broadcast_in_dim3A_5 : vector<16xi1>, vector<16xf32>
    %swap3A_2661 = arith.constant 5744 : index
    %swap3A_2662 = tpu.vector_load %arg5[%swap3A_2661] {strides = array<i32>} : memref<8192xf32, #tpu.memory_space<vmem>>, vector<16xf32>,
    %swap3A_2663 = vector.shape_cast %swap3A_2662 : vector<16xf32> to vector<16xf32>
    %swap3A_2664 = vector.shape_cast %select_n3A_2660 : vector<16xf32> to vector<16xf32>
    tpu.vector_store %arg5[%swap3A_2661], %swap3A_2664 {strides = array<i32>} : memref<8192xf32, #tpu.memory_space<vmem>>, vector<16xf32>,
    %eq3A_2665 = vector.broadcast %add3A_2559 : i32 to vector<16xi32>
    %eq3A_2666 = arith.cmpi eq, %get3A_52, %eq3A_2665 : vector<16xi32>
    %select_n3A_2667 = arith.select %eq3A_2666, %broadcast_in_dim3A_3, %broadcast_in_dim3A_5 : vector<16xi1>, vector<16xf32>
    %swap3A_2668 = arith.constant 5872 : index
    %swap3A_2669 = tpu.vector_load %arg5[%swap3A_2668] {strides = array<i32>} : memref<8192xf32, #tpu.memory_space<vmem>>, vector<16xf32>,
    %swap3A_2670 = vector.shape_cast %swap3A_2669 : vector<16xf32> to vector<16xf32>
    %swap3A_2671 = vector.shape_cast %select_n3A_2667 : vector<16xf32> to vector<16xf32>
    tpu.vector_store %arg5[%swap3A_2668], %swap3A_2671 {strides = array<i32>} : memref<8192xf32, #tpu.memory_space<vmem>>, vector<16xf32>,
    %add3A_2672 = arith.constant 23 : i32
    %add3A_2673 = arith.addi %mul3A_2, %add3A_2672 : i32
    %eq3A_2674 = vector.broadcast %add3A_2673 : i32 to vector<16xi32>
    %eq3A_2675 = arith.cmpi eq, %get3A_7, %eq3A_2674 : vector<16xi32>
    %select_n3A_2676 = arith.select %eq3A_2675, %broadcast_in_dim3A_3, %broadcast_in_dim3A_5 : vector<16xi1>, vector<16xf32>
    %swap3A_2677 = arith.constant 5888 : index
    %swap3A_2678 = tpu.vector_load %arg5[%swap3A_2677] {strides = array<i32>} : memref<8192xf32, #tpu.memory_space<vmem>>, vector<16xf32>,
    %swap3A_2679 = vector.shape_cast %swap3A_2678 : vector<16xf32> to vector<16xf32>
    %swap3A_2680 = vector.shape_cast %select_n3A_2676 : vector<16xf32> to vector<16xf32>
    tpu.vector_store %arg5[%swap3A_2677], %swap3A_2680 {strides = array<i32>} : memref<8192xf32, #tpu.memory_space<vmem>>, vector<16xf32>,
    %eq3A_2681 = vector.broadcast %add3A_2673 : i32 to vector<16xi32>
    %eq3A_2682 = arith.cmpi eq, %get3A_31, %eq3A_2681 : vector<16xi32>
    %select_n3A_2683 = arith.select %eq3A_2682, %broadcast_in_dim3A_3, %broadcast_in_dim3A_5 : vector<16xi1>, vector<16xf32>
    %swap3A_2684 = arith.constant 6016 : index
    %swap3A_2685 = tpu.vector_load %arg5[%swap3A_2684] {strides = array<i32>} : memref<8192xf32, #tpu.memory_space<vmem>>, vector<16xf32>,
    %swap3A_2686 = vector.shape_cast %swap3A_2685 : vector<16xf32> to vector<16xf32>
    %swap3A_2687 = vector.shape_cast %select_n3A_2683 : vector<16xf32> to vector<16xf32>
    tpu.vector_store %arg5[%swap3A_2684], %swap3A_2687 {strides = array<i32>} : memref<8192xf32, #tpu.memory_space<vmem>>, vector<16xf32>,
    %eq3A_2688 = vector.broadcast %add3A_2673 : i32 to vector<16xi32>
    %eq3A_2689 = arith.cmpi eq, %get3A_10, %eq3A_2688 : vector<16xi32>
    %select_n3A_2690 = arith.select %eq3A_2689, %broadcast_in_dim3A_3, %broadcast_in_dim3A_5 : vector<16xi1>, vector<16xf32>
    %swap3A_2691 = arith.constant 5904 : index
    %swap3A_2692 = tpu.vector_load %arg5[%swap3A_2691] {strides = array<i32>} : memref<8192xf32, #tpu.memory_space<vmem>>, vector<16xf32>,
    %swap3A_2693 = vector.shape_cast %swap3A_2692 : vector<16xf32> to vector<16xf32>
    %swap3A_2694 = vector.shape_cast %select_n3A_2690 : vector<16xf32> to vector<16xf32>
    tpu.vector_store %arg5[%swap3A_2691], %swap3A_2694 {strides = array<i32>} : memref<8192xf32, #tpu.memory_space<vmem>>, vector<16xf32>,
    %eq3A_2695 = vector.broadcast %add3A_2673 : i32 to vector<16xi32>
    %eq3A_2696 = arith.cmpi eq, %get3A_34, %eq3A_2695 : vector<16xi32>
    %select_n3A_2697 = arith.select %eq3A_2696, %broadcast_in_dim3A_3, %broadcast_in_dim3A_5 : vector<16xi1>, vector<16xf32>
    %swap3A_2698 = arith.constant 6032 : index
    %swap3A_2699 = tpu.vector_load %arg5[%swap3A_2698] {strides = array<i32>} : memref<8192xf32, #tpu.memory_space<vmem>>, vector<16xf32>,
    %swap3A_2700 = vector.shape_cast %swap3A_2699 : vector<16xf32> to vector<16xf32>
    %swap3A_2701 = vector.shape_cast %select_n3A_2697 : vector<16xf32> to vector<16xf32>
    tpu.vector_store %arg5[%swap3A_2698], %swap3A_2701 {strides = array<i32>} : memref<8192xf32, #tpu.memory_space<vmem>>, vector<16xf32>,
    %eq3A_2702 = vector.broadcast %add3A_2673 : i32 to vector<16xi32>
    %eq3A_2703 = arith.cmpi eq, %get3A_13, %eq3A_2702 : vector<16xi32>
    %select_n3A_2704 = arith.select %eq3A_2703, %broadcast_in_dim3A_3, %broadcast_in_dim3A_5 : vector<16xi1>, vector<16xf32>
    %swap3A_2705 = arith.constant 5920 : index
    %swap3A_2706 = tpu.vector_load %arg5[%swap3A_2705] {strides = array<i32>} : memref<8192xf32, #tpu.memory_space<vmem>>, vector<16xf32>,
    %swap3A_2707 = vector.shape_cast %swap3A_2706 : vector<16xf32> to vector<16xf32>
    %swap3A_2708 = vector.shape_cast %select_n3A_2704 : vector<16xf32> to vector<16xf32>
    tpu.vector_store %arg5[%swap3A_2705], %swap3A_2708 {strides = array<i32>} : memref<8192xf32, #tpu.memory_space<vmem>>, vector<16xf32>,
    %eq3A_2709 = vector.broadcast %add3A_2673 : i32 to vector<16xi32>
    %eq3A_2710 = arith.cmpi eq, %get3A_37, %eq3A_2709 : vector<16xi32>
    %select_n3A_2711 = arith.select %eq3A_2710, %broadcast_in_dim3A_3, %broadcast_in_dim3A_5 : vector<16xi1>, vector<16xf32>
    %swap3A_2712 = arith.constant 6048 : index
    %swap3A_2713 = tpu.vector_load %arg5[%swap3A_2712] {strides = array<i32>} : memref<8192xf32, #tpu.memory_space<vmem>>, vector<16xf32>,
    %swap3A_2714 = vector.shape_cast %swap3A_2713 : vector<16xf32> to vector<16xf32>
    %swap3A_2715 = vector.shape_cast %select_n3A_2711 : vector<16xf32> to vector<16xf32>
    tpu.vector_store %arg5[%swap3A_2712], %swap3A_2715 {strides = array<i32>} : memref<8192xf32, #tpu.memory_space<vmem>>, vector<16xf32>,
    %eq3A_2716 = vector.broadcast %add3A_2673 : i32 to vector<16xi32>
    %eq3A_2717 = arith.cmpi eq, %get3A_16, %eq3A_2716 : vector<16xi32>
    %select_n3A_2718 = arith.select %eq3A_2717, %broadcast_in_dim3A_3, %broadcast_in_dim3A_5 : vector<16xi1>, vector<16xf32>
    %swap3A_2719 = arith.constant 5936 : index
    %swap3A_2720 = tpu.vector_load %arg5[%swap3A_2719] {strides = array<i32>} : memref<8192xf32, #tpu.memory_space<vmem>>, vector<16xf32>,
    %swap3A_2721 = vector.shape_cast %swap3A_2720 : vector<16xf32> to vector<16xf32>
    %swap3A_2722 = vector.shape_cast %select_n3A_2718 : vector<16xf32> to vector<16xf32>
    tpu.vector_store %arg5[%swap3A_2719], %swap3A_2722 {strides = array<i32>} : memref<8192xf32, #tpu.memory_space<vmem>>, vector<16xf32>,
    %eq3A_2723 = vector.broadcast %add3A_2673 : i32 to vector<16xi32>
    %eq3A_2724 = arith.cmpi eq, %get3A_40, %eq3A_2723 : vector<16xi32>
    %select_n3A_2725 = arith.select %eq3A_2724, %broadcast_in_dim3A_3, %broadcast_in_dim3A_5 : vector<16xi1>, vector<16xf32>
    %swap3A_2726 = arith.constant 6064 : index
    %swap3A_2727 = tpu.vector_load %arg5[%swap3A_2726] {strides = array<i32>} : memref<8192xf32, #tpu.memory_space<vmem>>, vector<16xf32>,
    %swap3A_2728 = vector.shape_cast %swap3A_2727 : vector<16xf32> to vector<16xf32>
    %swap3A_2729 = vector.shape_cast %select_n3A_2725 : vector<16xf32> to vector<16xf32>
    tpu.vector_store %arg5[%swap3A_2726], %swap3A_2729 {strides = array<i32>} : memref<8192xf32, #tpu.memory_space<vmem>>, vector<16xf32>,
    %eq3A_2730 = vector.broadcast %add3A_2673 : i32 to vector<16xi32>
    %eq3A_2731 = arith.cmpi eq, %get3A_19, %eq3A_2730 : vector<16xi32>
    %select_n3A_2732 = arith.select %eq3A_2731, %broadcast_in_dim3A_3, %broadcast_in_dim3A_5 : vector<16xi1>, vector<16xf32>
    %swap3A_2733 = arith.constant 5952 : index
    %swap3A_2734 = tpu.vector_load %arg5[%swap3A_2733] {strides = array<i32>} : memref<8192xf32, #tpu.memory_space<vmem>>, vector<16xf32>,
    %swap3A_2735 = vector.shape_cast %swap3A_2734 : vector<16xf32> to vector<16xf32>
    %swap3A_2736 = vector.shape_cast %select_n3A_2732 : vector<16xf32> to vector<16xf32>
    tpu.vector_store %arg5[%swap3A_2733], %swap3A_2736 {strides = array<i32>} : memref<8192xf32, #tpu.memory_space<vmem>>, vector<16xf32>,
    %eq3A_2737 = vector.broadcast %add3A_2673 : i32 to vector<16xi32>
    %eq3A_2738 = arith.cmpi eq, %get3A_43, %eq3A_2737 : vector<16xi32>
    %select_n3A_2739 = arith.select %eq3A_2738, %broadcast_in_dim3A_3, %broadcast_in_dim3A_5 : vector<16xi1>, vector<16xf32>
    %swap3A_2740 = arith.constant 6080 : index
    %swap3A_2741 = tpu.vector_load %arg5[%swap3A_2740] {strides = array<i32>} : memref<8192xf32, #tpu.memory_space<vmem>>, vector<16xf32>,
    %swap3A_2742 = vector.shape_cast %swap3A_2741 : vector<16xf32> to vector<16xf32>
    %swap3A_2743 = vector.shape_cast %select_n3A_2739 : vector<16xf32> to vector<16xf32>
    tpu.vector_store %arg5[%swap3A_2740], %swap3A_2743 {strides = array<i32>} : memref<8192xf32, #tpu.memory_space<vmem>>, vector<16xf32>,
    %eq3A_2744 = vector.broadcast %add3A_2673 : i32 to vector<16xi32>
    %eq3A_2745 = arith.cmpi eq, %get3A_22, %eq3A_2744 : vector<16xi32>
    %select_n3A_2746 = arith.select %eq3A_2745, %broadcast_in_dim3A_3, %broadcast_in_dim3A_5 : vector<16xi1>, vector<16xf32>
    %swap3A_2747 = arith.constant 5968 : index
    %swap3A_2748 = tpu.vector_load %arg5[%swap3A_2747] {strides = array<i32>} : memref<8192xf32, #tpu.memory_space<vmem>>, vector<16xf32>,
    %swap3A_2749 = vector.shape_cast %swap3A_2748 : vector<16xf32> to vector<16xf32>
    %swap3A_2750 = vector.shape_cast %select_n3A_2746 : vector<16xf32> to vector<16xf32>
    tpu.vector_store %arg5[%swap3A_2747], %swap3A_2750 {strides = array<i32>} : memref<8192xf32, #tpu.memory_space<vmem>>, vector<16xf32>,
    %eq3A_2751 = vector.broadcast %add3A_2673 : i32 to vector<16xi32>
    %eq3A_2752 = arith.cmpi eq, %get3A_46, %eq3A_2751 : vector<16xi32>
    %select_n3A_2753 = arith.select %eq3A_2752, %broadcast_in_dim3A_3, %broadcast_in_dim3A_5 : vector<16xi1>, vector<16xf32>
    %swap3A_2754 = arith.constant 6096 : index
    %swap3A_2755 = tpu.vector_load %arg5[%swap3A_2754] {strides = array<i32>} : memref<8192xf32, #tpu.memory_space<vmem>>, vector<16xf32>,
    %swap3A_2756 = vector.shape_cast %swap3A_2755 : vector<16xf32> to vector<16xf32>
    %swap3A_2757 = vector.shape_cast %select_n3A_2753 : vector<16xf32> to vector<16xf32>
    tpu.vector_store %arg5[%swap3A_2754], %swap3A_2757 {strides = array<i32>} : memref<8192xf32, #tpu.memory_space<vmem>>, vector<16xf32>,
    %eq3A_2758 = vector.broadcast %add3A_2673 : i32 to vector<16xi32>
    %eq3A_2759 = arith.cmpi eq, %get3A_25, %eq3A_2758 : vector<16xi32>
    %select_n3A_2760 = arith.select %eq3A_2759, %broadcast_in_dim3A_3, %broadcast_in_dim3A_5 : vector<16xi1>, vector<16xf32>
    %swap3A_2761 = arith.constant 5984 : index
    %swap3A_2762 = tpu.vector_load %arg5[%swap3A_2761] {strides = array<i32>} : memref<8192xf32, #tpu.memory_space<vmem>>, vector<16xf32>,
    %swap3A_2763 = vector.shape_cast %swap3A_2762 : vector<16xf32> to vector<16xf32>
    %swap3A_2764 = vector.shape_cast %select_n3A_2760 : vector<16xf32> to vector<16xf32>
    tpu.vector_store %arg5[%swap3A_2761], %swap3A_2764 {strides = array<i32>} : memref<8192xf32, #tpu.memory_space<vmem>>, vector<16xf32>,
    %eq3A_2765 = vector.broadcast %add3A_2673 : i32 to vector<16xi32>
    %eq3A_2766 = arith.cmpi eq, %get3A_49, %eq3A_2765 : vector<16xi32>
    %select_n3A_2767 = arith.select %eq3A_2766, %broadcast_in_dim3A_3, %broadcast_in_dim3A_5 : vector<16xi1>, vector<16xf32>
    %swap3A_2768 = arith.constant 6112 : index
    %swap3A_2769 = tpu.vector_load %arg5[%swap3A_2768] {strides = array<i32>} : memref<8192xf32, #tpu.memory_space<vmem>>, vector<16xf32>,
    %swap3A_2770 = vector.shape_cast %swap3A_2769 : vector<16xf32> to vector<16xf32>
    %swap3A_2771 = vector.shape_cast %select_n3A_2767 : vector<16xf32> to vector<16xf32>
    tpu.vector_store %arg5[%swap3A_2768], %swap3A_2771 {strides = array<i32>} : memref<8192xf32, #tpu.memory_space<vmem>>, vector<16xf32>,
    %eq3A_2772 = vector.broadcast %add3A_2673 : i32 to vector<16xi32>
    %eq3A_2773 = arith.cmpi eq, %get3A_28, %eq3A_2772 : vector<16xi32>
    %select_n3A_2774 = arith.select %eq3A_2773, %broadcast_in_dim3A_3, %broadcast_in_dim3A_5 : vector<16xi1>, vector<16xf32>
    %swap3A_2775 = arith.constant 6000 : index
    %swap3A_2776 = tpu.vector_load %arg5[%swap3A_2775] {strides = array<i32>} : memref<8192xf32, #tpu.memory_space<vmem>>, vector<16xf32>,
    %swap3A_2777 = vector.shape_cast %swap3A_2776 : vector<16xf32> to vector<16xf32>
    %swap3A_2778 = vector.shape_cast %select_n3A_2774 : vector<16xf32> to vector<16xf32>
    tpu.vector_store %arg5[%swap3A_2775], %swap3A_2778 {strides = array<i32>} : memref<8192xf32, #tpu.memory_space<vmem>>, vector<16xf32>,
    %eq3A_2779 = vector.broadcast %add3A_2673 : i32 to vector<16xi32>
    %eq3A_2780 = arith.cmpi eq, %get3A_52, %eq3A_2779 : vector<16xi32>
    %select_n3A_2781 = arith.select %eq3A_2780, %broadcast_in_dim3A_3, %broadcast_in_dim3A_5 : vector<16xi1>, vector<16xf32>
    %swap3A_2782 = arith.constant 6128 : index
    %swap3A_2783 = tpu.vector_load %arg5[%swap3A_2782] {strides = array<i32>} : memref<8192xf32, #tpu.memory_space<vmem>>, vector<16xf32>,
    %swap3A_2784 = vector.shape_cast %swap3A_2783 : vector<16xf32> to vector<16xf32>
    %swap3A_2785 = vector.shape_cast %select_n3A_2781 : vector<16xf32> to vector<16xf32>
    tpu.vector_store %arg5[%swap3A_2782], %swap3A_2785 {strides = array<i32>} : memref<8192xf32, #tpu.memory_space<vmem>>, vector<16xf32>,
    %add3A_2786 = arith.constant 24 : i32
    %add3A_2787 = arith.addi %mul3A_2, %add3A_2786 : i32
    %eq3A_2788 = vector.broadcast %add3A_2787 : i32 to vector<16xi32>
    %eq3A_2789 = arith.cmpi eq, %get3A_7, %eq3A_2788 : vector<16xi32>
    %select_n3A_2790 = arith.select %eq3A_2789, %broadcast_in_dim3A_3, %broadcast_in_dim3A_5 : vector<16xi1>, vector<16xf32>
    %swap3A_2791 = arith.constant 6144 : index
    %swap3A_2792 = tpu.vector_load %arg5[%swap3A_2791] {strides = array<i32>} : memref<8192xf32, #tpu.memory_space<vmem>>, vector<16xf32>,
    %swap3A_2793 = vector.shape_cast %swap3A_2792 : vector<16xf32> to vector<16xf32>
    %swap3A_2794 = vector.shape_cast %select_n3A_2790 : vector<16xf32> to vector<16xf32>
    tpu.vector_store %arg5[%swap3A_2791], %swap3A_2794 {strides = array<i32>} : memref<8192xf32, #tpu.memory_space<vmem>>, vector<16xf32>,
    %eq3A_2795 = vector.broadcast %add3A_2787 : i32 to vector<16xi32>
    %eq3A_2796 = arith.cmpi eq, %get3A_31, %eq3A_2795 : vector<16xi32>
    %select_n3A_2797 = arith.select %eq3A_2796, %broadcast_in_dim3A_3, %broadcast_in_dim3A_5 : vector<16xi1>, vector<16xf32>
    %swap3A_2798 = arith.constant 6272 : index
    %swap3A_2799 = tpu.vector_load %arg5[%swap3A_2798] {strides = array<i32>} : memref<8192xf32, #tpu.memory_space<vmem>>, vector<16xf32>,
    %swap3A_2800 = vector.shape_cast %swap3A_2799 : vector<16xf32> to vector<16xf32>
    %swap3A_2801 = vector.shape_cast %select_n3A_2797 : vector<16xf32> to vector<16xf32>
    tpu.vector_store %arg5[%swap3A_2798], %swap3A_2801 {strides = array<i32>} : memref<8192xf32, #tpu.memory_space<vmem>>, vector<16xf32>,
    %eq3A_2802 = vector.broadcast %add3A_2787 : i32 to vector<16xi32>
    %eq3A_2803 = arith.cmpi eq, %get3A_10, %eq3A_2802 : vector<16xi32>
    %select_n3A_2804 = arith.select %eq3A_2803, %broadcast_in_dim3A_3, %broadcast_in_dim3A_5 : vector<16xi1>, vector<16xf32>
    %swap3A_2805 = arith.constant 6160 : index
    %swap3A_2806 = tpu.vector_load %arg5[%swap3A_2805] {strides = array<i32>} : memref<8192xf32, #tpu.memory_space<vmem>>, vector<16xf32>,
    %swap3A_2807 = vector.shape_cast %swap3A_2806 : vector<16xf32> to vector<16xf32>
    %swap3A_2808 = vector.shape_cast %select_n3A_2804 : vector<16xf32> to vector<16xf32>
    tpu.vector_store %arg5[%swap3A_2805], %swap3A_2808 {strides = array<i32>} : memref<8192xf32, #tpu.memory_space<vmem>>, vector<16xf32>,
    %eq3A_2809 = vector.broadcast %add3A_2787 : i32 to vector<16xi32>
    %eq3A_2810 = arith.cmpi eq, %get3A_34, %eq3A_2809 : vector<16xi32>
    %select_n3A_2811 = arith.select %eq3A_2810, %broadcast_in_dim3A_3, %broadcast_in_dim3A_5 : vector<16xi1>, vector<16xf32>
    %swap3A_2812 = arith.constant 6288 : index
    %swap3A_2813 = tpu.vector_load %arg5[%swap3A_2812] {strides = array<i32>} : memref<8192xf32, #tpu.memory_space<vmem>>, vector<16xf32>,
    %swap3A_2814 = vector.shape_cast %swap3A_2813 : vector<16xf32> to vector<16xf32>
    %swap3A_2815 = vector.shape_cast %select_n3A_2811 : vector<16xf32> to vector<16xf32>
    tpu.vector_store %arg5[%swap3A_2812], %swap3A_2815 {strides = array<i32>} : memref<8192xf32, #tpu.memory_space<vmem>>, vector<16xf32>,
    %eq3A_2816 = vector.broadcast %add3A_2787 : i32 to vector<16xi32>
    %eq3A_2817 = arith.cmpi eq, %get3A_13, %eq3A_2816 : vector<16xi32>
    %select_n3A_2818 = arith.select %eq3A_2817, %broadcast_in_dim3A_3, %broadcast_in_dim3A_5 : vector<16xi1>, vector<16xf32>
    %swap3A_2819 = arith.constant 6176 : index
    %swap3A_2820 = tpu.vector_load %arg5[%swap3A_2819] {strides = array<i32>} : memref<8192xf32, #tpu.memory_space<vmem>>, vector<16xf32>,
    %swap3A_2821 = vector.shape_cast %swap3A_2820 : vector<16xf32> to vector<16xf32>
    %swap3A_2822 = vector.shape_cast %select_n3A_2818 : vector<16xf32> to vector<16xf32>
    tpu.vector_store %arg5[%swap3A_2819], %swap3A_2822 {strides = array<i32>} : memref<8192xf32, #tpu.memory_space<vmem>>, vector<16xf32>,
    %eq3A_2823 = vector.broadcast %add3A_2787 : i32 to vector<16xi32>
    %eq3A_2824 = arith.cmpi eq, %get3A_37, %eq3A_2823 : vector<16xi32>
    %select_n3A_2825 = arith.select %eq3A_2824, %broadcast_in_dim3A_3, %broadcast_in_dim3A_5 : vector<16xi1>, vector<16xf32>
    %swap3A_2826 = arith.constant 6304 : index
    %swap3A_2827 = tpu.vector_load %arg5[%swap3A_2826] {strides = array<i32>} : memref<8192xf32, #tpu.memory_space<vmem>>, vector<16xf32>,
    %swap3A_2828 = vector.shape_cast %swap3A_2827 : vector<16xf32> to vector<16xf32>
    %swap3A_2829 = vector.shape_cast %select_n3A_2825 : vector<16xf32> to vector<16xf32>
    tpu.vector_store %arg5[%swap3A_2826], %swap3A_2829 {strides = array<i32>} : memref<8192xf32, #tpu.memory_space<vmem>>, vector<16xf32>,
    %eq3A_2830 = vector.broadcast %add3A_2787 : i32 to vector<16xi32>
    %eq3A_2831 = arith.cmpi eq, %get3A_16, %eq3A_2830 : vector<16xi32>
    %select_n3A_2832 = arith.select %eq3A_2831, %broadcast_in_dim3A_3, %broadcast_in_dim3A_5 : vector<16xi1>, vector<16xf32>
    %swap3A_2833 = arith.constant 6192 : index
    %swap3A_2834 = tpu.vector_load %arg5[%swap3A_2833] {strides = array<i32>} : memref<8192xf32, #tpu.memory_space<vmem>>, vector<16xf32>,
    %swap3A_2835 = vector.shape_cast %swap3A_2834 : vector<16xf32> to vector<16xf32>
    %swap3A_2836 = vector.shape_cast %select_n3A_2832 : vector<16xf32> to vector<16xf32>
    tpu.vector_store %arg5[%swap3A_2833], %swap3A_2836 {strides = array<i32>} : memref<8192xf32, #tpu.memory_space<vmem>>, vector<16xf32>,
    %eq3A_2837 = vector.broadcast %add3A_2787 : i32 to vector<16xi32>
    %eq3A_2838 = arith.cmpi eq, %get3A_40, %eq3A_2837 : vector<16xi32>
    %select_n3A_2839 = arith.select %eq3A_2838, %broadcast_in_dim3A_3, %broadcast_in_dim3A_5 : vector<16xi1>, vector<16xf32>
    %swap3A_2840 = arith.constant 6320 : index
    %swap3A_2841 = tpu.vector_load %arg5[%swap3A_2840] {strides = array<i32>} : memref<8192xf32, #tpu.memory_space<vmem>>, vector<16xf32>,
    %swap3A_2842 = vector.shape_cast %swap3A_2841 : vector<16xf32> to vector<16xf32>
    %swap3A_2843 = vector.shape_cast %select_n3A_2839 : vector<16xf32> to vector<16xf32>
    tpu.vector_store %arg5[%swap3A_2840], %swap3A_2843 {strides = array<i32>} : memref<8192xf32, #tpu.memory_space<vmem>>, vector<16xf32>,
    %eq3A_2844 = vector.broadcast %add3A_2787 : i32 to vector<16xi32>
    %eq3A_2845 = arith.cmpi eq, %get3A_19, %eq3A_2844 : vector<16xi32>
    %select_n3A_2846 = arith.select %eq3A_2845, %broadcast_in_dim3A_3, %broadcast_in_dim3A_5 : vector<16xi1>, vector<16xf32>
    %swap3A_2847 = arith.constant 6208 : index
    %swap3A_2848 = tpu.vector_load %arg5[%swap3A_2847] {strides = array<i32>} : memref<8192xf32, #tpu.memory_space<vmem>>, vector<16xf32>,
    %swap3A_2849 = vector.shape_cast %swap3A_2848 : vector<16xf32> to vector<16xf32>
    %swap3A_2850 = vector.shape_cast %select_n3A_2846 : vector<16xf32> to vector<16xf32>
    tpu.vector_store %arg5[%swap3A_2847], %swap3A_2850 {strides = array<i32>} : memref<8192xf32, #tpu.memory_space<vmem>>, vector<16xf32>,
    %eq3A_2851 = vector.broadcast %add3A_2787 : i32 to vector<16xi32>
    %eq3A_2852 = arith.cmpi eq, %get3A_43, %eq3A_2851 : vector<16xi32>
    %select_n3A_2853 = arith.select %eq3A_2852, %broadcast_in_dim3A_3, %broadcast_in_dim3A_5 : vector<16xi1>, vector<16xf32>
    %swap3A_2854 = arith.constant 6336 : index
    %swap3A_2855 = tpu.vector_load %arg5[%swap3A_2854] {strides = array<i32>} : memref<8192xf32, #tpu.memory_space<vmem>>, vector<16xf32>,
    %swap3A_2856 = vector.shape_cast %swap3A_2855 : vector<16xf32> to vector<16xf32>
    %swap3A_2857 = vector.shape_cast %select_n3A_2853 : vector<16xf32> to vector<16xf32>
    tpu.vector_store %arg5[%swap3A_2854], %swap3A_2857 {strides = array<i32>} : memref<8192xf32, #tpu.memory_space<vmem>>, vector<16xf32>,
    %eq3A_2858 = vector.broadcast %add3A_2787 : i32 to vector<16xi32>
    %eq3A_2859 = arith.cmpi eq, %get3A_22, %eq3A_2858 : vector<16xi32>
    %select_n3A_2860 = arith.select %eq3A_2859, %broadcast_in_dim3A_3, %broadcast_in_dim3A_5 : vector<16xi1>, vector<16xf32>
    %swap3A_2861 = arith.constant 6224 : index
    %swap3A_2862 = tpu.vector_load %arg5[%swap3A_2861] {strides = array<i32>} : memref<8192xf32, #tpu.memory_space<vmem>>, vector<16xf32>,
    %swap3A_2863 = vector.shape_cast %swap3A_2862 : vector<16xf32> to vector<16xf32>
    %swap3A_2864 = vector.shape_cast %select_n3A_2860 : vector<16xf32> to vector<16xf32>
    tpu.vector_store %arg5[%swap3A_2861], %swap3A_2864 {strides = array<i32>} : memref<8192xf32, #tpu.memory_space<vmem>>, vector<16xf32>,
    %eq3A_2865 = vector.broadcast %add3A_2787 : i32 to vector<16xi32>
    %eq3A_2866 = arith.cmpi eq, %get3A_46, %eq3A_2865 : vector<16xi32>
    %select_n3A_2867 = arith.select %eq3A_2866, %broadcast_in_dim3A_3, %broadcast_in_dim3A_5 : vector<16xi1>, vector<16xf32>
    %swap3A_2868 = arith.constant 6352 : index
    %swap3A_2869 = tpu.vector_load %arg5[%swap3A_2868] {strides = array<i32>} : memref<8192xf32, #tpu.memory_space<vmem>>, vector<16xf32>,
    %swap3A_2870 = vector.shape_cast %swap3A_2869 : vector<16xf32> to vector<16xf32>
    %swap3A_2871 = vector.shape_cast %select_n3A_2867 : vector<16xf32> to vector<16xf32>
    tpu.vector_store %arg5[%swap3A_2868], %swap3A_2871 {strides = array<i32>} : memref<8192xf32, #tpu.memory_space<vmem>>, vector<16xf32>,
    %eq3A_2872 = vector.broadcast %add3A_2787 : i32 to vector<16xi32>
    %eq3A_2873 = arith.cmpi eq, %get3A_25, %eq3A_2872 : vector<16xi32>
    %select_n3A_2874 = arith.select %eq3A_2873, %broadcast_in_dim3A_3, %broadcast_in_dim3A_5 : vector<16xi1>, vector<16xf32>
    %swap3A_2875 = arith.constant 6240 : index
    %swap3A_2876 = tpu.vector_load %arg5[%swap3A_2875] {strides = array<i32>} : memref<8192xf32, #tpu.memory_space<vmem>>, vector<16xf32>,
    %swap3A_2877 = vector.shape_cast %swap3A_2876 : vector<16xf32> to vector<16xf32>
    %swap3A_2878 = vector.shape_cast %select_n3A_2874 : vector<16xf32> to vector<16xf32>
    tpu.vector_store %arg5[%swap3A_2875], %swap3A_2878 {strides = array<i32>} : memref<8192xf32, #tpu.memory_space<vmem>>, vector<16xf32>,
    %eq3A_2879 = vector.broadcast %add3A_2787 : i32 to vector<16xi32>
    %eq3A_2880 = arith.cmpi eq, %get3A_49, %eq3A_2879 : vector<16xi32>
    %select_n3A_2881 = arith.select %eq3A_2880, %broadcast_in_dim3A_3, %broadcast_in_dim3A_5 : vector<16xi1>, vector<16xf32>
    %swap3A_2882 = arith.constant 6368 : index
    %swap3A_2883 = tpu.vector_load %arg5[%swap3A_2882] {strides = array<i32>} : memref<8192xf32, #tpu.memory_space<vmem>>, vector<16xf32>,
    %swap3A_2884 = vector.shape_cast %swap3A_2883 : vector<16xf32> to vector<16xf32>
    %swap3A_2885 = vector.shape_cast %select_n3A_2881 : vector<16xf32> to vector<16xf32>
    tpu.vector_store %arg5[%swap3A_2882], %swap3A_2885 {strides = array<i32>} : memref<8192xf32, #tpu.memory_space<vmem>>, vector<16xf32>,
    %eq3A_2886 = vector.broadcast %add3A_2787 : i32 to vector<16xi32>
    %eq3A_2887 = arith.cmpi eq, %get3A_28, %eq3A_2886 : vector<16xi32>
    %select_n3A_2888 = arith.select %eq3A_2887, %broadcast_in_dim3A_3, %broadcast_in_dim3A_5 : vector<16xi1>, vector<16xf32>
    %swap3A_2889 = arith.constant 6256 : index
    %swap3A_2890 = tpu.vector_load %arg5[%swap3A_2889] {strides = array<i32>} : memref<8192xf32, #tpu.memory_space<vmem>>, vector<16xf32>,
    %swap3A_2891 = vector.shape_cast %swap3A_2890 : vector<16xf32> to vector<16xf32>
    %swap3A_2892 = vector.shape_cast %select_n3A_2888 : vector<16xf32> to vector<16xf32>
    tpu.vector_store %arg5[%swap3A_2889], %swap3A_2892 {strides = array<i32>} : memref<8192xf32, #tpu.memory_space<vmem>>, vector<16xf32>,
    %eq3A_2893 = vector.broadcast %add3A_2787 : i32 to vector<16xi32>
    %eq3A_2894 = arith.cmpi eq, %get3A_52, %eq3A_2893 : vector<16xi32>
    %select_n3A_2895 = arith.select %eq3A_2894, %broadcast_in_dim3A_3, %broadcast_in_dim3A_5 : vector<16xi1>, vector<16xf32>
    %swap3A_2896 = arith.constant 6384 : index
    %swap3A_2897 = tpu.vector_load %arg5[%swap3A_2896] {strides = array<i32>} : memref<8192xf32, #tpu.memory_space<vmem>>, vector<16xf32>,
    %swap3A_2898 = vector.shape_cast %swap3A_2897 : vector<16xf32> to vector<16xf32>
    %swap3A_2899 = vector.shape_cast %select_n3A_2895 : vector<16xf32> to vector<16xf32>
    tpu.vector_store %arg5[%swap3A_2896], %swap3A_2899 {strides = array<i32>} : memref<8192xf32, #tpu.memory_space<vmem>>, vector<16xf32>,
    %add3A_2900 = arith.constant 25 : i32
    %add3A_2901 = arith.addi %mul3A_2, %add3A_2900 : i32
    %eq3A_2902 = vector.broadcast %add3A_2901 : i32 to vector<16xi32>
    %eq3A_2903 = arith.cmpi eq, %get3A_7, %eq3A_2902 : vector<16xi32>
    %select_n3A_2904 = arith.select %eq3A_2903, %broadcast_in_dim3A_3, %broadcast_in_dim3A_5 : vector<16xi1>, vector<16xf32>
    %swap3A_2905 = arith.constant 6400 : index
    %swap3A_2906 = tpu.vector_load %arg5[%swap3A_2905] {strides = array<i32>} : memref<8192xf32, #tpu.memory_space<vmem>>, vector<16xf32>,
    %swap3A_2907 = vector.shape_cast %swap3A_2906 : vector<16xf32> to vector<16xf32>
    %swap3A_2908 = vector.shape_cast %select_n3A_2904 : vector<16xf32> to vector<16xf32>
    tpu.vector_store %arg5[%swap3A_2905], %swap3A_2908 {strides = array<i32>} : memref<8192xf32, #tpu.memory_space<vmem>>, vector<16xf32>,
    %eq3A_2909 = vector.broadcast %add3A_2901 : i32 to vector<16xi32>
    %eq3A_2910 = arith.cmpi eq, %get3A_31, %eq3A_2909 : vector<16xi32>
    %select_n3A_2911 = arith.select %eq3A_2910, %broadcast_in_dim3A_3, %broadcast_in_dim3A_5 : vector<16xi1>, vector<16xf32>
    %swap3A_2912 = arith.constant 6528 : index
    %swap3A_2913 = tpu.vector_load %arg5[%swap3A_2912] {strides = array<i32>} : memref<8192xf32, #tpu.memory_space<vmem>>, vector<16xf32>,
    %swap3A_2914 = vector.shape_cast %swap3A_2913 : vector<16xf32> to vector<16xf32>
    %swap3A_2915 = vector.shape_cast %select_n3A_2911 : vector<16xf32> to vector<16xf32>
    tpu.vector_store %arg5[%swap3A_2912], %swap3A_2915 {strides = array<i32>} : memref<8192xf32, #tpu.memory_space<vmem>>, vector<16xf32>,
    %eq3A_2916 = vector.broadcast %add3A_2901 : i32 to vector<16xi32>
    %eq3A_2917 = arith.cmpi eq, %get3A_10, %eq3A_2916 : vector<16xi32>
    %select_n3A_2918 = arith.select %eq3A_2917, %broadcast_in_dim3A_3, %broadcast_in_dim3A_5 : vector<16xi1>, vector<16xf32>
    %swap3A_2919 = arith.constant 6416 : index
    %swap3A_2920 = tpu.vector_load %arg5[%swap3A_2919] {strides = array<i32>} : memref<8192xf32, #tpu.memory_space<vmem>>, vector<16xf32>,
    %swap3A_2921 = vector.shape_cast %swap3A_2920 : vector<16xf32> to vector<16xf32>
    %swap3A_2922 = vector.shape_cast %select_n3A_2918 : vector<16xf32> to vector<16xf32>
    tpu.vector_store %arg5[%swap3A_2919], %swap3A_2922 {strides = array<i32>} : memref<8192xf32, #tpu.memory_space<vmem>>, vector<16xf32>,
    %eq3A_2923 = vector.broadcast %add3A_2901 : i32 to vector<16xi32>
    %eq3A_2924 = arith.cmpi eq, %get3A_34, %eq3A_2923 : vector<16xi32>
    %select_n3A_2925 = arith.select %eq3A_2924, %broadcast_in_dim3A_3, %broadcast_in_dim3A_5 : vector<16xi1>, vector<16xf32>
    %swap3A_2926 = arith.constant 6544 : index
    %swap3A_2927 = tpu.vector_load %arg5[%swap3A_2926] {strides = array<i32>} : memref<8192xf32, #tpu.memory_space<vmem>>, vector<16xf32>,
    %swap3A_2928 = vector.shape_cast %swap3A_2927 : vector<16xf32> to vector<16xf32>
    %swap3A_2929 = vector.shape_cast %select_n3A_2925 : vector<16xf32> to vector<16xf32>
    tpu.vector_store %arg5[%swap3A_2926], %swap3A_2929 {strides = array<i32>} : memref<8192xf32, #tpu.memory_space<vmem>>, vector<16xf32>,
    %eq3A_2930 = vector.broadcast %add3A_2901 : i32 to vector<16xi32>
    %eq3A_2931 = arith.cmpi eq, %get3A_13, %eq3A_2930 : vector<16xi32>
    %select_n3A_2932 = arith.select %eq3A_2931, %broadcast_in_dim3A_3, %broadcast_in_dim3A_5 : vector<16xi1>, vector<16xf32>
    %swap3A_2933 = arith.constant 6432 : index
    %swap3A_2934 = tpu.vector_load %arg5[%swap3A_2933] {strides = array<i32>} : memref<8192xf32, #tpu.memory_space<vmem>>, vector<16xf32>,
    %swap3A_2935 = vector.shape_cast %swap3A_2934 : vector<16xf32> to vector<16xf32>
    %swap3A_2936 = vector.shape_cast %select_n3A_2932 : vector<16xf32> to vector<16xf32>
    tpu.vector_store %arg5[%swap3A_2933], %swap3A_2936 {strides = array<i32>} : memref<8192xf32, #tpu.memory_space<vmem>>, vector<16xf32>,
    %eq3A_2937 = vector.broadcast %add3A_2901 : i32 to vector<16xi32>
    %eq3A_2938 = arith.cmpi eq, %get3A_37, %eq3A_2937 : vector<16xi32>
    %select_n3A_2939 = arith.select %eq3A_2938, %broadcast_in_dim3A_3, %broadcast_in_dim3A_5 : vector<16xi1>, vector<16xf32>
    %swap3A_2940 = arith.constant 6560 : index
    %swap3A_2941 = tpu.vector_load %arg5[%swap3A_2940] {strides = array<i32>} : memref<8192xf32, #tpu.memory_space<vmem>>, vector<16xf32>,
    %swap3A_2942 = vector.shape_cast %swap3A_2941 : vector<16xf32> to vector<16xf32>
    %swap3A_2943 = vector.shape_cast %select_n3A_2939 : vector<16xf32> to vector<16xf32>
    tpu.vector_store %arg5[%swap3A_2940], %swap3A_2943 {strides = array<i32>} : memref<8192xf32, #tpu.memory_space<vmem>>, vector<16xf32>,
    %eq3A_2944 = vector.broadcast %add3A_2901 : i32 to vector<16xi32>
    %eq3A_2945 = arith.cmpi eq, %get3A_16, %eq3A_2944 : vector<16xi32>
    %select_n3A_2946 = arith.select %eq3A_2945, %broadcast_in_dim3A_3, %broadcast_in_dim3A_5 : vector<16xi1>, vector<16xf32>
    %swap3A_2947 = arith.constant 6448 : index
    %swap3A_2948 = tpu.vector_load %arg5[%swap3A_2947] {strides = array<i32>} : memref<8192xf32, #tpu.memory_space<vmem>>, vector<16xf32>,
    %swap3A_2949 = vector.shape_cast %swap3A_2948 : vector<16xf32> to vector<16xf32>
    %swap3A_2950 = vector.shape_cast %select_n3A_2946 : vector<16xf32> to vector<16xf32>
    tpu.vector_store %arg5[%swap3A_2947], %swap3A_2950 {strides = array<i32>} : memref<8192xf32, #tpu.memory_space<vmem>>, vector<16xf32>,
    %eq3A_2951 = vector.broadcast %add3A_2901 : i32 to vector<16xi32>
    %eq3A_2952 = arith.cmpi eq, %get3A_40, %eq3A_2951 : vector<16xi32>
    %select_n3A_2953 = arith.select %eq3A_2952, %broadcast_in_dim3A_3, %broadcast_in_dim3A_5 : vector<16xi1>, vector<16xf32>
    %swap3A_2954 = arith.constant 6576 : index
    %swap3A_2955 = tpu.vector_load %arg5[%swap3A_2954] {strides = array<i32>} : memref<8192xf32, #tpu.memory_space<vmem>>, vector<16xf32>,
    %swap3A_2956 = vector.shape_cast %swap3A_2955 : vector<16xf32> to vector<16xf32>
    %swap3A_2957 = vector.shape_cast %select_n3A_2953 : vector<16xf32> to vector<16xf32>
    tpu.vector_store %arg5[%swap3A_2954], %swap3A_2957 {strides = array<i32>} : memref<8192xf32, #tpu.memory_space<vmem>>, vector<16xf32>,
    %eq3A_2958 = vector.broadcast %add3A_2901 : i32 to vector<16xi32>
    %eq3A_2959 = arith.cmpi eq, %get3A_19, %eq3A_2958 : vector<16xi32>
    %select_n3A_2960 = arith.select %eq3A_2959, %broadcast_in_dim3A_3, %broadcast_in_dim3A_5 : vector<16xi1>, vector<16xf32>
    %swap3A_2961 = arith.constant 6464 : index
    %swap3A_2962 = tpu.vector_load %arg5[%swap3A_2961] {strides = array<i32>} : memref<8192xf32, #tpu.memory_space<vmem>>, vector<16xf32>,
    %swap3A_2963 = vector.shape_cast %swap3A_2962 : vector<16xf32> to vector<16xf32>
    %swap3A_2964 = vector.shape_cast %select_n3A_2960 : vector<16xf32> to vector<16xf32>
    tpu.vector_store %arg5[%swap3A_2961], %swap3A_2964 {strides = array<i32>} : memref<8192xf32, #tpu.memory_space<vmem>>, vector<16xf32>,
    %eq3A_2965 = vector.broadcast %add3A_2901 : i32 to vector<16xi32>
    %eq3A_2966 = arith.cmpi eq, %get3A_43, %eq3A_2965 : vector<16xi32>
    %select_n3A_2967 = arith.select %eq3A_2966, %broadcast_in_dim3A_3, %broadcast_in_dim3A_5 : vector<16xi1>, vector<16xf32>
    %swap3A_2968 = arith.constant 6592 : index
    %swap3A_2969 = tpu.vector_load %arg5[%swap3A_2968] {strides = array<i32>} : memref<8192xf32, #tpu.memory_space<vmem>>, vector<16xf32>,
    %swap3A_2970 = vector.shape_cast %swap3A_2969 : vector<16xf32> to vector<16xf32>
    %swap3A_2971 = vector.shape_cast %select_n3A_2967 : vector<16xf32> to vector<16xf32>
    tpu.vector_store %arg5[%swap3A_2968], %swap3A_2971 {strides = array<i32>} : memref<8192xf32, #tpu.memory_space<vmem>>, vector<16xf32>,
    %eq3A_2972 = vector.broadcast %add3A_2901 : i32 to vector<16xi32>
    %eq3A_2973 = arith.cmpi eq, %get3A_22, %eq3A_2972 : vector<16xi32>
    %select_n3A_2974 = arith.select %eq3A_2973, %broadcast_in_dim3A_3, %broadcast_in_dim3A_5 : vector<16xi1>, vector<16xf32>
    %swap3A_2975 = arith.constant 6480 : index
    %swap3A_2976 = tpu.vector_load %arg5[%swap3A_2975] {strides = array<i32>} : memref<8192xf32, #tpu.memory_space<vmem>>, vector<16xf32>,
    %swap3A_2977 = vector.shape_cast %swap3A_2976 : vector<16xf32> to vector<16xf32>
    %swap3A_2978 = vector.shape_cast %select_n3A_2974 : vector<16xf32> to vector<16xf32>
    tpu.vector_store %arg5[%swap3A_2975], %swap3A_2978 {strides = array<i32>} : memref<8192xf32, #tpu.memory_space<vmem>>, vector<16xf32>,
    %eq3A_2979 = vector.broadcast %add3A_2901 : i32 to vector<16xi32>
    %eq3A_2980 = arith.cmpi eq, %get3A_46, %eq3A_2979 : vector<16xi32>
    %select_n3A_2981 = arith.select %eq3A_2980, %broadcast_in_dim3A_3, %broadcast_in_dim3A_5 : vector<16xi1>, vector<16xf32>
    %swap3A_2982 = arith.constant 6608 : index
    %swap3A_2983 = tpu.vector_load %arg5[%swap3A_2982] {strides = array<i32>} : memref<8192xf32, #tpu.memory_space<vmem>>, vector<16xf32>,
    %swap3A_2984 = vector.shape_cast %swap3A_2983 : vector<16xf32> to vector<16xf32>
    %swap3A_2985 = vector.shape_cast %select_n3A_2981 : vector<16xf32> to vector<16xf32>
    tpu.vector_store %arg5[%swap3A_2982], %swap3A_2985 {strides = array<i32>} : memref<8192xf32, #tpu.memory_space<vmem>>, vector<16xf32>,
    %eq3A_2986 = vector.broadcast %add3A_2901 : i32 to vector<16xi32>
    %eq3A_2987 = arith.cmpi eq, %get3A_25, %eq3A_2986 : vector<16xi32>
    %select_n3A_2988 = arith.select %eq3A_2987, %broadcast_in_dim3A_3, %broadcast_in_dim3A_5 : vector<16xi1>, vector<16xf32>
    %swap3A_2989 = arith.constant 6496 : index
    %swap3A_2990 = tpu.vector_load %arg5[%swap3A_2989] {strides = array<i32>} : memref<8192xf32, #tpu.memory_space<vmem>>, vector<16xf32>,
    %swap3A_2991 = vector.shape_cast %swap3A_2990 : vector<16xf32> to vector<16xf32>
    %swap3A_2992 = vector.shape_cast %select_n3A_2988 : vector<16xf32> to vector<16xf32>
    tpu.vector_store %arg5[%swap3A_2989], %swap3A_2992 {strides = array<i32>} : memref<8192xf32, #tpu.memory_space<vmem>>, vector<16xf32>,
    %eq3A_2993 = vector.broadcast %add3A_2901 : i32 to vector<16xi32>
    %eq3A_2994 = arith.cmpi eq, %get3A_49, %eq3A_2993 : vector<16xi32>
    %select_n3A_2995 = arith.select %eq3A_2994, %broadcast_in_dim3A_3, %broadcast_in_dim3A_5 : vector<16xi1>, vector<16xf32>
    %swap3A_2996 = arith.constant 6624 : index
    %swap3A_2997 = tpu.vector_load %arg5[%swap3A_2996] {strides = array<i32>} : memref<8192xf32, #tpu.memory_space<vmem>>, vector<16xf32>,
    %swap3A_2998 = vector.shape_cast %swap3A_2997 : vector<16xf32> to vector<16xf32>
    %swap3A_2999 = vector.shape_cast %select_n3A_2995 : vector<16xf32> to vector<16xf32>
    tpu.vector_store %arg5[%swap3A_2996], %swap3A_2999 {strides = array<i32>} : memref<8192xf32, #tpu.memory_space<vmem>>, vector<16xf32>,
    %eq3A_3000 = vector.broadcast %add3A_2901 : i32 to vector<16xi32>
    %eq3A_3001 = arith.cmpi eq, %get3A_28, %eq3A_3000 : vector<16xi32>
    %select_n3A_3002 = arith.select %eq3A_3001, %broadcast_in_dim3A_3, %broadcast_in_dim3A_5 : vector<16xi1>, vector<16xf32>
    %swap3A_3003 = arith.constant 6512 : index
    %swap3A_3004 = tpu.vector_load %arg5[%swap3A_3003] {strides = array<i32>} : memref<8192xf32, #tpu.memory_space<vmem>>, vector<16xf32>,
    %swap3A_3005 = vector.shape_cast %swap3A_3004 : vector<16xf32> to vector<16xf32>
    %swap3A_3006 = vector.shape_cast %select_n3A_3002 : vector<16xf32> to vector<16xf32>
    tpu.vector_store %arg5[%swap3A_3003], %swap3A_3006 {strides = array<i32>} : memref<8192xf32, #tpu.memory_space<vmem>>, vector<16xf32>,
    %eq3A_3007 = vector.broadcast %add3A_2901 : i32 to vector<16xi32>
    %eq3A_3008 = arith.cmpi eq, %get3A_52, %eq3A_3007 : vector<16xi32>
    %select_n3A_3009 = arith.select %eq3A_3008, %broadcast_in_dim3A_3, %broadcast_in_dim3A_5 : vector<16xi1>, vector<16xf32>
    %swap3A_3010 = arith.constant 6640 : index
    %swap3A_3011 = tpu.vector_load %arg5[%swap3A_3010] {strides = array<i32>} : memref<8192xf32, #tpu.memory_space<vmem>>, vector<16xf32>,
    %swap3A_3012 = vector.shape_cast %swap3A_3011 : vector<16xf32> to vector<16xf32>
    %swap3A_3013 = vector.shape_cast %select_n3A_3009 : vector<16xf32> to vector<16xf32>
    tpu.vector_store %arg5[%swap3A_3010], %swap3A_3013 {strides = array<i32>} : memref<8192xf32, #tpu.memory_space<vmem>>, vector<16xf32>,
    %add3A_3014 = arith.constant 26 : i32
    %add3A_3015 = arith.addi %mul3A_2, %add3A_3014 : i32
    %eq3A_3016 = vector.broadcast %add3A_3015 : i32 to vector<16xi32>
    %eq3A_3017 = arith.cmpi eq, %get3A_7, %eq3A_3016 : vector<16xi32>
    %select_n3A_3018 = arith.select %eq3A_3017, %broadcast_in_dim3A_3, %broadcast_in_dim3A_5 : vector<16xi1>, vector<16xf32>
    %swap3A_3019 = arith.constant 6656 : index
    %swap3A_3020 = tpu.vector_load %arg5[%swap3A_3019] {strides = array<i32>} : memref<8192xf32, #tpu.memory_space<vmem>>, vector<16xf32>,
    %swap3A_3021 = vector.shape_cast %swap3A_3020 : vector<16xf32> to vector<16xf32>
    %swap3A_3022 = vector.shape_cast %select_n3A_3018 : vector<16xf32> to vector<16xf32>
    tpu.vector_store %arg5[%swap3A_3019], %swap3A_3022 {strides = array<i32>} : memref<8192xf32, #tpu.memory_space<vmem>>, vector<16xf32>,
    %eq3A_3023 = vector.broadcast %add3A_3015 : i32 to vector<16xi32>
    %eq3A_3024 = arith.cmpi eq, %get3A_31, %eq3A_3023 : vector<16xi32>
    %select_n3A_3025 = arith.select %eq3A_3024, %broadcast_in_dim3A_3, %broadcast_in_dim3A_5 : vector<16xi1>, vector<16xf32>
    %swap3A_3026 = arith.constant 6784 : index
    %swap3A_3027 = tpu.vector_load %arg5[%swap3A_3026] {strides = array<i32>} : memref<8192xf32, #tpu.memory_space<vmem>>, vector<16xf32>,
    %swap3A_3028 = vector.shape_cast %swap3A_3027 : vector<16xf32> to vector<16xf32>
    %swap3A_3029 = vector.shape_cast %select_n3A_3025 : vector<16xf32> to vector<16xf32>
    tpu.vector_store %arg5[%swap3A_3026], %swap3A_3029 {strides = array<i32>} : memref<8192xf32, #tpu.memory_space<vmem>>, vector<16xf32>,
    %eq3A_3030 = vector.broadcast %add3A_3015 : i32 to vector<16xi32>
    %eq3A_3031 = arith.cmpi eq, %get3A_10, %eq3A_3030 : vector<16xi32>
    %select_n3A_3032 = arith.select %eq3A_3031, %broadcast_in_dim3A_3, %broadcast_in_dim3A_5 : vector<16xi1>, vector<16xf32>
    %swap3A_3033 = arith.constant 6672 : index
    %swap3A_3034 = tpu.vector_load %arg5[%swap3A_3033] {strides = array<i32>} : memref<8192xf32, #tpu.memory_space<vmem>>, vector<16xf32>,
    %swap3A_3035 = vector.shape_cast %swap3A_3034 : vector<16xf32> to vector<16xf32>
    %swap3A_3036 = vector.shape_cast %select_n3A_3032 : vector<16xf32> to vector<16xf32>
    tpu.vector_store %arg5[%swap3A_3033], %swap3A_3036 {strides = array<i32>} : memref<8192xf32, #tpu.memory_space<vmem>>, vector<16xf32>,
    %eq3A_3037 = vector.broadcast %add3A_3015 : i32 to vector<16xi32>
    %eq3A_3038 = arith.cmpi eq, %get3A_34, %eq3A_3037 : vector<16xi32>
    %select_n3A_3039 = arith.select %eq3A_3038, %broadcast_in_dim3A_3, %broadcast_in_dim3A_5 : vector<16xi1>, vector<16xf32>
    %swap3A_3040 = arith.constant 6800 : index
    %swap3A_3041 = tpu.vector_load %arg5[%swap3A_3040] {strides = array<i32>} : memref<8192xf32, #tpu.memory_space<vmem>>, vector<16xf32>,
    %swap3A_3042 = vector.shape_cast %swap3A_3041 : vector<16xf32> to vector<16xf32>
    %swap3A_3043 = vector.shape_cast %select_n3A_3039 : vector<16xf32> to vector<16xf32>
    tpu.vector_store %arg5[%swap3A_3040], %swap3A_3043 {strides = array<i32>} : memref<8192xf32, #tpu.memory_space<vmem>>, vector<16xf32>,
    %eq3A_3044 = vector.broadcast %add3A_3015 : i32 to vector<16xi32>
    %eq3A_3045 = arith.cmpi eq, %get3A_13, %eq3A_3044 : vector<16xi32>
    %select_n3A_3046 = arith.select %eq3A_3045, %broadcast_in_dim3A_3, %broadcast_in_dim3A_5 : vector<16xi1>, vector<16xf32>
    %swap3A_3047 = arith.constant 6688 : index
    %swap3A_3048 = tpu.vector_load %arg5[%swap3A_3047] {strides = array<i32>} : memref<8192xf32, #tpu.memory_space<vmem>>, vector<16xf32>,
    %swap3A_3049 = vector.shape_cast %swap3A_3048 : vector<16xf32> to vector<16xf32>
    %swap3A_3050 = vector.shape_cast %select_n3A_3046 : vector<16xf32> to vector<16xf32>
    tpu.vector_store %arg5[%swap3A_3047], %swap3A_3050 {strides = array<i32>} : memref<8192xf32, #tpu.memory_space<vmem>>, vector<16xf32>,
    %eq3A_3051 = vector.broadcast %add3A_3015 : i32 to vector<16xi32>
    %eq3A_3052 = arith.cmpi eq, %get3A_37, %eq3A_3051 : vector<16xi32>
    %select_n3A_3053 = arith.select %eq3A_3052, %broadcast_in_dim3A_3, %broadcast_in_dim3A_5 : vector<16xi1>, vector<16xf32>
    %swap3A_3054 = arith.constant 6816 : index
    %swap3A_3055 = tpu.vector_load %arg5[%swap3A_3054] {strides = array<i32>} : memref<8192xf32, #tpu.memory_space<vmem>>, vector<16xf32>,
    %swap3A_3056 = vector.shape_cast %swap3A_3055 : vector<16xf32> to vector<16xf32>
    %swap3A_3057 = vector.shape_cast %select_n3A_3053 : vector<16xf32> to vector<16xf32>
    tpu.vector_store %arg5[%swap3A_3054], %swap3A_3057 {strides = array<i32>} : memref<8192xf32, #tpu.memory_space<vmem>>, vector<16xf32>,
    %eq3A_3058 = vector.broadcast %add3A_3015 : i32 to vector<16xi32>
    %eq3A_3059 = arith.cmpi eq, %get3A_16, %eq3A_3058 : vector<16xi32>
    %select_n3A_3060 = arith.select %eq3A_3059, %broadcast_in_dim3A_3, %broadcast_in_dim3A_5 : vector<16xi1>, vector<16xf32>
    %swap3A_3061 = arith.constant 6704 : index
    %swap3A_3062 = tpu.vector_load %arg5[%swap3A_3061] {strides = array<i32>} : memref<8192xf32, #tpu.memory_space<vmem>>, vector<16xf32>,
    %swap3A_3063 = vector.shape_cast %swap3A_3062 : vector<16xf32> to vector<16xf32>
    %swap3A_3064 = vector.shape_cast %select_n3A_3060 : vector<16xf32> to vector<16xf32>
    tpu.vector_store %arg5[%swap3A_3061], %swap3A_3064 {strides = array<i32>} : memref<8192xf32, #tpu.memory_space<vmem>>, vector<16xf32>,
    %eq3A_3065 = vector.broadcast %add3A_3015 : i32 to vector<16xi32>
    %eq3A_3066 = arith.cmpi eq, %get3A_40, %eq3A_3065 : vector<16xi32>
    %select_n3A_3067 = arith.select %eq3A_3066, %broadcast_in_dim3A_3, %broadcast_in_dim3A_5 : vector<16xi1>, vector<16xf32>
    %swap3A_3068 = arith.constant 6832 : index
    %swap3A_3069 = tpu.vector_load %arg5[%swap3A_3068] {strides = array<i32>} : memref<8192xf32, #tpu.memory_space<vmem>>, vector<16xf32>,
    %swap3A_3070 = vector.shape_cast %swap3A_3069 : vector<16xf32> to vector<16xf32>
    %swap3A_3071 = vector.shape_cast %select_n3A_3067 : vector<16xf32> to vector<16xf32>
    tpu.vector_store %arg5[%swap3A_3068], %swap3A_3071 {strides = array<i32>} : memref<8192xf32, #tpu.memory_space<vmem>>, vector<16xf32>,
    %eq3A_3072 = vector.broadcast %add3A_3015 : i32 to vector<16xi32>
    %eq3A_3073 = arith.cmpi eq, %get3A_19, %eq3A_3072 : vector<16xi32>
    %select_n3A_3074 = arith.select %eq3A_3073, %broadcast_in_dim3A_3, %broadcast_in_dim3A_5 : vector<16xi1>, vector<16xf32>
    %swap3A_3075 = arith.constant 6720 : index
    %swap3A_3076 = tpu.vector_load %arg5[%swap3A_3075] {strides = array<i32>} : memref<8192xf32, #tpu.memory_space<vmem>>, vector<16xf32>,
    %swap3A_3077 = vector.shape_cast %swap3A_3076 : vector<16xf32> to vector<16xf32>
    %swap3A_3078 = vector.shape_cast %select_n3A_3074 : vector<16xf32> to vector<16xf32>
    tpu.vector_store %arg5[%swap3A_3075], %swap3A_3078 {strides = array<i32>} : memref<8192xf32, #tpu.memory_space<vmem>>, vector<16xf32>,
    %eq3A_3079 = vector.broadcast %add3A_3015 : i32 to vector<16xi32>
    %eq3A_3080 = arith.cmpi eq, %get3A_43, %eq3A_3079 : vector<16xi32>
    %select_n3A_3081 = arith.select %eq3A_3080, %broadcast_in_dim3A_3, %broadcast_in_dim3A_5 : vector<16xi1>, vector<16xf32>
    %swap3A_3082 = arith.constant 6848 : index
    %swap3A_3083 = tpu.vector_load %arg5[%swap3A_3082] {strides = array<i32>} : memref<8192xf32, #tpu.memory_space<vmem>>, vector<16xf32>,
    %swap3A_3084 = vector.shape_cast %swap3A_3083 : vector<16xf32> to vector<16xf32>
    %swap3A_3085 = vector.shape_cast %select_n3A_3081 : vector<16xf32> to vector<16xf32>
    tpu.vector_store %arg5[%swap3A_3082], %swap3A_3085 {strides = array<i32>} : memref<8192xf32, #tpu.memory_space<vmem>>, vector<16xf32>,
    %eq3A_3086 = vector.broadcast %add3A_3015 : i32 to vector<16xi32>
    %eq3A_3087 = arith.cmpi eq, %get3A_22, %eq3A_3086 : vector<16xi32>
    %select_n3A_3088 = arith.select %eq3A_3087, %broadcast_in_dim3A_3, %broadcast_in_dim3A_5 : vector<16xi1>, vector<16xf32>
    %swap3A_3089 = arith.constant 6736 : index
    %swap3A_3090 = tpu.vector_load %arg5[%swap3A_3089] {strides = array<i32>} : memref<8192xf32, #tpu.memory_space<vmem>>, vector<16xf32>,
    %swap3A_3091 = vector.shape_cast %swap3A_3090 : vector<16xf32> to vector<16xf32>
    %swap3A_3092 = vector.shape_cast %select_n3A_3088 : vector<16xf32> to vector<16xf32>
    tpu.vector_store %arg5[%swap3A_3089], %swap3A_3092 {strides = array<i32>} : memref<8192xf32, #tpu.memory_space<vmem>>, vector<16xf32>,
    %eq3A_3093 = vector.broadcast %add3A_3015 : i32 to vector<16xi32>
    %eq3A_3094 = arith.cmpi eq, %get3A_46, %eq3A_3093 : vector<16xi32>
    %select_n3A_3095 = arith.select %eq3A_3094, %broadcast_in_dim3A_3, %broadcast_in_dim3A_5 : vector<16xi1>, vector<16xf32>
    %swap3A_3096 = arith.constant 6864 : index
    %swap3A_3097 = tpu.vector_load %arg5[%swap3A_3096] {strides = array<i32>} : memref<8192xf32, #tpu.memory_space<vmem>>, vector<16xf32>,
    %swap3A_3098 = vector.shape_cast %swap3A_3097 : vector<16xf32> to vector<16xf32>
    %swap3A_3099 = vector.shape_cast %select_n3A_3095 : vector<16xf32> to vector<16xf32>
    tpu.vector_store %arg5[%swap3A_3096], %swap3A_3099 {strides = array<i32>} : memref<8192xf32, #tpu.memory_space<vmem>>, vector<16xf32>,
    %eq3A_3100 = vector.broadcast %add3A_3015 : i32 to vector<16xi32>
    %eq3A_3101 = arith.cmpi eq, %get3A_25, %eq3A_3100 : vector<16xi32>
    %select_n3A_3102 = arith.select %eq3A_3101, %broadcast_in_dim3A_3, %broadcast_in_dim3A_5 : vector<16xi1>, vector<16xf32>
    %swap3A_3103 = arith.constant 6752 : index
    %swap3A_3104 = tpu.vector_load %arg5[%swap3A_3103] {strides = array<i32>} : memref<8192xf32, #tpu.memory_space<vmem>>, vector<16xf32>,
    %swap3A_3105 = vector.shape_cast %swap3A_3104 : vector<16xf32> to vector<16xf32>
    %swap3A_3106 = vector.shape_cast %select_n3A_3102 : vector<16xf32> to vector<16xf32>
    tpu.vector_store %arg5[%swap3A_3103], %swap3A_3106 {strides = array<i32>} : memref<8192xf32, #tpu.memory_space<vmem>>, vector<16xf32>,
    %eq3A_3107 = vector.broadcast %add3A_3015 : i32 to vector<16xi32>
    %eq3A_3108 = arith.cmpi eq, %get3A_49, %eq3A_3107 : vector<16xi32>
    %select_n3A_3109 = arith.select %eq3A_3108, %broadcast_in_dim3A_3, %broadcast_in_dim3A_5 : vector<16xi1>, vector<16xf32>
    %swap3A_3110 = arith.constant 6880 : index
    %swap3A_3111 = tpu.vector_load %arg5[%swap3A_3110] {strides = array<i32>} : memref<8192xf32, #tpu.memory_space<vmem>>, vector<16xf32>,
    %swap3A_3112 = vector.shape_cast %swap3A_3111 : vector<16xf32> to vector<16xf32>
    %swap3A_3113 = vector.shape_cast %select_n3A_3109 : vector<16xf32> to vector<16xf32>
    tpu.vector_store %arg5[%swap3A_3110], %swap3A_3113 {strides = array<i32>} : memref<8192xf32, #tpu.memory_space<vmem>>, vector<16xf32>,
    %eq3A_3114 = vector.broadcast %add3A_3015 : i32 to vector<16xi32>
    %eq3A_3115 = arith.cmpi eq, %get3A_28, %eq3A_3114 : vector<16xi32>
    %select_n3A_3116 = arith.select %eq3A_3115, %broadcast_in_dim3A_3, %broadcast_in_dim3A_5 : vector<16xi1>, vector<16xf32>
    %swap3A_3117 = arith.constant 6768 : index
    %swap3A_3118 = tpu.vector_load %arg5[%swap3A_3117] {strides = array<i32>} : memref<8192xf32, #tpu.memory_space<vmem>>, vector<16xf32>,
    %swap3A_3119 = vector.shape_cast %swap3A_3118 : vector<16xf32> to vector<16xf32>
    %swap3A_3120 = vector.shape_cast %select_n3A_3116 : vector<16xf32> to vector<16xf32>
    tpu.vector_store %arg5[%swap3A_3117], %swap3A_3120 {strides = array<i32>} : memref<8192xf32, #tpu.memory_space<vmem>>, vector<16xf32>,
    %eq3A_3121 = vector.broadcast %add3A_3015 : i32 to vector<16xi32>
    %eq3A_3122 = arith.cmpi eq, %get3A_52, %eq3A_3121 : vector<16xi32>
    %select_n3A_3123 = arith.select %eq3A_3122, %broadcast_in_dim3A_3, %broadcast_in_dim3A_5 : vector<16xi1>, vector<16xf32>
    %swap3A_3124 = arith.constant 6896 : index
    %swap3A_3125 = tpu.vector_load %arg5[%swap3A_3124] {strides = array<i32>} : memref<8192xf32, #tpu.memory_space<vmem>>, vector<16xf32>,
    %swap3A_3126 = vector.shape_cast %swap3A_3125 : vector<16xf32> to vector<16xf32>
    %swap3A_3127 = vector.shape_cast %select_n3A_3123 : vector<16xf32> to vector<16xf32>
    tpu.vector_store %arg5[%swap3A_3124], %swap3A_3127 {strides = array<i32>} : memref<8192xf32, #tpu.memory_space<vmem>>, vector<16xf32>,
    %add3A_3128 = arith.constant 27 : i32
    %add3A_3129 = arith.addi %mul3A_2, %add3A_3128 : i32
    %eq3A_3130 = vector.broadcast %add3A_3129 : i32 to vector<16xi32>
    %eq3A_3131 = arith.cmpi eq, %get3A_7, %eq3A_3130 : vector<16xi32>
    %select_n3A_3132 = arith.select %eq3A_3131, %broadcast_in_dim3A_3, %broadcast_in_dim3A_5 : vector<16xi1>, vector<16xf32>
    %swap3A_3133 = arith.constant 6912 : index
    %swap3A_3134 = tpu.vector_load %arg5[%swap3A_3133] {strides = array<i32>} : memref<8192xf32, #tpu.memory_space<vmem>>, vector<16xf32>,
    %swap3A_3135 = vector.shape_cast %swap3A_3134 : vector<16xf32> to vector<16xf32>
    %swap3A_3136 = vector.shape_cast %select_n3A_3132 : vector<16xf32> to vector<16xf32>
    tpu.vector_store %arg5[%swap3A_3133], %swap3A_3136 {strides = array<i32>} : memref<8192xf32, #tpu.memory_space<vmem>>, vector<16xf32>,
    %eq3A_3137 = vector.broadcast %add3A_3129 : i32 to vector<16xi32>
    %eq3A_3138 = arith.cmpi eq, %get3A_31, %eq3A_3137 : vector<16xi32>
    %select_n3A_3139 = arith.select %eq3A_3138, %broadcast_in_dim3A_3, %broadcast_in_dim3A_5 : vector<16xi1>, vector<16xf32>
    %swap3A_3140 = arith.constant 7040 : index
    %swap3A_3141 = tpu.vector_load %arg5[%swap3A_3140] {strides = array<i32>} : memref<8192xf32, #tpu.memory_space<vmem>>, vector<16xf32>,
    %swap3A_3142 = vector.shape_cast %swap3A_3141 : vector<16xf32> to vector<16xf32>
    %swap3A_3143 = vector.shape_cast %select_n3A_3139 : vector<16xf32> to vector<16xf32>
    tpu.vector_store %arg5[%swap3A_3140], %swap3A_3143 {strides = array<i32>} : memref<8192xf32, #tpu.memory_space<vmem>>, vector<16xf32>,
    %eq3A_3144 = vector.broadcast %add3A_3129 : i32 to vector<16xi32>
    %eq3A_3145 = arith.cmpi eq, %get3A_10, %eq3A_3144 : vector<16xi32>
    %select_n3A_3146 = arith.select %eq3A_3145, %broadcast_in_dim3A_3, %broadcast_in_dim3A_5 : vector<16xi1>, vector<16xf32>
    %swap3A_3147 = arith.constant 6928 : index
    %swap3A_3148 = tpu.vector_load %arg5[%swap3A_3147] {strides = array<i32>} : memref<8192xf32, #tpu.memory_space<vmem>>, vector<16xf32>,
    %swap3A_3149 = vector.shape_cast %swap3A_3148 : vector<16xf32> to vector<16xf32>
    %swap3A_3150 = vector.shape_cast %select_n3A_3146 : vector<16xf32> to vector<16xf32>
    tpu.vector_store %arg5[%swap3A_3147], %swap3A_3150 {strides = array<i32>} : memref<8192xf32, #tpu.memory_space<vmem>>, vector<16xf32>,
    %eq3A_3151 = vector.broadcast %add3A_3129 : i32 to vector<16xi32>
    %eq3A_3152 = arith.cmpi eq, %get3A_34, %eq3A_3151 : vector<16xi32>
    %select_n3A_3153 = arith.select %eq3A_3152, %broadcast_in_dim3A_3, %broadcast_in_dim3A_5 : vector<16xi1>, vector<16xf32>
    %swap3A_3154 = arith.constant 7056 : index
    %swap3A_3155 = tpu.vector_load %arg5[%swap3A_3154] {strides = array<i32>} : memref<8192xf32, #tpu.memory_space<vmem>>, vector<16xf32>,
    %swap3A_3156 = vector.shape_cast %swap3A_3155 : vector<16xf32> to vector<16xf32>
    %swap3A_3157 = vector.shape_cast %select_n3A_3153 : vector<16xf32> to vector<16xf32>
    tpu.vector_store %arg5[%swap3A_3154], %swap3A_3157 {strides = array<i32>} : memref<8192xf32, #tpu.memory_space<vmem>>, vector<16xf32>,
    %eq3A_3158 = vector.broadcast %add3A_3129 : i32 to vector<16xi32>
    %eq3A_3159 = arith.cmpi eq, %get3A_13, %eq3A_3158 : vector<16xi32>
    %select_n3A_3160 = arith.select %eq3A_3159, %broadcast_in_dim3A_3, %broadcast_in_dim3A_5 : vector<16xi1>, vector<16xf32>
    %swap3A_3161 = arith.constant 6944 : index
    %swap3A_3162 = tpu.vector_load %arg5[%swap3A_3161] {strides = array<i32>} : memref<8192xf32, #tpu.memory_space<vmem>>, vector<16xf32>,
    %swap3A_3163 = vector.shape_cast %swap3A_3162 : vector<16xf32> to vector<16xf32>
    %swap3A_3164 = vector.shape_cast %select_n3A_3160 : vector<16xf32> to vector<16xf32>
    tpu.vector_store %arg5[%swap3A_3161], %swap3A_3164 {strides = array<i32>} : memref<8192xf32, #tpu.memory_space<vmem>>, vector<16xf32>,
    %eq3A_3165 = vector.broadcast %add3A_3129 : i32 to vector<16xi32>
    %eq3A_3166 = arith.cmpi eq, %get3A_37, %eq3A_3165 : vector<16xi32>
    %select_n3A_3167 = arith.select %eq3A_3166, %broadcast_in_dim3A_3, %broadcast_in_dim3A_5 : vector<16xi1>, vector<16xf32>
    %swap3A_3168 = arith.constant 7072 : index
    %swap3A_3169 = tpu.vector_load %arg5[%swap3A_3168] {strides = array<i32>} : memref<8192xf32, #tpu.memory_space<vmem>>, vector<16xf32>,
    %swap3A_3170 = vector.shape_cast %swap3A_3169 : vector<16xf32> to vector<16xf32>
    %swap3A_3171 = vector.shape_cast %select_n3A_3167 : vector<16xf32> to vector<16xf32>
    tpu.vector_store %arg5[%swap3A_3168], %swap3A_3171 {strides = array<i32>} : memref<8192xf32, #tpu.memory_space<vmem>>, vector<16xf32>,
    %eq3A_3172 = vector.broadcast %add3A_3129 : i32 to vector<16xi32>
    %eq3A_3173 = arith.cmpi eq, %get3A_16, %eq3A_3172 : vector<16xi32>
    %select_n3A_3174 = arith.select %eq3A_3173, %broadcast_in_dim3A_3, %broadcast_in_dim3A_5 : vector<16xi1>, vector<16xf32>
    %swap3A_3175 = arith.constant 6960 : index
    %swap3A_3176 = tpu.vector_load %arg5[%swap3A_3175] {strides = array<i32>} : memref<8192xf32, #tpu.memory_space<vmem>>, vector<16xf32>,
    %swap3A_3177 = vector.shape_cast %swap3A_3176 : vector<16xf32> to vector<16xf32>
    %swap3A_3178 = vector.shape_cast %select_n3A_3174 : vector<16xf32> to vector<16xf32>
    tpu.vector_store %arg5[%swap3A_3175], %swap3A_3178 {strides = array<i32>} : memref<8192xf32, #tpu.memory_space<vmem>>, vector<16xf32>,
    %eq3A_3179 = vector.broadcast %add3A_3129 : i32 to vector<16xi32>
    %eq3A_3180 = arith.cmpi eq, %get3A_40, %eq3A_3179 : vector<16xi32>
    %select_n3A_3181 = arith.select %eq3A_3180, %broadcast_in_dim3A_3, %broadcast_in_dim3A_5 : vector<16xi1>, vector<16xf32>
    %swap3A_3182 = arith.constant 7088 : index
    %swap3A_3183 = tpu.vector_load %arg5[%swap3A_3182] {strides = array<i32>} : memref<8192xf32, #tpu.memory_space<vmem>>, vector<16xf32>,
    %swap3A_3184 = vector.shape_cast %swap3A_3183 : vector<16xf32> to vector<16xf32>
    %swap3A_3185 = vector.shape_cast %select_n3A_3181 : vector<16xf32> to vector<16xf32>
    tpu.vector_store %arg5[%swap3A_3182], %swap3A_3185 {strides = array<i32>} : memref<8192xf32, #tpu.memory_space<vmem>>, vector<16xf32>,
    %eq3A_3186 = vector.broadcast %add3A_3129 : i32 to vector<16xi32>
    %eq3A_3187 = arith.cmpi eq, %get3A_19, %eq3A_3186 : vector<16xi32>
    %select_n3A_3188 = arith.select %eq3A_3187, %broadcast_in_dim3A_3, %broadcast_in_dim3A_5 : vector<16xi1>, vector<16xf32>
    %swap3A_3189 = arith.constant 6976 : index
    %swap3A_3190 = tpu.vector_load %arg5[%swap3A_3189] {strides = array<i32>} : memref<8192xf32, #tpu.memory_space<vmem>>, vector<16xf32>,
    %swap3A_3191 = vector.shape_cast %swap3A_3190 : vector<16xf32> to vector<16xf32>
    %swap3A_3192 = vector.shape_cast %select_n3A_3188 : vector<16xf32> to vector<16xf32>
    tpu.vector_store %arg5[%swap3A_3189], %swap3A_3192 {strides = array<i32>} : memref<8192xf32, #tpu.memory_space<vmem>>, vector<16xf32>,
    %eq3A_3193 = vector.broadcast %add3A_3129 : i32 to vector<16xi32>
    %eq3A_3194 = arith.cmpi eq, %get3A_43, %eq3A_3193 : vector<16xi32>
    %select_n3A_3195 = arith.select %eq3A_3194, %broadcast_in_dim3A_3, %broadcast_in_dim3A_5 : vector<16xi1>, vector<16xf32>
    %swap3A_3196 = arith.constant 7104 : index
    %swap3A_3197 = tpu.vector_load %arg5[%swap3A_3196] {strides = array<i32>} : memref<8192xf32, #tpu.memory_space<vmem>>, vector<16xf32>,
    %swap3A_3198 = vector.shape_cast %swap3A_3197 : vector<16xf32> to vector<16xf32>
    %swap3A_3199 = vector.shape_cast %select_n3A_3195 : vector<16xf32> to vector<16xf32>
    tpu.vector_store %arg5[%swap3A_3196], %swap3A_3199 {strides = array<i32>} : memref<8192xf32, #tpu.memory_space<vmem>>, vector<16xf32>,
    %eq3A_3200 = vector.broadcast %add3A_3129 : i32 to vector<16xi32>
    %eq3A_3201 = arith.cmpi eq, %get3A_22, %eq3A_3200 : vector<16xi32>
    %select_n3A_3202 = arith.select %eq3A_3201, %broadcast_in_dim3A_3, %broadcast_in_dim3A_5 : vector<16xi1>, vector<16xf32>
    %swap3A_3203 = arith.constant 6992 : index
    %swap3A_3204 = tpu.vector_load %arg5[%swap3A_3203] {strides = array<i32>} : memref<8192xf32, #tpu.memory_space<vmem>>, vector<16xf32>,
    %swap3A_3205 = vector.shape_cast %swap3A_3204 : vector<16xf32> to vector<16xf32>
    %swap3A_3206 = vector.shape_cast %select_n3A_3202 : vector<16xf32> to vector<16xf32>
    tpu.vector_store %arg5[%swap3A_3203], %swap3A_3206 {strides = array<i32>} : memref<8192xf32, #tpu.memory_space<vmem>>, vector<16xf32>,
    %eq3A_3207 = vector.broadcast %add3A_3129 : i32 to vector<16xi32>
    %eq3A_3208 = arith.cmpi eq, %get3A_46, %eq3A_3207 : vector<16xi32>
    %select_n3A_3209 = arith.select %eq3A_3208, %broadcast_in_dim3A_3, %broadcast_in_dim3A_5 : vector<16xi1>, vector<16xf32>
    %swap3A_3210 = arith.constant 7120 : index
    %swap3A_3211 = tpu.vector_load %arg5[%swap3A_3210] {strides = array<i32>} : memref<8192xf32, #tpu.memory_space<vmem>>, vector<16xf32>,
    %swap3A_3212 = vector.shape_cast %swap3A_3211 : vector<16xf32> to vector<16xf32>
    %swap3A_3213 = vector.shape_cast %select_n3A_3209 : vector<16xf32> to vector<16xf32>
    tpu.vector_store %arg5[%swap3A_3210], %swap3A_3213 {strides = array<i32>} : memref<8192xf32, #tpu.memory_space<vmem>>, vector<16xf32>,
    %eq3A_3214 = vector.broadcast %add3A_3129 : i32 to vector<16xi32>
    %eq3A_3215 = arith.cmpi eq, %get3A_25, %eq3A_3214 : vector<16xi32>
    %select_n3A_3216 = arith.select %eq3A_3215, %broadcast_in_dim3A_3, %broadcast_in_dim3A_5 : vector<16xi1>, vector<16xf32>
    %swap3A_3217 = arith.constant 7008 : index
    %swap3A_3218 = tpu.vector_load %arg5[%swap3A_3217] {strides = array<i32>} : memref<8192xf32, #tpu.memory_space<vmem>>, vector<16xf32>,
    %swap3A_3219 = vector.shape_cast %swap3A_3218 : vector<16xf32> to vector<16xf32>
    %swap3A_3220 = vector.shape_cast %select_n3A_3216 : vector<16xf32> to vector<16xf32>
    tpu.vector_store %arg5[%swap3A_3217], %swap3A_3220 {strides = array<i32>} : memref<8192xf32, #tpu.memory_space<vmem>>, vector<16xf32>,
    %eq3A_3221 = vector.broadcast %add3A_3129 : i32 to vector<16xi32>
    %eq3A_3222 = arith.cmpi eq, %get3A_49, %eq3A_3221 : vector<16xi32>
    %select_n3A_3223 = arith.select %eq3A_3222, %broadcast_in_dim3A_3, %broadcast_in_dim3A_5 : vector<16xi1>, vector<16xf32>
    %swap3A_3224 = arith.constant 7136 : index
    %swap3A_3225 = tpu.vector_load %arg5[%swap3A_3224] {strides = array<i32>} : memref<8192xf32, #tpu.memory_space<vmem>>, vector<16xf32>,
    %swap3A_3226 = vector.shape_cast %swap3A_3225 : vector<16xf32> to vector<16xf32>
    %swap3A_3227 = vector.shape_cast %select_n3A_3223 : vector<16xf32> to vector<16xf32>
    tpu.vector_store %arg5[%swap3A_3224], %swap3A_3227 {strides = array<i32>} : memref<8192xf32, #tpu.memory_space<vmem>>, vector<16xf32>,
    %eq3A_3228 = vector.broadcast %add3A_3129 : i32 to vector<16xi32>
    %eq3A_3229 = arith.cmpi eq, %get3A_28, %eq3A_3228 : vector<16xi32>
    %select_n3A_3230 = arith.select %eq3A_3229, %broadcast_in_dim3A_3, %broadcast_in_dim3A_5 : vector<16xi1>, vector<16xf32>
    %swap3A_3231 = arith.constant 7024 : index
    %swap3A_3232 = tpu.vector_load %arg5[%swap3A_3231] {strides = array<i32>} : memref<8192xf32, #tpu.memory_space<vmem>>, vector<16xf32>,
    %swap3A_3233 = vector.shape_cast %swap3A_3232 : vector<16xf32> to vector<16xf32>
    %swap3A_3234 = vector.shape_cast %select_n3A_3230 : vector<16xf32> to vector<16xf32>
    tpu.vector_store %arg5[%swap3A_3231], %swap3A_3234 {strides = array<i32>} : memref<8192xf32, #tpu.memory_space<vmem>>, vector<16xf32>,
    %eq3A_3235 = vector.broadcast %add3A_3129 : i32 to vector<16xi32>
    %eq3A_3236 = arith.cmpi eq, %get3A_52, %eq3A_3235 : vector<16xi32>
    %select_n3A_3237 = arith.select %eq3A_3236, %broadcast_in_dim3A_3, %broadcast_in_dim3A_5 : vector<16xi1>, vector<16xf32>
    %swap3A_3238 = arith.constant 7152 : index
    %swap3A_3239 = tpu.vector_load %arg5[%swap3A_3238] {strides = array<i32>} : memref<8192xf32, #tpu.memory_space<vmem>>, vector<16xf32>,
    %swap3A_3240 = vector.shape_cast %swap3A_3239 : vector<16xf32> to vector<16xf32>
    %swap3A_3241 = vector.shape_cast %select_n3A_3237 : vector<16xf32> to vector<16xf32>
    tpu.vector_store %arg5[%swap3A_3238], %swap3A_3241 {strides = array<i32>} : memref<8192xf32, #tpu.memory_space<vmem>>, vector<16xf32>,
    %add3A_3242 = arith.constant 28 : i32
    %add3A_3243 = arith.addi %mul3A_2, %add3A_3242 : i32
    %eq3A_3244 = vector.broadcast %add3A_3243 : i32 to vector<16xi32>
    %eq3A_3245 = arith.cmpi eq, %get3A_7, %eq3A_3244 : vector<16xi32>
    %select_n3A_3246 = arith.select %eq3A_3245, %broadcast_in_dim3A_3, %broadcast_in_dim3A_5 : vector<16xi1>, vector<16xf32>
    %swap3A_3247 = arith.constant 7168 : index
    %swap3A_3248 = tpu.vector_load %arg5[%swap3A_3247] {strides = array<i32>} : memref<8192xf32, #tpu.memory_space<vmem>>, vector<16xf32>,
    %swap3A_3249 = vector.shape_cast %swap3A_3248 : vector<16xf32> to vector<16xf32>
    %swap3A_3250 = vector.shape_cast %select_n3A_3246 : vector<16xf32> to vector<16xf32>
    tpu.vector_store %arg5[%swap3A_3247], %swap3A_3250 {strides = array<i32>} : memref<8192xf32, #tpu.memory_space<vmem>>, vector<16xf32>,
    %eq3A_3251 = vector.broadcast %add3A_3243 : i32 to vector<16xi32>
    %eq3A_3252 = arith.cmpi eq, %get3A_31, %eq3A_3251 : vector<16xi32>
    %select_n3A_3253 = arith.select %eq3A_3252, %broadcast_in_dim3A_3, %broadcast_in_dim3A_5 : vector<16xi1>, vector<16xf32>
    %swap3A_3254 = arith.constant 7296 : index
    %swap3A_3255 = tpu.vector_load %arg5[%swap3A_3254] {strides = array<i32>} : memref<8192xf32, #tpu.memory_space<vmem>>, vector<16xf32>,
    %swap3A_3256 = vector.shape_cast %swap3A_3255 : vector<16xf32> to vector<16xf32>
    %swap3A_3257 = vector.shape_cast %select_n3A_3253 : vector<16xf32> to vector<16xf32>
    tpu.vector_store %arg5[%swap3A_3254], %swap3A_3257 {strides = array<i32>} : memref<8192xf32, #tpu.memory_space<vmem>>, vector<16xf32>,
    %eq3A_3258 = vector.broadcast %add3A_3243 : i32 to vector<16xi32>
    %eq3A_3259 = arith.cmpi eq, %get3A_10, %eq3A_3258 : vector<16xi32>
    %select_n3A_3260 = arith.select %eq3A_3259, %broadcast_in_dim3A_3, %broadcast_in_dim3A_5 : vector<16xi1>, vector<16xf32>
    %swap3A_3261 = arith.constant 7184 : index
    %swap3A_3262 = tpu.vector_load %arg5[%swap3A_3261] {strides = array<i32>} : memref<8192xf32, #tpu.memory_space<vmem>>, vector<16xf32>,
    %swap3A_3263 = vector.shape_cast %swap3A_3262 : vector<16xf32> to vector<16xf32>
    %swap3A_3264 = vector.shape_cast %select_n3A_3260 : vector<16xf32> to vector<16xf32>
    tpu.vector_store %arg5[%swap3A_3261], %swap3A_3264 {strides = array<i32>} : memref<8192xf32, #tpu.memory_space<vmem>>, vector<16xf32>,
    %eq3A_3265 = vector.broadcast %add3A_3243 : i32 to vector<16xi32>
    %eq3A_3266 = arith.cmpi eq, %get3A_34, %eq3A_3265 : vector<16xi32>
    %select_n3A_3267 = arith.select %eq3A_3266, %broadcast_in_dim3A_3, %broadcast_in_dim3A_5 : vector<16xi1>, vector<16xf32>
    %swap3A_3268 = arith.constant 7312 : index
    %swap3A_3269 = tpu.vector_load %arg5[%swap3A_3268] {strides = array<i32>} : memref<8192xf32, #tpu.memory_space<vmem>>, vector<16xf32>,
    %swap3A_3270 = vector.shape_cast %swap3A_3269 : vector<16xf32> to vector<16xf32>
    %swap3A_3271 = vector.shape_cast %select_n3A_3267 : vector<16xf32> to vector<16xf32>
    tpu.vector_store %arg5[%swap3A_3268], %swap3A_3271 {strides = array<i32>} : memref<8192xf32, #tpu.memory_space<vmem>>, vector<16xf32>,
    %eq3A_3272 = vector.broadcast %add3A_3243 : i32 to vector<16xi32>
    %eq3A_3273 = arith.cmpi eq, %get3A_13, %eq3A_3272 : vector<16xi32>
    %select_n3A_3274 = arith.select %eq3A_3273, %broadcast_in_dim3A_3, %broadcast_in_dim3A_5 : vector<16xi1>, vector<16xf32>
    %swap3A_3275 = arith.constant 7200 : index
    %swap3A_3276 = tpu.vector_load %arg5[%swap3A_3275] {strides = array<i32>} : memref<8192xf32, #tpu.memory_space<vmem>>, vector<16xf32>,
    %swap3A_3277 = vector.shape_cast %swap3A_3276 : vector<16xf32> to vector<16xf32>
    %swap3A_3278 = vector.shape_cast %select_n3A_3274 : vector<16xf32> to vector<16xf32>
    tpu.vector_store %arg5[%swap3A_3275], %swap3A_3278 {strides = array<i32>} : memref<8192xf32, #tpu.memory_space<vmem>>, vector<16xf32>,
    %eq3A_3279 = vector.broadcast %add3A_3243 : i32 to vector<16xi32>
    %eq3A_3280 = arith.cmpi eq, %get3A_37, %eq3A_3279 : vector<16xi32>
    %select_n3A_3281 = arith.select %eq3A_3280, %broadcast_in_dim3A_3, %broadcast_in_dim3A_5 : vector<16xi1>, vector<16xf32>
    %swap3A_3282 = arith.constant 7328 : index
    %swap3A_3283 = tpu.vector_load %arg5[%swap3A_3282] {strides = array<i32>} : memref<8192xf32, #tpu.memory_space<vmem>>, vector<16xf32>,
    %swap3A_3284 = vector.shape_cast %swap3A_3283 : vector<16xf32> to vector<16xf32>
    %swap3A_3285 = vector.shape_cast %select_n3A_3281 : vector<16xf32> to vector<16xf32>
    tpu.vector_store %arg5[%swap3A_3282], %swap3A_3285 {strides = array<i32>} : memref<8192xf32, #tpu.memory_space<vmem>>, vector<16xf32>,
    %eq3A_3286 = vector.broadcast %add3A_3243 : i32 to vector<16xi32>
    %eq3A_3287 = arith.cmpi eq, %get3A_16, %eq3A_3286 : vector<16xi32>
    %select_n3A_3288 = arith.select %eq3A_3287, %broadcast_in_dim3A_3, %broadcast_in_dim3A_5 : vector<16xi1>, vector<16xf32>
    %swap3A_3289 = arith.constant 7216 : index
    %swap3A_3290 = tpu.vector_load %arg5[%swap3A_3289] {strides = array<i32>} : memref<8192xf32, #tpu.memory_space<vmem>>, vector<16xf32>,
    %swap3A_3291 = vector.shape_cast %swap3A_3290 : vector<16xf32> to vector<16xf32>
    %swap3A_3292 = vector.shape_cast %select_n3A_3288 : vector<16xf32> to vector<16xf32>
    tpu.vector_store %arg5[%swap3A_3289], %swap3A_3292 {strides = array<i32>} : memref<8192xf32, #tpu.memory_space<vmem>>, vector<16xf32>,
    %eq3A_3293 = vector.broadcast %add3A_3243 : i32 to vector<16xi32>
    %eq3A_3294 = arith.cmpi eq, %get3A_40, %eq3A_3293 : vector<16xi32>
    %select_n3A_3295 = arith.select %eq3A_3294, %broadcast_in_dim3A_3, %broadcast_in_dim3A_5 : vector<16xi1>, vector<16xf32>
    %swap3A_3296 = arith.constant 7344 : index
    %swap3A_3297 = tpu.vector_load %arg5[%swap3A_3296] {strides = array<i32>} : memref<8192xf32, #tpu.memory_space<vmem>>, vector<16xf32>,
    %swap3A_3298 = vector.shape_cast %swap3A_3297 : vector<16xf32> to vector<16xf32>
    %swap3A_3299 = vector.shape_cast %select_n3A_3295 : vector<16xf32> to vector<16xf32>
    tpu.vector_store %arg5[%swap3A_3296], %swap3A_3299 {strides = array<i32>} : memref<8192xf32, #tpu.memory_space<vmem>>, vector<16xf32>,
    %eq3A_3300 = vector.broadcast %add3A_3243 : i32 to vector<16xi32>
    %eq3A_3301 = arith.cmpi eq, %get3A_19, %eq3A_3300 : vector<16xi32>
    %select_n3A_3302 = arith.select %eq3A_3301, %broadcast_in_dim3A_3, %broadcast_in_dim3A_5 : vector<16xi1>, vector<16xf32>
    %swap3A_3303 = arith.constant 7232 : index
    %swap3A_3304 = tpu.vector_load %arg5[%swap3A_3303] {strides = array<i32>} : memref<8192xf32, #tpu.memory_space<vmem>>, vector<16xf32>,
    %swap3A_3305 = vector.shape_cast %swap3A_3304 : vector<16xf32> to vector<16xf32>
    %swap3A_3306 = vector.shape_cast %select_n3A_3302 : vector<16xf32> to vector<16xf32>
    tpu.vector_store %arg5[%swap3A_3303], %swap3A_3306 {strides = array<i32>} : memref<8192xf32, #tpu.memory_space<vmem>>, vector<16xf32>,
    %eq3A_3307 = vector.broadcast %add3A_3243 : i32 to vector<16xi32>
    %eq3A_3308 = arith.cmpi eq, %get3A_43, %eq3A_3307 : vector<16xi32>
    %select_n3A_3309 = arith.select %eq3A_3308, %broadcast_in_dim3A_3, %broadcast_in_dim3A_5 : vector<16xi1>, vector<16xf32>
    %swap3A_3310 = arith.constant 7360 : index
    %swap3A_3311 = tpu.vector_load %arg5[%swap3A_3310] {strides = array<i32>} : memref<8192xf32, #tpu.memory_space<vmem>>, vector<16xf32>,
    %swap3A_3312 = vector.shape_cast %swap3A_3311 : vector<16xf32> to vector<16xf32>
    %swap3A_3313 = vector.shape_cast %select_n3A_3309 : vector<16xf32> to vector<16xf32>
    tpu.vector_store %arg5[%swap3A_3310], %swap3A_3313 {strides = array<i32>} : memref<8192xf32, #tpu.memory_space<vmem>>, vector<16xf32>,
    %eq3A_3314 = vector.broadcast %add3A_3243 : i32 to vector<16xi32>
    %eq3A_3315 = arith.cmpi eq, %get3A_22, %eq3A_3314 : vector<16xi32>
    %select_n3A_3316 = arith.select %eq3A_3315, %broadcast_in_dim3A_3, %broadcast_in_dim3A_5 : vector<16xi1>, vector<16xf32>
    %swap3A_3317 = arith.constant 7248 : index
    %swap3A_3318 = tpu.vector_load %arg5[%swap3A_3317] {strides = array<i32>} : memref<8192xf32, #tpu.memory_space<vmem>>, vector<16xf32>,
    %swap3A_3319 = vector.shape_cast %swap3A_3318 : vector<16xf32> to vector<16xf32>
    %swap3A_3320 = vector.shape_cast %select_n3A_3316 : vector<16xf32> to vector<16xf32>
    tpu.vector_store %arg5[%swap3A_3317], %swap3A_3320 {strides = array<i32>} : memref<8192xf32, #tpu.memory_space<vmem>>, vector<16xf32>,
    %eq3A_3321 = vector.broadcast %add3A_3243 : i32 to vector<16xi32>
    %eq3A_3322 = arith.cmpi eq, %get3A_46, %eq3A_3321 : vector<16xi32>
    %select_n3A_3323 = arith.select %eq3A_3322, %broadcast_in_dim3A_3, %broadcast_in_dim3A_5 : vector<16xi1>, vector<16xf32>
    %swap3A_3324 = arith.constant 7376 : index
    %swap3A_3325 = tpu.vector_load %arg5[%swap3A_3324] {strides = array<i32>} : memref<8192xf32, #tpu.memory_space<vmem>>, vector<16xf32>,
    %swap3A_3326 = vector.shape_cast %swap3A_3325 : vector<16xf32> to vector<16xf32>
    %swap3A_3327 = vector.shape_cast %select_n3A_3323 : vector<16xf32> to vector<16xf32>
    tpu.vector_store %arg5[%swap3A_3324], %swap3A_3327 {strides = array<i32>} : memref<8192xf32, #tpu.memory_space<vmem>>, vector<16xf32>,
    %eq3A_3328 = vector.broadcast %add3A_3243 : i32 to vector<16xi32>
    %eq3A_3329 = arith.cmpi eq, %get3A_25, %eq3A_3328 : vector<16xi32>
    %select_n3A_3330 = arith.select %eq3A_3329, %broadcast_in_dim3A_3, %broadcast_in_dim3A_5 : vector<16xi1>, vector<16xf32>
    %swap3A_3331 = arith.constant 7264 : index
    %swap3A_3332 = tpu.vector_load %arg5[%swap3A_3331] {strides = array<i32>} : memref<8192xf32, #tpu.memory_space<vmem>>, vector<16xf32>,
    %swap3A_3333 = vector.shape_cast %swap3A_3332 : vector<16xf32> to vector<16xf32>
    %swap3A_3334 = vector.shape_cast %select_n3A_3330 : vector<16xf32> to vector<16xf32>
    tpu.vector_store %arg5[%swap3A_3331], %swap3A_3334 {strides = array<i32>} : memref<8192xf32, #tpu.memory_space<vmem>>, vector<16xf32>,
    %eq3A_3335 = vector.broadcast %add3A_3243 : i32 to vector<16xi32>
    %eq3A_3336 = arith.cmpi eq, %get3A_49, %eq3A_3335 : vector<16xi32>
    %select_n3A_3337 = arith.select %eq3A_3336, %broadcast_in_dim3A_3, %broadcast_in_dim3A_5 : vector<16xi1>, vector<16xf32>
    %swap3A_3338 = arith.constant 7392 : index
    %swap3A_3339 = tpu.vector_load %arg5[%swap3A_3338] {strides = array<i32>} : memref<8192xf32, #tpu.memory_space<vmem>>, vector<16xf32>,
    %swap3A_3340 = vector.shape_cast %swap3A_3339 : vector<16xf32> to vector<16xf32>
    %swap3A_3341 = vector.shape_cast %select_n3A_3337 : vector<16xf32> to vector<16xf32>
    tpu.vector_store %arg5[%swap3A_3338], %swap3A_3341 {strides = array<i32>} : memref<8192xf32, #tpu.memory_space<vmem>>, vector<16xf32>,
    %eq3A_3342 = vector.broadcast %add3A_3243 : i32 to vector<16xi32>
    %eq3A_3343 = arith.cmpi eq, %get3A_28, %eq3A_3342 : vector<16xi32>
    %select_n3A_3344 = arith.select %eq3A_3343, %broadcast_in_dim3A_3, %broadcast_in_dim3A_5 : vector<16xi1>, vector<16xf32>
    %swap3A_3345 = arith.constant 7280 : index
    %swap3A_3346 = tpu.vector_load %arg5[%swap3A_3345] {strides = array<i32>} : memref<8192xf32, #tpu.memory_space<vmem>>, vector<16xf32>,
    %swap3A_3347 = vector.shape_cast %swap3A_3346 : vector<16xf32> to vector<16xf32>
    %swap3A_3348 = vector.shape_cast %select_n3A_3344 : vector<16xf32> to vector<16xf32>
    tpu.vector_store %arg5[%swap3A_3345], %swap3A_3348 {strides = array<i32>} : memref<8192xf32, #tpu.memory_space<vmem>>, vector<16xf32>,
    %eq3A_3349 = vector.broadcast %add3A_3243 : i32 to vector<16xi32>
    %eq3A_3350 = arith.cmpi eq, %get3A_52, %eq3A_3349 : vector<16xi32>
    %select_n3A_3351 = arith.select %eq3A_3350, %broadcast_in_dim3A_3, %broadcast_in_dim3A_5 : vector<16xi1>, vector<16xf32>
    %swap3A_3352 = arith.constant 7408 : index
    %swap3A_3353 = tpu.vector_load %arg5[%swap3A_3352] {strides = array<i32>} : memref<8192xf32, #tpu.memory_space<vmem>>, vector<16xf32>,
    %swap3A_3354 = vector.shape_cast %swap3A_3353 : vector<16xf32> to vector<16xf32>
    %swap3A_3355 = vector.shape_cast %select_n3A_3351 : vector<16xf32> to vector<16xf32>
    tpu.vector_store %arg5[%swap3A_3352], %swap3A_3355 {strides = array<i32>} : memref<8192xf32, #tpu.memory_space<vmem>>, vector<16xf32>,
    %add3A_3356 = arith.constant 29 : i32
    %add3A_3357 = arith.addi %mul3A_2, %add3A_3356 : i32
    %eq3A_3358 = vector.broadcast %add3A_3357 : i32 to vector<16xi32>
    %eq3A_3359 = arith.cmpi eq, %get3A_7, %eq3A_3358 : vector<16xi32>
    %select_n3A_3360 = arith.select %eq3A_3359, %broadcast_in_dim3A_3, %broadcast_in_dim3A_5 : vector<16xi1>, vector<16xf32>
    %swap3A_3361 = arith.constant 7424 : index
    %swap3A_3362 = tpu.vector_load %arg5[%swap3A_3361] {strides = array<i32>} : memref<8192xf32, #tpu.memory_space<vmem>>, vector<16xf32>,
    %swap3A_3363 = vector.shape_cast %swap3A_3362 : vector<16xf32> to vector<16xf32>
    %swap3A_3364 = vector.shape_cast %select_n3A_3360 : vector<16xf32> to vector<16xf32>
    tpu.vector_store %arg5[%swap3A_3361], %swap3A_3364 {strides = array<i32>} : memref<8192xf32, #tpu.memory_space<vmem>>, vector<16xf32>,
    %eq3A_3365 = vector.broadcast %add3A_3357 : i32 to vector<16xi32>
    %eq3A_3366 = arith.cmpi eq, %get3A_31, %eq3A_3365 : vector<16xi32>
    %select_n3A_3367 = arith.select %eq3A_3366, %broadcast_in_dim3A_3, %broadcast_in_dim3A_5 : vector<16xi1>, vector<16xf32>
    %swap3A_3368 = arith.constant 7552 : index
    %swap3A_3369 = tpu.vector_load %arg5[%swap3A_3368] {strides = array<i32>} : memref<8192xf32, #tpu.memory_space<vmem>>, vector<16xf32>,
    %swap3A_3370 = vector.shape_cast %swap3A_3369 : vector<16xf32> to vector<16xf32>
    %swap3A_3371 = vector.shape_cast %select_n3A_3367 : vector<16xf32> to vector<16xf32>
    tpu.vector_store %arg5[%swap3A_3368], %swap3A_3371 {strides = array<i32>} : memref<8192xf32, #tpu.memory_space<vmem>>, vector<16xf32>,
    %eq3A_3372 = vector.broadcast %add3A_3357 : i32 to vector<16xi32>
    %eq3A_3373 = arith.cmpi eq, %get3A_10, %eq3A_3372 : vector<16xi32>
    %select_n3A_3374 = arith.select %eq3A_3373, %broadcast_in_dim3A_3, %broadcast_in_dim3A_5 : vector<16xi1>, vector<16xf32>
    %swap3A_3375 = arith.constant 7440 : index
    %swap3A_3376 = tpu.vector_load %arg5[%swap3A_3375] {strides = array<i32>} : memref<8192xf32, #tpu.memory_space<vmem>>, vector<16xf32>,
    %swap3A_3377 = vector.shape_cast %swap3A_3376 : vector<16xf32> to vector<16xf32>
    %swap3A_3378 = vector.shape_cast %select_n3A_3374 : vector<16xf32> to vector<16xf32>
    tpu.vector_store %arg5[%swap3A_3375], %swap3A_3378 {strides = array<i32>} : memref<8192xf32, #tpu.memory_space<vmem>>, vector<16xf32>,
    %eq3A_3379 = vector.broadcast %add3A_3357 : i32 to vector<16xi32>
    %eq3A_3380 = arith.cmpi eq, %get3A_34, %eq3A_3379 : vector<16xi32>
    %select_n3A_3381 = arith.select %eq3A_3380, %broadcast_in_dim3A_3, %broadcast_in_dim3A_5 : vector<16xi1>, vector<16xf32>
    %swap3A_3382 = arith.constant 7568 : index
    %swap3A_3383 = tpu.vector_load %arg5[%swap3A_3382] {strides = array<i32>} : memref<8192xf32, #tpu.memory_space<vmem>>, vector<16xf32>,
    %swap3A_3384 = vector.shape_cast %swap3A_3383 : vector<16xf32> to vector<16xf32>
    %swap3A_3385 = vector.shape_cast %select_n3A_3381 : vector<16xf32> to vector<16xf32>
    tpu.vector_store %arg5[%swap3A_3382], %swap3A_3385 {strides = array<i32>} : memref<8192xf32, #tpu.memory_space<vmem>>, vector<16xf32>,
    %eq3A_3386 = vector.broadcast %add3A_3357 : i32 to vector<16xi32>
    %eq3A_3387 = arith.cmpi eq, %get3A_13, %eq3A_3386 : vector<16xi32>
    %select_n3A_3388 = arith.select %eq3A_3387, %broadcast_in_dim3A_3, %broadcast_in_dim3A_5 : vector<16xi1>, vector<16xf32>
    %swap3A_3389 = arith.constant 7456 : index
    %swap3A_3390 = tpu.vector_load %arg5[%swap3A_3389] {strides = array<i32>} : memref<8192xf32, #tpu.memory_space<vmem>>, vector<16xf32>,
    %swap3A_3391 = vector.shape_cast %swap3A_3390 : vector<16xf32> to vector<16xf32>
    %swap3A_3392 = vector.shape_cast %select_n3A_3388 : vector<16xf32> to vector<16xf32>
    tpu.vector_store %arg5[%swap3A_3389], %swap3A_3392 {strides = array<i32>} : memref<8192xf32, #tpu.memory_space<vmem>>, vector<16xf32>,
    %eq3A_3393 = vector.broadcast %add3A_3357 : i32 to vector<16xi32>
    %eq3A_3394 = arith.cmpi eq, %get3A_37, %eq3A_3393 : vector<16xi32>
    %select_n3A_3395 = arith.select %eq3A_3394, %broadcast_in_dim3A_3, %broadcast_in_dim3A_5 : vector<16xi1>, vector<16xf32>
    %swap3A_3396 = arith.constant 7584 : index
    %swap3A_3397 = tpu.vector_load %arg5[%swap3A_3396] {strides = array<i32>} : memref<8192xf32, #tpu.memory_space<vmem>>, vector<16xf32>,
    %swap3A_3398 = vector.shape_cast %swap3A_3397 : vector<16xf32> to vector<16xf32>
    %swap3A_3399 = vector.shape_cast %select_n3A_3395 : vector<16xf32> to vector<16xf32>
    tpu.vector_store %arg5[%swap3A_3396], %swap3A_3399 {strides = array<i32>} : memref<8192xf32, #tpu.memory_space<vmem>>, vector<16xf32>,
    %eq3A_3400 = vector.broadcast %add3A_3357 : i32 to vector<16xi32>
    %eq3A_3401 = arith.cmpi eq, %get3A_16, %eq3A_3400 : vector<16xi32>
    %select_n3A_3402 = arith.select %eq3A_3401, %broadcast_in_dim3A_3, %broadcast_in_dim3A_5 : vector<16xi1>, vector<16xf32>
    %swap3A_3403 = arith.constant 7472 : index
    %swap3A_3404 = tpu.vector_load %arg5[%swap3A_3403] {strides = array<i32>} : memref<8192xf32, #tpu.memory_space<vmem>>, vector<16xf32>,
    %swap3A_3405 = vector.shape_cast %swap3A_3404 : vector<16xf32> to vector<16xf32>
    %swap3A_3406 = vector.shape_cast %select_n3A_3402 : vector<16xf32> to vector<16xf32>
    tpu.vector_store %arg5[%swap3A_3403], %swap3A_3406 {strides = array<i32>} : memref<8192xf32, #tpu.memory_space<vmem>>, vector<16xf32>,
    %eq3A_3407 = vector.broadcast %add3A_3357 : i32 to vector<16xi32>
    %eq3A_3408 = arith.cmpi eq, %get3A_40, %eq3A_3407 : vector<16xi32>
    %select_n3A_3409 = arith.select %eq3A_3408, %broadcast_in_dim3A_3, %broadcast_in_dim3A_5 : vector<16xi1>, vector<16xf32>
    %swap3A_3410 = arith.constant 7600 : index
    %swap3A_3411 = tpu.vector_load %arg5[%swap3A_3410] {strides = array<i32>} : memref<8192xf32, #tpu.memory_space<vmem>>, vector<16xf32>,
    %swap3A_3412 = vector.shape_cast %swap3A_3411 : vector<16xf32> to vector<16xf32>
    %swap3A_3413 = vector.shape_cast %select_n3A_3409 : vector<16xf32> to vector<16xf32>
    tpu.vector_store %arg5[%swap3A_3410], %swap3A_3413 {strides = array<i32>} : memref<8192xf32, #tpu.memory_space<vmem>>, vector<16xf32>,
    %eq3A_3414 = vector.broadcast %add3A_3357 : i32 to vector<16xi32>
    %eq3A_3415 = arith.cmpi eq, %get3A_19, %eq3A_3414 : vector<16xi32>
    %select_n3A_3416 = arith.select %eq3A_3415, %broadcast_in_dim3A_3, %broadcast_in_dim3A_5 : vector<16xi1>, vector<16xf32>
    %swap3A_3417 = arith.constant 7488 : index
    %swap3A_3418 = tpu.vector_load %arg5[%swap3A_3417] {strides = array<i32>} : memref<8192xf32, #tpu.memory_space<vmem>>, vector<16xf32>,
    %swap3A_3419 = vector.shape_cast %swap3A_3418 : vector<16xf32> to vector<16xf32>
    %swap3A_3420 = vector.shape_cast %select_n3A_3416 : vector<16xf32> to vector<16xf32>
    tpu.vector_store %arg5[%swap3A_3417], %swap3A_3420 {strides = array<i32>} : memref<8192xf32, #tpu.memory_space<vmem>>, vector<16xf32>,
    %eq3A_3421 = vector.broadcast %add3A_3357 : i32 to vector<16xi32>
    %eq3A_3422 = arith.cmpi eq, %get3A_43, %eq3A_3421 : vector<16xi32>
    %select_n3A_3423 = arith.select %eq3A_3422, %broadcast_in_dim3A_3, %broadcast_in_dim3A_5 : vector<16xi1>, vector<16xf32>
    %swap3A_3424 = arith.constant 7616 : index
    %swap3A_3425 = tpu.vector_load %arg5[%swap3A_3424] {strides = array<i32>} : memref<8192xf32, #tpu.memory_space<vmem>>, vector<16xf32>,
    %swap3A_3426 = vector.shape_cast %swap3A_3425 : vector<16xf32> to vector<16xf32>
    %swap3A_3427 = vector.shape_cast %select_n3A_3423 : vector<16xf32> to vector<16xf32>
    tpu.vector_store %arg5[%swap3A_3424], %swap3A_3427 {strides = array<i32>} : memref<8192xf32, #tpu.memory_space<vmem>>, vector<16xf32>,
    %eq3A_3428 = vector.broadcast %add3A_3357 : i32 to vector<16xi32>
    %eq3A_3429 = arith.cmpi eq, %get3A_22, %eq3A_3428 : vector<16xi32>
    %select_n3A_3430 = arith.select %eq3A_3429, %broadcast_in_dim3A_3, %broadcast_in_dim3A_5 : vector<16xi1>, vector<16xf32>
    %swap3A_3431 = arith.constant 7504 : index
    %swap3A_3432 = tpu.vector_load %arg5[%swap3A_3431] {strides = array<i32>} : memref<8192xf32, #tpu.memory_space<vmem>>, vector<16xf32>,
    %swap3A_3433 = vector.shape_cast %swap3A_3432 : vector<16xf32> to vector<16xf32>
    %swap3A_3434 = vector.shape_cast %select_n3A_3430 : vector<16xf32> to vector<16xf32>
    tpu.vector_store %arg5[%swap3A_3431], %swap3A_3434 {strides = array<i32>} : memref<8192xf32, #tpu.memory_space<vmem>>, vector<16xf32>,
    %eq3A_3435 = vector.broadcast %add3A_3357 : i32 to vector<16xi32>
    %eq3A_3436 = arith.cmpi eq, %get3A_46, %eq3A_3435 : vector<16xi32>
    %select_n3A_3437 = arith.select %eq3A_3436, %broadcast_in_dim3A_3, %broadcast_in_dim3A_5 : vector<16xi1>, vector<16xf32>
    %swap3A_3438 = arith.constant 7632 : index
    %swap3A_3439 = tpu.vector_load %arg5[%swap3A_3438] {strides = array<i32>} : memref<8192xf32, #tpu.memory_space<vmem>>, vector<16xf32>,
    %swap3A_3440 = vector.shape_cast %swap3A_3439 : vector<16xf32> to vector<16xf32>
    %swap3A_3441 = vector.shape_cast %select_n3A_3437 : vector<16xf32> to vector<16xf32>
    tpu.vector_store %arg5[%swap3A_3438], %swap3A_3441 {strides = array<i32>} : memref<8192xf32, #tpu.memory_space<vmem>>, vector<16xf32>,
    %eq3A_3442 = vector.broadcast %add3A_3357 : i32 to vector<16xi32>
    %eq3A_3443 = arith.cmpi eq, %get3A_25, %eq3A_3442 : vector<16xi32>
    %select_n3A_3444 = arith.select %eq3A_3443, %broadcast_in_dim3A_3, %broadcast_in_dim3A_5 : vector<16xi1>, vector<16xf32>
    %swap3A_3445 = arith.constant 7520 : index
    %swap3A_3446 = tpu.vector_load %arg5[%swap3A_3445] {strides = array<i32>} : memref<8192xf32, #tpu.memory_space<vmem>>, vector<16xf32>,
    %swap3A_3447 = vector.shape_cast %swap3A_3446 : vector<16xf32> to vector<16xf32>
    %swap3A_3448 = vector.shape_cast %select_n3A_3444 : vector<16xf32> to vector<16xf32>
    tpu.vector_store %arg5[%swap3A_3445], %swap3A_3448 {strides = array<i32>} : memref<8192xf32, #tpu.memory_space<vmem>>, vector<16xf32>,
    %eq3A_3449 = vector.broadcast %add3A_3357 : i32 to vector<16xi32>
    %eq3A_3450 = arith.cmpi eq, %get3A_49, %eq3A_3449 : vector<16xi32>
    %select_n3A_3451 = arith.select %eq3A_3450, %broadcast_in_dim3A_3, %broadcast_in_dim3A_5 : vector<16xi1>, vector<16xf32>
    %swap3A_3452 = arith.constant 7648 : index
    %swap3A_3453 = tpu.vector_load %arg5[%swap3A_3452] {strides = array<i32>} : memref<8192xf32, #tpu.memory_space<vmem>>, vector<16xf32>,
    %swap3A_3454 = vector.shape_cast %swap3A_3453 : vector<16xf32> to vector<16xf32>
    %swap3A_3455 = vector.shape_cast %select_n3A_3451 : vector<16xf32> to vector<16xf32>
    tpu.vector_store %arg5[%swap3A_3452], %swap3A_3455 {strides = array<i32>} : memref<8192xf32, #tpu.memory_space<vmem>>, vector<16xf32>,
    %eq3A_3456 = vector.broadcast %add3A_3357 : i32 to vector<16xi32>
    %eq3A_3457 = arith.cmpi eq, %get3A_28, %eq3A_3456 : vector<16xi32>
    %select_n3A_3458 = arith.select %eq3A_3457, %broadcast_in_dim3A_3, %broadcast_in_dim3A_5 : vector<16xi1>, vector<16xf32>
    %swap3A_3459 = arith.constant 7536 : index
    %swap3A_3460 = tpu.vector_load %arg5[%swap3A_3459] {strides = array<i32>} : memref<8192xf32, #tpu.memory_space<vmem>>, vector<16xf32>,
    %swap3A_3461 = vector.shape_cast %swap3A_3460 : vector<16xf32> to vector<16xf32>
    %swap3A_3462 = vector.shape_cast %select_n3A_3458 : vector<16xf32> to vector<16xf32>
    tpu.vector_store %arg5[%swap3A_3459], %swap3A_3462 {strides = array<i32>} : memref<8192xf32, #tpu.memory_space<vmem>>, vector<16xf32>,
    %eq3A_3463 = vector.broadcast %add3A_3357 : i32 to vector<16xi32>
    %eq3A_3464 = arith.cmpi eq, %get3A_52, %eq3A_3463 : vector<16xi32>
    %select_n3A_3465 = arith.select %eq3A_3464, %broadcast_in_dim3A_3, %broadcast_in_dim3A_5 : vector<16xi1>, vector<16xf32>
    %swap3A_3466 = arith.constant 7664 : index
    %swap3A_3467 = tpu.vector_load %arg5[%swap3A_3466] {strides = array<i32>} : memref<8192xf32, #tpu.memory_space<vmem>>, vector<16xf32>,
    %swap3A_3468 = vector.shape_cast %swap3A_3467 : vector<16xf32> to vector<16xf32>
    %swap3A_3469 = vector.shape_cast %select_n3A_3465 : vector<16xf32> to vector<16xf32>
    tpu.vector_store %arg5[%swap3A_3466], %swap3A_3469 {strides = array<i32>} : memref<8192xf32, #tpu.memory_space<vmem>>, vector<16xf32>,
    %add3A_3470 = arith.constant 30 : i32
    %add3A_3471 = arith.addi %mul3A_2, %add3A_3470 : i32
    %eq3A_3472 = vector.broadcast %add3A_3471 : i32 to vector<16xi32>
    %eq3A_3473 = arith.cmpi eq, %get3A_7, %eq3A_3472 : vector<16xi32>
    %select_n3A_3474 = arith.select %eq3A_3473, %broadcast_in_dim3A_3, %broadcast_in_dim3A_5 : vector<16xi1>, vector<16xf32>
    %swap3A_3475 = arith.constant 7680 : index
    %swap3A_3476 = tpu.vector_load %arg5[%swap3A_3475] {strides = array<i32>} : memref<8192xf32, #tpu.memory_space<vmem>>, vector<16xf32>,
    %swap3A_3477 = vector.shape_cast %swap3A_3476 : vector<16xf32> to vector<16xf32>
    %swap3A_3478 = vector.shape_cast %select_n3A_3474 : vector<16xf32> to vector<16xf32>
    tpu.vector_store %arg5[%swap3A_3475], %swap3A_3478 {strides = array<i32>} : memref<8192xf32, #tpu.memory_space<vmem>>, vector<16xf32>,
    %eq3A_3479 = vector.broadcast %add3A_3471 : i32 to vector<16xi32>
    %eq3A_3480 = arith.cmpi eq, %get3A_31, %eq3A_3479 : vector<16xi32>
    %select_n3A_3481 = arith.select %eq3A_3480, %broadcast_in_dim3A_3, %broadcast_in_dim3A_5 : vector<16xi1>, vector<16xf32>
    %swap3A_3482 = arith.constant 7808 : index
    %swap3A_3483 = tpu.vector_load %arg5[%swap3A_3482] {strides = array<i32>} : memref<8192xf32, #tpu.memory_space<vmem>>, vector<16xf32>,
    %swap3A_3484 = vector.shape_cast %swap3A_3483 : vector<16xf32> to vector<16xf32>
    %swap3A_3485 = vector.shape_cast %select_n3A_3481 : vector<16xf32> to vector<16xf32>
    tpu.vector_store %arg5[%swap3A_3482], %swap3A_3485 {strides = array<i32>} : memref<8192xf32, #tpu.memory_space<vmem>>, vector<16xf32>,
    %eq3A_3486 = vector.broadcast %add3A_3471 : i32 to vector<16xi32>
    %eq3A_3487 = arith.cmpi eq, %get3A_10, %eq3A_3486 : vector<16xi32>
    %select_n3A_3488 = arith.select %eq3A_3487, %broadcast_in_dim3A_3, %broadcast_in_dim3A_5 : vector<16xi1>, vector<16xf32>
    %swap3A_3489 = arith.constant 7696 : index
    %swap3A_3490 = tpu.vector_load %arg5[%swap3A_3489] {strides = array<i32>} : memref<8192xf32, #tpu.memory_space<vmem>>, vector<16xf32>,
    %swap3A_3491 = vector.shape_cast %swap3A_3490 : vector<16xf32> to vector<16xf32>
    %swap3A_3492 = vector.shape_cast %select_n3A_3488 : vector<16xf32> to vector<16xf32>
    tpu.vector_store %arg5[%swap3A_3489], %swap3A_3492 {strides = array<i32>} : memref<8192xf32, #tpu.memory_space<vmem>>, vector<16xf32>,
    %eq3A_3493 = vector.broadcast %add3A_3471 : i32 to vector<16xi32>
    %eq3A_3494 = arith.cmpi eq, %get3A_34, %eq3A_3493 : vector<16xi32>
    %select_n3A_3495 = arith.select %eq3A_3494, %broadcast_in_dim3A_3, %broadcast_in_dim3A_5 : vector<16xi1>, vector<16xf32>
    %swap3A_3496 = arith.constant 7824 : index
    %swap3A_3497 = tpu.vector_load %arg5[%swap3A_3496] {strides = array<i32>} : memref<8192xf32, #tpu.memory_space<vmem>>, vector<16xf32>,
    %swap3A_3498 = vector.shape_cast %swap3A_3497 : vector<16xf32> to vector<16xf32>
    %swap3A_3499 = vector.shape_cast %select_n3A_3495 : vector<16xf32> to vector<16xf32>
    tpu.vector_store %arg5[%swap3A_3496], %swap3A_3499 {strides = array<i32>} : memref<8192xf32, #tpu.memory_space<vmem>>, vector<16xf32>,
    %eq3A_3500 = vector.broadcast %add3A_3471 : i32 to vector<16xi32>
    %eq3A_3501 = arith.cmpi eq, %get3A_13, %eq3A_3500 : vector<16xi32>
    %select_n3A_3502 = arith.select %eq3A_3501, %broadcast_in_dim3A_3, %broadcast_in_dim3A_5 : vector<16xi1>, vector<16xf32>
    %swap3A_3503 = arith.constant 7712 : index
    %swap3A_3504 = tpu.vector_load %arg5[%swap3A_3503] {strides = array<i32>} : memref<8192xf32, #tpu.memory_space<vmem>>, vector<16xf32>,
    %swap3A_3505 = vector.shape_cast %swap3A_3504 : vector<16xf32> to vector<16xf32>
    %swap3A_3506 = vector.shape_cast %select_n3A_3502 : vector<16xf32> to vector<16xf32>
    tpu.vector_store %arg5[%swap3A_3503], %swap3A_3506 {strides = array<i32>} : memref<8192xf32, #tpu.memory_space<vmem>>, vector<16xf32>,
    %eq3A_3507 = vector.broadcast %add3A_3471 : i32 to vector<16xi32>
    %eq3A_3508 = arith.cmpi eq, %get3A_37, %eq3A_3507 : vector<16xi32>
    %select_n3A_3509 = arith.select %eq3A_3508, %broadcast_in_dim3A_3, %broadcast_in_dim3A_5 : vector<16xi1>, vector<16xf32>
    %swap3A_3510 = arith.constant 7840 : index
    %swap3A_3511 = tpu.vector_load %arg5[%swap3A_3510] {strides = array<i32>} : memref<8192xf32, #tpu.memory_space<vmem>>, vector<16xf32>,
    %swap3A_3512 = vector.shape_cast %swap3A_3511 : vector<16xf32> to vector<16xf32>
    %swap3A_3513 = vector.shape_cast %select_n3A_3509 : vector<16xf32> to vector<16xf32>
    tpu.vector_store %arg5[%swap3A_3510], %swap3A_3513 {strides = array<i32>} : memref<8192xf32, #tpu.memory_space<vmem>>, vector<16xf32>,
    %eq3A_3514 = vector.broadcast %add3A_3471 : i32 to vector<16xi32>
    %eq3A_3515 = arith.cmpi eq, %get3A_16, %eq3A_3514 : vector<16xi32>
    %select_n3A_3516 = arith.select %eq3A_3515, %broadcast_in_dim3A_3, %broadcast_in_dim3A_5 : vector<16xi1>, vector<16xf32>
    %swap3A_3517 = arith.constant 7728 : index
    %swap3A_3518 = tpu.vector_load %arg5[%swap3A_3517] {strides = array<i32>} : memref<8192xf32, #tpu.memory_space<vmem>>, vector<16xf32>,
    %swap3A_3519 = vector.shape_cast %swap3A_3518 : vector<16xf32> to vector<16xf32>
    %swap3A_3520 = vector.shape_cast %select_n3A_3516 : vector<16xf32> to vector<16xf32>
    tpu.vector_store %arg5[%swap3A_3517], %swap3A_3520 {strides = array<i32>} : memref<8192xf32, #tpu.memory_space<vmem>>, vector<16xf32>,
    %eq3A_3521 = vector.broadcast %add3A_3471 : i32 to vector<16xi32>
    %eq3A_3522 = arith.cmpi eq, %get3A_40, %eq3A_3521 : vector<16xi32>
    %select_n3A_3523 = arith.select %eq3A_3522, %broadcast_in_dim3A_3, %broadcast_in_dim3A_5 : vector<16xi1>, vector<16xf32>
    %swap3A_3524 = arith.constant 7856 : index
    %swap3A_3525 = tpu.vector_load %arg5[%swap3A_3524] {strides = array<i32>} : memref<8192xf32, #tpu.memory_space<vmem>>, vector<16xf32>,
    %swap3A_3526 = vector.shape_cast %swap3A_3525 : vector<16xf32> to vector<16xf32>
    %swap3A_3527 = vector.shape_cast %select_n3A_3523 : vector<16xf32> to vector<16xf32>
    tpu.vector_store %arg5[%swap3A_3524], %swap3A_3527 {strides = array<i32>} : memref<8192xf32, #tpu.memory_space<vmem>>, vector<16xf32>,
    %eq3A_3528 = vector.broadcast %add3A_3471 : i32 to vector<16xi32>
    %eq3A_3529 = arith.cmpi eq, %get3A_19, %eq3A_3528 : vector<16xi32>
    %select_n3A_3530 = arith.select %eq3A_3529, %broadcast_in_dim3A_3, %broadcast_in_dim3A_5 : vector<16xi1>, vector<16xf32>
    %swap3A_3531 = arith.constant 7744 : index
    %swap3A_3532 = tpu.vector_load %arg5[%swap3A_3531] {strides = array<i32>} : memref<8192xf32, #tpu.memory_space<vmem>>, vector<16xf32>,
    %swap3A_3533 = vector.shape_cast %swap3A_3532 : vector<16xf32> to vector<16xf32>
    %swap3A_3534 = vector.shape_cast %select_n3A_3530 : vector<16xf32> to vector<16xf32>
    tpu.vector_store %arg5[%swap3A_3531], %swap3A_3534 {strides = array<i32>} : memref<8192xf32, #tpu.memory_space<vmem>>, vector<16xf32>,
    %eq3A_3535 = vector.broadcast %add3A_3471 : i32 to vector<16xi32>
    %eq3A_3536 = arith.cmpi eq, %get3A_43, %eq3A_3535 : vector<16xi32>
    %select_n3A_3537 = arith.select %eq3A_3536, %broadcast_in_dim3A_3, %broadcast_in_dim3A_5 : vector<16xi1>, vector<16xf32>
    %swap3A_3538 = arith.constant 7872 : index
    %swap3A_3539 = tpu.vector_load %arg5[%swap3A_3538] {strides = array<i32>} : memref<8192xf32, #tpu.memory_space<vmem>>, vector<16xf32>,
    %swap3A_3540 = vector.shape_cast %swap3A_3539 : vector<16xf32> to vector<16xf32>
    %swap3A_3541 = vector.shape_cast %select_n3A_3537 : vector<16xf32> to vector<16xf32>
    tpu.vector_store %arg5[%swap3A_3538], %swap3A_3541 {strides = array<i32>} : memref<8192xf32, #tpu.memory_space<vmem>>, vector<16xf32>,
    %eq3A_3542 = vector.broadcast %add3A_3471 : i32 to vector<16xi32>
    %eq3A_3543 = arith.cmpi eq, %get3A_22, %eq3A_3542 : vector<16xi32>
    %select_n3A_3544 = arith.select %eq3A_3543, %broadcast_in_dim3A_3, %broadcast_in_dim3A_5 : vector<16xi1>, vector<16xf32>
    %swap3A_3545 = arith.constant 7760 : index
    %swap3A_3546 = tpu.vector_load %arg5[%swap3A_3545] {strides = array<i32>} : memref<8192xf32, #tpu.memory_space<vmem>>, vector<16xf32>,
    %swap3A_3547 = vector.shape_cast %swap3A_3546 : vector<16xf32> to vector<16xf32>
    %swap3A_3548 = vector.shape_cast %select_n3A_3544 : vector<16xf32> to vector<16xf32>
    tpu.vector_store %arg5[%swap3A_3545], %swap3A_3548 {strides = array<i32>} : memref<8192xf32, #tpu.memory_space<vmem>>, vector<16xf32>,
    %eq3A_3549 = vector.broadcast %add3A_3471 : i32 to vector<16xi32>
    %eq3A_3550 = arith.cmpi eq, %get3A_46, %eq3A_3549 : vector<16xi32>
    %select_n3A_3551 = arith.select %eq3A_3550, %broadcast_in_dim3A_3, %broadcast_in_dim3A_5 : vector<16xi1>, vector<16xf32>
    %swap3A_3552 = arith.constant 7888 : index
    %swap3A_3553 = tpu.vector_load %arg5[%swap3A_3552] {strides = array<i32>} : memref<8192xf32, #tpu.memory_space<vmem>>, vector<16xf32>,
    %swap3A_3554 = vector.shape_cast %swap3A_3553 : vector<16xf32> to vector<16xf32>
    %swap3A_3555 = vector.shape_cast %select_n3A_3551 : vector<16xf32> to vector<16xf32>
    tpu.vector_store %arg5[%swap3A_3552], %swap3A_3555 {strides = array<i32>} : memref<8192xf32, #tpu.memory_space<vmem>>, vector<16xf32>,
    %eq3A_3556 = vector.broadcast %add3A_3471 : i32 to vector<16xi32>
    %eq3A_3557 = arith.cmpi eq, %get3A_25, %eq3A_3556 : vector<16xi32>
    %select_n3A_3558 = arith.select %eq3A_3557, %broadcast_in_dim3A_3, %broadcast_in_dim3A_5 : vector<16xi1>, vector<16xf32>
    %swap3A_3559 = arith.constant 7776 : index
    %swap3A_3560 = tpu.vector_load %arg5[%swap3A_3559] {strides = array<i32>} : memref<8192xf32, #tpu.memory_space<vmem>>, vector<16xf32>,
    %swap3A_3561 = vector.shape_cast %swap3A_3560 : vector<16xf32> to vector<16xf32>
    %swap3A_3562 = vector.shape_cast %select_n3A_3558 : vector<16xf32> to vector<16xf32>
    tpu.vector_store %arg5[%swap3A_3559], %swap3A_3562 {strides = array<i32>} : memref<8192xf32, #tpu.memory_space<vmem>>, vector<16xf32>,
    %eq3A_3563 = vector.broadcast %add3A_3471 : i32 to vector<16xi32>
    %eq3A_3564 = arith.cmpi eq, %get3A_49, %eq3A_3563 : vector<16xi32>
    %select_n3A_3565 = arith.select %eq3A_3564, %broadcast_in_dim3A_3, %broadcast_in_dim3A_5 : vector<16xi1>, vector<16xf32>
    %swap3A_3566 = arith.constant 7904 : index
    %swap3A_3567 = tpu.vector_load %arg5[%swap3A_3566] {strides = array<i32>} : memref<8192xf32, #tpu.memory_space<vmem>>, vector<16xf32>,
    %swap3A_3568 = vector.shape_cast %swap3A_3567 : vector<16xf32> to vector<16xf32>
    %swap3A_3569 = vector.shape_cast %select_n3A_3565 : vector<16xf32> to vector<16xf32>
    tpu.vector_store %arg5[%swap3A_3566], %swap3A_3569 {strides = array<i32>} : memref<8192xf32, #tpu.memory_space<vmem>>, vector<16xf32>,
    %eq3A_3570 = vector.broadcast %add3A_3471 : i32 to vector<16xi32>
    %eq3A_3571 = arith.cmpi eq, %get3A_28, %eq3A_3570 : vector<16xi32>
    %select_n3A_3572 = arith.select %eq3A_3571, %broadcast_in_dim3A_3, %broadcast_in_dim3A_5 : vector<16xi1>, vector<16xf32>
    %swap3A_3573 = arith.constant 7792 : index
    %swap3A_3574 = tpu.vector_load %arg5[%swap3A_3573] {strides = array<i32>} : memref<8192xf32, #tpu.memory_space<vmem>>, vector<16xf32>,
    %swap3A_3575 = vector.shape_cast %swap3A_3574 : vector<16xf32> to vector<16xf32>
    %swap3A_3576 = vector.shape_cast %select_n3A_3572 : vector<16xf32> to vector<16xf32>
    tpu.vector_store %arg5[%swap3A_3573], %swap3A_3576 {strides = array<i32>} : memref<8192xf32, #tpu.memory_space<vmem>>, vector<16xf32>,
    %eq3A_3577 = vector.broadcast %add3A_3471 : i32 to vector<16xi32>
    %eq3A_3578 = arith.cmpi eq, %get3A_52, %eq3A_3577 : vector<16xi32>
    %select_n3A_3579 = arith.select %eq3A_3578, %broadcast_in_dim3A_3, %broadcast_in_dim3A_5 : vector<16xi1>, vector<16xf32>
    %swap3A_3580 = arith.constant 7920 : index
    %swap3A_3581 = tpu.vector_load %arg5[%swap3A_3580] {strides = array<i32>} : memref<8192xf32, #tpu.memory_space<vmem>>, vector<16xf32>,
    %swap3A_3582 = vector.shape_cast %swap3A_3581 : vector<16xf32> to vector<16xf32>
    %swap3A_3583 = vector.shape_cast %select_n3A_3579 : vector<16xf32> to vector<16xf32>
    tpu.vector_store %arg5[%swap3A_3580], %swap3A_3583 {strides = array<i32>} : memref<8192xf32, #tpu.memory_space<vmem>>, vector<16xf32>,
    %add3A_3584 = arith.constant 31 : i32
    %add3A_3585 = arith.addi %mul3A_2, %add3A_3584 : i32
    %eq3A_3586 = vector.broadcast %add3A_3585 : i32 to vector<16xi32>
    %eq3A_3587 = arith.cmpi eq, %get3A_7, %eq3A_3586 : vector<16xi32>
    %select_n3A_3588 = arith.select %eq3A_3587, %broadcast_in_dim3A_3, %broadcast_in_dim3A_5 : vector<16xi1>, vector<16xf32>
    %swap3A_3589 = arith.constant 7936 : index
    %swap3A_3590 = tpu.vector_load %arg5[%swap3A_3589] {strides = array<i32>} : memref<8192xf32, #tpu.memory_space<vmem>>, vector<16xf32>,
    %swap3A_3591 = vector.shape_cast %swap3A_3590 : vector<16xf32> to vector<16xf32>
    %swap3A_3592 = vector.shape_cast %select_n3A_3588 : vector<16xf32> to vector<16xf32>
    tpu.vector_store %arg5[%swap3A_3589], %swap3A_3592 {strides = array<i32>} : memref<8192xf32, #tpu.memory_space<vmem>>, vector<16xf32>,
    %eq3A_3593 = vector.broadcast %add3A_3585 : i32 to vector<16xi32>
    %eq3A_3594 = arith.cmpi eq, %get3A_31, %eq3A_3593 : vector<16xi32>
    %select_n3A_3595 = arith.select %eq3A_3594, %broadcast_in_dim3A_3, %broadcast_in_dim3A_5 : vector<16xi1>, vector<16xf32>
    %swap3A_3596 = arith.constant 8064 : index
    %swap3A_3597 = tpu.vector_load %arg5[%swap3A_3596] {strides = array<i32>} : memref<8192xf32, #tpu.memory_space<vmem>>, vector<16xf32>,
    %swap3A_3598 = vector.shape_cast %swap3A_3597 : vector<16xf32> to vector<16xf32>
    %swap3A_3599 = vector.shape_cast %select_n3A_3595 : vector<16xf32> to vector<16xf32>
    tpu.vector_store %arg5[%swap3A_3596], %swap3A_3599 {strides = array<i32>} : memref<8192xf32, #tpu.memory_space<vmem>>, vector<16xf32>,
    %eq3A_3600 = vector.broadcast %add3A_3585 : i32 to vector<16xi32>
    %eq3A_3601 = arith.cmpi eq, %get3A_10, %eq3A_3600 : vector<16xi32>
    %select_n3A_3602 = arith.select %eq3A_3601, %broadcast_in_dim3A_3, %broadcast_in_dim3A_5 : vector<16xi1>, vector<16xf32>
    %swap3A_3603 = arith.constant 7952 : index
    %swap3A_3604 = tpu.vector_load %arg5[%swap3A_3603] {strides = array<i32>} : memref<8192xf32, #tpu.memory_space<vmem>>, vector<16xf32>,
    %swap3A_3605 = vector.shape_cast %swap3A_3604 : vector<16xf32> to vector<16xf32>
    %swap3A_3606 = vector.shape_cast %select_n3A_3602 : vector<16xf32> to vector<16xf32>
    tpu.vector_store %arg5[%swap3A_3603], %swap3A_3606 {strides = array<i32>} : memref<8192xf32, #tpu.memory_space<vmem>>, vector<16xf32>,
    %eq3A_3607 = vector.broadcast %add3A_3585 : i32 to vector<16xi32>
    %eq3A_3608 = arith.cmpi eq, %get3A_34, %eq3A_3607 : vector<16xi32>
    %select_n3A_3609 = arith.select %eq3A_3608, %broadcast_in_dim3A_3, %broadcast_in_dim3A_5 : vector<16xi1>, vector<16xf32>
    %swap3A_3610 = arith.constant 8080 : index
    %swap3A_3611 = tpu.vector_load %arg5[%swap3A_3610] {strides = array<i32>} : memref<8192xf32, #tpu.memory_space<vmem>>, vector<16xf32>,
    %swap3A_3612 = vector.shape_cast %swap3A_3611 : vector<16xf32> to vector<16xf32>
    %swap3A_3613 = vector.shape_cast %select_n3A_3609 : vector<16xf32> to vector<16xf32>
    tpu.vector_store %arg5[%swap3A_3610], %swap3A_3613 {strides = array<i32>} : memref<8192xf32, #tpu.memory_space<vmem>>, vector<16xf32>,
    %eq3A_3614 = vector.broadcast %add3A_3585 : i32 to vector<16xi32>
    %eq3A_3615 = arith.cmpi eq, %get3A_13, %eq3A_3614 : vector<16xi32>
    %select_n3A_3616 = arith.select %eq3A_3615, %broadcast_in_dim3A_3, %broadcast_in_dim3A_5 : vector<16xi1>, vector<16xf32>
    %swap3A_3617 = arith.constant 7968 : index
    %swap3A_3618 = tpu.vector_load %arg5[%swap3A_3617] {strides = array<i32>} : memref<8192xf32, #tpu.memory_space<vmem>>, vector<16xf32>,
    %swap3A_3619 = vector.shape_cast %swap3A_3618 : vector<16xf32> to vector<16xf32>
    %swap3A_3620 = vector.shape_cast %select_n3A_3616 : vector<16xf32> to vector<16xf32>
    tpu.vector_store %arg5[%swap3A_3617], %swap3A_3620 {strides = array<i32>} : memref<8192xf32, #tpu.memory_space<vmem>>, vector<16xf32>,
    %eq3A_3621 = vector.broadcast %add3A_3585 : i32 to vector<16xi32>
    %eq3A_3622 = arith.cmpi eq, %get3A_37, %eq3A_3621 : vector<16xi32>
    %select_n3A_3623 = arith.select %eq3A_3622, %broadcast_in_dim3A_3, %broadcast_in_dim3A_5 : vector<16xi1>, vector<16xf32>
    %swap3A_3624 = arith.constant 8096 : index
    %swap3A_3625 = tpu.vector_load %arg5[%swap3A_3624] {strides = array<i32>} : memref<8192xf32, #tpu.memory_space<vmem>>, vector<16xf32>,
    %swap3A_3626 = vector.shape_cast %swap3A_3625 : vector<16xf32> to vector<16xf32>
    %swap3A_3627 = vector.shape_cast %select_n3A_3623 : vector<16xf32> to vector<16xf32>
    tpu.vector_store %arg5[%swap3A_3624], %swap3A_3627 {strides = array<i32>} : memref<8192xf32, #tpu.memory_space<vmem>>, vector<16xf32>,
    %eq3A_3628 = vector.broadcast %add3A_3585 : i32 to vector<16xi32>
    %eq3A_3629 = arith.cmpi eq, %get3A_16, %eq3A_3628 : vector<16xi32>
    %select_n3A_3630 = arith.select %eq3A_3629, %broadcast_in_dim3A_3, %broadcast_in_dim3A_5 : vector<16xi1>, vector<16xf32>
    %swap3A_3631 = arith.constant 7984 : index
    %swap3A_3632 = tpu.vector_load %arg5[%swap3A_3631] {strides = array<i32>} : memref<8192xf32, #tpu.memory_space<vmem>>, vector<16xf32>,
    %swap3A_3633 = vector.shape_cast %swap3A_3632 : vector<16xf32> to vector<16xf32>
    %swap3A_3634 = vector.shape_cast %select_n3A_3630 : vector<16xf32> to vector<16xf32>
    tpu.vector_store %arg5[%swap3A_3631], %swap3A_3634 {strides = array<i32>} : memref<8192xf32, #tpu.memory_space<vmem>>, vector<16xf32>,
    %eq3A_3635 = vector.broadcast %add3A_3585 : i32 to vector<16xi32>
    %eq3A_3636 = arith.cmpi eq, %get3A_40, %eq3A_3635 : vector<16xi32>
    %select_n3A_3637 = arith.select %eq3A_3636, %broadcast_in_dim3A_3, %broadcast_in_dim3A_5 : vector<16xi1>, vector<16xf32>
    %swap3A_3638 = arith.constant 8112 : index
    %swap3A_3639 = tpu.vector_load %arg5[%swap3A_3638] {strides = array<i32>} : memref<8192xf32, #tpu.memory_space<vmem>>, vector<16xf32>,
    %swap3A_3640 = vector.shape_cast %swap3A_3639 : vector<16xf32> to vector<16xf32>
    %swap3A_3641 = vector.shape_cast %select_n3A_3637 : vector<16xf32> to vector<16xf32>
    tpu.vector_store %arg5[%swap3A_3638], %swap3A_3641 {strides = array<i32>} : memref<8192xf32, #tpu.memory_space<vmem>>, vector<16xf32>,
    %eq3A_3642 = vector.broadcast %add3A_3585 : i32 to vector<16xi32>
    %eq3A_3643 = arith.cmpi eq, %get3A_19, %eq3A_3642 : vector<16xi32>
    %select_n3A_3644 = arith.select %eq3A_3643, %broadcast_in_dim3A_3, %broadcast_in_dim3A_5 : vector<16xi1>, vector<16xf32>
    %swap3A_3645 = arith.constant 8000 : index
    %swap3A_3646 = tpu.vector_load %arg5[%swap3A_3645] {strides = array<i32>} : memref<8192xf32, #tpu.memory_space<vmem>>, vector<16xf32>,
    %swap3A_3647 = vector.shape_cast %swap3A_3646 : vector<16xf32> to vector<16xf32>
    %swap3A_3648 = vector.shape_cast %select_n3A_3644 : vector<16xf32> to vector<16xf32>
    tpu.vector_store %arg5[%swap3A_3645], %swap3A_3648 {strides = array<i32>} : memref<8192xf32, #tpu.memory_space<vmem>>, vector<16xf32>,
    %eq3A_3649 = vector.broadcast %add3A_3585 : i32 to vector<16xi32>
    %eq3A_3650 = arith.cmpi eq, %get3A_43, %eq3A_3649 : vector<16xi32>
    %select_n3A_3651 = arith.select %eq3A_3650, %broadcast_in_dim3A_3, %broadcast_in_dim3A_5 : vector<16xi1>, vector<16xf32>
    %swap3A_3652 = arith.constant 8128 : index
    %swap3A_3653 = tpu.vector_load %arg5[%swap3A_3652] {strides = array<i32>} : memref<8192xf32, #tpu.memory_space<vmem>>, vector<16xf32>,
    %swap3A_3654 = vector.shape_cast %swap3A_3653 : vector<16xf32> to vector<16xf32>
    %swap3A_3655 = vector.shape_cast %select_n3A_3651 : vector<16xf32> to vector<16xf32>
    tpu.vector_store %arg5[%swap3A_3652], %swap3A_3655 {strides = array<i32>} : memref<8192xf32, #tpu.memory_space<vmem>>, vector<16xf32>,
    %eq3A_3656 = vector.broadcast %add3A_3585 : i32 to vector<16xi32>
    %eq3A_3657 = arith.cmpi eq, %get3A_22, %eq3A_3656 : vector<16xi32>
    %select_n3A_3658 = arith.select %eq3A_3657, %broadcast_in_dim3A_3, %broadcast_in_dim3A_5 : vector<16xi1>, vector<16xf32>
    %swap3A_3659 = arith.constant 8016 : index
    %swap3A_3660 = tpu.vector_load %arg5[%swap3A_3659] {strides = array<i32>} : memref<8192xf32, #tpu.memory_space<vmem>>, vector<16xf32>,
    %swap3A_3661 = vector.shape_cast %swap3A_3660 : vector<16xf32> to vector<16xf32>
    %swap3A_3662 = vector.shape_cast %select_n3A_3658 : vector<16xf32> to vector<16xf32>
    tpu.vector_store %arg5[%swap3A_3659], %swap3A_3662 {strides = array<i32>} : memref<8192xf32, #tpu.memory_space<vmem>>, vector<16xf32>,
    %eq3A_3663 = vector.broadcast %add3A_3585 : i32 to vector<16xi32>
    %eq3A_3664 = arith.cmpi eq, %get3A_46, %eq3A_3663 : vector<16xi32>
    %select_n3A_3665 = arith.select %eq3A_3664, %broadcast_in_dim3A_3, %broadcast_in_dim3A_5 : vector<16xi1>, vector<16xf32>
    %swap3A_3666 = arith.constant 8144 : index
    %swap3A_3667 = tpu.vector_load %arg5[%swap3A_3666] {strides = array<i32>} : memref<8192xf32, #tpu.memory_space<vmem>>, vector<16xf32>,
    %swap3A_3668 = vector.shape_cast %swap3A_3667 : vector<16xf32> to vector<16xf32>
    %swap3A_3669 = vector.shape_cast %select_n3A_3665 : vector<16xf32> to vector<16xf32>
    tpu.vector_store %arg5[%swap3A_3666], %swap3A_3669 {strides = array<i32>} : memref<8192xf32, #tpu.memory_space<vmem>>, vector<16xf32>,
    %eq3A_3670 = vector.broadcast %add3A_3585 : i32 to vector<16xi32>
    %eq3A_3671 = arith.cmpi eq, %get3A_25, %eq3A_3670 : vector<16xi32>
    %select_n3A_3672 = arith.select %eq3A_3671, %broadcast_in_dim3A_3, %broadcast_in_dim3A_5 : vector<16xi1>, vector<16xf32>
    %swap3A_3673 = arith.constant 8032 : index
    %swap3A_3674 = tpu.vector_load %arg5[%swap3A_3673] {strides = array<i32>} : memref<8192xf32, #tpu.memory_space<vmem>>, vector<16xf32>,
    %swap3A_3675 = vector.shape_cast %swap3A_3674 : vector<16xf32> to vector<16xf32>
    %swap3A_3676 = vector.shape_cast %select_n3A_3672 : vector<16xf32> to vector<16xf32>
    tpu.vector_store %arg5[%swap3A_3673], %swap3A_3676 {strides = array<i32>} : memref<8192xf32, #tpu.memory_space<vmem>>, vector<16xf32>,
    %eq3A_3677 = vector.broadcast %add3A_3585 : i32 to vector<16xi32>
    %eq3A_3678 = arith.cmpi eq, %get3A_49, %eq3A_3677 : vector<16xi32>
    %select_n3A_3679 = arith.select %eq3A_3678, %broadcast_in_dim3A_3, %broadcast_in_dim3A_5 : vector<16xi1>, vector<16xf32>
    %swap3A_3680 = arith.constant 8160 : index
    %swap3A_3681 = tpu.vector_load %arg5[%swap3A_3680] {strides = array<i32>} : memref<8192xf32, #tpu.memory_space<vmem>>, vector<16xf32>,
    %swap3A_3682 = vector.shape_cast %swap3A_3681 : vector<16xf32> to vector<16xf32>
    %swap3A_3683 = vector.shape_cast %select_n3A_3679 : vector<16xf32> to vector<16xf32>
    tpu.vector_store %arg5[%swap3A_3680], %swap3A_3683 {strides = array<i32>} : memref<8192xf32, #tpu.memory_space<vmem>>, vector<16xf32>,
    %eq3A_3684 = vector.broadcast %add3A_3585 : i32 to vector<16xi32>
    %eq3A_3685 = arith.cmpi eq, %get3A_28, %eq3A_3684 : vector<16xi32>
    %select_n3A_3686 = arith.select %eq3A_3685, %broadcast_in_dim3A_3, %broadcast_in_dim3A_5 : vector<16xi1>, vector<16xf32>
    %swap3A_3687 = arith.constant 8048 : index
    %swap3A_3688 = tpu.vector_load %arg5[%swap3A_3687] {strides = array<i32>} : memref<8192xf32, #tpu.memory_space<vmem>>, vector<16xf32>,
    %swap3A_3689 = vector.shape_cast %swap3A_3688 : vector<16xf32> to vector<16xf32>
    %swap3A_3690 = vector.shape_cast %select_n3A_3686 : vector<16xf32> to vector<16xf32>
    tpu.vector_store %arg5[%swap3A_3687], %swap3A_3690 {strides = array<i32>} : memref<8192xf32, #tpu.memory_space<vmem>>, vector<16xf32>,
    %eq3A_3691 = vector.broadcast %add3A_3585 : i32 to vector<16xi32>
    %eq3A_3692 = arith.cmpi eq, %get3A_52, %eq3A_3691 : vector<16xi32>
    %select_n3A_3693 = arith.select %eq3A_3692, %broadcast_in_dim3A_3, %broadcast_in_dim3A_5 : vector<16xi1>, vector<16xf32>
    %swap3A_3694 = arith.constant 8176 : index
    %swap3A_3695 = tpu.vector_load %arg5[%swap3A_3694] {strides = array<i32>} : memref<8192xf32, #tpu.memory_space<vmem>>, vector<16xf32>,
    %swap3A_3696 = vector.shape_cast %swap3A_3695 : vector<16xf32> to vector<16xf32>
    %swap3A_3697 = vector.shape_cast %select_n3A_3693 : vector<16xf32> to vector<16xf32>
    tpu.vector_store %arg5[%swap3A_3694], %swap3A_3697 {strides = array<i32>} : memref<8192xf32, #tpu.memory_space<vmem>>, vector<16xf32>,
    %mul3A_3698 = arith.constant 2 : i32
    %mul3A_3699 = arith.muli %mul3A_2, %mul3A_3698 : i32
    %mul3A_3700 = arith.constant 128 : i32
    %mul3A_3701 = arith.muli %mul3A_3699, %mul3A_3700 : i32
    "tpu.region"() ({
      %run_scoped3A = tpu.sem_alloc : memref<!tpu.dma_semaphore, #tpu.memory_space<semaphore_mem>>
      %dma_start3A = tpu.memref_slice %arg3[%mul3A_3701] : memref<262144xf32, #tpu.memory_space<hbm>> -> memref<8192xf32, #tpu.memory_space<hbm>>
      %dma_start3A_3702 = tpu.memref_slice %arg3[%mul3A_3701] : memref<262144xf32, #tpu.memory_space<hbm>> -> memref<8192xf32, #tpu.memory_space<hbm>>
      tpu.enqueue_dma source(%arg5 : memref<8192xf32, #tpu.memory_space<vmem>>) target(%dma_start3A_3702 : memref<8192xf32, #tpu.memory_space<hbm>>) target_semaphore(%run_scoped3A : memref<!tpu.dma_semaphore, #tpu.memory_space<semaphore_mem>>)
      %dma_wait3A = tpu.memref_slice %arg3[%mul3A_3701] : memref<262144xf32, #tpu.memory_space<hbm>> -> memref<8192xf32, #tpu.memory_space<hbm>>
      %dma_wait3A_3703 = tpu.memref_slice %arg3[%mul3A_3701] : memref<262144xf32, #tpu.memory_space<hbm>> -> memref<8192xf32, #tpu.memory_space<hbm>>
      tpu.wait_dma2 semaphore(%run_scoped3A : memref<!tpu.dma_semaphore, #tpu.memory_space<semaphore_mem>>) src(%arg5 : memref<8192xf32, #tpu.memory_space<vmem>>) dst(%dma_wait3A_3703 : memref<8192xf32, #tpu.memory_space<hbm>>)
      tpu.yield
    }) : () -> ()
    return
  }
}

module attributes {stable_mosaic.version = 14 : i64} {
  func.func @_fused_body(%arg0: memref<1024x256xf32, #tpu.memory_space<vmem>>, %arg1: memref<1000x128xf32, #tpu.memory_space<vmem>>, %arg2: memref<256x128xf32, #tpu.memory_space<vmem>>, %arg3: memref<1x256xf32, #tpu.memory_space<vmem>>, %arg4: memref<256x128xf32, #tpu.memory_space<vmem>>, %arg5: memref<256x256xf32, #tpu.memory_space<vmem>>, %arg6: memref<1x256xf32, #tpu.memory_space<vmem>>, %arg7: memref<256x256xf32, #tpu.memory_space<vmem>>, %arg8: memref<256x256xf32, #tpu.memory_space<vmem>>, %arg9: memref<1x256xf32, #tpu.memory_space<vmem>>, %arg10: memref<256x256xf32, #tpu.memory_space<vmem>>, %arg11: memref<256x256xf32, #tpu.memory_space<vmem>>, %arg12: memref<1x256xf32, #tpu.memory_space<vmem>>, %arg13: memref<256x256xf32, #tpu.memory_space<vmem>>, %arg14: memref<256x256xf32, #tpu.memory_space<vmem>>, %arg15: memref<1x256xf32, #tpu.memory_space<vmem>>, %arg16: memref<256x256xf32, #tpu.memory_space<vmem>>, %arg17: memref<1000x256xf32, #tpu.memory_space<vmem>>) attributes {dimension_semantics = [], scalar_prefetch = 0 : i64, scratch_operands = 0 : i64, tpu.core_type = #tpu.core_type<tc>} {
    %get3A = arith.constant 0 : index
    %get3A_0 = arith.constant 0 : index
    %get3A_1 = vector.load %arg0[%get3A, %get3A_0] : memref<1024x256xf32, #tpu.memory_space<vmem>>, vector<1024x256xf32>
    %slice3A = vector.extract_strided_slice %get3A_1 {offsets = [0, 0], sizes = [1024, 128], strides = [1, 1]} : vector<1024x256xf32> to vector<1024x128xf32>
    %slice3A_2 = vector.extract_strided_slice %get3A_1 {offsets = [0, 128], sizes = [1024, 128], strides = [1, 1]} : vector<1024x256xf32> to vector<1024x128xf32>
    %reduce_sum3A = arith.constant dense<0.000000e+00> : vector<1024xf32>
    %reduce_sum3A_3 = vector.multi_reduction <add>, %slice3A_2, %reduce_sum3A [1] : vector<1024x128xf32> to vector<1024xf32>
    %broadcast_in_dim3A = vector.shape_cast %reduce_sum3A_3 : vector<1024xf32> to vector<1024x1xf32>
    %max3A = arith.constant 1.000000e+00 : f32
    %max3A_4 = vector.broadcast %max3A : f32 to vector<1024x1xf32>
    %max3A_5 = arith.maximumf %broadcast_in_dim3A, %max3A_4 : vector<1024x1xf32>
    %div3A = vector.broadcast %max3A_5 : vector<1024x1xf32> to vector<1024x128xf32>
    %div3A_6 = arith.divf %slice3A_2, %div3A : vector<1024x128xf32>
    %get3A_7 = arith.constant 0 : index
    %get3A_8 = arith.constant 0 : index
    %get3A_9 = vector.load %arg1[%get3A_7, %get3A_8] : memref<1000x128xf32, #tpu.memory_space<vmem>>, vector<1000x128xf32>
    %broadcast_in_dim3A_10 = arith.constant 0.000000e+00 : f32
    %broadcast_in_dim3A_11 = vector.broadcast %broadcast_in_dim3A_10 : f32 to vector<24x128xf32>
    %concatenate3A = tpu.concatenate %get3A_9, %broadcast_in_dim3A_11 in 0 : vector<1000x128xf32>, vector<24x128xf32> -> vector<1024x128xf32>
    %dot_general3A = arith.constant dense<0.000000e+00> : vector<128x128xf32>
    %dot_general3A_12 = tpu.matmul %slice3A, %concatenate3A, %dot_general3A {dimension_numbers = #tpu.dot_dimension_numbers<[0], [0], [1], [1], [0, 1, 1, 1], [], []>, transpose_lhs_hint = false} : vector<1024x128xf32>, vector<1024x128xf32>, vector<128x128xf32> -> vector<128x128xf32>
    %get3A_13 = arith.constant 0 : index
    %get3A_14 = arith.constant 0 : index
    %get3A_15 = vector.load %arg2[%get3A_13, %get3A_14] : memref<256x128xf32, #tpu.memory_space<vmem>>, vector<256x128xf32>
    %dot_general3A_16 = arith.constant dense<0.000000e+00> : vector<128x256xf32>
    %dot_general3A_17 = tpu.matmul %dot_general3A_12, %get3A_15, %dot_general3A_16 {dimension_numbers = #tpu.dot_dimension_numbers<[1], [1], [0], [0], [0, 0, 1, 0], [], []>, transpose_lhs_hint = false} : vector<128x128xf32>, vector<256x128xf32>, vector<128x256xf32> -> vector<128x256xf32>
    %dot_general3A_18 = arith.constant dense<0.000000e+00> : vector<1024x256xf32>
    %dot_general3A_19 = tpu.matmul %div3A_6, %dot_general3A_17, %dot_general3A_18 {dimension_numbers = #tpu.dot_dimension_numbers<[1], [0], [0], [1], [0, 0, 1, 1], [], []>, transpose_lhs_hint = false} : vector<1024x128xf32>, vector<128x256xf32>, vector<1024x256xf32> -> vector<1024x256xf32>
    %get3A_20 = arith.constant 0 : index
    %get3A_21 = arith.constant 0 : index
    %get3A_22 = vector.load %arg4[%get3A_20, %get3A_21] : memref<256x128xf32, #tpu.memory_space<vmem>>, vector<256x128xf32>
    %dot_general3A_23 = arith.constant dense<0.000000e+00> : vector<1024x256xf32>
    %dot_general3A_24 = tpu.matmul %concatenate3A, %get3A_22, %dot_general3A_23 {dimension_numbers = #tpu.dot_dimension_numbers<[1], [1], [0], [0], [0, 0, 1, 0], [], []>, transpose_lhs_hint = false} : vector<1024x128xf32>, vector<256x128xf32>, vector<1024x256xf32> -> vector<1024x256xf32>
    %add3A = arith.addf %dot_general3A_19, %dot_general3A_24 : vector<1024x256xf32>
    %get3A_25 = arith.constant 0 : index
    %get3A_26 = arith.constant 0 : index
    %get3A_27 = vector.load %arg3[%get3A_25, %get3A_26] : memref<1x256xf32, #tpu.memory_space<vmem>>, vector<1x256xf32>
    %add3A_28 = vector.broadcast %get3A_27 : vector<1x256xf32> to vector<1024x256xf32>
    %add3A_29 = arith.addf %add3A, %add3A_28 : vector<1024x256xf32>
    %max3A_30 = arith.constant 0.000000e+00 : f32
    %max3A_31 = vector.broadcast %max3A_30 : f32 to vector<1024x256xf32>
    %max3A_32 = arith.maximumf %add3A_29, %max3A_31 : vector<1024x256xf32>
    %dot_general3A_33 = arith.constant dense<0.000000e+00> : vector<128x256xf32>
    %dot_general3A_34 = tpu.matmul %slice3A, %max3A_32, %dot_general3A_33 {dimension_numbers = #tpu.dot_dimension_numbers<[0], [0], [1], [1], [0, 1, 1, 1], [], []>, transpose_lhs_hint = false} : vector<1024x128xf32>, vector<1024x256xf32>, vector<128x256xf32> -> vector<128x256xf32>
    %get3A_35 = arith.constant 0 : index
    %get3A_36 = arith.constant 0 : index
    %get3A_37 = vector.load %arg5[%get3A_35, %get3A_36] : memref<256x256xf32, #tpu.memory_space<vmem>>, vector<256x256xf32>
    %dot_general3A_38 = arith.constant dense<0.000000e+00> : vector<128x256xf32>
    %dot_general3A_39 = tpu.matmul %dot_general3A_34, %get3A_37, %dot_general3A_38 {dimension_numbers = #tpu.dot_dimension_numbers<[1], [1], [0], [0], [0, 0, 1, 0], [], []>, transpose_lhs_hint = false} : vector<128x256xf32>, vector<256x256xf32>, vector<128x256xf32> -> vector<128x256xf32>
    %dot_general3A_40 = arith.constant dense<0.000000e+00> : vector<1024x256xf32>
    %dot_general3A_41 = tpu.matmul %div3A_6, %dot_general3A_39, %dot_general3A_40 {dimension_numbers = #tpu.dot_dimension_numbers<[1], [0], [0], [1], [0, 0, 1, 1], [], []>, transpose_lhs_hint = false} : vector<1024x128xf32>, vector<128x256xf32>, vector<1024x256xf32> -> vector<1024x256xf32>
    %get3A_42 = arith.constant 0 : index
    %get3A_43 = arith.constant 0 : index
    %get3A_44 = vector.load %arg7[%get3A_42, %get3A_43] : memref<256x256xf32, #tpu.memory_space<vmem>>, vector<256x256xf32>
    %dot_general3A_45 = arith.constant dense<0.000000e+00> : vector<1024x256xf32>
    %dot_general3A_46 = tpu.matmul %max3A_32, %get3A_44, %dot_general3A_45 {dimension_numbers = #tpu.dot_dimension_numbers<[1], [1], [0], [0], [0, 0, 1, 0], [], []>, transpose_lhs_hint = false} : vector<1024x256xf32>, vector<256x256xf32>, vector<1024x256xf32> -> vector<1024x256xf32>
    %add3A_47 = arith.addf %dot_general3A_41, %dot_general3A_46 : vector<1024x256xf32>
    %get3A_48 = arith.constant 0 : index
    %get3A_49 = arith.constant 0 : index
    %get3A_50 = vector.load %arg6[%get3A_48, %get3A_49] : memref<1x256xf32, #tpu.memory_space<vmem>>, vector<1x256xf32>
    %add3A_51 = vector.broadcast %get3A_50 : vector<1x256xf32> to vector<1024x256xf32>
    %add3A_52 = arith.addf %add3A_47, %add3A_51 : vector<1024x256xf32>
    %max3A_53 = arith.constant 0.000000e+00 : f32
    %max3A_54 = vector.broadcast %max3A_53 : f32 to vector<1024x256xf32>
    %max3A_55 = arith.maximumf %add3A_52, %max3A_54 : vector<1024x256xf32>
    %dot_general3A_56 = arith.constant dense<0.000000e+00> : vector<128x256xf32>
    %dot_general3A_57 = tpu.matmul %slice3A, %max3A_55, %dot_general3A_56 {dimension_numbers = #tpu.dot_dimension_numbers<[0], [0], [1], [1], [0, 1, 1, 1], [], []>, transpose_lhs_hint = false} : vector<1024x128xf32>, vector<1024x256xf32>, vector<128x256xf32> -> vector<128x256xf32>
    %get3A_58 = arith.constant 0 : index
    %get3A_59 = arith.constant 0 : index
    %get3A_60 = vector.load %arg8[%get3A_58, %get3A_59] : memref<256x256xf32, #tpu.memory_space<vmem>>, vector<256x256xf32>
    %dot_general3A_61 = arith.constant dense<0.000000e+00> : vector<128x256xf32>
    %dot_general3A_62 = tpu.matmul %dot_general3A_57, %get3A_60, %dot_general3A_61 {dimension_numbers = #tpu.dot_dimension_numbers<[1], [1], [0], [0], [0, 0, 1, 0], [], []>, transpose_lhs_hint = false} : vector<128x256xf32>, vector<256x256xf32>, vector<128x256xf32> -> vector<128x256xf32>
    %dot_general3A_63 = arith.constant dense<0.000000e+00> : vector<1024x256xf32>
    %dot_general3A_64 = tpu.matmul %div3A_6, %dot_general3A_62, %dot_general3A_63 {dimension_numbers = #tpu.dot_dimension_numbers<[1], [0], [0], [1], [0, 0, 1, 1], [], []>, transpose_lhs_hint = false} : vector<1024x128xf32>, vector<128x256xf32>, vector<1024x256xf32> -> vector<1024x256xf32>
    %get3A_65 = arith.constant 0 : index
    %get3A_66 = arith.constant 0 : index
    %get3A_67 = vector.load %arg10[%get3A_65, %get3A_66] : memref<256x256xf32, #tpu.memory_space<vmem>>, vector<256x256xf32>
    %dot_general3A_68 = arith.constant dense<0.000000e+00> : vector<1024x256xf32>
    %dot_general3A_69 = tpu.matmul %max3A_55, %get3A_67, %dot_general3A_68 {dimension_numbers = #tpu.dot_dimension_numbers<[1], [1], [0], [0], [0, 0, 1, 0], [], []>, transpose_lhs_hint = false} : vector<1024x256xf32>, vector<256x256xf32>, vector<1024x256xf32> -> vector<1024x256xf32>
    %add3A_70 = arith.addf %dot_general3A_64, %dot_general3A_69 : vector<1024x256xf32>
    %get3A_71 = arith.constant 0 : index
    %get3A_72 = arith.constant 0 : index
    %get3A_73 = vector.load %arg9[%get3A_71, %get3A_72] : memref<1x256xf32, #tpu.memory_space<vmem>>, vector<1x256xf32>
    %add3A_74 = vector.broadcast %get3A_73 : vector<1x256xf32> to vector<1024x256xf32>
    %add3A_75 = arith.addf %add3A_70, %add3A_74 : vector<1024x256xf32>
    %max3A_76 = arith.constant 0.000000e+00 : f32
    %max3A_77 = vector.broadcast %max3A_76 : f32 to vector<1024x256xf32>
    %max3A_78 = arith.maximumf %add3A_75, %max3A_77 : vector<1024x256xf32>
    %dot_general3A_79 = arith.constant dense<0.000000e+00> : vector<128x256xf32>
    %dot_general3A_80 = tpu.matmul %slice3A, %max3A_78, %dot_general3A_79 {dimension_numbers = #tpu.dot_dimension_numbers<[0], [0], [1], [1], [0, 1, 1, 1], [], []>, transpose_lhs_hint = false} : vector<1024x128xf32>, vector<1024x256xf32>, vector<128x256xf32> -> vector<128x256xf32>
    %get3A_81 = arith.constant 0 : index
    %get3A_82 = arith.constant 0 : index
    %get3A_83 = vector.load %arg11[%get3A_81, %get3A_82] : memref<256x256xf32, #tpu.memory_space<vmem>>, vector<256x256xf32>
    %dot_general3A_84 = arith.constant dense<0.000000e+00> : vector<128x256xf32>
    %dot_general3A_85 = tpu.matmul %dot_general3A_80, %get3A_83, %dot_general3A_84 {dimension_numbers = #tpu.dot_dimension_numbers<[1], [1], [0], [0], [0, 0, 1, 0], [], []>, transpose_lhs_hint = false} : vector<128x256xf32>, vector<256x256xf32>, vector<128x256xf32> -> vector<128x256xf32>
    %dot_general3A_86 = arith.constant dense<0.000000e+00> : vector<1024x256xf32>
    %dot_general3A_87 = tpu.matmul %div3A_6, %dot_general3A_85, %dot_general3A_86 {dimension_numbers = #tpu.dot_dimension_numbers<[1], [0], [0], [1], [0, 0, 1, 1], [], []>, transpose_lhs_hint = false} : vector<1024x128xf32>, vector<128x256xf32>, vector<1024x256xf32> -> vector<1024x256xf32>
    %get3A_88 = arith.constant 0 : index
    %get3A_89 = arith.constant 0 : index
    %get3A_90 = vector.load %arg13[%get3A_88, %get3A_89] : memref<256x256xf32, #tpu.memory_space<vmem>>, vector<256x256xf32>
    %dot_general3A_91 = arith.constant dense<0.000000e+00> : vector<1024x256xf32>
    %dot_general3A_92 = tpu.matmul %max3A_78, %get3A_90, %dot_general3A_91 {dimension_numbers = #tpu.dot_dimension_numbers<[1], [1], [0], [0], [0, 0, 1, 0], [], []>, transpose_lhs_hint = false} : vector<1024x256xf32>, vector<256x256xf32>, vector<1024x256xf32> -> vector<1024x256xf32>
    %add3A_93 = arith.addf %dot_general3A_87, %dot_general3A_92 : vector<1024x256xf32>
    %get3A_94 = arith.constant 0 : index
    %get3A_95 = arith.constant 0 : index
    %get3A_96 = vector.load %arg12[%get3A_94, %get3A_95] : memref<1x256xf32, #tpu.memory_space<vmem>>, vector<1x256xf32>
    %add3A_97 = vector.broadcast %get3A_96 : vector<1x256xf32> to vector<1024x256xf32>
    %add3A_98 = arith.addf %add3A_93, %add3A_97 : vector<1024x256xf32>
    %max3A_99 = arith.constant 0.000000e+00 : f32
    %max3A_100 = vector.broadcast %max3A_99 : f32 to vector<1024x256xf32>
    %max3A_101 = arith.maximumf %add3A_98, %max3A_100 : vector<1024x256xf32>
    %dot_general3A_102 = arith.constant dense<0.000000e+00> : vector<128x256xf32>
    %dot_general3A_103 = tpu.matmul %slice3A, %max3A_101, %dot_general3A_102 {dimension_numbers = #tpu.dot_dimension_numbers<[0], [0], [1], [1], [0, 1, 1, 1], [], []>, transpose_lhs_hint = false} : vector<1024x128xf32>, vector<1024x256xf32>, vector<128x256xf32> -> vector<128x256xf32>
    %get3A_104 = arith.constant 0 : index
    %get3A_105 = arith.constant 0 : index
    %get3A_106 = vector.load %arg14[%get3A_104, %get3A_105] : memref<256x256xf32, #tpu.memory_space<vmem>>, vector<256x256xf32>
    %dot_general3A_107 = arith.constant dense<0.000000e+00> : vector<128x256xf32>
    %dot_general3A_108 = tpu.matmul %dot_general3A_103, %get3A_106, %dot_general3A_107 {dimension_numbers = #tpu.dot_dimension_numbers<[1], [1], [0], [0], [0, 0, 1, 0], [], []>, transpose_lhs_hint = false} : vector<128x256xf32>, vector<256x256xf32>, vector<128x256xf32> -> vector<128x256xf32>
    %dot_general3A_109 = arith.constant dense<0.000000e+00> : vector<1024x256xf32>
    %dot_general3A_110 = tpu.matmul %div3A_6, %dot_general3A_108, %dot_general3A_109 {dimension_numbers = #tpu.dot_dimension_numbers<[1], [0], [0], [1], [0, 0, 1, 1], [], []>, transpose_lhs_hint = false} : vector<1024x128xf32>, vector<128x256xf32>, vector<1024x256xf32> -> vector<1024x256xf32>
    %get3A_111 = arith.constant 0 : index
    %get3A_112 = arith.constant 0 : index
    %get3A_113 = vector.load %arg16[%get3A_111, %get3A_112] : memref<256x256xf32, #tpu.memory_space<vmem>>, vector<256x256xf32>
    %dot_general3A_114 = arith.constant dense<0.000000e+00> : vector<1024x256xf32>
    %dot_general3A_115 = tpu.matmul %max3A_101, %get3A_113, %dot_general3A_114 {dimension_numbers = #tpu.dot_dimension_numbers<[1], [1], [0], [0], [0, 0, 1, 0], [], []>, transpose_lhs_hint = false} : vector<1024x256xf32>, vector<256x256xf32>, vector<1024x256xf32> -> vector<1024x256xf32>
    %add3A_116 = arith.addf %dot_general3A_110, %dot_general3A_115 : vector<1024x256xf32>
    %get3A_117 = arith.constant 0 : index
    %get3A_118 = arith.constant 0 : index
    %get3A_119 = vector.load %arg15[%get3A_117, %get3A_118] : memref<1x256xf32, #tpu.memory_space<vmem>>, vector<1x256xf32>
    %add3A_120 = vector.broadcast %get3A_119 : vector<1x256xf32> to vector<1024x256xf32>
    %add3A_121 = arith.addf %add3A_116, %add3A_120 : vector<1024x256xf32>
    %slice3A_122 = vector.extract_strided_slice %add3A_121 {offsets = [0, 0], sizes = [1000, 256], strides = [1, 1]} : vector<1024x256xf32> to vector<1000x256xf32>
    %swap3A = arith.constant 0 : index
    %swap3A_123 = arith.constant 0 : index
    %swap3A_124 = vector.load %arg17[%swap3A, %swap3A_123] : memref<1000x256xf32, #tpu.memory_space<vmem>>, vector<1000x256xf32>
    tpu.vector_store %arg17[%swap3A, %swap3A_123], %slice3A_122 {strides = array<i32>} : memref<1000x256xf32, #tpu.memory_space<vmem>>, vector<1000x256xf32>,
    return
  }
}

</mosaic_0001>

<sc_bundles>
// kernel: kernel.4.cloned.1.call-start
scs
__scs_entry_jumppad:
0x0: {  	(pc) =	sbr.rel $0x88, $3  }
0x1: {  	(tag) =	ssettag $0x0;
	lr =	simm.s32 $0x1  }
0x2: {  	[smem:$0x3F90] =	sst lr;
	_ =	strace $0xD0000000  }
0x3: {  	_ = 	snop  }
0x4: {  	_ = 	snop  }
0x5: {  	_ = 	snop  }
0x6: {  	_ = 	snop  }
0x7: {  	_ = 	snop  }
__scs_overlays_trampoline_lowered:
0x8: {  	[smem:$0x3F9F] =	sst s0  }
0x9: {  	[smem:$0x3FA0] =	sst s1  }
0xa: {  	[smem:$0x3FA1] =	sst s2  }
0xb: {  	[smem:$0x3FA2] =	sst s3  }
0xc: {  	[smem:$0x3FA3] =	sst s4  }
0xd: {  	[smem:$0x3FA4] =	sst s5  }
0xe: {  	[smem:$0x3FA5] =	sst s6  }
0xf: {  	[smem:$0x3FA6] =	sst s7  }
0x10: {  	[smem:$0x3FA7] =	sst s8  }
0x11: {  	[smem:$0x3FA8] =	sst s9;
	s0 =	simm.s32 @!p0 $0x0  }
0x12: {  	s1 =	sld [smem:$0x3F8E];
	s0 =	simm.s32 @p0 $0x1  }
0x13: {  	[smem:$0x3FA9] =	sst s0;
	s0 =	simm.s32 @!p1 $0x0  }
0x14: {  	s2 =	sld [smem:$0x3F8D];
	s0 =	simm.s32 @p1 $0x1  }
0x15: {  	[smem:$0x3FAA] =	sst s0;
	s0 =	simm.s32 @!p2 $0x0  }
0x16: {  	s3 =	sld [smem:$0x3FDB];
	s0 =	simm.s32 @p2 $0x1  }
0x17: {  	s4 =	simm.s32 $0x1BF5;
	[smem:$0x3FAC] =	sst s0  }
0x18: {  	s0 =	sld [smem:$0x3F8F];
	_ =	swait.ge [sflag:s4], $0x0  }
0x19: {  	s7 =	sld [smem:$0x3F90]  }
0x1a: {  	s8 =	sadd.s32 $0xFFFFE003, lr  }
0x1b: {  	s9 =	sadd.s32 $0xFFFFFEF7, lr;
	s5 =	simm.s32 $0xFFFFFFFF;
	p2 =	slt.u32 s8, $0xFFFFF086  }
0x1c: {  	p1 =	slt.u32 s9, $0xF7A;
	s5 =	simm.s32 @!p2 $0x0  }
0x1d: {  	s5 =	simm.s32 @p1 $0x1;
	p0 =	seq.s32 s7, s2  }
0x1e: {  	s7 =	smul.u32 @!p0 $0xF7A, s2;
	p2 =	seq.s32 @!p0 s5, $0x0  }
0x1f: {  	s9 =	smul.u32 $0xF7A, s1;
	s8 =	simm.s32 @!p0 $0x1BF5;
	p2 =	por !p2, p0  }
0x20: {  	[sflag:s8] =	ssyncset.s32 @!p0 $0xFFFFF086;
	s6 =	sadd.s32 @!p0 s3, s7;
	s7 =	simm.s32 @!p0 $0x108  }
0x21: {  	s3 =	sadd.s32 s3, s9;
	s6 =	sadd.s32 @!p0 $0x88, s6;
	s7 =	simm.s32 @p2 $0x1082  }
0x22: {  	[simem:s7], [sflag:s8] =	dma.local @!p0 [hbm:s6], $0xF7A  }
0x23: {  	s9 =	sor.u32 $0xD0000000, s2;
	s6 =	simm.s32 $0x108;
	_ =	swait.ge @!p0 [sflag:s8], $0x0  }
0x24: {  	s3 =	sadd.s32 $0x88, s3;
	s6 =	simm.s32 @!p1 $0x1082;
	[sflag:s4] =	ssyncset.s32 $0xFFFFF086  }
0x25: {  	[simem:s6], [sflag:s4] =	dma.local [hbm:s3], $0xF7A  }
0x26: {  	[smem:$0x3F90] =	sst s1;
	(tag) =	ssettag s2;
	_ =	strace s9  }
0x27: {  	s1 =	sld [smem:$0x3FA0]  }
0x28: {  	s2 =	sld [smem:$0x3FA1]  }
0x29: {  	s4 =	sld [smem:$0x3FA3]  }
0x2a: {  	p0 =	seq.s32 s5, $0x0;
	s5 =	sld [smem:$0x3FA4]  }
0x2b: {  	s6 =	sld [smem:$0x3FA5]  }
0x2c: {  	s7 =	sld [smem:$0x3FA6]  }
0x2d: {  	s3 =	simm.s32 $0x108;
	s8 =	sld [smem:$0x3FA7]  }
0x2e: {  	s3 =	simm.s32 @!p0 $0x1082;
	s9 =	sld [smem:$0x3FA8]  }
0x2f: {  	lr =	sadd.s32 s0, s3;
	s0 =	sld [smem:$0x3F9F]  }
0x30: {  	s3 =	sld [smem:$0x3FA2]  }
0x31: {  	[smem:$0x3FAB] =	sst s10  }
0x32: {  	s10 =	sld [smem:$0x3FA9];
	_ =	sdelay $0x3  }
0x33: {  	p0 =	seq.s32 s10, $0x1;
	s10 =	sld [smem:$0x3FAB];
	_ =	sdelay $0x3  }
0x34: {  	[smem:$0x3FAB] =	sst s10  }
0x35: {  	s10 =	sld [smem:$0x3FAA];
	_ =	sdelay $0x3  }
0x36: {  	p1 =	seq.s32 s10, $0x1;
	s10 =	sld [smem:$0x3FAB];
	_ =	sdelay $0x3  }
0x37: {  	[smem:$0x3FAB] =	sst s10  }
0x38: {  	s10 =	sld [smem:$0x3FAC]  }
0x39: {  	_ = 	snop;
	(pc) =	sbr.ind lr, $3  }
0x3a: {  	_ = 	snop  }
0x3b: {  	_ = 	snop  }
0x3c: {  	p2 =	seq.s32 s10, $0x1;
	s10 =	sld [smem:$0x3FAB]  }
0x3d: {  	_ =	shalt  }
0x3e: {  	_ =	shalt  }
0x3f: {  	_ =	shalt  }
0x40: {  	_ =	shalt  }
0x41: {  	_ =	shalt  }
0x42: {  	_ =	shalt  }
0x43: {  	_ =	shalt  }
0x44: {  	_ =	shalt  }
0x45: {  	_ =	shalt  }
0x46: {  	_ =	shalt  }
0x47: {  	_ =	shalt  }
0x48: {  	_ =	shalt  }
0x49: {  	_ =	shalt  }
0x4a: {  	_ =	shalt  }
0x4b: {  	_ =	shalt  }
0x4c: {  	_ =	shalt  }
0x4d: {  	_ =	shalt  }
0x4e: {  	_ =	shalt  }
0x4f: {  	_ =	shalt  }
0x50: {  	_ =	shalt  }
0x51: {  	_ =	shalt  }
0x52: {  	_ =	shalt  }
0x53: {  	_ =	shalt  }
0x54: {  	_ =	shalt  }
0x55: {  	_ =	shalt  }
0x56: {  	_ =	shalt  }
0x57: {  	_ =	shalt  }
0x58: {  	_ =	shalt  }
0x59: {  	_ =	shalt  }
0x5a: {  	_ =	shalt  }
0x5b: {  	_ =	shalt  }
0x5c: {  	_ =	shalt  }
0x5d: {  	_ =	shalt  }
0x5e: {  	_ =	shalt  }
0x5f: {  	_ =	shalt  }
0x60: {  	_ =	shalt  }
0x61: {  	_ =	shalt  }
0x62: {  	_ =	shalt  }
0x63: {  	_ =	shalt  }
0x64: {  	_ =	shalt  }
0x65: {  	_ =	shalt  }
0x66: {  	_ =	shalt  }
0x67: {  	_ =	shalt  }
0x68: {  	_ =	shalt  }
0x69: {  	_ =	shalt  }
0x6a: {  	_ =	shalt  }
0x6b: {  	_ =	shalt  }
0x6c: {  	_ =	shalt  }
0x6d: {  	_ =	shalt  }
0x6e: {  	_ =	shalt  }
0x6f: {  	_ =	shalt  }
0x70: {  	_ =	shalt  }
0x71: {  	_ =	shalt  }
0x72: {  	_ =	shalt  }
0x73: {  	_ =	shalt  }
0x74: {  	_ =	shalt  }
0x75: {  	_ =	shalt  }
0x76: {  	_ =	shalt  }
0x77: {  	_ =	shalt  }
0x78: {  	_ =	shalt  }
0x79: {  	_ =	shalt  }
0x7a: {  	_ =	shalt  }
0x7b: {  	_ =	shalt  }
0x7c: {  	_ =	shalt  }
0x7d: {  	_ =	shalt  }
0x7e: {  	_ =	shalt  }
0x7f: {  	_ =	shalt  }
0x80: {  	_ =	shalt  }
0x81: {  	_ =	shalt  }
0x82: {  	_ =	shalt  }
0x83: {  	_ =	shalt  }
0x84: {  	_ =	shalt  }
0x85: {  	_ =	shalt  }
0x86: {  	_ =	shalt  }
0x87: {  	_ =	shalt  }
.Lfunc_end0:
.L_simem_size_0:
called_computation_lowered:
.L_overlay_start_0:
0x88: {  	s2 =	sld [smem:$0x3FD9]  }
0x89: {  	s3 =	sld [smem:$0x3FFE];
	_ =	sdelay $0x1  }
0x8a: {  	s1 =	srdreg.scid  }
0x8b: {  	s0 =	sand.u32 $0x1, s1  }
0x8c: {  	s17 =	sshll.u32 s0, $0xA;
	s2 =	sadd.s32 s3, s2  }
0x8d: {  	s2 =	sadd.s32 s2, s17  }
0x8e: {  	[smem:$0x3FB7] =	sst s2  }
0x8f: {  	_ = 	snop  }
0x90: {  	s2 =	sld [smem:$0x3FD0];
	(tm) =	ssettm $0x1  }
0x91: {  	s18 =	sld [smem:$0x3FFB];
	_ =	sdelay $0x3  }
0x92: {  	_ =	strace s18  }
0x93: {  	s3 =	sld [smem:$0x3FFC];
	_ =	sdelay $0x3  }
0x94: {  	_ =	strace s3  }
0x95: {  	s3 =	sld [smem:$0x3FFD];
	_ =	sdelay $0x3  }
0x96: {  	_ =	strace s3  }
0x97: {  	_ =	strace $0x8FFFFFFF  }
0x98: {  	s19 =	sld [smem:$0x3FDB];
	_ =	sdelay $0x1  }
0x99: {  	s4 =	simm.s32 $_scs_section_size  }
0x9a: {  	s5 =	simm.s32 $_size__tile_overlayer_lowered;
	s6 =	simm.s32 $_tile_overlayer_lowered  }
0x9b: {  	s22 =	simm.s32 $0x1BFF;
	s21 =	sshll.u32 s6, $0x1;
	s3 =	sadd.s32 s4, s19  }
0x9c: {  	s7 =	simm.s32 $0x0;
	s20 =	sshll.u32 s5, $0x1;
	s5 =	sadd.s32 s21, s3  }
0x9d: {  	[timem:s7], [sflag:s22] =	dma.local [hbm:s5], s20  }
0x9e: {  	_ =	swait.ge [sflag:s22], s20  }
0x9f: {  	s4 =	ssub.s32 $0x0, s20;
	[sflag:s22] =	ssyncset.done $0x0  }
0xa0: {  	[sflag:s22] =	ssyncadd.s32 s4;
	_ =	sdelay $0x1  }
0xa1: {  	s23 =	simm.s32 $0x1B8B  }
0xa2: {  	_ =	swait.ge [sflag:s23], $0x1  }
0xa3: {  	[sflag:s23] =	ssyncset.done $0x0  }
0xa4: {  	s25 =	simm.s32 $0x1B8E;
	s24 =	sld [smem:$0x3FFE];
	[sflag:s23] =	ssyncadd.s32 $0xFFFFFFFF  }
0xa5: {  	s26 =	simm.s32 $execute0_lowered;
	[smem:$0x3FD2] =	sst s25  }
0xa6: {  	s5 =	sshll.u32 s26, $0x1;
	_ =	strace $0x80000046;
	[dreg:$0x1] =	wrdreg $0xFFFFFFFF  }
0xa7: {  	s28 =	simm.s32 $_size_execute0_lowered;
	s3 =	sadd.s32 s3, s5;
	[dreg:$0x0] =	wrdreg $0x0  }
0xa8: {  	s5 =	sshll.u32 s28, $0x1;
	[dreg:$0x2] =	wrdreg s3  }
0xa9: {  	[dreg:$0x3] =	wrdreg s5  }
0xaa: {  	[dreg:$0x4] =	wrdreg $0xC0  }
0xab: {  	_ =	task [dreg:s7], $0x5FFFF  }
0xac: {  	[dreg:$0x1] =	wrdreg $0xFFFFFFFF  }
0xad: {  	[dreg:$0x0] =	wrdreg $0x60  }
0xae: {  	[dreg:$0x2] =	wrdreg s2  }
0xaf: {  	[dreg:$0x3] =	wrdreg s24  }
0xb0: {  	[dreg:$0x4] =	wrdreg $0x9  }
0xb1: {  	_ =	task.clear_ibuf [dreg:s7], $0x5FFFF;
	_ =	strace $0x90000046  }
0xb2: {  	s29 =	simm.s32 $0x9;
	_ =	strace $0x80000048  }
0xb3: {  	_ =	swait.ge [sflag:s29], $0x1  }
0xb4: {  	[sflag:s29] =	ssyncadd.s32 $0xFFFFFFFF  }
0xb5: {  	_ =	strace $0x90000048  }
0xb6: {  	_ =	sfence  }
0xb7: {  	s30 =	sld [smem:$0x0];
	_ =	sdelay $0x2  }
0xb8: {  	s31 =	sshll.u32 s1, $0xD;
	s1 =	sshrl.u32 s1, $0x2  }
0xb9: {  	s3 =	sand.u32 $0x4000, s31;
	s1 =	sadd.s32 s1, s30  }
0xba: {  	s0 =	sor.u32 s3, s0;
	s1 =	sshll.u32 s1, $0x11  }
0xbb: {  	s0 =	sor.u32 s1, s0  }
0xbc: {  	s0 =	sadd.s32 $0x8F2B, s0  }
0xbd: {  	[sflag:s0] =	ssyncadd.remote.s32 $0x1  }
0xbe: {  	_ =	sfence.sel $0xFFFF  }
0xbf: {  	[dreg:$0x0] =	wrdreg $0xFFFFFFFF;
	(pc) =	sbr.abs _section_cstart, $3  }
0xc0: {  	[dreg:$0x1] =	wrdreg $0xFFFFFFFF  }
0xc1: {  	_ =	task.clear_ibuf [dreg:s7], $0x2FFFF;
	_ =	strace $0x9FFFFFFF  }
0xc2: {  	(tm) =	ssettm $0x7FFFFFFF  }
0xc3: {  	_ =	shalt  }
tec
execute0_lowered:
.L_overlay_start_1:
0x0: {  	(tag) =	ssettag $0x1  }
0x1: {  	s2 =	rddreg [dreg:$0x0]  }
0x2: {  	s5 =	rddreg [dreg:$0x1]  }
0x3: {  	s3 =	srdreg.scid;
	s1 =	stileid.u32  }
0x4: {  	s0 =	rddreg [dreg:$0x2];
	s6 =	sand.u32 $0x1, s3;
	s4 =	sshll.u32 s1, $0x1  }
0x5: {  	s3 =	simm.s32 $0x0;
	s4 =	sor.u32 s6, s4;
	s7 =	ssub.s32 $0x2, s6  }
0x6: {  	[smem:$0x7FF] =	sst s3;
	s23 =	sshll.u32 s4, $0xA;
	s8 =	sshrl.u32 s7, $0x1  }
0x7: {  	s6 =	sadd.s32 s23, s5;
	s5 =	ssub.s32 s7, s8;
	s7 =	sshll.u32 s4, $0x5  }
0x8: {  	_ =	strace $0x80000047;
	s24 =	sor.u32 $0x1, s7;
	s9 =	sor.u32 $0x2, s7  }
0x9: {  	v32 =	vimm.f32 $0.0e+00;
	s10 =	sor.u32 $0x3, s7;
	s25 =	sor.u32 $0x4, s7;
	s26 =	sor.u32 $0x5, s7;
	v28 =	vmov s7;
	v0 =	vmov s24  }
0xa: {  	s28 =	sor.u32 $0x6, s7;
	s29 =	sor.u32 $0x7, s7;
	s30 =	sor.u32 $0x8, s7;
	v1 =	vmov s9;
	v2 =	vmov s10;
	v3 =	vmov s25  }
0xb: {  	s31 =	sor.u32 $0x9, s7;
	s11 =	sor.u32 $0xB, s7;
	s12 =	sor.u32 $0xC, s7;
	v4 =	vmov s26;
	v5 =	vmov s28;
	v6 =	vmov s29  }
0xc: {  	s13 =	sor.u32 $0xD, s7;
	s14 =	sor.u32 $0xE, s7;
	s15 =	sor.u32 $0xF, s7;
	v7 =	vmov s30;
	v8 =	vmov s31;
	v10 =	vmov s11  }
0xd: {  	s16 =	sor.u32 $0x10, s7;
	s17 =	sor.u32 $0x11, s7;
	s18 =	sor.u32 $0x12, s7;
	v11 =	vmov s12;
	v12 =	vmov s13;
	v13 =	vmov s14  }
0xe: {  	s19 =	sor.u32 $0x13, s7;
	s20 =	sor.u32 $0x14, s7;
	s21 =	sor.u32 $0x15, s7;
	v14 =	vmov s15;
	v15 =	vmov s16;
	v16 =	vmov s17  }
0xf: {  	s22 =	sor.u32 $0x16, s7;
	s23 =	sor.u32 $0x17, s7;
	s5 =	smax.u32 s5, $0x1;
	v17 =	vmov s18;
	v18 =	vmov s19;
	v19 =	vmov s20  }
0x10: {  	s10 =	sor.u32 $0xA, s7;
	v20 =	vmov s21;
	s24 =	sor.u32 $0x18, s7;
	v21 =	vmov s22;
	v22 =	vmov s23;
	s25 =	sor.u32 $0x19, s7  }
0x11: {  	s26 =	sor.u32 $0x1A, s7;
	s28 =	sor.u32 $0x1B, s7;
	s29 =	sor.u32 $0x1C, s7;
	v9 =	vmov s10;
	v23 =	vmov s24;
	v24 =	vmov s25  }
0x12: {  	s30 =	sor.u32 $0x1D, s7;
	s7 =	sor.u32 $0x1E, s7;
	s31 =	sshllo.u32 s4, $0x5;
	v25 =	vmov s26;
	v26 =	vmov s28;
	v27 =	vmov s29  }
0x13: {  	s4 =	sadd.s32 $0x2600, s6;
	s6 =	simm.s32 $0x1;
	v29 =	vmov s30;
	v30 =	vmov s7;
	v31 =	vmov s31;
	s7 =	simm.s32 $0x100  }
.LBB2_1:
0x14: {  	[tilespmem:s3], [sflag:$0x1] =	stream.linear.gather [hbm4b:s2+s3], $0x100, $0x38;
	[tilespmem:$0x2100] =	vst v63  }
0x15: {  	_ =	swait.ge [sflag:s6], $0x100  }
0x16: {  	[sflag:s6] =	ssyncset.done $0x0  }
0x17: {  	[sflag:s6] =	ssyncadd.s32 $0xFFFFFF00  }
0x18: {  	v33 =	vld [tilespmem:$0x0]  }
0x19: {  	v34 =	vld [tilespmem:$0x80]  }
0x1a: {  	v35 =	vld [tilespmem:$0x10]  }
0x1b: {  	v36 =	vld [tilespmem:$0x90]  }
0x1c: {  	v37 =	vld [tilespmem:$0x20]  }
0x1d: {  	v38 =	vld [tilespmem:$0xA0];
	vm0 =	veq.s32 v33, v28  }
0x1e: {  	v39 =	vld [tilespmem:$0x30];
	vm9 =	veq.s32 v34, v28;
	v41 =	vsel vm0, $0x3F800000, v32  }
0x1f: {  	v40 =	vld [tilespmem:$0xB0];
	vm10 =	veq.s32 v35, v28;
	v49 =	vsel vm9, $0x3F800000, v32;
	[tilespmem:$0x100] =	vst v41  }
0x20: {  	v43 =	vld [tilespmem:$0xC0];
	vm11 =	veq.s32 v36, v28;
	v50 =	vsel vm10, $0x3F800000, v32;
	[tilespmem:$0x180] =	vst v49  }
0x21: {  	v44 =	vld [tilespmem:$0x50];
	vm12 =	veq.s32 v37, v28;
	v51 =	vsel vm11, $0x3F800000, v32;
	[tilespmem:$0x110] =	vst v50  }
0x22: {  	v45 =	vld [tilespmem:$0xD0];
	vm13 =	veq.s32 v38, v28;
	v52 =	vsel vm12, $0x3F800000, v32;
	[tilespmem:$0x190] =	vst v51  }
0x23: {  	v46 =	vld [tilespmem:$0x60];
	vm14 =	veq.s32 v39, v28;
	v53 =	vsel vm13, $0x3F800000, v32;
	[tilespmem:$0x120] =	vst v52  }
0x24: {  	v42 =	vld [tilespmem:$0x40];
	vm15 =	veq.s32 v40, v28;
	v54 =	vsel vm14, $0x3F800000, v32;
	[tilespmem:$0x1A0] =	vst v53  }
0x25: {  	v47 =	vld [tilespmem:$0xE0];
	vm5 =	veq.s32 v43, v28;
	v55 =	vsel vm15, $0x3F800000, v32;
	[tilespmem:$0x130] =	vst v54  }
0x26: {  	v48 =	vld [tilespmem:$0x70];
	vm6 =	veq.s32 v44, v28;
	v56 =	vsel vm5, $0x3F800000, v32;
	[tilespmem:$0x1B0] =	vst v55  }
0x27: {  	vm7 =	veq.s32 v45, v28;
	v57 =	vsel vm6, $0x3F800000, v32;
	v41 =	vld [tilespmem:$0xF0];
	[tilespmem:$0x1C0] =	vst v56  }
0x28: {  	vm8 =	veq.s32 v46, v28;
	v58 =	vsel vm7, $0x3F800000, v32;
	[tilespmem:$0x150] =	vst v57  }
0x29: {  	vm4 =	veq.s32 v42, v28;
	v59 =	vsel vm8, $0x3F800000, v32;
	[tilespmem:$0x1D0] =	vst v58  }
0x2a: {  	vm9 =	veq.s32 v47, v28;
	v49 =	vsel vm4, $0x3F800000, v32;
	[tilespmem:$0x160] =	vst v59  }
0x2b: {  	vm10 =	veq.s32 v48, v28;
	v60 =	vsel vm9, $0x3F800000, v32;
	[tilespmem:$0x140] =	vst v49  }
0x2c: {  	v61 =	vsel vm10, $0x3F800000, v32;
	[tilespmem:$0x1E0] =	vst v60;
	vm11 =	veq.s32 v41, v28  }
0x2d: {  	vm12 =	veq.s32 v33, v0;
	[tilespmem:$0x170] =	vst v61;
	v62 =	vsel vm11, $0x3F800000, v32  }
0x2e: {  	vm13 =	veq.s32 v34, v0;
	v63 =	vsel vm12, $0x3F800000, v32;
	[tilespmem:$0x1F0] =	vst v62  }
0x2f: {  	vm14 =	veq.s32 v35, v0;
	v52 =	vsel vm13, $0x3F800000, v32;
	[tilespmem:$0x200] =	vst v63  }
0x30: {  	vm15 =	veq.s32 v36, v0;
	v53 =	vsel vm14, $0x3F800000, v32;
	[tilespmem:$0x280] =	vst v52  }
0x31: {  	v54 =	vsel vm15, $0x3F800000, v32;
	vm4 =	veq.s32 v37, v0;
	[tilespmem:$0x210] =	vst v53  }
0x32: {  	vm5 =	veq.s32 v38, v0;
	v55 =	vsel vm4, $0x3F800000, v32;
	[tilespmem:$0x290] =	vst v54  }
0x33: {  	vm6 =	veq.s32 v39, v0;
	v56 =	vsel vm5, $0x3F800000, v32;
	[tilespmem:$0x220] =	vst v55  }
0x34: {  	vm7 =	veq.s32 v40, v0;
	v57 =	vsel vm6, $0x3F800000, v32;
	[tilespmem:$0x2A0] =	vst v56  }
0x35: {  	vm8 =	veq.s32 v42, v0;
	v58 =	vsel vm7, $0x3F800000, v32;
	[tilespmem:$0x230] =	vst v57  }
0x36: {  	v59 =	vsel vm8, $0x3F800000, v32;
	vm9 =	veq.s32 v43, v0;
	[tilespmem:$0x2B0] =	vst v58  }
0x37: {  	vm10 =	veq.s32 v44, v0;
	v60 =	vsel vm9, $0x3F800000, v32;
	[tilespmem:$0x240] =	vst v59  }
0x38: {  	v61 =	vsel vm10, $0x3F800000, v32;
	vm11 =	veq.s32 v45, v0;
	[tilespmem:$0x2C0] =	vst v60  }
0x39: {  	vm12 =	veq.s32 v46, v0;
	[tilespmem:$0x250] =	vst v61;
	v62 =	vsel vm11, $0x3F800000, v32  }
0x3a: {  	vm13 =	veq.s32 v47, v0;
	v63 =	vsel vm12, $0x3F800000, v32;
	[tilespmem:$0x2D0] =	vst v62  }
0x3b: {  	vm14 =	veq.s32 v48, v0;
	v52 =	vsel vm13, $0x3F800000, v32;
	[tilespmem:$0x260] =	vst v63  }
0x3c: {  	vm15 =	veq.s32 v41, v0;
	v53 =	vsel vm14, $0x3F800000, v32;
	[tilespmem:$0x2E0] =	vst v52  }
0x3d: {  	vm4 =	veq.s32 v33, v1;
	v54 =	vsel vm15, $0x3F800000, v32;
	[tilespmem:$0x270] =	vst v53  }
0x3e: {  	vm5 =	veq.s32 v34, v1;
	v55 =	vsel vm4, $0x3F800000, v32;
	[tilespmem:$0x2F0] =	vst v54  }
0x3f: {  	vm6 =	veq.s32 v35, v1;
	v56 =	vsel vm5, $0x3F800000, v32;
	[tilespmem:$0x300] =	vst v55  }
0x40: {  	vm7 =	veq.s32 v36, v1;
	v57 =	vsel vm6, $0x3F800000, v32;
	[tilespmem:$0x380] =	vst v56  }
0x41: {  	vm8 =	veq.s32 v37, v1;
	v58 =	vsel vm7, $0x3F800000, v32;
	[tilespmem:$0x310] =	vst v57  }
0x42: {  	vm9 =	veq.s32 v38, v1;
	v59 =	vsel vm8, $0x3F800000, v32;
	[tilespmem:$0x390] =	vst v58  }
0x43: {  	vm10 =	veq.s32 v39, v1;
	v60 =	vsel vm9, $0x3F800000, v32;
	[tilespmem:$0x320] =	vst v59  }
0x44: {  	v61 =	vsel vm10, $0x3F800000, v32;
	vm11 =	veq.s32 v40, v1;
	[tilespmem:$0x3A0] =	vst v60  }
0x45: {  	vm12 =	veq.s32 v42, v1;
	[tilespmem:$0x330] =	vst v61;
	v62 =	vsel vm11, $0x3F800000, v32  }
0x46: {  	vm13 =	veq.s32 v43, v1;
	v63 =	vsel vm12, $0x3F800000, v32;
	[tilespmem:$0x3B0] =	vst v62  }
0x47: {  	vm14 =	veq.s32 v44, v1;
	v52 =	vsel vm13, $0x3F800000, v32;
	[tilespmem:$0x340] =	vst v63  }
0x48: {  	vm15 =	veq.s32 v45, v1;
	v53 =	vsel vm14, $0x3F800000, v32;
	[tilespmem:$0x3C0] =	vst v52  }
0x49: {  	vm4 =	veq.s32 v46, v1;
	v54 =	vsel vm15, $0x3F800000, v32;
	[tilespmem:$0x350] =	vst v53  }
0x4a: {  	vm5 =	veq.s32 v47, v1;
	v55 =	vsel vm4, $0x3F800000, v32;
	[tilespmem:$0x3D0] =	vst v54  }
0x4b: {  	vm6 =	veq.s32 v48, v1;
	v56 =	vsel vm5, $0x3F800000, v32;
	[tilespmem:$0x360] =	vst v55  }
0x4c: {  	vm7 =	veq.s32 v41, v1;
	v57 =	vsel vm6, $0x3F800000, v32;
	[tilespmem:$0x3E0] =	vst v56  }
0x4d: {  	vm8 =	veq.s32 v33, v2;
	v58 =	vsel vm7, $0x3F800000, v32;
	[tilespmem:$0x370] =	vst v57  }
0x4e: {  	vm9 =	veq.s32 v34, v2;
	v59 =	vsel vm8, $0x3F800000, v32;
	[tilespmem:$0x3F0] =	vst v58  }
0x4f: {  	vm10 =	veq.s32 v35, v2;
	v60 =	vsel vm9, $0x3F800000, v32;
	[tilespmem:$0x400] =	vst v59  }
0x50: {  	v61 =	vsel vm10, $0x3F800000, v32;
	vm11 =	veq.s32 v36, v2;
	[tilespmem:$0x480] =	vst v60  }
0x51: {  	vm12 =	veq.s32 v37, v2;
	[tilespmem:$0x410] =	vst v61;
	v62 =	vsel vm11, $0x3F800000, v32  }
0x52: {  	vm13 =	veq.s32 v38, v2;
	v63 =	vsel vm12, $0x3F800000, v32;
	[tilespmem:$0x490] =	vst v62  }
0x53: {  	vm14 =	veq.s32 v39, v2;
	v52 =	vsel vm13, $0x3F800000, v32;
	[tilespmem:$0x420] =	vst v63  }
0x54: {  	vm15 =	veq.s32 v40, v2;
	v53 =	vsel vm14, $0x3F800000, v32;
	[tilespmem:$0x4A0] =	vst v52  }
0x55: {  	vm4 =	veq.s32 v42, v2;
	v54 =	vsel vm15, $0x3F800000, v32;
	[tilespmem:$0x430] =	vst v53  }
0x56: {  	vm5 =	veq.s32 v43, v2;
	v55 =	vsel vm4, $0x3F800000, v32;
	[tilespmem:$0x4B0] =	vst v54  }
0x57: {  	vm6 =	veq.s32 v44, v2;
	v56 =	vsel vm5, $0x3F800000, v32;
	[tilespmem:$0x440] =	vst v55  }
0x58: {  	vm7 =	veq.s32 v45, v2;
	v57 =	vsel vm6, $0x3F800000, v32;
	[tilespmem:$0x4C0] =	vst v56  }
0x59: {  	vm8 =	veq.s32 v46, v2;
	v58 =	vsel vm7, $0x3F800000, v32;
	[tilespmem:$0x450] =	vst v57  }
0x5a: {  	vm9 =	veq.s32 v47, v2;
	v59 =	vsel vm8, $0x3F800000, v32;
	[tilespmem:$0x4D0] =	vst v58  }
0x5b: {  	vm10 =	veq.s32 v48, v2;
	v60 =	vsel vm9, $0x3F800000, v32;
	[tilespmem:$0x460] =	vst v59  }
0x5c: {  	v61 =	vsel vm10, $0x3F800000, v32;
	vm11 =	veq.s32 v41, v2;
	[tilespmem:$0x4E0] =	vst v60  }
0x5d: {  	vm12 =	veq.s32 v33, v3;
	[tilespmem:$0x470] =	vst v61;
	v62 =	vsel vm11, $0x3F800000, v32  }
0x5e: {  	vm13 =	veq.s32 v34, v3;
	v63 =	vsel vm12, $0x3F800000, v32;
	[tilespmem:$0x4F0] =	vst v62  }
0x5f: {  	vm14 =	veq.s32 v35, v3;
	v52 =	vsel vm13, $0x3F800000, v32;
	[tilespmem:$0x500] =	vst v63  }
0x60: {  	vm15 =	veq.s32 v36, v3;
	v53 =	vsel vm14, $0x3F800000, v32;
	[tilespmem:$0x580] =	vst v52  }
0x61: {  	vm4 =	veq.s32 v37, v3;
	v54 =	vsel vm15, $0x3F800000, v32;
	[tilespmem:$0x510] =	vst v53  }
0x62: {  	vm5 =	veq.s32 v38, v3;
	v55 =	vsel vm4, $0x3F800000, v32;
	[tilespmem:$0x590] =	vst v54  }
0x63: {  	vm6 =	veq.s32 v39, v3;
	v56 =	vsel vm5, $0x3F800000, v32;
	[tilespmem:$0x520] =	vst v55  }
0x64: {  	vm7 =	veq.s32 v40, v3;
	v57 =	vsel vm6, $0x3F800000, v32;
	[tilespmem:$0x5A0] =	vst v56  }
0x65: {  	vm8 =	veq.s32 v42, v3;
	v58 =	vsel vm7, $0x3F800000, v32;
	[tilespmem:$0x530] =	vst v57  }
0x66: {  	vm9 =	veq.s32 v43, v3;
	v59 =	vsel vm8, $0x3F800000, v32;
	[tilespmem:$0x5B0] =	vst v58  }
0x67: {  	vm10 =	veq.s32 v44, v3;
	v60 =	vsel vm9, $0x3F800000, v32;
	[tilespmem:$0x540] =	vst v59  }
0x68: {  	v61 =	vsel vm10, $0x3F800000, v32;
	vm11 =	veq.s32 v45, v3;
	[tilespmem:$0x5C0] =	vst v60  }
0x69: {  	vm12 =	veq.s32 v46, v3;
	[tilespmem:$0x550] =	vst v61;
	v62 =	vsel vm11, $0x3F800000, v32  }
0x6a: {  	vm13 =	veq.s32 v47, v3;
	v63 =	vsel vm12, $0x3F800000, v32;
	[tilespmem:$0x5D0] =	vst v62  }
0x6b: {  	vm14 =	veq.s32 v48, v3;
	v52 =	vsel vm13, $0x3F800000, v32;
	[tilespmem:$0x560] =	vst v63  }
0x6c: {  	vm15 =	veq.s32 v41, v3;
	v53 =	vsel vm14, $0x3F800000, v32;
	[tilespmem:$0x5E0] =	vst v52  }
0x6d: {  	vm4 =	veq.s32 v33, v4;
	v54 =	vsel vm15, $0x3F800000, v32;
	[tilespmem:$0x570] =	vst v53  }
0x6e: {  	vm5 =	veq.s32 v34, v4;
	v55 =	vsel vm4, $0x3F800000, v32;
	[tilespmem:$0x5F0] =	vst v54  }
0x6f: {  	vm6 =	veq.s32 v35, v4;
	v56 =	vsel vm5, $0x3F800000, v32;
	[tilespmem:$0x600] =	vst v55  }
0x70: {  	vm7 =	veq.s32 v36, v4;
	v57 =	vsel vm6, $0x3F800000, v32;
	[tilespmem:$0x680] =	vst v56  }
0x71: {  	vm8 =	veq.s32 v37, v4;
	v58 =	vsel vm7, $0x3F800000, v32;
	[tilespmem:$0x610] =	vst v57  }
0x72: {  	vm9 =	veq.s32 v38, v4;
	v59 =	vsel vm8, $0x3F800000, v32;
	[tilespmem:$0x690] =	vst v58  }
0x73: {  	vm10 =	veq.s32 v39, v4;
	v60 =	vsel vm9, $0x3F800000, v32;
	[tilespmem:$0x620] =	vst v59  }
0x74: {  	v61 =	vsel vm10, $0x3F800000, v32;
	vm11 =	veq.s32 v40, v4;
	[tilespmem:$0x6A0] =	vst v60  }
0x75: {  	vm12 =	veq.s32 v42, v4;
	[tilespmem:$0x630] =	vst v61;
	v62 =	vsel vm11, $0x3F800000, v32  }
0x76: {  	vm13 =	veq.s32 v43, v4;
	v63 =	vsel vm12, $0x3F800000, v32;
	[tilespmem:$0x6B0] =	vst v62  }
0x77: {  	vm14 =	veq.s32 v44, v4;
	v52 =	vsel vm13, $0x3F800000, v32;
	[tilespmem:$0x640] =	vst v63  }
0x78: {  	vm15 =	veq.s32 v45, v4;
	v53 =	vsel vm14, $0x3F800000, v32;
	[tilespmem:$0x6C0] =	vst v52  }
0x79: {  	vm4 =	veq.s32 v46, v4;
	v54 =	vsel vm15, $0x3F800000, v32;
	[tilespmem:$0x650] =	vst v53  }
0x7a: {  	vm5 =	veq.s32 v47, v4;
	v55 =	vsel vm4, $0x3F800000, v32;
	[tilespmem:$0x6D0] =	vst v54  }
0x7b: {  	vm6 =	veq.s32 v48, v4;
	v56 =	vsel vm5, $0x3F800000, v32;
	[tilespmem:$0x660] =	vst v55  }
0x7c: {  	vm7 =	veq.s32 v41, v4;
	v57 =	vsel vm6, $0x3F800000, v32;
	[tilespmem:$0x6E0] =	vst v56  }
0x7d: {  	vm8 =	veq.s32 v33, v5;
	v58 =	vsel vm7, $0x3F800000, v32;
	[tilespmem:$0x670] =	vst v57  }
0x7e: {  	vm9 =	veq.s32 v34, v5;
	v59 =	vsel vm8, $0x3F800000, v32;
	[tilespmem:$0x6F0] =	vst v58  }
0x7f: {  	vm10 =	veq.s32 v35, v5;
	v60 =	vsel vm9, $0x3F800000, v32;
	[tilespmem:$0x700] =	vst v59  }
0x80: {  	v61 =	vsel vm10, $0x3F800000, v32;
	vm11 =	veq.s32 v36, v5;
	[tilespmem:$0x780] =	vst v60  }
0x81: {  	vm12 =	veq.s32 v37, v5;
	[tilespmem:$0x710] =	vst v61;
	v62 =	vsel vm11, $0x3F800000, v32  }
0x82: {  	vm13 =	veq.s32 v38, v5;
	v63 =	vsel vm12, $0x3F800000, v32;
	[tilespmem:$0x790] =	vst v62  }
0x83: {  	vm14 =	veq.s32 v39, v5;
	v52 =	vsel vm13, $0x3F800000, v32;
	[tilespmem:$0x720] =	vst v63  }
0x84: {  	vm15 =	veq.s32 v40, v5;
	v53 =	vsel vm14, $0x3F800000, v32;
	[tilespmem:$0x7A0] =	vst v52  }
0x85: {  	vm4 =	veq.s32 v42, v5;
	v54 =	vsel vm15, $0x3F800000, v32;
	[tilespmem:$0x730] =	vst v53  }
0x86: {  	vm5 =	veq.s32 v43, v5;
	v55 =	vsel vm4, $0x3F800000, v32;
	[tilespmem:$0x7B0] =	vst v54  }
0x87: {  	vm6 =	veq.s32 v44, v5;
	v56 =	vsel vm5, $0x3F800000, v32;
	[tilespmem:$0x740] =	vst v55  }
0x88: {  	vm7 =	veq.s32 v45, v5;
	v57 =	vsel vm6, $0x3F800000, v32;
	[tilespmem:$0x7C0] =	vst v56  }
0x89: {  	vm8 =	veq.s32 v46, v5;
	v58 =	vsel vm7, $0x3F800000, v32;
	[tilespmem:$0x750] =	vst v57  }
0x8a: {  	vm9 =	veq.s32 v47, v5;
	v59 =	vsel vm8, $0x3F800000, v32;
	[tilespmem:$0x7D0] =	vst v58  }
0x8b: {  	vm10 =	veq.s32 v48, v5;
	v60 =	vsel vm9, $0x3F800000, v32;
	[tilespmem:$0x760] =	vst v59  }
0x8c: {  	v61 =	vsel vm10, $0x3F800000, v32;
	vm11 =	veq.s32 v41, v5;
	[tilespmem:$0x7E0] =	vst v60  }
0x8d: {  	vm12 =	veq.s32 v33, v6;
	[tilespmem:$0x770] =	vst v61;
	v62 =	vsel vm11, $0x3F800000, v32  }
0x8e: {  	vm13 =	veq.s32 v34, v6;
	v63 =	vsel vm12, $0x3F800000, v32;
	[tilespmem:$0x7F0] =	vst v62  }
0x8f: {  	vm14 =	veq.s32 v35, v6;
	v52 =	vsel vm13, $0x3F800000, v32;
	[tilespmem:$0x800] =	vst v63  }
0x90: {  	vm15 =	veq.s32 v36, v6;
	v53 =	vsel vm14, $0x3F800000, v32;
	[tilespmem:$0x880] =	vst v52  }
0x91: {  	vm4 =	veq.s32 v37, v6;
	v54 =	vsel vm15, $0x3F800000, v32;
	[tilespmem:$0x810] =	vst v53  }
0x92: {  	vm5 =	veq.s32 v38, v6;
	v55 =	vsel vm4, $0x3F800000, v32;
	[tilespmem:$0x890] =	vst v54  }
0x93: {  	vm6 =	veq.s32 v39, v6;
	v56 =	vsel vm5, $0x3F800000, v32;
	[tilespmem:$0x820] =	vst v55  }
0x94: {  	vm7 =	veq.s32 v40, v6;
	v57 =	vsel vm6, $0x3F800000, v32;
	[tilespmem:$0x8A0] =	vst v56  }
0x95: {  	vm8 =	veq.s32 v42, v6;
	v58 =	vsel vm7, $0x3F800000, v32;
	[tilespmem:$0x830] =	vst v57  }
0x96: {  	vm9 =	veq.s32 v43, v6;
	v59 =	vsel vm8, $0x3F800000, v32;
	[tilespmem:$0x8B0] =	vst v58  }
0x97: {  	vm10 =	veq.s32 v44, v6;
	v60 =	vsel vm9, $0x3F800000, v32;
	[tilespmem:$0x840] =	vst v59  }
0x98: {  	v61 =	vsel vm10, $0x3F800000, v32;
	vm11 =	veq.s32 v45, v6;
	[tilespmem:$0x8C0] =	vst v60  }
0x99: {  	vm12 =	veq.s32 v46, v6;
	[tilespmem:$0x850] =	vst v61;
	v62 =	vsel vm11, $0x3F800000, v32  }
0x9a: {  	vm13 =	veq.s32 v47, v6;
	v63 =	vsel vm12, $0x3F800000, v32;
	[tilespmem:$0x8D0] =	vst v62  }
0x9b: {  	vm14 =	veq.s32 v48, v6;
	v52 =	vsel vm13, $0x3F800000, v32;
	[tilespmem:$0x860] =	vst v63  }
0x9c: {  	vm15 =	veq.s32 v41, v6;
	v53 =	vsel vm14, $0x3F800000, v32;
	[tilespmem:$0x8E0] =	vst v52  }
0x9d: {  	vm4 =	veq.s32 v33, v7;
	v54 =	vsel vm15, $0x3F800000, v32;
	[tilespmem:$0x870] =	vst v53  }
0x9e: {  	vm5 =	veq.s32 v34, v7;
	v55 =	vsel vm4, $0x3F800000, v32;
	[tilespmem:$0x8F0] =	vst v54  }
0x9f: {  	vm6 =	veq.s32 v35, v7;
	v56 =	vsel vm5, $0x3F800000, v32;
	[tilespmem:$0x900] =	vst v55  }
0xa0: {  	vm7 =	veq.s32 v36, v7;
	v57 =	vsel vm6, $0x3F800000, v32;
	[tilespmem:$0x980] =	vst v56  }
0xa1: {  	vm8 =	veq.s32 v37, v7;
	v58 =	vsel vm7, $0x3F800000, v32;
	[tilespmem:$0x910] =	vst v57  }
0xa2: {  	vm9 =	veq.s32 v38, v7;
	v59 =	vsel vm8, $0x3F800000, v32;
	[tilespmem:$0x990] =	vst v58  }
0xa3: {  	vm10 =	veq.s32 v39, v7;
	v60 =	vsel vm9, $0x3F800000, v32;
	[tilespmem:$0x920] =	vst v59  }
0xa4: {  	v61 =	vsel vm10, $0x3F800000, v32;
	vm11 =	veq.s32 v40, v7;
	[tilespmem:$0x9A0] =	vst v60  }
0xa5: {  	vm12 =	veq.s32 v42, v7;
	[tilespmem:$0x930] =	vst v61;
	v62 =	vsel vm11, $0x3F800000, v32  }
0xa6: {  	vm13 =	veq.s32 v43, v7;
	v63 =	vsel vm12, $0x3F800000, v32;
	[tilespmem:$0x9B0] =	vst v62  }
0xa7: {  	vm14 =	veq.s32 v44, v7;
	v52 =	vsel vm13, $0x3F800000, v32;
	[tilespmem:$0x940] =	vst v63  }
0xa8: {  	vm15 =	veq.s32 v45, v7;
	v53 =	vsel vm14, $0x3F800000, v32;
	[tilespmem:$0x9C0] =	vst v52  }
0xa9: {  	vm4 =	veq.s32 v46, v7;
	v54 =	vsel vm15, $0x3F800000, v32;
	[tilespmem:$0x950] =	vst v53  }
0xaa: {  	vm5 =	veq.s32 v47, v7;
	v55 =	vsel vm4, $0x3F800000, v32;
	[tilespmem:$0x9D0] =	vst v54  }
0xab: {  	vm6 =	veq.s32 v48, v7;
	v56 =	vsel vm5, $0x3F800000, v32;
	[tilespmem:$0x960] =	vst v55  }
0xac: {  	vm7 =	veq.s32 v41, v7;
	v57 =	vsel vm6, $0x3F800000, v32;
	[tilespmem:$0x9E0] =	vst v56  }
0xad: {  	vm8 =	veq.s32 v33, v8;
	v58 =	vsel vm7, $0x3F800000, v32;
	[tilespmem:$0x970] =	vst v57  }
0xae: {  	vm9 =	veq.s32 v34, v8;
	v59 =	vsel vm8, $0x3F800000, v32;
	[tilespmem:$0x9F0] =	vst v58  }
0xaf: {  	vm10 =	veq.s32 v35, v8;
	v60 =	vsel vm9, $0x3F800000, v32;
	[tilespmem:$0xA00] =	vst v59  }
0xb0: {  	v61 =	vsel vm10, $0x3F800000, v32;
	vm11 =	veq.s32 v36, v8;
	[tilespmem:$0xA80] =	vst v60  }
0xb1: {  	vm12 =	veq.s32 v37, v8;
	[tilespmem:$0xA10] =	vst v61;
	v62 =	vsel vm11, $0x3F800000, v32  }
0xb2: {  	vm13 =	veq.s32 v38, v8;
	v63 =	vsel vm12, $0x3F800000, v32;
	[tilespmem:$0xA90] =	vst v62  }
0xb3: {  	vm14 =	veq.s32 v39, v8;
	v52 =	vsel vm13, $0x3F800000, v32;
	[tilespmem:$0xA20] =	vst v63  }
0xb4: {  	vm15 =	veq.s32 v40, v8;
	v53 =	vsel vm14, $0x3F800000, v32;
	[tilespmem:$0xAA0] =	vst v52  }
0xb5: {  	vm4 =	veq.s32 v42, v8;
	v54 =	vsel vm15, $0x3F800000, v32;
	[tilespmem:$0xA30] =	vst v53  }
0xb6: {  	vm5 =	veq.s32 v43, v8;
	v55 =	vsel vm4, $0x3F800000, v32;
	[tilespmem:$0xAB0] =	vst v54  }
0xb7: {  	vm6 =	veq.s32 v44, v8;
	v56 =	vsel vm5, $0x3F800000, v32;
	[tilespmem:$0xA40] =	vst v55  }
0xb8: {  	vm7 =	veq.s32 v45, v8;
	v57 =	vsel vm6, $0x3F800000, v32;
	[tilespmem:$0xAC0] =	vst v56  }
0xb9: {  	vm8 =	veq.s32 v46, v8;
	v58 =	vsel vm7, $0x3F800000, v32;
	[tilespmem:$0xA50] =	vst v57  }
0xba: {  	vm9 =	veq.s32 v47, v8;
	v59 =	vsel vm8, $0x3F800000, v32;
	[tilespmem:$0xAD0] =	vst v58  }
0xbb: {  	vm10 =	veq.s32 v48, v8;
	v60 =	vsel vm9, $0x3F800000, v32;
	[tilespmem:$0xA60] =	vst v59  }
0xbc: {  	v61 =	vsel vm10, $0x3F800000, v32;
	vm11 =	veq.s32 v41, v8;
	[tilespmem:$0xAE0] =	vst v60  }
0xbd: {  	vm12 =	veq.s32 v33, v9;
	[tilespmem:$0xA70] =	vst v61;
	v62 =	vsel vm11, $0x3F800000, v32  }
0xbe: {  	vm13 =	veq.s32 v34, v9;
	v63 =	vsel vm12, $0x3F800000, v32;
	[tilespmem:$0xAF0] =	vst v62  }
0xbf: {  	vm14 =	veq.s32 v35, v9;
	v52 =	vsel vm13, $0x3F800000, v32;
	[tilespmem:$0xB00] =	vst v63  }
0xc0: {  	vm15 =	veq.s32 v36, v9;
	v53 =	vsel vm14, $0x3F800000, v32;
	[tilespmem:$0xB80] =	vst v52  }
0xc1: {  	vm4 =	veq.s32 v37, v9;
	v54 =	vsel vm15, $0x3F800000, v32;
	[tilespmem:$0xB10] =	vst v53  }
0xc2: {  	vm5 =	veq.s32 v38, v9;
	v55 =	vsel vm4, $0x3F800000, v32;
	[tilespmem:$0xB90] =	vst v54  }
0xc3: {  	vm6 =	veq.s32 v39, v9;
	v56 =	vsel vm5, $0x3F800000, v32;
	[tilespmem:$0xB20] =	vst v55  }
0xc4: {  	vm7 =	veq.s32 v40, v9;
	v57 =	vsel vm6, $0x3F800000, v32;
	[tilespmem:$0xBA0] =	vst v56  }
0xc5: {  	vm8 =	veq.s32 v42, v9;
	v58 =	vsel vm7, $0x3F800000, v32;
	[tilespmem:$0xB30] =	vst v57  }
0xc6: {  	vm9 =	veq.s32 v43, v9;
	v59 =	vsel vm8, $0x3F800000, v32;
	[tilespmem:$0xBB0] =	vst v58  }
0xc7: {  	vm10 =	veq.s32 v44, v9;
	v60 =	vsel vm9, $0x3F800000, v32;
	[tilespmem:$0xB40] =	vst v59  }
0xc8: {  	v61 =	vsel vm10, $0x3F800000, v32;
	vm11 =	veq.s32 v45, v9;
	[tilespmem:$0xBC0] =	vst v60  }
0xc9: {  	vm12 =	veq.s32 v46, v9;
	[tilespmem:$0xB50] =	vst v61;
	v62 =	vsel vm11, $0x3F800000, v32  }
0xca: {  	vm13 =	veq.s32 v47, v9;
	v63 =	vsel vm12, $0x3F800000, v32;
	[tilespmem:$0xBD0] =	vst v62  }
0xcb: {  	vm14 =	veq.s32 v48, v9;
	v52 =	vsel vm13, $0x3F800000, v32;
	[tilespmem:$0xB60] =	vst v63  }
0xcc: {  	vm15 =	veq.s32 v41, v9;
	v53 =	vsel vm14, $0x3F800000, v32;
	[tilespmem:$0xBE0] =	vst v52  }
0xcd: {  	vm4 =	veq.s32 v33, v10;
	v54 =	vsel vm15, $0x3F800000, v32;
	[tilespmem:$0xB70] =	vst v53  }
0xce: {  	vm5 =	veq.s32 v34, v10;
	v55 =	vsel vm4, $0x3F800000, v32;
	[tilespmem:$0xBF0] =	vst v54  }
0xcf: {  	vm6 =	veq.s32 v35, v10;
	v56 =	vsel vm5, $0x3F800000, v32;
	[tilespmem:$0xC00] =	vst v55  }
0xd0: {  	vm7 =	veq.s32 v36, v10;
	v57 =	vsel vm6, $0x3F800000, v32;
	[tilespmem:$0xC80] =	vst v56  }
0xd1: {  	vm8 =	veq.s32 v37, v10;
	v58 =	vsel vm7, $0x3F800000, v32;
	[tilespmem:$0xC10] =	vst v57  }
0xd2: {  	vm9 =	veq.s32 v38, v10;
	v59 =	vsel vm8, $0x3F800000, v32;
	[tilespmem:$0xC90] =	vst v58  }
0xd3: {  	vm10 =	veq.s32 v39, v10;
	v60 =	vsel vm9, $0x3F800000, v32;
	[tilespmem:$0xC20] =	vst v59  }
0xd4: {  	v61 =	vsel vm10, $0x3F800000, v32;
	vm11 =	veq.s32 v40, v10;
	[tilespmem:$0xCA0] =	vst v60  }
0xd5: {  	vm12 =	veq.s32 v42, v10;
	[tilespmem:$0xC30] =	vst v61;
	v62 =	vsel vm11, $0x3F800000, v32  }
0xd6: {  	vm13 =	veq.s32 v43, v10;
	v63 =	vsel vm12, $0x3F800000, v32;
	[tilespmem:$0xCB0] =	vst v62  }
0xd7: {  	vm14 =	veq.s32 v44, v10;
	v52 =	vsel vm13, $0x3F800000, v32;
	[tilespmem:$0xC40] =	vst v63  }
0xd8: {  	vm15 =	veq.s32 v45, v10;
	v53 =	vsel vm14, $0x3F800000, v32;
	[tilespmem:$0xCC0] =	vst v52  }
0xd9: {  	vm4 =	veq.s32 v46, v10;
	v54 =	vsel vm15, $0x3F800000, v32;
	[tilespmem:$0xC50] =	vst v53  }
0xda: {  	vm5 =	veq.s32 v47, v10;
	v55 =	vsel vm4, $0x3F800000, v32;
	[tilespmem:$0xCD0] =	vst v54  }
0xdb: {  	vm6 =	veq.s32 v48, v10;
	v56 =	vsel vm5, $0x3F800000, v32;
	[tilespmem:$0xC60] =	vst v55  }
0xdc: {  	vm7 =	veq.s32 v41, v10;
	v57 =	vsel vm6, $0x3F800000, v32;
	[tilespmem:$0xCE0] =	vst v56  }
0xdd: {  	vm8 =	veq.s32 v33, v11;
	v58 =	vsel vm7, $0x3F800000, v32;
	[tilespmem:$0xC70] =	vst v57  }
0xde: {  	vm9 =	veq.s32 v34, v11;
	v59 =	vsel vm8, $0x3F800000, v32;
	[tilespmem:$0xCF0] =	vst v58  }
0xdf: {  	vm10 =	veq.s32 v35, v11;
	v60 =	vsel vm9, $0x3F800000, v32;
	[tilespmem:$0xD00] =	vst v59  }
0xe0: {  	v61 =	vsel vm10, $0x3F800000, v32;
	vm11 =	veq.s32 v36, v11;
	[tilespmem:$0xD80] =	vst v60  }
0xe1: {  	vm12 =	veq.s32 v37, v11;
	[tilespmem:$0xD10] =	vst v61;
	v62 =	vsel vm11, $0x3F800000, v32  }
0xe2: {  	vm13 =	veq.s32 v38, v11;
	v63 =	vsel vm12, $0x3F800000, v32;
	[tilespmem:$0xD90] =	vst v62  }
0xe3: {  	vm14 =	veq.s32 v39, v11;
	v52 =	vsel vm13, $0x3F800000, v32;
	[tilespmem:$0xD20] =	vst v63  }
0xe4: {  	vm15 =	veq.s32 v40, v11;
	v53 =	vsel vm14, $0x3F800000, v32;
	[tilespmem:$0xDA0] =	vst v52  }
0xe5: {  	vm4 =	veq.s32 v42, v11;
	v54 =	vsel vm15, $0x3F800000, v32;
	[tilespmem:$0xD30] =	vst v53  }
0xe6: {  	vm5 =	veq.s32 v43, v11;
	v55 =	vsel vm4, $0x3F800000, v32;
	[tilespmem:$0xDB0] =	vst v54  }
0xe7: {  	vm6 =	veq.s32 v44, v11;
	v56 =	vsel vm5, $0x3F800000, v32;
	[tilespmem:$0xD40] =	vst v55  }
0xe8: {  	vm7 =	veq.s32 v45, v11;
	v57 =	vsel vm6, $0x3F800000, v32;
	[tilespmem:$0xDC0] =	vst v56  }
0xe9: {  	vm8 =	veq.s32 v46, v11;
	v58 =	vsel vm7, $0x3F800000, v32;
	[tilespmem:$0xD50] =	vst v57  }
0xea: {  	vm9 =	veq.s32 v47, v11;
	v59 =	vsel vm8, $0x3F800000, v32;
	[tilespmem:$0xDD0] =	vst v58  }
0xeb: {  	vm10 =	veq.s32 v48, v11;
	v60 =	vsel vm9, $0x3F800000, v32;
	[tilespmem:$0xD60] =	vst v59  }
0xec: {  	v61 =	vsel vm10, $0x3F800000, v32;
	vm11 =	veq.s32 v41, v11;
	[tilespmem:$0xDE0] =	vst v60  }
0xed: {  	vm12 =	veq.s32 v33, v12;
	[tilespmem:$0xD70] =	vst v61;
	v62 =	vsel vm11, $0x3F800000, v32  }
0xee: {  	vm13 =	veq.s32 v34, v12;
	v63 =	vsel vm12, $0x3F800000, v32;
	[tilespmem:$0xDF0] =	vst v62  }
0xef: {  	vm14 =	veq.s32 v35, v12;
	v52 =	vsel vm13, $0x3F800000, v32;
	[tilespmem:$0xE00] =	vst v63  }
0xf0: {  	vm15 =	veq.s32 v36, v12;
	v53 =	vsel vm14, $0x3F800000, v32;
	[tilespmem:$0xE80] =	vst v52  }
0xf1: {  	vm4 =	veq.s32 v37, v12;
	v54 =	vsel vm15, $0x3F800000, v32;
	[tilespmem:$0xE10] =	vst v53  }
0xf2: {  	vm5 =	veq.s32 v38, v12;
	v55 =	vsel vm4, $0x3F800000, v32;
	[tilespmem:$0xE90] =	vst v54  }
0xf3: {  	vm6 =	veq.s32 v39, v12;
	v56 =	vsel vm5, $0x3F800000, v32;
	[tilespmem:$0xE20] =	vst v55  }
0xf4: {  	vm7 =	veq.s32 v40, v12;
	v57 =	vsel vm6, $0x3F800000, v32;
	[tilespmem:$0xEA0] =	vst v56  }
0xf5: {  	vm8 =	veq.s32 v42, v12;
	v58 =	vsel vm7, $0x3F800000, v32;
	[tilespmem:$0xE30] =	vst v57  }
0xf6: {  	vm9 =	veq.s32 v43, v12;
	v59 =	vsel vm8, $0x3F800000, v32;
	[tilespmem:$0xEB0] =	vst v58  }
0xf7: {  	vm10 =	veq.s32 v44, v12;
	v60 =	vsel vm9, $0x3F800000, v32;
	[tilespmem:$0xE40] =	vst v59  }
0xf8: {  	v61 =	vsel vm10, $0x3F800000, v32;
	vm11 =	veq.s32 v45, v12;
	[tilespmem:$0xEC0] =	vst v60  }
0xf9: {  	vm12 =	veq.s32 v46, v12;
	[tilespmem:$0xE50] =	vst v61;
	v62 =	vsel vm11, $0x3F800000, v32  }
0xfa: {  	vm13 =	veq.s32 v47, v12;
	v63 =	vsel vm12, $0x3F800000, v32;
	[tilespmem:$0xED0] =	vst v62  }
0xfb: {  	vm14 =	veq.s32 v48, v12;
	v52 =	vsel vm13, $0x3F800000, v32;
	[tilespmem:$0xE60] =	vst v63  }
0xfc: {  	vm15 =	veq.s32 v41, v12;
	v53 =	vsel vm14, $0x3F800000, v32;
	[tilespmem:$0xEE0] =	vst v52  }
0xfd: {  	vm4 =	veq.s32 v33, v13;
	v54 =	vsel vm15, $0x3F800000, v32;
	[tilespmem:$0xE70] =	vst v53  }
0xfe: {  	vm5 =	veq.s32 v34, v13;
	v55 =	vsel vm4, $0x3F800000, v32;
	[tilespmem:$0xEF0] =	vst v54  }
0xff: {  	vm6 =	veq.s32 v35, v13;
	v56 =	vsel vm5, $0x3F800000, v32;
	[tilespmem:$0xF00] =	vst v55  }
0x100: {  	vm7 =	veq.s32 v36, v13;
	v57 =	vsel vm6, $0x3F800000, v32;
	[tilespmem:$0xF80] =	vst v56  }
0x101: {  	vm8 =	veq.s32 v37, v13;
	v58 =	vsel vm7, $0x3F800000, v32;
	[tilespmem:$0xF10] =	vst v57  }
0x102: {  	vm9 =	veq.s32 v38, v13;
	v59 =	vsel vm8, $0x3F800000, v32;
	[tilespmem:$0xF90] =	vst v58  }
0x103: {  	vm10 =	veq.s32 v39, v13;
	v60 =	vsel vm9, $0x3F800000, v32;
	[tilespmem:$0xF20] =	vst v59  }
0x104: {  	v61 =	vsel vm10, $0x3F800000, v32;
	vm11 =	veq.s32 v40, v13;
	[tilespmem:$0xFA0] =	vst v60  }
0x105: {  	vm12 =	veq.s32 v42, v13;
	[tilespmem:$0xF30] =	vst v61;
	v62 =	vsel vm11, $0x3F800000, v32  }
0x106: {  	vm13 =	veq.s32 v43, v13;
	v63 =	vsel vm12, $0x3F800000, v32;
	[tilespmem:$0xFB0] =	vst v62  }
0x107: {  	vm14 =	veq.s32 v44, v13;
	v52 =	vsel vm13, $0x3F800000, v32;
	[tilespmem:$0xF40] =	vst v63  }
0x108: {  	vm15 =	veq.s32 v45, v13;
	v53 =	vsel vm14, $0x3F800000, v32;
	[tilespmem:$0xFC0] =	vst v52  }
0x109: {  	vm4 =	veq.s32 v46, v13;
	v54 =	vsel vm15, $0x3F800000, v32;
	[tilespmem:$0xF50] =	vst v53  }
0x10a: {  	vm5 =	veq.s32 v47, v13;
	v55 =	vsel vm4, $0x3F800000, v32;
	[tilespmem:$0xFD0] =	vst v54  }
0x10b: {  	vm6 =	veq.s32 v48, v13;
	v56 =	vsel vm5, $0x3F800000, v32;
	[tilespmem:$0xF60] =	vst v55  }
0x10c: {  	vm7 =	veq.s32 v41, v13;
	v57 =	vsel vm6, $0x3F800000, v32;
	[tilespmem:$0xFE0] =	vst v56  }
0x10d: {  	vm8 =	veq.s32 v33, v14;
	v58 =	vsel vm7, $0x3F800000, v32;
	[tilespmem:$0xF70] =	vst v57  }
0x10e: {  	vm9 =	veq.s32 v34, v14;
	v59 =	vsel vm8, $0x3F800000, v32;
	[tilespmem:$0xFF0] =	vst v58  }
0x10f: {  	vm10 =	veq.s32 v35, v14;
	v60 =	vsel vm9, $0x3F800000, v32;
	[tilespmem:$0x1000] =	vst v59  }
0x110: {  	v61 =	vsel vm10, $0x3F800000, v32;
	vm11 =	veq.s32 v36, v14;
	[tilespmem:$0x1080] =	vst v60  }
0x111: {  	vm12 =	veq.s32 v37, v14;
	[tilespmem:$0x1010] =	vst v61;
	v62 =	vsel vm11, $0x3F800000, v32  }
0x112: {  	vm13 =	veq.s32 v38, v14;
	v63 =	vsel vm12, $0x3F800000, v32;
	[tilespmem:$0x1090] =	vst v62  }
0x113: {  	vm14 =	veq.s32 v39, v14;
	v52 =	vsel vm13, $0x3F800000, v32;
	[tilespmem:$0x1020] =	vst v63  }
0x114: {  	vm15 =	veq.s32 v40, v14;
	v53 =	vsel vm14, $0x3F800000, v32;
	[tilespmem:$0x10A0] =	vst v52  }
0x115: {  	vm4 =	veq.s32 v42, v14;
	v54 =	vsel vm15, $0x3F800000, v32;
	[tilespmem:$0x1030] =	vst v53  }
0x116: {  	vm5 =	veq.s32 v43, v14;
	v55 =	vsel vm4, $0x3F800000, v32;
	[tilespmem:$0x10B0] =	vst v54  }
0x117: {  	vm6 =	veq.s32 v44, v14;
	v56 =	vsel vm5, $0x3F800000, v32;
	[tilespmem:$0x1040] =	vst v55  }
0x118: {  	vm7 =	veq.s32 v45, v14;
	v57 =	vsel vm6, $0x3F800000, v32;
	[tilespmem:$0x10C0] =	vst v56  }
0x119: {  	vm8 =	veq.s32 v46, v14;
	v58 =	vsel vm7, $0x3F800000, v32;
	[tilespmem:$0x1050] =	vst v57  }
0x11a: {  	vm9 =	veq.s32 v47, v14;
	v59 =	vsel vm8, $0x3F800000, v32;
	[tilespmem:$0x10D0] =	vst v58  }
0x11b: {  	vm10 =	veq.s32 v48, v14;
	v60 =	vsel vm9, $0x3F800000, v32;
	[tilespmem:$0x1060] =	vst v59  }
0x11c: {  	v61 =	vsel vm10, $0x3F800000, v32;
	vm11 =	veq.s32 v41, v14;
	[tilespmem:$0x10E0] =	vst v60  }
0x11d: {  	vm12 =	veq.s32 v33, v15;
	[tilespmem:$0x1070] =	vst v61;
	v62 =	vsel vm11, $0x3F800000, v32  }
0x11e: {  	vm13 =	veq.s32 v34, v15;
	v63 =	vsel vm12, $0x3F800000, v32;
	[tilespmem:$0x10F0] =	vst v62  }
0x11f: {  	vm14 =	veq.s32 v35, v15;
	v52 =	vsel vm13, $0x3F800000, v32;
	[tilespmem:$0x1100] =	vst v63  }
0x120: {  	vm15 =	veq.s32 v36, v15;
	v53 =	vsel vm14, $0x3F800000, v32;
	[tilespmem:$0x1180] =	vst v52  }
0x121: {  	vm4 =	veq.s32 v37, v15;
	v54 =	vsel vm15, $0x3F800000, v32;
	[tilespmem:$0x1110] =	vst v53  }
0x122: {  	vm5 =	veq.s32 v38, v15;
	v55 =	vsel vm4, $0x3F800000, v32;
	[tilespmem:$0x1190] =	vst v54  }
0x123: {  	vm6 =	veq.s32 v39, v15;
	v56 =	vsel vm5, $0x3F800000, v32;
	[tilespmem:$0x1120] =	vst v55  }
0x124: {  	vm7 =	veq.s32 v40, v15;
	v57 =	vsel vm6, $0x3F800000, v32;
	[tilespmem:$0x11A0] =	vst v56  }
0x125: {  	vm8 =	veq.s32 v42, v15;
	v58 =	vsel vm7, $0x3F800000, v32;
	[tilespmem:$0x1130] =	vst v57  }
0x126: {  	vm9 =	veq.s32 v43, v15;
	v59 =	vsel vm8, $0x3F800000, v32;
	[tilespmem:$0x11B0] =	vst v58  }
0x127: {  	vm10 =	veq.s32 v44, v15;
	v60 =	vsel vm9, $0x3F800000, v32;
	[tilespmem:$0x1140] =	vst v59  }
0x128: {  	v61 =	vsel vm10, $0x3F800000, v32;
	vm11 =	veq.s32 v45, v15;
	[tilespmem:$0x11C0] =	vst v60  }
0x129: {  	vm12 =	veq.s32 v46, v15;
	[tilespmem:$0x1150] =	vst v61;
	v62 =	vsel vm11, $0x3F800000, v32  }
0x12a: {  	vm13 =	veq.s32 v47, v15;
	v63 =	vsel vm12, $0x3F800000, v32;
	[tilespmem:$0x11D0] =	vst v62  }
0x12b: {  	vm14 =	veq.s32 v48, v15;
	v52 =	vsel vm13, $0x3F800000, v32;
	[tilespmem:$0x1160] =	vst v63  }
0x12c: {  	vm15 =	veq.s32 v48, v31;
	v53 =	vsel vm14, $0x3F800000, v32;
	[tilespmem:$0x11E0] =	vst v52  }
0x12d: {  	vm4 =	veq.s32 v47, v31;
	v54 =	vsel vm15, $0x3F800000, v32;
	[tilespmem:$0x1170] =	vst v53  }
0x12e: {  	vm5 =	veq.s32 v46, v31;
	v55 =	vsel vm4, $0x3F800000, v32;
	[tilespmem:$0x2070] =	vst v54  }
0x12f: {  	vm6 =	veq.s32 v45, v31;
	v56 =	vsel vm5, $0x3F800000, v32;
	[tilespmem:$0x20E0] =	vst v55  }
0x130: {  	vm7 =	veq.s32 v44, v31;
	v57 =	vsel vm6, $0x3F800000, v32;
	[tilespmem:$0x2060] =	vst v56  }
0x131: {  	vm8 =	veq.s32 v43, v31;
	v58 =	vsel vm7, $0x3F800000, v32;
	[tilespmem:$0x20D0] =	vst v57  }
0x132: {  	vm9 =	veq.s32 v42, v31;
	v59 =	vsel vm8, $0x3F800000, v32;
	[tilespmem:$0x2050] =	vst v58  }
0x133: {  	vm10 =	veq.s32 v40, v31;
	v60 =	vsel vm9, $0x3F800000, v32;
	[tilespmem:$0x20C0] =	vst v59  }
0x134: {  	v61 =	vsel vm10, $0x3F800000, v32;
	vm11 =	veq.s32 v39, v31;
	[tilespmem:$0x2040] =	vst v60  }
0x135: {  	vm12 =	veq.s32 v38, v31;
	[tilespmem:$0x20B0] =	vst v61;
	v62 =	vsel vm11, $0x3F800000, v32  }
0x136: {  	vm13 =	veq.s32 v37, v31;
	v63 =	vsel vm12, $0x3F800000, v32;
	[tilespmem:$0x2030] =	vst v62  }
0x137: {  	vm14 =	veq.s32 v36, v31;
	v52 =	vsel vm13, $0x3F800000, v32;
	[tilespmem:$0x20A0] =	vst v63  }
0x138: {  	vm15 =	veq.s32 v35, v31;
	v53 =	vsel vm14, $0x3F800000, v32;
	[tilespmem:$0x2020] =	vst v52  }
0x139: {  	vm4 =	veq.s32 v34, v31;
	v54 =	vsel vm15, $0x3F800000, v32;
	[tilespmem:$0x2090] =	vst v53  }
0x13a: {  	vm5 =	veq.s32 v33, v31;
	v55 =	vsel vm4, $0x3F800000, v32;
	[tilespmem:$0x2010] =	vst v54  }
0x13b: {  	vm6 =	veq.s32 v41, v30;
	v56 =	vsel vm5, $0x3F800000, v32;
	[tilespmem:$0x2080] =	vst v55  }
0x13c: {  	vm7 =	veq.s32 v48, v30;
	v57 =	vsel vm6, $0x3F800000, v32;
	[tilespmem:$0x2000] =	vst v56  }
0x13d: {  	vm8 =	veq.s32 v47, v30;
	v58 =	vsel vm7, $0x3F800000, v32;
	[tilespmem:$0x1FF0] =	vst v57  }
0x13e: {  	vm9 =	veq.s32 v46, v30;
	v59 =	vsel vm8, $0x3F800000, v32;
	[tilespmem:$0x1F70] =	vst v58  }
0x13f: {  	vm10 =	veq.s32 v45, v30;
	v60 =	vsel vm9, $0x3F800000, v32;
	[tilespmem:$0x1FE0] =	vst v59  }
0x140: {  	v61 =	vsel vm10, $0x3F800000, v32;
	vm11 =	veq.s32 v44, v30;
	[tilespmem:$0x1F60] =	vst v60  }
0x141: {  	vm12 =	veq.s32 v43, v30;
	[tilespmem:$0x1FD0] =	vst v61;
	v62 =	vsel vm11, $0x3F800000, v32  }
0x142: {  	vm13 =	veq.s32 v42, v30;
	v63 =	vsel vm12, $0x3F800000, v32;
	[tilespmem:$0x1F50] =	vst v62  }
0x143: {  	vm14 =	veq.s32 v40, v30;
	v52 =	vsel vm13, $0x3F800000, v32;
	[tilespmem:$0x1FC0] =	vst v63  }
0x144: {  	vm15 =	veq.s32 v39, v30;
	v53 =	vsel vm14, $0x3F800000, v32;
	[tilespmem:$0x1F40] =	vst v52  }
0x145: {  	vm4 =	veq.s32 v38, v30;
	v54 =	vsel vm15, $0x3F800000, v32;
	[tilespmem:$0x1FB0] =	vst v53  }
0x146: {  	vm5 =	veq.s32 v37, v30;
	v55 =	vsel vm4, $0x3F800000, v32;
	[tilespmem:$0x1F30] =	vst v54  }
0x147: {  	vm6 =	veq.s32 v36, v30;
	v56 =	vsel vm5, $0x3F800000, v32;
	[tilespmem:$0x1FA0] =	vst v55  }
0x148: {  	vm7 =	veq.s32 v35, v30;
	v57 =	vsel vm6, $0x3F800000, v32;
	[tilespmem:$0x1F20] =	vst v56  }
0x149: {  	vm8 =	veq.s32 v34, v30;
	v58 =	vsel vm7, $0x3F800000, v32;
	[tilespmem:$0x1F90] =	vst v57  }
0x14a: {  	vm9 =	veq.s32 v33, v30;
	v59 =	vsel vm8, $0x3F800000, v32;
	[tilespmem:$0x1F10] =	vst v58  }
0x14b: {  	vm10 =	veq.s32 v41, v29;
	v60 =	vsel vm9, $0x3F800000, v32;
	[tilespmem:$0x1F80] =	vst v59  }
0x14c: {  	v61 =	vsel vm10, $0x3F800000, v32;
	vm11 =	veq.s32 v48, v29;
	[tilespmem:$0x1F00] =	vst v60  }
0x14d: {  	vm12 =	veq.s32 v47, v29;
	[tilespmem:$0x1EF0] =	vst v61;
	v62 =	vsel vm11, $0x3F800000, v32  }
0x14e: {  	vm13 =	veq.s32 v46, v29;
	v63 =	vsel vm12, $0x3F800000, v32;
	[tilespmem:$0x1E70] =	vst v62  }
0x14f: {  	vm14 =	veq.s32 v45, v29;
	v52 =	vsel vm13, $0x3F800000, v32;
	[tilespmem:$0x1EE0] =	vst v63  }
0x150: {  	vm15 =	veq.s32 v44, v29;
	v53 =	vsel vm14, $0x3F800000, v32;
	[tilespmem:$0x1E60] =	vst v52  }
0x151: {  	vm4 =	veq.s32 v43, v29;
	v54 =	vsel vm15, $0x3F800000, v32;
	[tilespmem:$0x1ED0] =	vst v53  }
0x152: {  	vm5 =	veq.s32 v42, v29;
	v55 =	vsel vm4, $0x3F800000, v32;
	[tilespmem:$0x1E50] =	vst v54  }
0x153: {  	vm6 =	veq.s32 v40, v29;
	v56 =	vsel vm5, $0x3F800000, v32;
	[tilespmem:$0x1EC0] =	vst v55  }
0x154: {  	vm7 =	veq.s32 v39, v29;
	v57 =	vsel vm6, $0x3F800000, v32;
	[tilespmem:$0x1E40] =	vst v56  }
0x155: {  	vm8 =	veq.s32 v38, v29;
	v58 =	vsel vm7, $0x3F800000, v32;
	[tilespmem:$0x1EB0] =	vst v57  }
0x156: {  	vm9 =	veq.s32 v37, v29;
	v59 =	vsel vm8, $0x3F800000, v32;
	[tilespmem:$0x1E30] =	vst v58  }
0x157: {  	vm10 =	veq.s32 v36, v29;
	v60 =	vsel vm9, $0x3F800000, v32;
	[tilespmem:$0x1EA0] =	vst v59  }
0x158: {  	v61 =	vsel vm10, $0x3F800000, v32;
	vm11 =	veq.s32 v35, v29;
	[tilespmem:$0x1E20] =	vst v60  }
0x159: {  	vm12 =	veq.s32 v34, v29;
	[tilespmem:$0x1E90] =	vst v61;
	v62 =	vsel vm11, $0x3F800000, v32  }
0x15a: {  	vm13 =	veq.s32 v33, v29;
	v63 =	vsel vm12, $0x3F800000, v32;
	[tilespmem:$0x1E10] =	vst v62  }
0x15b: {  	vm14 =	veq.s32 v41, v27;
	v52 =	vsel vm13, $0x3F800000, v32;
	[tilespmem:$0x1E80] =	vst v63  }
0x15c: {  	vm15 =	veq.s32 v48, v27;
	v53 =	vsel vm14, $0x3F800000, v32;
	[tilespmem:$0x1E00] =	vst v52  }
0x15d: {  	vm4 =	veq.s32 v47, v27;
	v54 =	vsel vm15, $0x3F800000, v32;
	[tilespmem:$0x1DF0] =	vst v53  }
0x15e: {  	vm5 =	veq.s32 v46, v27;
	v55 =	vsel vm4, $0x3F800000, v32;
	[tilespmem:$0x1D70] =	vst v54  }
0x15f: {  	vm6 =	veq.s32 v45, v27;
	v56 =	vsel vm5, $0x3F800000, v32;
	[tilespmem:$0x1DE0] =	vst v55  }
0x160: {  	vm7 =	veq.s32 v44, v27;
	v57 =	vsel vm6, $0x3F800000, v32;
	[tilespmem:$0x1D60] =	vst v56  }
0x161: {  	vm8 =	veq.s32 v43, v27;
	v58 =	vsel vm7, $0x3F800000, v32;
	[tilespmem:$0x1DD0] =	vst v57  }
0x162: {  	vm9 =	veq.s32 v42, v27;
	v59 =	vsel vm8, $0x3F800000, v32;
	[tilespmem:$0x1D50] =	vst v58  }
0x163: {  	vm10 =	veq.s32 v40, v27;
	v60 =	vsel vm9, $0x3F800000, v32;
	[tilespmem:$0x1DC0] =	vst v59  }
0x164: {  	v61 =	vsel vm10, $0x3F800000, v32;
	vm11 =	veq.s32 v39, v27;
	[tilespmem:$0x1D40] =	vst v60  }
0x165: {  	vm12 =	veq.s32 v38, v27;
	[tilespmem:$0x1DB0] =	vst v61;
	v62 =	vsel vm11, $0x3F800000, v32  }
0x166: {  	vm13 =	veq.s32 v37, v27;
	v63 =	vsel vm12, $0x3F800000, v32;
	[tilespmem:$0x1D30] =	vst v62  }
0x167: {  	vm14 =	veq.s32 v36, v27;
	v52 =	vsel vm13, $0x3F800000, v32;
	[tilespmem:$0x1DA0] =	vst v63  }
0x168: {  	vm15 =	veq.s32 v35, v27;
	v53 =	vsel vm14, $0x3F800000, v32;
	[tilespmem:$0x1D20] =	vst v52  }
0x169: {  	vm4 =	veq.s32 v34, v27;
	v54 =	vsel vm15, $0x3F800000, v32;
	[tilespmem:$0x1D90] =	vst v53  }
0x16a: {  	vm5 =	veq.s32 v33, v27;
	v55 =	vsel vm4, $0x3F800000, v32;
	[tilespmem:$0x1D10] =	vst v54  }
0x16b: {  	vm6 =	veq.s32 v41, v26;
	v56 =	vsel vm5, $0x3F800000, v32;
	[tilespmem:$0x1D80] =	vst v55  }
0x16c: {  	vm7 =	veq.s32 v48, v26;
	v57 =	vsel vm6, $0x3F800000, v32;
	[tilespmem:$0x1D00] =	vst v56  }
0x16d: {  	vm8 =	veq.s32 v47, v26;
	v58 =	vsel vm7, $0x3F800000, v32;
	[tilespmem:$0x1CF0] =	vst v57  }
0x16e: {  	vm9 =	veq.s32 v46, v26;
	v59 =	vsel vm8, $0x3F800000, v32;
	[tilespmem:$0x1C70] =	vst v58  }
0x16f: {  	vm10 =	veq.s32 v45, v26;
	v60 =	vsel vm9, $0x3F800000, v32;
	[tilespmem:$0x1CE0] =	vst v59  }
0x170: {  	v61 =	vsel vm10, $0x3F800000, v32;
	vm11 =	veq.s32 v44, v26;
	[tilespmem:$0x1C60] =	vst v60  }
0x171: {  	vm12 =	veq.s32 v43, v26;
	[tilespmem:$0x1CD0] =	vst v61;
	v62 =	vsel vm11, $0x3F800000, v32  }
0x172: {  	vm13 =	veq.s32 v42, v26;
	v63 =	vsel vm12, $0x3F800000, v32;
	[tilespmem:$0x1C50] =	vst v62  }
0x173: {  	vm14 =	veq.s32 v40, v26;
	v52 =	vsel vm13, $0x3F800000, v32;
	[tilespmem:$0x1CC0] =	vst v63  }
0x174: {  	vm15 =	veq.s32 v39, v26;
	v53 =	vsel vm14, $0x3F800000, v32;
	[tilespmem:$0x1C40] =	vst v52  }
0x175: {  	vm4 =	veq.s32 v38, v26;
	v54 =	vsel vm15, $0x3F800000, v32;
	[tilespmem:$0x1CB0] =	vst v53  }
0x176: {  	vm5 =	veq.s32 v37, v26;
	v55 =	vsel vm4, $0x3F800000, v32;
	[tilespmem:$0x1C30] =	vst v54  }
0x177: {  	vm6 =	veq.s32 v36, v26;
	v56 =	vsel vm5, $0x3F800000, v32;
	[tilespmem:$0x1CA0] =	vst v55  }
0x178: {  	vm7 =	veq.s32 v35, v26;
	v57 =	vsel vm6, $0x3F800000, v32;
	[tilespmem:$0x1C20] =	vst v56  }
0x179: {  	vm8 =	veq.s32 v34, v26;
	v58 =	vsel vm7, $0x3F800000, v32;
	[tilespmem:$0x1C90] =	vst v57  }
0x17a: {  	vm9 =	veq.s32 v33, v26;
	v59 =	vsel vm8, $0x3F800000, v32;
	[tilespmem:$0x1C10] =	vst v58  }
0x17b: {  	vm10 =	veq.s32 v41, v25;
	v60 =	vsel vm9, $0x3F800000, v32;
	[tilespmem:$0x1C80] =	vst v59  }
0x17c: {  	v61 =	vsel vm10, $0x3F800000, v32;
	vm11 =	veq.s32 v48, v25;
	[tilespmem:$0x1C00] =	vst v60  }
0x17d: {  	vm12 =	veq.s32 v47, v25;
	[tilespmem:$0x1BF0] =	vst v61;
	v62 =	vsel vm11, $0x3F800000, v32  }
0x17e: {  	vm13 =	veq.s32 v46, v25;
	v63 =	vsel vm12, $0x3F800000, v32;
	[tilespmem:$0x1B70] =	vst v62  }
0x17f: {  	vm14 =	veq.s32 v45, v25;
	v52 =	vsel vm13, $0x3F800000, v32;
	[tilespmem:$0x1BE0] =	vst v63  }
0x180: {  	vm15 =	veq.s32 v44, v25;
	v53 =	vsel vm14, $0x3F800000, v32;
	[tilespmem:$0x1B60] =	vst v52  }
0x181: {  	vm4 =	veq.s32 v43, v25;
	v54 =	vsel vm15, $0x3F800000, v32;
	[tilespmem:$0x1BD0] =	vst v53  }
0x182: {  	vm5 =	veq.s32 v42, v25;
	v55 =	vsel vm4, $0x3F800000, v32;
	[tilespmem:$0x1B50] =	vst v54  }
0x183: {  	vm6 =	veq.s32 v40, v25;
	v56 =	vsel vm5, $0x3F800000, v32;
	[tilespmem:$0x1BC0] =	vst v55  }
0x184: {  	vm7 =	veq.s32 v39, v25;
	v57 =	vsel vm6, $0x3F800000, v32;
	[tilespmem:$0x1B40] =	vst v56  }
0x185: {  	vm8 =	veq.s32 v38, v25;
	v58 =	vsel vm7, $0x3F800000, v32;
	[tilespmem:$0x1BB0] =	vst v57  }
0x186: {  	vm9 =	veq.s32 v37, v25;
	v59 =	vsel vm8, $0x3F800000, v32;
	[tilespmem:$0x1B30] =	vst v58  }
0x187: {  	vm10 =	veq.s32 v36, v25;
	v60 =	vsel vm9, $0x3F800000, v32;
	[tilespmem:$0x1BA0] =	vst v59  }
0x188: {  	v61 =	vsel vm10, $0x3F800000, v32;
	vm11 =	veq.s32 v35, v25;
	[tilespmem:$0x1B20] =	vst v60  }
0x189: {  	vm12 =	veq.s32 v34, v25;
	[tilespmem:$0x1B90] =	vst v61;
	v62 =	vsel vm11, $0x3F800000, v32  }
0x18a: {  	vm13 =	veq.s32 v33, v25;
	v63 =	vsel vm12, $0x3F800000, v32;
	[tilespmem:$0x1B10] =	vst v62  }
0x18b: {  	vm14 =	veq.s32 v41, v24;
	v52 =	vsel vm13, $0x3F800000, v32;
	[tilespmem:$0x1B80] =	vst v63  }
0x18c: {  	vm15 =	veq.s32 v48, v24;
	v53 =	vsel vm14, $0x3F800000, v32;
	[tilespmem:$0x1B00] =	vst v52  }
0x18d: {  	vm4 =	veq.s32 v47, v24;
	v54 =	vsel vm15, $0x3F800000, v32;
	[tilespmem:$0x1AF0] =	vst v53  }
0x18e: {  	vm5 =	veq.s32 v46, v24;
	v55 =	vsel vm4, $0x3F800000, v32;
	[tilespmem:$0x1A70] =	vst v54  }
0x18f: {  	vm6 =	veq.s32 v45, v24;
	v56 =	vsel vm5, $0x3F800000, v32;
	[tilespmem:$0x1AE0] =	vst v55  }
0x190: {  	vm7 =	veq.s32 v44, v24;
	v57 =	vsel vm6, $0x3F800000, v32;
	[tilespmem:$0x1A60] =	vst v56  }
0x191: {  	vm8 =	veq.s32 v43, v24;
	v58 =	vsel vm7, $0x3F800000, v32;
	[tilespmem:$0x1AD0] =	vst v57  }
0x192: {  	vm9 =	veq.s32 v42, v24;
	v59 =	vsel vm8, $0x3F800000, v32;
	[tilespmem:$0x1A50] =	vst v58  }
0x193: {  	vm10 =	veq.s32 v40, v24;
	v60 =	vsel vm9, $0x3F800000, v32;
	[tilespmem:$0x1AC0] =	vst v59  }
0x194: {  	v61 =	vsel vm10, $0x3F800000, v32;
	vm11 =	veq.s32 v39, v24;
	[tilespmem:$0x1A40] =	vst v60  }
0x195: {  	vm12 =	veq.s32 v38, v24;
	[tilespmem:$0x1AB0] =	vst v61;
	v62 =	vsel vm11, $0x3F800000, v32  }
0x196: {  	vm13 =	veq.s32 v37, v24;
	v63 =	vsel vm12, $0x3F800000, v32;
	[tilespmem:$0x1A30] =	vst v62  }
0x197: {  	vm14 =	veq.s32 v36, v24;
	v52 =	vsel vm13, $0x3F800000, v32;
	[tilespmem:$0x1AA0] =	vst v63  }
0x198: {  	vm15 =	veq.s32 v35, v24;
	v53 =	vsel vm14, $0x3F800000, v32;
	[tilespmem:$0x1A20] =	vst v52  }
0x199: {  	vm4 =	veq.s32 v34, v24;
	v54 =	vsel vm15, $0x3F800000, v32;
	[tilespmem:$0x1A90] =	vst v53  }
0x19a: {  	vm5 =	veq.s32 v33, v24;
	v55 =	vsel vm4, $0x3F800000, v32;
	[tilespmem:$0x1A10] =	vst v54  }
0x19b: {  	vm6 =	veq.s32 v41, v23;
	v56 =	vsel vm5, $0x3F800000, v32;
	[tilespmem:$0x1A80] =	vst v55  }
0x19c: {  	vm7 =	veq.s32 v48, v23;
	v57 =	vsel vm6, $0x3F800000, v32;
	[tilespmem:$0x1A00] =	vst v56  }
0x19d: {  	vm8 =	veq.s32 v47, v23;
	v58 =	vsel vm7, $0x3F800000, v32;
	[tilespmem:$0x19F0] =	vst v57  }
0x19e: {  	vm9 =	veq.s32 v46, v23;
	v59 =	vsel vm8, $0x3F800000, v32;
	[tilespmem:$0x1970] =	vst v58  }
0x19f: {  	vm10 =	veq.s32 v45, v23;
	v60 =	vsel vm9, $0x3F800000, v32;
	[tilespmem:$0x19E0] =	vst v59  }
0x1a0: {  	v61 =	vsel vm10, $0x3F800000, v32;
	vm11 =	veq.s32 v44, v23;
	[tilespmem:$0x1960] =	vst v60  }
0x1a1: {  	vm12 =	veq.s32 v43, v23;
	[tilespmem:$0x19D0] =	vst v61;
	v62 =	vsel vm11, $0x3F800000, v32  }
0x1a2: {  	vm13 =	veq.s32 v42, v23;
	v63 =	vsel vm12, $0x3F800000, v32;
	[tilespmem:$0x1950] =	vst v62  }
0x1a3: {  	vm14 =	veq.s32 v40, v23;
	v52 =	vsel vm13, $0x3F800000, v32;
	[tilespmem:$0x19C0] =	vst v63  }
0x1a4: {  	vm15 =	veq.s32 v39, v23;
	v53 =	vsel vm14, $0x3F800000, v32;
	[tilespmem:$0x1940] =	vst v52  }
0x1a5: {  	vm4 =	veq.s32 v38, v23;
	v54 =	vsel vm15, $0x3F800000, v32;
	[tilespmem:$0x19B0] =	vst v53  }
0x1a6: {  	vm5 =	veq.s32 v37, v23;
	v55 =	vsel vm4, $0x3F800000, v32;
	[tilespmem:$0x1930] =	vst v54  }
0x1a7: {  	vm6 =	veq.s32 v36, v23;
	v56 =	vsel vm5, $0x3F800000, v32;
	[tilespmem:$0x19A0] =	vst v55  }
0x1a8: {  	vm7 =	veq.s32 v35, v23;
	v57 =	vsel vm6, $0x3F800000, v32;
	[tilespmem:$0x1920] =	vst v56  }
0x1a9: {  	vm8 =	veq.s32 v34, v23;
	v58 =	vsel vm7, $0x3F800000, v32;
	[tilespmem:$0x1990] =	vst v57  }
0x1aa: {  	vm9 =	veq.s32 v33, v23;
	v59 =	vsel vm8, $0x3F800000, v32;
	[tilespmem:$0x1910] =	vst v58  }
0x1ab: {  	vm10 =	veq.s32 v41, v22;
	v60 =	vsel vm9, $0x3F800000, v32;
	[tilespmem:$0x1980] =	vst v59  }
0x1ac: {  	v61 =	vsel vm10, $0x3F800000, v32;
	vm11 =	veq.s32 v48, v22;
	[tilespmem:$0x1900] =	vst v60  }
0x1ad: {  	vm12 =	veq.s32 v47, v22;
	[tilespmem:$0x18F0] =	vst v61;
	v62 =	vsel vm11, $0x3F800000, v32  }
0x1ae: {  	vm13 =	veq.s32 v46, v22;
	v63 =	vsel vm12, $0x3F800000, v32;
	[tilespmem:$0x1870] =	vst v62  }
0x1af: {  	vm14 =	veq.s32 v45, v22;
	v52 =	vsel vm13, $0x3F800000, v32;
	[tilespmem:$0x18E0] =	vst v63  }
0x1b0: {  	vm15 =	veq.s32 v44, v22;
	v53 =	vsel vm14, $0x3F800000, v32;
	[tilespmem:$0x1860] =	vst v52  }
0x1b1: {  	vm4 =	veq.s32 v43, v22;
	v54 =	vsel vm15, $0x3F800000, v32;
	[tilespmem:$0x18D0] =	vst v53  }
0x1b2: {  	vm5 =	veq.s32 v42, v22;
	v55 =	vsel vm4, $0x3F800000, v32;
	[tilespmem:$0x1850] =	vst v54  }
0x1b3: {  	vm6 =	veq.s32 v40, v22;
	v56 =	vsel vm5, $0x3F800000, v32;
	[tilespmem:$0x18C0] =	vst v55  }
0x1b4: {  	vm7 =	veq.s32 v39, v22;
	v57 =	vsel vm6, $0x3F800000, v32;
	[tilespmem:$0x1840] =	vst v56  }
0x1b5: {  	vm8 =	veq.s32 v38, v22;
	v58 =	vsel vm7, $0x3F800000, v32;
	[tilespmem:$0x18B0] =	vst v57  }
0x1b6: {  	vm9 =	veq.s32 v37, v22;
	v59 =	vsel vm8, $0x3F800000, v32;
	[tilespmem:$0x1830] =	vst v58  }
0x1b7: {  	vm10 =	veq.s32 v36, v22;
	v60 =	vsel vm9, $0x3F800000, v32;
	[tilespmem:$0x18A0] =	vst v59  }
0x1b8: {  	v61 =	vsel vm10, $0x3F800000, v32;
	vm11 =	veq.s32 v35, v22;
	[tilespmem:$0x1820] =	vst v60  }
0x1b9: {  	vm12 =	veq.s32 v34, v22;
	[tilespmem:$0x1890] =	vst v61;
	v62 =	vsel vm11, $0x3F800000, v32  }
0x1ba: {  	vm13 =	veq.s32 v33, v22;
	v63 =	vsel vm12, $0x3F800000, v32;
	[tilespmem:$0x1810] =	vst v62  }
0x1bb: {  	vm14 =	veq.s32 v41, v21;
	v52 =	vsel vm13, $0x3F800000, v32;
	[tilespmem:$0x1880] =	vst v63  }
0x1bc: {  	vm15 =	veq.s32 v48, v21;
	v53 =	vsel vm14, $0x3F800000, v32;
	[tilespmem:$0x1800] =	vst v52  }
0x1bd: {  	vm4 =	veq.s32 v47, v21;
	v54 =	vsel vm15, $0x3F800000, v32;
	[tilespmem:$0x17F0] =	vst v53  }
0x1be: {  	vm5 =	veq.s32 v46, v21;
	v55 =	vsel vm4, $0x3F800000, v32;
	[tilespmem:$0x1770] =	vst v54  }
0x1bf: {  	vm6 =	veq.s32 v45, v21;
	v56 =	vsel vm5, $0x3F800000, v32;
	[tilespmem:$0x17E0] =	vst v55  }
0x1c0: {  	vm7 =	veq.s32 v44, v21;
	v57 =	vsel vm6, $0x3F800000, v32;
	[tilespmem:$0x1760] =	vst v56  }
0x1c1: {  	vm8 =	veq.s32 v43, v21;
	v58 =	vsel vm7, $0x3F800000, v32;
	[tilespmem:$0x17D0] =	vst v57  }
0x1c2: {  	vm9 =	veq.s32 v42, v21;
	v59 =	vsel vm8, $0x3F800000, v32;
	[tilespmem:$0x1750] =	vst v58  }
0x1c3: {  	vm10 =	veq.s32 v40, v21;
	v60 =	vsel vm9, $0x3F800000, v32;
	[tilespmem:$0x17C0] =	vst v59  }
0x1c4: {  	v61 =	vsel vm10, $0x3F800000, v32;
	vm11 =	veq.s32 v39, v21;
	[tilespmem:$0x1740] =	vst v60  }
0x1c5: {  	vm12 =	veq.s32 v38, v21;
	[tilespmem:$0x17B0] =	vst v61;
	v62 =	vsel vm11, $0x3F800000, v32  }
0x1c6: {  	vm13 =	veq.s32 v37, v21;
	v63 =	vsel vm12, $0x3F800000, v32;
	[tilespmem:$0x1730] =	vst v62  }
0x1c7: {  	vm14 =	veq.s32 v36, v21;
	v52 =	vsel vm13, $0x3F800000, v32;
	[tilespmem:$0x17A0] =	vst v63  }
0x1c8: {  	vm15 =	veq.s32 v35, v21;
	v53 =	vsel vm14, $0x3F800000, v32;
	[tilespmem:$0x1720] =	vst v52  }
0x1c9: {  	vm4 =	veq.s32 v34, v21;
	v54 =	vsel vm15, $0x3F800000, v32;
	[tilespmem:$0x1790] =	vst v53  }
0x1ca: {  	vm5 =	veq.s32 v33, v21;
	v55 =	vsel vm4, $0x3F800000, v32;
	[tilespmem:$0x1710] =	vst v54  }
0x1cb: {  	vm6 =	veq.s32 v41, v20;
	v56 =	vsel vm5, $0x3F800000, v32;
	[tilespmem:$0x1780] =	vst v55  }
0x1cc: {  	vm7 =	veq.s32 v48, v20;
	v57 =	vsel vm6, $0x3F800000, v32;
	[tilespmem:$0x1700] =	vst v56  }
0x1cd: {  	vm8 =	veq.s32 v47, v20;
	v58 =	vsel vm7, $0x3F800000, v32;
	[tilespmem:$0x16F0] =	vst v57  }
0x1ce: {  	vm9 =	veq.s32 v46, v20;
	v59 =	vsel vm8, $0x3F800000, v32;
	[tilespmem:$0x1670] =	vst v58  }
0x1cf: {  	vm10 =	veq.s32 v45, v20;
	v60 =	vsel vm9, $0x3F800000, v32;
	[tilespmem:$0x16E0] =	vst v59  }
0x1d0: {  	v61 =	vsel vm10, $0x3F800000, v32;
	vm11 =	veq.s32 v44, v20;
	[tilespmem:$0x1660] =	vst v60  }
0x1d1: {  	vm12 =	veq.s32 v43, v20;
	[tilespmem:$0x16D0] =	vst v61;
	v62 =	vsel vm11, $0x3F800000, v32  }
0x1d2: {  	vm13 =	veq.s32 v42, v20;
	v63 =	vsel vm12, $0x3F800000, v32;
	[tilespmem:$0x1650] =	vst v62  }
0x1d3: {  	vm14 =	veq.s32 v40, v20;
	v52 =	vsel vm13, $0x3F800000, v32;
	[tilespmem:$0x16C0] =	vst v63  }
0x1d4: {  	vm15 =	veq.s32 v39, v20;
	v53 =	vsel vm14, $0x3F800000, v32;
	[tilespmem:$0x1640] =	vst v52  }
0x1d5: {  	vm4 =	veq.s32 v38, v20;
	v54 =	vsel vm15, $0x3F800000, v32;
	[tilespmem:$0x16B0] =	vst v53  }
0x1d6: {  	vm5 =	veq.s32 v37, v20;
	v55 =	vsel vm4, $0x3F800000, v32;
	[tilespmem:$0x1630] =	vst v54  }
0x1d7: {  	vm6 =	veq.s32 v36, v20;
	v56 =	vsel vm5, $0x3F800000, v32;
	[tilespmem:$0x16A0] =	vst v55  }
0x1d8: {  	vm7 =	veq.s32 v35, v20;
	v57 =	vsel vm6, $0x3F800000, v32;
	[tilespmem:$0x1620] =	vst v56  }
0x1d9: {  	vm8 =	veq.s32 v34, v20;
	v58 =	vsel vm7, $0x3F800000, v32;
	[tilespmem:$0x1690] =	vst v57  }
0x1da: {  	vm9 =	veq.s32 v33, v20;
	v59 =	vsel vm8, $0x3F800000, v32;
	[tilespmem:$0x1610] =	vst v58  }
0x1db: {  	vm10 =	veq.s32 v41, v19;
	v60 =	vsel vm9, $0x3F800000, v32;
	[tilespmem:$0x1680] =	vst v59  }
0x1dc: {  	v61 =	vsel vm10, $0x3F800000, v32;
	vm11 =	veq.s32 v48, v19;
	[tilespmem:$0x1600] =	vst v60  }
0x1dd: {  	vm12 =	veq.s32 v47, v19;
	[tilespmem:$0x15F0] =	vst v61;
	v62 =	vsel vm11, $0x3F800000, v32  }
0x1de: {  	vm13 =	veq.s32 v46, v19;
	v63 =	vsel vm12, $0x3F800000, v32;
	[tilespmem:$0x1570] =	vst v62  }
0x1df: {  	vm14 =	veq.s32 v45, v19;
	v52 =	vsel vm13, $0x3F800000, v32;
	[tilespmem:$0x15E0] =	vst v63  }
0x1e0: {  	vm15 =	veq.s32 v44, v19;
	v53 =	vsel vm14, $0x3F800000, v32;
	[tilespmem:$0x1560] =	vst v52  }
0x1e1: {  	vm4 =	veq.s32 v43, v19;
	v54 =	vsel vm15, $0x3F800000, v32;
	[tilespmem:$0x15D0] =	vst v53  }
0x1e2: {  	vm5 =	veq.s32 v42, v19;
	v55 =	vsel vm4, $0x3F800000, v32;
	[tilespmem:$0x1550] =	vst v54  }
0x1e3: {  	vm6 =	veq.s32 v40, v19;
	v56 =	vsel vm5, $0x3F800000, v32;
	[tilespmem:$0x15C0] =	vst v55  }
0x1e4: {  	vm7 =	veq.s32 v39, v19;
	v57 =	vsel vm6, $0x3F800000, v32;
	[tilespmem:$0x1540] =	vst v56  }
0x1e5: {  	vm8 =	veq.s32 v38, v19;
	v58 =	vsel vm7, $0x3F800000, v32;
	[tilespmem:$0x15B0] =	vst v57  }
0x1e6: {  	vm9 =	veq.s32 v37, v19;
	v59 =	vsel vm8, $0x3F800000, v32;
	[tilespmem:$0x1530] =	vst v58  }
0x1e7: {  	vm10 =	veq.s32 v36, v19;
	v60 =	vsel vm9, $0x3F800000, v32;
	[tilespmem:$0x15A0] =	vst v59  }
0x1e8: {  	v61 =	vsel vm10, $0x3F800000, v32;
	vm11 =	veq.s32 v35, v19;
	[tilespmem:$0x1520] =	vst v60  }
0x1e9: {  	vm12 =	veq.s32 v34, v19;
	[tilespmem:$0x1590] =	vst v61;
	v62 =	vsel vm11, $0x3F800000, v32  }
0x1ea: {  	vm13 =	veq.s32 v33, v19;
	v63 =	vsel vm12, $0x3F800000, v32;
	[tilespmem:$0x1510] =	vst v62  }
0x1eb: {  	vm14 =	veq.s32 v41, v18;
	v52 =	vsel vm13, $0x3F800000, v32;
	[tilespmem:$0x1580] =	vst v63  }
0x1ec: {  	vm15 =	veq.s32 v48, v18;
	v53 =	vsel vm14, $0x3F800000, v32;
	[tilespmem:$0x1500] =	vst v52  }
0x1ed: {  	vm4 =	veq.s32 v47, v18;
	v54 =	vsel vm15, $0x3F800000, v32;
	[tilespmem:$0x14F0] =	vst v53  }
0x1ee: {  	vm5 =	veq.s32 v46, v18;
	v55 =	vsel vm4, $0x3F800000, v32;
	[tilespmem:$0x1470] =	vst v54  }
0x1ef: {  	vm6 =	veq.s32 v45, v18;
	v56 =	vsel vm5, $0x3F800000, v32;
	[tilespmem:$0x14E0] =	vst v55  }
0x1f0: {  	vm7 =	veq.s32 v44, v18;
	v57 =	vsel vm6, $0x3F800000, v32;
	[tilespmem:$0x1460] =	vst v56  }
0x1f1: {  	vm8 =	veq.s32 v43, v18;
	v58 =	vsel vm7, $0x3F800000, v32;
	[tilespmem:$0x14D0] =	vst v57  }
0x1f2: {  	vm9 =	veq.s32 v42, v18;
	v59 =	vsel vm8, $0x3F800000, v32;
	[tilespmem:$0x1450] =	vst v58  }
0x1f3: {  	vm10 =	veq.s32 v40, v18;
	v60 =	vsel vm9, $0x3F800000, v32;
	[tilespmem:$0x14C0] =	vst v59  }
0x1f4: {  	v61 =	vsel vm10, $0x3F800000, v32;
	vm11 =	veq.s32 v39, v18;
	[tilespmem:$0x1440] =	vst v60  }
0x1f5: {  	vm12 =	veq.s32 v38, v18;
	[tilespmem:$0x14B0] =	vst v61;
	v62 =	vsel vm11, $0x3F800000, v32  }
0x1f6: {  	vm13 =	veq.s32 v37, v18;
	v63 =	vsel vm12, $0x3F800000, v32;
	[tilespmem:$0x1430] =	vst v62  }
0x1f7: {  	vm14 =	veq.s32 v36, v18;
	v52 =	vsel vm13, $0x3F800000, v32;
	[tilespmem:$0x14A0] =	vst v63  }
0x1f8: {  	vm15 =	veq.s32 v35, v18;
	v53 =	vsel vm14, $0x3F800000, v32;
	[tilespmem:$0x1420] =	vst v52  }
0x1f9: {  	vm4 =	veq.s32 v34, v18;
	v54 =	vsel vm15, $0x3F800000, v32;
	[tilespmem:$0x1490] =	vst v53  }
0x1fa: {  	vm5 =	veq.s32 v33, v18;
	v55 =	vsel vm4, $0x3F800000, v32;
	[tilespmem:$0x1410] =	vst v54  }
0x1fb: {  	vm6 =	veq.s32 v41, v17;
	v56 =	vsel vm5, $0x3F800000, v32;
	[tilespmem:$0x1480] =	vst v55  }
0x1fc: {  	vm7 =	veq.s32 v48, v17;
	v57 =	vsel vm6, $0x3F800000, v32;
	[tilespmem:$0x1400] =	vst v56  }
0x1fd: {  	vm8 =	veq.s32 v47, v17;
	v58 =	vsel vm7, $0x3F800000, v32;
	[tilespmem:$0x13F0] =	vst v57  }
0x1fe: {  	vm9 =	veq.s32 v46, v17;
	v59 =	vsel vm8, $0x3F800000, v32;
	[tilespmem:$0x1370] =	vst v58  }
0x1ff: {  	vm10 =	veq.s32 v45, v17;
	v60 =	vsel vm9, $0x3F800000, v32;
	[tilespmem:$0x13E0] =	vst v59  }
0x200: {  	v61 =	vsel vm10, $0x3F800000, v32;
	vm11 =	veq.s32 v44, v17;
	[tilespmem:$0x1360] =	vst v60  }
0x201: {  	vm12 =	veq.s32 v43, v17;
	[tilespmem:$0x13D0] =	vst v61;
	v62 =	vsel vm11, $0x3F800000, v32  }
0x202: {  	vm13 =	veq.s32 v42, v17;
	v63 =	vsel vm12, $0x3F800000, v32;
	[tilespmem:$0x1350] =	vst v62  }
0x203: {  	vm14 =	veq.s32 v40, v17;
	v52 =	vsel vm13, $0x3F800000, v32;
	[tilespmem:$0x13C0] =	vst v63  }
0x204: {  	vm15 =	veq.s32 v39, v17;
	v53 =	vsel vm14, $0x3F800000, v32;
	[tilespmem:$0x1340] =	vst v52  }
0x205: {  	vm4 =	veq.s32 v38, v17;
	v54 =	vsel vm15, $0x3F800000, v32;
	[tilespmem:$0x13B0] =	vst v53  }
0x206: {  	vm5 =	veq.s32 v37, v17;
	v55 =	vsel vm4, $0x3F800000, v32;
	[tilespmem:$0x1330] =	vst v54  }
0x207: {  	vm6 =	veq.s32 v36, v17;
	v56 =	vsel vm5, $0x3F800000, v32;
	[tilespmem:$0x13A0] =	vst v55  }
0x208: {  	vm7 =	veq.s32 v35, v17;
	v57 =	vsel vm6, $0x3F800000, v32;
	[tilespmem:$0x1320] =	vst v56  }
0x209: {  	vm8 =	veq.s32 v34, v17;
	v58 =	vsel vm7, $0x3F800000, v32;
	[tilespmem:$0x1390] =	vst v57  }
0x20a: {  	vm9 =	veq.s32 v33, v17;
	v59 =	vsel vm8, $0x3F800000, v32;
	[tilespmem:$0x1310] =	vst v58  }
0x20b: {  	vm10 =	veq.s32 v41, v16;
	v60 =	vsel vm9, $0x3F800000, v32;
	[tilespmem:$0x1380] =	vst v59  }
0x20c: {  	v61 =	vsel vm10, $0x3F800000, v32;
	vm11 =	veq.s32 v48, v16;
	[tilespmem:$0x1300] =	vst v60  }
0x20d: {  	vm12 =	veq.s32 v47, v16;
	[tilespmem:$0x12F0] =	vst v61;
	v48 =	vsel vm11, $0x3F800000, v32  }
0x20e: {  	vm13 =	veq.s32 v46, v16;
	v47 =	vsel vm12, $0x3F800000, v32;
	[tilespmem:$0x1270] =	vst v48  }
0x20f: {  	vm14 =	veq.s32 v45, v16;
	v46 =	vsel vm13, $0x3F800000, v32;
	[tilespmem:$0x12E0] =	vst v47  }
0x210: {  	vm15 =	veq.s32 v44, v16;
	v45 =	vsel vm14, $0x3F800000, v32;
	[tilespmem:$0x1260] =	vst v46  }
0x211: {  	vm4 =	veq.s32 v43, v16;
	v44 =	vsel vm15, $0x3F800000, v32;
	[tilespmem:$0x12D0] =	vst v45  }
0x212: {  	vm5 =	veq.s32 v42, v16;
	v43 =	vsel vm4, $0x3F800000, v32;
	[tilespmem:$0x1250] =	vst v44  }
0x213: {  	vm6 =	veq.s32 v40, v16;
	v42 =	vsel vm5, $0x3F800000, v32;
	[tilespmem:$0x12C0] =	vst v43  }
0x214: {  	vm7 =	veq.s32 v39, v16;
	v40 =	vsel vm6, $0x3F800000, v32;
	[tilespmem:$0x1240] =	vst v42  }
0x215: {  	vm8 =	veq.s32 v38, v16;
	v39 =	vsel vm7, $0x3F800000, v32;
	[tilespmem:$0x12B0] =	vst v40  }
0x216: {  	vm9 =	veq.s32 v37, v16;
	v38 =	vsel vm8, $0x3F800000, v32;
	[tilespmem:$0x1230] =	vst v39  }
0x217: {  	vm10 =	veq.s32 v36, v16;
	v37 =	vsel vm9, $0x3F800000, v32;
	[tilespmem:$0x12A0] =	vst v38  }
0x218: {  	v36 =	vsel vm10, $0x3F800000, v32;
	vm11 =	veq.s32 v35, v16;
	[tilespmem:$0x1220] =	vst v37  }
0x219: {  	vm12 =	veq.s32 v34, v16;
	[tilespmem:$0x1290] =	vst v36;
	v35 =	vsel vm11, $0x3F800000, v32  }
0x21a: {  	vm13 =	veq.s32 v33, v16;
	v34 =	vsel vm12, $0x3F800000, v32;
	[tilespmem:$0x1210] =	vst v35  }
0x21b: {  	vm14 =	veq.s32 v41, v15;
	v33 =	vsel vm13, $0x3F800000, v32;
	[tilespmem:$0x1280] =	vst v34  }
0x21c: {  	vm15 =	veq.s32 v41, v31;
	v62 =	vsel vm14, $0x3F800000, v32;
	[tilespmem:$0x1200] =	vst v33  }
0x21d: {  	p0 =	sne.s32 s5, $0x1;
	v63 =	vsel vm15, $0x3F800000, v32;
	[tilespmem:$0x11F0] =	vst v62  }
.Ltmp0:
0x21e: {  	[tilespmem:$0x20F0] =	vst v63;
	(pc) =	sbr.rel @p0 .LBB2_1-.Ltmp0, $4  }
0x21f: {  	[hbm4b:s4+s3] =	stream.linear.scatter [tilespmem:s7], [sflag:$0x1], $0x2000, $0x38;
	[tilespmem:$0x2100] =	vst v63  }
0x220: {  	_ =	swait.ge [sflag:s6], $0x2000  }
0x221: {  	[sflag:s6] =	ssyncset.done $0x0  }
0x222: {  	s5 =	sadd.s32 $0xFFFFFFFF, s5;
	[sflag:s6] =	ssyncadd.s32 $0xFFFFE000  }
0x223: {  	_ =	sfence.sel $0x180000  }
0x224: {  	[bflag:$0x0] =	sbarrier.arrive $0xFFFF  }
0x225: {  	p0 =	sne.s32 s1, $0x0;
	_ =	strace $0x90000047  }
0x226: {  	s0 =	sadd.s32 @!p0 $0x100000, s0;
	[bflag:$0x2] =	sbarrier.arrive $0xFFFF  }
0x227: {  	[sflag:s0] =	ssyncadd.tile.s32 @!p0 $0x1;
	_ =	shalt  }
.Lfunc_end2:
_tile_overlayer_lowered:
.L_overlay_start_2:
0x228: {  	(tag) =	ssettag $0x2  }
0x229: {  	s0 =	rddreg [dreg:$0x0];
	s2 =	stileid.u32  }
0x22a: {  	s1 =	rddreg [dreg:$0x1];
	p0 =	sne.s32 s2, $0x0  }
0x22b: {  	s3 =	rddreg [dreg:$0x2];
	[bflag:$0x3] =	sbarrier.arrive $0xFFFF;
	s2 =	simm.s32 @!p0 $0x1C01  }
0x22c: {  	[timem:s3], [sflag:s2] =	dma.local @!p0 [hbm:s0], s1  }
0x22d: {  	s0 =	simm.s32 @!p0 $0x1  }
0x22e: {  	_ =	swait.ge @!p0 [sflag:s0], s1  }
0x22f: {  	s1 =	ssub.s32 @!p0 $0x0, s1;
	[sflag:s0] =	ssyncset.done @!p0 $0x0  }
0x230: {  	[sflag:s0] =	ssyncadd.s32 @!p0 s1  }
0x231: {  	[bflag:$0x3] =	sbarrier.arrive $0xFFFF  }
0x232: {  	_ =	shalt  }

</sc_bundles>
